<compile_context>
chip_gen: v7x
topology: tpu7x:2x2x1
jax: 0.10.2.dev20260603
libtpu: 0.0.44.dev20260713+nightly
codegen_flags: <defaults>
</compile_context>

<pallas_src>
import numpy as np
import jax
import jax.numpy as jnp
from jax import lax
from jax.experimental import pallas as pl
from jax.experimental.pallas import tpu as pltpu
from jax.experimental.pallas import tpu_sc as plsc

_NC = 2
_NS = 16
_NW = _NC * _NS
_CH = 128
_L = 16
_NBUF = 6


def _sc_spmm(ha, hb, row2, col2, n_pad):
    N, Dh = ha.shape
    _, J, _ = row2.shape
    rows_per_tile = n_pad // _NS

    def body(ha_hbm, hb_hbm, row_hbm, col_hbm, out_hbm, row_v, col_v,
             *rest):
        bufs = rest[:_NBUF]
        acc = rest[_NBUF]
        gs = rest[_NBUF + 1:2 * _NBUF + 1]
        ss = rest[2 * _NBUF + 1:3 * _NBUF + 1]
        c = lax.axis_index("c")
        s = lax.axis_index("s")
        buf0 = bufs[0]
        zero16 = jnp.zeros((_L,), jnp.float32)

        def _zb(r, _):
            for kk in range(Dh // _L):
                buf0[r, pl.ds(kk * _L, _L)] = zero16
            return 0
        lax.fori_loop(0, _CH, _zb, 0)

        base = s * rows_per_tile
        nfull = rows_per_tile // _CH
        rem = rows_per_tile - nfull * _CH
        for kk in range(nfull):
            pltpu.sync_copy(buf0, acc.at[pl.ds(base + kk * _CH, _CH)])
        if rem:
            pltpu.sync_copy(buf0.at[pl.ds(0, rem)],
                            acc.at[pl.ds(base + nfull * _CH, rem)])

        pltpu.sync_copy(row_hbm.at[s], row_v)
        pltpu.sync_copy(col_hbm.at[s], col_v)

        plsc.subcore_barrier()

        K = _NBUF - 1

        def _g(j, q):
            @pl.when(c == 0)
            def _():
                pltpu.async_copy(ha_hbm.at[col_v.at[j]], bufs[q], gs[q])

            @pl.when(c == 1)
            def _():
                pltpu.async_copy(hb_hbm.at[col_v.at[j]], bufs[q], gs[q])

        def _gw(q):
            pltpu.make_async_copy(ha_hbm.at[col_v.at[0]], bufs[q], gs[q]).wait()

        def _s(j, q):
            pltpu.async_copy(bufs[q], acc.at[row_v.at[j]], ss[q], add=True)

        def _sw(q):
            pltpu.make_async_copy(bufs[q], acc.at[row_v.at[0]], ss[q]).wait()

        for j in range(K):
            _g(j, j)
        for j in range(_NBUF):
            _gw(j)
            _s(j, j)
            if j == 0:
                _g(K, K)
            else:
                _sw(j - 1)
                _g(j + K, j - 1)

        def _grp(i, _):
            m = _NBUF * i
            for q in range(_NBUF):
                j = m + q
                _gw(q)
                _s(j, q)
                _sw((q - 1) % _NBUF)
                _g(j + K, (q - 1) % _NBUF)
            return 0
        lax.fori_loop(1, (J - 2 * _NBUF) // _NBUF + 1, _grp, 0)

        for q in range(_NBUF):
            j = J - _NBUF + q
            _gw(q)
            _s(j, q)
            _sw((q - 1) % _NBUF)
            if q == 0:
                _g(J - 1, _NBUF - 1)
        _sw(_NBUF - 1)

        plsc.subcore_barrier()

        pltpu.sync_copy(acc.at[pl.ds(base, rows_per_tile)],
                        out_hbm.at[c, pl.ds(base, rows_per_tile)])

    mesh = plsc.VectorSubcoreMesh(core_axis_name="c", subcore_axis_name="s")
    kfn = pl.kernel(
        body,
        out_type=jax.ShapeDtypeStruct((_NC, n_pad, Dh), jnp.float32),
        mesh=mesh,
        scratch_types=(
            [pltpu.VMEM((J, _CH), jnp.int32),
             pltpu.VMEM((J, _CH), jnp.int32)]
            + [pltpu.VMEM((_CH, Dh), jnp.float32)] * _NBUF
            + [pltpu.VMEM_SHARED((n_pad, Dh), jnp.float32)]
            + [pltpu.SemaphoreType.DMA] * (2 * _NBUF)),
        compiler_params=pltpu.CompilerParams(needs_layout_passes=False,
                                             use_tc_tiling_on_sc=False))
    return kfn(ha, hb, row2, col2)


def _sc_deg(row3, hist_r):
    _, J, _ = row3.shape
    hist_per_tile = hist_r // _NS

    def body(row_hbm, deg_hbm, row_v, hist1, hist, idx_h, hist_sh, sem):
        c = lax.axis_index("c")
        s = lax.axis_index("s")
        g = c * _NS + s
        zero16 = jnp.zeros((_L,), jnp.float32)

        def _zh(i, _):
            hist1[pl.ds(i * _L, _L)] = zero16
            return 0
        lax.fori_loop(0, hist_r * 128 // _L, _zh, 0)

        def _zh2(r, _):
            for kk in range(128 // _L):
                hist[r, pl.ds(kk * _L, _L)] = zero16
            return 0
        lax.fori_loop(0, hist_per_tile, _zh2, 0)
        pltpu.sync_copy(hist.at[pl.ds(0, hist_per_tile)],
                        hist_sh.at[pl.ds(s * hist_per_tile, hist_per_tile)])

        iota16 = lax.iota(jnp.int32, _L)
        for q in range(hist_r // _L):
            idx_h[0, pl.ds(q * _L, _L)] = iota16 + q * _L

        pltpu.sync_copy(row_hbm.at[g], row_v)

        ones16 = jnp.ones((_L,), jnp.float32)

        def _dh(j, _):
            for kk in range(_CH // _L):
                v = row_v[j, pl.ds(kk * _L, _L)]
                plsc.addupdate_scatter(hist1, [v], ones16)
            return 0
        lax.fori_loop(0, J, _dh, 0)

        def _cp(r, _):
            for kk in range(128 // _L):
                hist[r, pl.ds(kk * _L, _L)] = hist1[pl.ds(r * 128 + kk * _L, _L)]
            return 0
        lax.fori_loop(0, hist_r, _cp, 0)

        plsc.subcore_barrier()
        pltpu.sync_copy(hist, hist_sh.at[idx_h.at[0]], add=True)
        plsc.subcore_barrier()

        pltpu.sync_copy(hist_sh.at[pl.ds(s * hist_per_tile, hist_per_tile)],
                        deg_hbm.at[c, pl.ds(s * hist_per_tile, hist_per_tile)])

    mesh = plsc.VectorSubcoreMesh(core_axis_name="c", subcore_axis_name="s")
    kfn = pl.kernel(
        body,
        out_type=jax.ShapeDtypeStruct((_NC, hist_r, 128), jnp.float32),
        mesh=mesh,
        scratch_types=[
            pltpu.VMEM((J, _CH), jnp.int32),
            pltpu.VMEM((hist_r * 128,), jnp.float32),
            pltpu.VMEM((hist_r, 128), jnp.float32),
            pltpu.VMEM((1, hist_r), jnp.int32),
            pltpu.VMEM_SHARED((hist_r, 128), jnp.float32),
            pltpu.SemaphoreType.DMA,
        ],
        compiler_params=pltpu.CompilerParams(needs_layout_passes=False))
    return kfn(row3)


_BLK = 1000


def _ln_prelu(z, g, b, a):
    mu = jnp.mean(z, axis=-1, keepdims=True)
    var = jnp.mean((z - mu) ** 2, axis=-1, keepdims=True)
    zn = (z - mu) * lax.rsqrt(var + 1e-5) * g + b
    return jnp.where(zn >= 0, zn, a * zn)


def _tc_layer1(h, n0, n1, d0, d1, wsT, bs, wnT, g, b, a):
    N, D = h.shape
    Dh = D // 2

    def body(h_ref, n0_ref, n1_ref, d0_ref, d1_ref,
             ws_ref, bs_ref, wn_ref, g_ref, b_ref, a_ref,
             ha_ref, hb_ref, inv_ref):
        inv = 1.0 / jnp.maximum(d0_ref[...] + d1_ref[...], 1.0)
        neigh = jnp.concatenate([n0_ref[...], n1_ref[...]], axis=-1) * inv
        hh = h_ref[...]
        z = (jnp.dot(hh, ws_ref[...], preferred_element_type=jnp.float32)
             + jnp.dot(neigh, wn_ref[...], preferred_element_type=jnp.float32)
             + bs_ref[...])
        h1 = _ln_prelu(z, g_ref[...], b_ref[...], a_ref[0, 0]) + hh
        ha_ref[...] = h1[:, :Dh]
        hb_ref[...] = h1[:, Dh:]
        inv_ref[...] = inv

    grid = (N // _BLK,)
    mat = pl.BlockSpec((_BLK, D), lambda i: (i, 0))
    half = pl.BlockSpec((_BLK, Dh), lambda i: (i, 0))
    colv = pl.BlockSpec((_BLK, 1), lambda i: (i, 0))
    wfull = pl.BlockSpec((D, D), lambda i: (0, 0))
    rowv = pl.BlockSpec((1, D), lambda i: (0, 0))
    scal = pl.BlockSpec((1, 1), lambda i: (0, 0))
    return pl.pallas_call(
        body,
        grid=grid,
        in_specs=[mat, half, half, colv, colv, wfull, rowv, wfull, rowv, rowv, scal],
        out_specs=[half, half, colv],
        out_shape=[jax.ShapeDtypeStruct((N, Dh), jnp.float32),
                   jax.ShapeDtypeStruct((N, Dh), jnp.float32),
                   jax.ShapeDtypeStruct((N, 1), jnp.float32)],
    )(h, n0, n1, d0, d1, wsT, bs, wnT, g, b, a)


def _tc_layer2_head(ha, hb, n0, n1, inv, wsT, bs, wnT, g, b, a,
                    w1T, b1, g2, b2, a2, w2T, b2b):
    N, Dh = ha.shape
    D = 2 * Dh

    def body(ha_ref, hb_ref, n0_ref, n1_ref, inv_ref,
             ws_ref, bs_ref, wn_ref, g_ref, b_ref, a_ref,
             w1_ref, b1_ref, g2_ref, b2_ref, a2_ref, w2_ref, b2b_ref,
             out_ref):
        neigh = jnp.concatenate([n0_ref[...], n1_ref[...]], axis=-1) * inv_ref[...]
        hh = jnp.concatenate([ha_ref[...], hb_ref[...]], axis=-1)
        z = (jnp.dot(hh, ws_ref[...], preferred_element_type=jnp.float32)
             + jnp.dot(neigh, wn_ref[...], preferred_element_type=jnp.float32)
             + bs_ref[...])
        h2 = _ln_prelu(z, g_ref[...], b_ref[...], a_ref[0, 0]) + hh
        z2 = jnp.dot(h2, w1_ref[...], preferred_element_type=jnp.float32) + b1_ref[...]
        z2 = _ln_prelu(z2, g2_ref[...], b2_ref[...], a2_ref[0, 0])
        out_ref[...] = (jnp.sum(z2 * w2_ref[...], axis=-1, keepdims=True)
                        + b2b_ref[0, 0])

    grid = (N // _BLK,)
    half = pl.BlockSpec((_BLK, Dh), lambda i: (i, 0))
    colv = pl.BlockSpec((_BLK, 1), lambda i: (i, 0))
    wfull = pl.BlockSpec((D, D), lambda i: (0, 0))
    rowv = pl.BlockSpec((1, D), lambda i: (0, 0))
    scal = pl.BlockSpec((1, 1), lambda i: (0, 0))
    return pl.pallas_call(
        body,
        grid=grid,
        in_specs=[half, half, half, half, colv,
                  wfull, rowv, wfull, rowv, rowv, scal,
                  wfull, rowv, rowv, rowv, scal, rowv, scal],
        out_specs=colv,
        out_shape=jax.ShapeDtypeStruct((N, 1), jnp.float32),
    )(ha, hb, n0, n1, inv, wsT, bs, wnT, g, b, a,
      w1T, b1, g2, b2, a2, w2T, b2b)


def kernel(x, edge_index, params):
    N, D = x.shape
    Dh = D // 2
    E = edge_index.shape[1]
    J = -(-E // (_NS * _CH))
    J = max(-(-J // _NBUF) * _NBUF, 2 * _NBUF)
    E_pad = _NS * J * _CH
    Jd = -(-E // (_NW * _CH))
    Ed_pad = _NW * Jd * _CH
    rows_per_tile = -(-(N + _L) // _NS)
    rows_per_tile = -(-rows_per_tile // 8) * 8
    n_pad = rows_per_tile * _NS
    hist_rows = -(-n_pad // 128)
    hist_per_tile = -(-hist_rows // _NS)
    hist_per_tile = -(-hist_per_tile // 8) * 8
    hist_r = hist_per_tile * _NS

    row = edge_index[0]
    col = edge_index[1]

    def _pad_edges(v, total, spread):
        pad = total - E
        if pad:
            fill = (jnp.asarray(np.arange(pad) % _L + N, jnp.int32) if spread
                    else jnp.asarray(np.arange(pad) % N, jnp.int32))
            v = jnp.concatenate([v, fill])
        return v

    row2 = _pad_edges(row, E_pad, True).reshape(_NS, J, _CH)
    col2 = _pad_edges(col, E_pad, False).reshape(_NS, J, _CH)
    row3 = _pad_edges(row, Ed_pad, True).reshape(_NW, Jd, _CH)

    blocks = params["blocks"]
    head = params["head"]

    dparts = _sc_deg(row3, hist_r)
    nparts = _sc_spmm(x[:, :Dh], x[:, Dh:], row2, col2, n_pad)
    dflat = dparts.reshape(_NC, hist_r * 128)[:, :N]
    b0 = blocks[0]
    h1a, h1b, inv = _tc_layer1(
        x, nparts[0, :N], nparts[1, :N],
        dflat[0].reshape(N, 1), dflat[1].reshape(N, 1),
        b0["Wself"].T, b0["bself"].reshape(1, D), b0["Wneigh"].T,
        b0["ln_g"].reshape(1, D), b0["ln_b"].reshape(1, D),
        b0["a"].reshape(1, 1))

    nparts2 = _sc_spmm(h1a, h1b, row2, col2, n_pad)
    b1 = blocks[1]
    out = _tc_layer2_head(
        h1a, h1b, nparts2[0, :N], nparts2[1, :N], inv,
        b1["Wself"].T, b1["bself"].reshape(1, D), b1["Wneigh"].T,
        b1["ln_g"].reshape(1, D), b1["ln_b"].reshape(1, D),
        b1["a"].reshape(1, 1),
        head["W1"].T, head["b1"].reshape(1, D),
        head["ln_g"].reshape(1, D), head["ln_b"].reshape(1, D),
        head["a"].reshape(1, 1),
        head["W2"].reshape(1, D), head["b2"].reshape(1, 1))
    return out[:, 0]

# --- scband reference (transcript-rebuilt; emitter-appended) ---
"""Pipeline reference for scband-sagemodel-47553877901463 (READ-ONLY COPY).

The authoritative reference and input builder live on the scoring server;
editing this copy changes nothing except your own understanding.
"""

import jax, jax.numpy as jnp
import numpy as np

N = 10000
E = 320000
D = 128
H = 128
L = 2

def _xavier(key, shape):
    fan_out, fan_in = shape
    lim = (6.0 / (fan_in + fan_out)) ** 0.5
    return jax.random.uniform(key, shape, minval=-lim, maxval=lim, dtype=jnp.float32)

def _make_params(key):
    blocks = []
    for i in range(L):
        key, k1, k2 = jax.random.split(key, 3)
        in_dim = D if i == 0 else H
        blocks.append({
            'Wself': _xavier(k1, (H, in_dim)),
            'bself': jnp.zeros((H,), jnp.float32),
            'Wneigh': _xavier(k2, (H, in_dim)),
            'ln_g': jnp.ones((H,), jnp.float32),
            'ln_b': jnp.zeros((H,), jnp.float32),
            'a': jnp.float32(0.25),
        })
    key, k1, k2 = jax.random.split(key, 3)
    head = {
        'W1': _xavier(k1, (H, H)),
        'b1': jnp.zeros((H,), jnp.float32),
        'ln_g': jnp.ones((H,), jnp.float32),
        'ln_b': jnp.zeros((H,), jnp.float32),
        'a': jnp.float32(0.25),
        'W2': _xavier(k2, (1, H)),
        'b2': jnp.zeros((1,), jnp.float32),
    }
    return {'blocks': blocks, 'head': head}

def setup_inputs(seed: int = 0):
    key = jax.random.key(seed)
    kx, ke, kp = jax.random.split(key, 3)
    x = jax.random.normal(kx, (N, D), dtype=jnp.float32)
    edge_index = jax.random.randint(ke, (2, E), 0, N, dtype=jnp.int32)
    params = _make_params(kp)
    return {'x': x, 'edge_index': edge_index, 'params': params}

def _layernorm(x, g, b):
    mu = jnp.mean(x, axis=-1, keepdims=True)
    var = jnp.mean((x - mu) ** 2, axis=-1, keepdims=True)
    return (x - mu) / jnp.sqrt(var + 1e-5) * g + b

def _prelu(x, a):
    return jnp.where(x >= 0, x, a * x)

def _forward(x, params, row, col):
    # Row-normalized adjacency: A[i,j] = 1/deg(i) for each edge (i -> j)
    deg = jax.ops.segment_sum(jnp.ones((E,), jnp.float32), row, num_segments=N)
    vals = 1.0 / jnp.maximum(deg[row], 1.0)
    h = x
    for blk in params['blocks']:
        # SpMM: neigh = A @ h  (gather neighbor feats, weight, scatter-add by row)
        neigh = jax.ops.segment_sum(vals[:, None] * h[col], row, num_segments=N)
        z = h @ blk['Wself'].T + blk['bself'] + neigh @ blk['Wneigh'].T
        z = _prelu(_layernorm(z, blk['ln_g'], blk['ln_b']), blk['a'])
        # dropout is identity in eval mode; residual is Identity (in_dim == out_dim)
        h = z + h
    hd = params['head']
    z = h @ hd['W1'].T + hd['b1']
    z = _prelu(_layernorm(z, hd['ln_g'], hd['ln_b']), hd['a'])
    out = z @ hd['W2'].T + hd['b2']
    return out[:, 0]

def reference(x, edge_index, params):
    return _forward(x, params, edge_index[0], edge_index[1])

if __name__ == "__main__":
    import jax
    _d = setup_inputs()
    print(jax.jit(kernel)(*tuple(_d.values())))

</pallas_src>

<mosaic_0001>
#map = affine_map<(d0, d1) -> (0, 0)>
#map1 = affine_map<(d0, d1) -> (0, 0, 0)>
module attributes {stable_mosaic.version = 14 : i64} {
  func.func @body(%arg0: i32, %arg1: i32, %arg2: memref<10000x64xf32, #tpu.memory_space<hbm>>, %arg3: memref<10000x64xf32, #tpu.memory_space<hbm>>, %arg4: memref<16x162x128xi32, #tpu.memory_space<hbm>>, %arg5: memref<16x162x128xi32, #tpu.memory_space<hbm>>, %arg6: memref<2x10112x64xf32, #tpu.memory_space<hbm>>, %arg7: memref<162x128xi32, #tpu.memory_space<vmem>>, %arg8: memref<162x128xi32, #tpu.memory_space<vmem>>, %arg9: memref<128x64xf32, #tpu.memory_space<vmem>>, %arg10: memref<128x64xf32, #tpu.memory_space<vmem>>, %arg11: memref<128x64xf32, #tpu.memory_space<vmem>>, %arg12: memref<128x64xf32, #tpu.memory_space<vmem>>, %arg13: memref<128x64xf32, #tpu.memory_space<vmem>>, %arg14: memref<128x64xf32, #tpu.memory_space<vmem>>, %arg15: memref<10112x64xf32, #tpu.memory_space<vmem_shared>>, %arg16: memref<!tpu.dma_semaphore, #tpu.memory_space<semaphore_mem>>, %arg17: memref<!tpu.dma_semaphore, #tpu.memory_space<semaphore_mem>>, %arg18: memref<!tpu.dma_semaphore, #tpu.memory_space<semaphore_mem>>, %arg19: memref<!tpu.dma_semaphore, #tpu.memory_space<semaphore_mem>>, %arg20: memref<!tpu.dma_semaphore, #tpu.memory_space<semaphore_mem>>, %arg21: memref<!tpu.dma_semaphore, #tpu.memory_space<semaphore_mem>>, %arg22: memref<!tpu.dma_semaphore, #tpu.memory_space<semaphore_mem>>, %arg23: memref<!tpu.dma_semaphore, #tpu.memory_space<semaphore_mem>>, %arg24: memref<!tpu.dma_semaphore, #tpu.memory_space<semaphore_mem>>, %arg25: memref<!tpu.dma_semaphore, #tpu.memory_space<semaphore_mem>>, %arg26: memref<!tpu.dma_semaphore, #tpu.memory_space<semaphore_mem>>, %arg27: memref<!tpu.dma_semaphore, #tpu.memory_space<semaphore_mem>>) attributes {dimension_semantics = [#tpu.dimension_semantics<core_parallel>, #tpu.dimension_semantics<subcore_parallel>], iteration_bounds = array<i64: 2, 16>, scalar_prefetch = 0 : i64, scratch_operands = 21 : i64, tpu.core_type = #tpu.core_type<sc_vector_subcore>, window_params = [{transform_indices = #map}, {transform_indices = #map}, {transform_indices = #map1}, {transform_indices = #map1}, {transform_indices = #map1}]} {
    %broadcast_in_dim3A = arith.constant 0.000000e+00 : f32
    %broadcast_in_dim3A_0 = vector.broadcast %broadcast_in_dim3A : f32 to vector<16xf32>
    %scan3A = arith.constant 0 : i32
    %scan3A_1 = arith.constant 0 : i32
    %scan3A_2 = arith.constant 128 : i32
    %scan3A_3 = arith.addi %scan3A_1, %scan3A_2 : i32
    %scan3A_4 = arith.constant 1 : i32
    %scan3A_5 = scf.for %scan3A_392 = %scan3A_1 to %scan3A_3 step %scan3A_4 iter_args(%scan3A_393 = %scan3A) -> (i32)  : i32 {
      %swap3A = arith.index_cast %scan3A_392 : i32 to index
      %swap3A_394 = arith.constant 0 : index
      %swap3A_395 = tpu.vector_load %arg9[%swap3A, %swap3A_394] {strides = array<i32>} : memref<128x64xf32, #tpu.memory_space<vmem>>, vector<16xf32>,
      tpu.vector_store %arg9[%swap3A, %swap3A_394], %broadcast_in_dim3A_0 {strides = array<i32>} : memref<128x64xf32, #tpu.memory_space<vmem>>, vector<16xf32>,
      %swap3A_396 = arith.index_cast %scan3A_392 : i32 to index
      %swap3A_397 = arith.constant 16 : index
      %swap3A_398 = tpu.vector_load %arg9[%swap3A_396, %swap3A_397] {strides = array<i32>} : memref<128x64xf32, #tpu.memory_space<vmem>>, vector<16xf32>,
      tpu.vector_store %arg9[%swap3A_396, %swap3A_397], %broadcast_in_dim3A_0 {strides = array<i32>} : memref<128x64xf32, #tpu.memory_space<vmem>>, vector<16xf32>,
      %swap3A_399 = arith.index_cast %scan3A_392 : i32 to index
      %swap3A_400 = arith.constant 32 : index
      %swap3A_401 = tpu.vector_load %arg9[%swap3A_399, %swap3A_400] {strides = array<i32>} : memref<128x64xf32, #tpu.memory_space<vmem>>, vector<16xf32>,
      tpu.vector_store %arg9[%swap3A_399, %swap3A_400], %broadcast_in_dim3A_0 {strides = array<i32>} : memref<128x64xf32, #tpu.memory_space<vmem>>, vector<16xf32>,
      %swap3A_402 = arith.index_cast %scan3A_392 : i32 to index
      %swap3A_403 = arith.constant 48 : index
      %swap3A_404 = tpu.vector_load %arg9[%swap3A_402, %swap3A_403] {strides = array<i32>} : memref<128x64xf32, #tpu.memory_space<vmem>>, vector<16xf32>,
      tpu.vector_store %arg9[%swap3A_402, %swap3A_403], %broadcast_in_dim3A_0 {strides = array<i32>} : memref<128x64xf32, #tpu.memory_space<vmem>>, vector<16xf32>,
      %scan3A_405 = arith.constant 0 : i32
      scf.yield %scan3A_405 : i32
    }
    %scan3A_6 = arith.constant 128 : i32
    %mul3A = arith.constant 632 : i32
    %mul3A_7 = arith.muli %arg1, %mul3A : i32
    %add3A = arith.constant 0 : i32
    %add3A_8 = arith.addi %mul3A_7, %add3A : i32
    "tpu.region"() ({
      %run_scoped3A = tpu.sem_alloc : memref<!tpu.dma_semaphore, #tpu.memory_space<semaphore_mem>>
      %dma_start3A_392 = arith.constant 0 : i32
      %dma_start3A_393 = tpu.memref_slice %arg15[%add3A_8, %dma_start3A_392] : memref<10112x64xf32, #tpu.memory_space<vmem_shared>> -> memref<128x64xf32, #tpu.memory_space<vmem_shared>>
      %dma_start3A_394 = arith.constant 0 : i32
      %dma_start3A_395 = tpu.memref_slice %arg15[%add3A_8, %dma_start3A_394] : memref<10112x64xf32, #tpu.memory_space<vmem_shared>> -> memref<128x64xf32, #tpu.memory_space<vmem_shared>>
      tpu.enqueue_dma source(%arg9 : memref<128x64xf32, #tpu.memory_space<vmem>>) target(%dma_start3A_395 : memref<128x64xf32, #tpu.memory_space<vmem_shared>>) target_semaphore(%run_scoped3A : memref<!tpu.dma_semaphore, #tpu.memory_space<semaphore_mem>>)
      %dma_wait3A_396 = arith.constant 0 : i32
      %dma_wait3A_397 = tpu.memref_slice %arg15[%add3A_8, %dma_wait3A_396] : memref<10112x64xf32, #tpu.memory_space<vmem_shared>> -> memref<128x64xf32, #tpu.memory_space<vmem_shared>>
      %dma_wait3A_398 = arith.constant 0 : i32
      %dma_wait3A_399 = tpu.memref_slice %arg15[%add3A_8, %dma_wait3A_398] : memref<10112x64xf32, #tpu.memory_space<vmem_shared>> -> memref<128x64xf32, #tpu.memory_space<vmem_shared>>
      tpu.wait_dma2 semaphore(%run_scoped3A : memref<!tpu.dma_semaphore, #tpu.memory_space<semaphore_mem>>) src(%arg9 : memref<128x64xf32, #tpu.memory_space<vmem>>) dst(%dma_wait3A_399 : memref<128x64xf32, #tpu.memory_space<vmem_shared>>)
      tpu.yield
    }) : () -> ()
    %add3A_9 = arith.constant 128 : i32
    %add3A_10 = arith.addi %mul3A_7, %add3A_9 : i32
    "tpu.region"() ({
      %run_scoped3A = tpu.sem_alloc : memref<!tpu.dma_semaphore, #tpu.memory_space<semaphore_mem>>
      %dma_start3A_392 = arith.constant 0 : i32
      %dma_start3A_393 = tpu.memref_slice %arg15[%add3A_10, %dma_start3A_392] : memref<10112x64xf32, #tpu.memory_space<vmem_shared>> -> memref<128x64xf32, #tpu.memory_space<vmem_shared>>
      %dma_start3A_394 = arith.constant 0 : i32
      %dma_start3A_395 = tpu.memref_slice %arg15[%add3A_10, %dma_start3A_394] : memref<10112x64xf32, #tpu.memory_space<vmem_shared>> -> memref<128x64xf32, #tpu.memory_space<vmem_shared>>
      tpu.enqueue_dma source(%arg9 : memref<128x64xf32, #tpu.memory_space<vmem>>) target(%dma_start3A_395 : memref<128x64xf32, #tpu.memory_space<vmem_shared>>) target_semaphore(%run_scoped3A : memref<!tpu.dma_semaphore, #tpu.memory_space<semaphore_mem>>)
      %dma_wait3A_396 = arith.constant 0 : i32
      %dma_wait3A_397 = tpu.memref_slice %arg15[%add3A_10, %dma_wait3A_396] : memref<10112x64xf32, #tpu.memory_space<vmem_shared>> -> memref<128x64xf32, #tpu.memory_space<vmem_shared>>
      %dma_wait3A_398 = arith.constant 0 : i32
      %dma_wait3A_399 = tpu.memref_slice %arg15[%add3A_10, %dma_wait3A_398] : memref<10112x64xf32, #tpu.memory_space<vmem_shared>> -> memref<128x64xf32, #tpu.memory_space<vmem_shared>>
      tpu.wait_dma2 semaphore(%run_scoped3A : memref<!tpu.dma_semaphore, #tpu.memory_space<semaphore_mem>>) src(%arg9 : memref<128x64xf32, #tpu.memory_space<vmem>>) dst(%dma_wait3A_399 : memref<128x64xf32, #tpu.memory_space<vmem_shared>>)
      tpu.yield
    }) : () -> ()
    %add3A_11 = arith.constant 256 : i32
    %add3A_12 = arith.addi %mul3A_7, %add3A_11 : i32
    "tpu.region"() ({
      %run_scoped3A = tpu.sem_alloc : memref<!tpu.dma_semaphore, #tpu.memory_space<semaphore_mem>>
      %dma_start3A_392 = arith.constant 0 : i32
      %dma_start3A_393 = tpu.memref_slice %arg15[%add3A_12, %dma_start3A_392] : memref<10112x64xf32, #tpu.memory_space<vmem_shared>> -> memref<128x64xf32, #tpu.memory_space<vmem_shared>>
      %dma_start3A_394 = arith.constant 0 : i32
      %dma_start3A_395 = tpu.memref_slice %arg15[%add3A_12, %dma_start3A_394] : memref<10112x64xf32, #tpu.memory_space<vmem_shared>> -> memref<128x64xf32, #tpu.memory_space<vmem_shared>>
      tpu.enqueue_dma source(%arg9 : memref<128x64xf32, #tpu.memory_space<vmem>>) target(%dma_start3A_395 : memref<128x64xf32, #tpu.memory_space<vmem_shared>>) target_semaphore(%run_scoped3A : memref<!tpu.dma_semaphore, #tpu.memory_space<semaphore_mem>>)
      %dma_wait3A_396 = arith.constant 0 : i32
      %dma_wait3A_397 = tpu.memref_slice %arg15[%add3A_12, %dma_wait3A_396] : memref<10112x64xf32, #tpu.memory_space<vmem_shared>> -> memref<128x64xf32, #tpu.memory_space<vmem_shared>>
      %dma_wait3A_398 = arith.constant 0 : i32
      %dma_wait3A_399 = tpu.memref_slice %arg15[%add3A_12, %dma_wait3A_398] : memref<10112x64xf32, #tpu.memory_space<vmem_shared>> -> memref<128x64xf32, #tpu.memory_space<vmem_shared>>
      tpu.wait_dma2 semaphore(%run_scoped3A : memref<!tpu.dma_semaphore, #tpu.memory_space<semaphore_mem>>) src(%arg9 : memref<128x64xf32, #tpu.memory_space<vmem>>) dst(%dma_wait3A_399 : memref<128x64xf32, #tpu.memory_space<vmem_shared>>)
      tpu.yield
    }) : () -> ()
    %add3A_13 = arith.constant 384 : i32
    %add3A_14 = arith.addi %mul3A_7, %add3A_13 : i32
    "tpu.region"() ({
      %run_scoped3A = tpu.sem_alloc : memref<!tpu.dma_semaphore, #tpu.memory_space<semaphore_mem>>
      %dma_start3A_392 = arith.constant 0 : i32
      %dma_start3A_393 = tpu.memref_slice %arg15[%add3A_14, %dma_start3A_392] : memref<10112x64xf32, #tpu.memory_space<vmem_shared>> -> memref<128x64xf32, #tpu.memory_space<vmem_shared>>
      %dma_start3A_394 = arith.constant 0 : i32
      %dma_start3A_395 = tpu.memref_slice %arg15[%add3A_14, %dma_start3A_394] : memref<10112x64xf32, #tpu.memory_space<vmem_shared>> -> memref<128x64xf32, #tpu.memory_space<vmem_shared>>
      tpu.enqueue_dma source(%arg9 : memref<128x64xf32, #tpu.memory_space<vmem>>) target(%dma_start3A_395 : memref<128x64xf32, #tpu.memory_space<vmem_shared>>) target_semaphore(%run_scoped3A : memref<!tpu.dma_semaphore, #tpu.memory_space<semaphore_mem>>)
      %dma_wait3A_396 = arith.constant 0 : i32
      %dma_wait3A_397 = tpu.memref_slice %arg15[%add3A_14, %dma_wait3A_396] : memref<10112x64xf32, #tpu.memory_space<vmem_shared>> -> memref<128x64xf32, #tpu.memory_space<vmem_shared>>
      %dma_wait3A_398 = arith.constant 0 : i32
      %dma_wait3A_399 = tpu.memref_slice %arg15[%add3A_14, %dma_wait3A_398] : memref<10112x64xf32, #tpu.memory_space<vmem_shared>> -> memref<128x64xf32, #tpu.memory_space<vmem_shared>>
      tpu.wait_dma2 semaphore(%run_scoped3A : memref<!tpu.dma_semaphore, #tpu.memory_space<semaphore_mem>>) src(%arg9 : memref<128x64xf32, #tpu.memory_space<vmem>>) dst(%dma_wait3A_399 : memref<128x64xf32, #tpu.memory_space<vmem_shared>>)
      tpu.yield
    }) : () -> ()
    %add3A_15 = arith.constant 512 : i32
    %add3A_16 = arith.addi %mul3A_7, %add3A_15 : i32
    "tpu.region"() ({
      %run_scoped3A = tpu.sem_alloc : memref<!tpu.dma_semaphore, #tpu.memory_space<semaphore_mem>>
      %dma_start3A_392 = arith.constant 0 : i32
      %dma_start3A_393 = arith.constant 0 : i32
      %dma_start3A_394 = tpu.memref_slice %arg9[%dma_start3A_392, %dma_start3A_393] : memref<128x64xf32, #tpu.memory_space<vmem>> -> memref<120x64xf32, #tpu.memory_space<vmem>>
      %dma_start3A_395 = arith.constant 0 : i32
      %dma_start3A_396 = tpu.memref_slice %arg15[%add3A_16, %dma_start3A_395] : memref<10112x64xf32, #tpu.memory_space<vmem_shared>> -> memref<120x64xf32, #tpu.memory_space<vmem_shared>>
      %dma_start3A_397 = arith.constant 0 : i32
      %dma_start3A_398 = tpu.memref_slice %arg15[%add3A_16, %dma_start3A_397] : memref<10112x64xf32, #tpu.memory_space<vmem_shared>> -> memref<120x64xf32, #tpu.memory_space<vmem_shared>>
      %dma_start3A_399 = arith.constant 0 : i32
      %dma_start3A_400 = arith.constant 0 : i32
      %dma_start3A_401 = tpu.memref_slice %arg9[%dma_start3A_399, %dma_start3A_400] : memref<128x64xf32, #tpu.memory_space<vmem>> -> memref<120x64xf32, #tpu.memory_space<vmem>>
      tpu.enqueue_dma source(%dma_start3A_401 : memref<120x64xf32, #tpu.memory_space<vmem>>) target(%dma_start3A_398 : memref<120x64xf32, #tpu.memory_space<vmem_shared>>) target_semaphore(%run_scoped3A : memref<!tpu.dma_semaphore, #tpu.memory_space<semaphore_mem>>)
      %dma_wait3A_402 = arith.constant 0 : i32
      %dma_wait3A_403 = arith.constant 0 : i32
      %dma_wait3A_404 = tpu.memref_slice %arg9[%dma_wait3A_402, %dma_wait3A_403] : memref<128x64xf32, #tpu.memory_space<vmem>> -> memref<120x64xf32, #tpu.memory_space<vmem>>
      %dma_wait3A_405 = arith.constant 0 : i32
      %dma_wait3A_406 = tpu.memref_slice %arg15[%add3A_16, %dma_wait3A_405] : memref<10112x64xf32, #tpu.memory_space<vmem_shared>> -> memref<120x64xf32, #tpu.memory_space<vmem_shared>>
      %dma_wait3A_407 = arith.constant 0 : i32
      %dma_wait3A_408 = tpu.memref_slice %arg15[%add3A_16, %dma_wait3A_407] : memref<10112x64xf32, #tpu.memory_space<vmem_shared>> -> memref<120x64xf32, #tpu.memory_space<vmem_shared>>
      %dma_wait3A_409 = arith.constant 0 : i32
      %dma_wait3A_410 = arith.constant 0 : i32
      %dma_wait3A_411 = tpu.memref_slice %arg9[%dma_wait3A_409, %dma_wait3A_410] : memref<128x64xf32, #tpu.memory_space<vmem>> -> memref<120x64xf32, #tpu.memory_space<vmem>>
      tpu.wait_dma2 semaphore(%run_scoped3A : memref<!tpu.dma_semaphore, #tpu.memory_space<semaphore_mem>>) src(%dma_wait3A_411 : memref<120x64xf32, #tpu.memory_space<vmem>>) dst(%dma_wait3A_408 : memref<120x64xf32, #tpu.memory_space<vmem_shared>>)
      tpu.yield
    }) : () -> ()
    "tpu.region"() ({
      %run_scoped3A = tpu.sem_alloc : memref<!tpu.dma_semaphore, #tpu.memory_space<semaphore_mem>>
      %dma_start3A_392 = arith.constant 0 : i32
      %dma_start3A_393 = arith.constant 0 : i32
      %dma_start3A_394 = tpu.memref_slice %arg4[%arg1, %dma_start3A_392, %dma_start3A_393] : memref<16x162x128xi32, #tpu.memory_space<hbm>> -> memref<1x162x128xi32, #tpu.memory_space<hbm>>
      %dma_start3A_395 = tpu.memref_squeeze %dma_start3A_394 : memref<1x162x128xi32, #tpu.memory_space<hbm>> -> memref<162x128xi32, #tpu.memory_space<hbm>>
      %dma_start3A_396 = arith.constant 0 : i32
      %dma_start3A_397 = arith.constant 0 : i32
      %dma_start3A_398 = tpu.memref_slice %arg4[%arg1, %dma_start3A_396, %dma_start3A_397] : memref<16x162x128xi32, #tpu.memory_space<hbm>> -> memref<1x162x128xi32, #tpu.memory_space<hbm>>
      %dma_start3A_399 = tpu.memref_squeeze %dma_start3A_398 : memref<1x162x128xi32, #tpu.memory_space<hbm>> -> memref<162x128xi32, #tpu.memory_space<hbm>>
      tpu.enqueue_dma source(%dma_start3A_399 : memref<162x128xi32, #tpu.memory_space<hbm>>) target(%arg7 : memref<162x128xi32, #tpu.memory_space<vmem>>) target_semaphore(%run_scoped3A : memref<!tpu.dma_semaphore, #tpu.memory_space<semaphore_mem>>)
      %dma_wait3A_400 = arith.constant 0 : i32
      %dma_wait3A_401 = arith.constant 0 : i32
      %dma_wait3A_402 = tpu.memref_slice %arg4[%arg1, %dma_wait3A_400, %dma_wait3A_401] : memref<16x162x128xi32, #tpu.memory_space<hbm>> -> memref<1x162x128xi32, #tpu.memory_space<hbm>>
      %dma_wait3A_403 = tpu.memref_squeeze %dma_wait3A_402 : memref<1x162x128xi32, #tpu.memory_space<hbm>> -> memref<162x128xi32, #tpu.memory_space<hbm>>
      %dma_wait3A_404 = arith.constant 0 : i32
      %dma_wait3A_405 = arith.constant 0 : i32
      %dma_wait3A_406 = tpu.memref_slice %arg4[%arg1, %dma_wait3A_404, %dma_wait3A_405] : memref<16x162x128xi32, #tpu.memory_space<hbm>> -> memref<1x162x128xi32, #tpu.memory_space<hbm>>
      %dma_wait3A_407 = tpu.memref_squeeze %dma_wait3A_406 : memref<1x162x128xi32, #tpu.memory_space<hbm>> -> memref<162x128xi32, #tpu.memory_space<hbm>>
      tpu.wait_dma2 semaphore(%run_scoped3A : memref<!tpu.dma_semaphore, #tpu.memory_space<semaphore_mem>>) src(%dma_wait3A_407 : memref<162x128xi32, #tpu.memory_space<hbm>>) dst(%arg7 : memref<162x128xi32, #tpu.memory_space<vmem>>)
      tpu.yield
    }) : () -> ()
    "tpu.region"() ({
      %run_scoped3A = tpu.sem_alloc : memref<!tpu.dma_semaphore, #tpu.memory_space<semaphore_mem>>
      %dma_start3A_392 = arith.constant 0 : i32
      %dma_start3A_393 = arith.constant 0 : i32
      %dma_start3A_394 = tpu.memref_slice %arg5[%arg1, %dma_start3A_392, %dma_start3A_393] : memref<16x162x128xi32, #tpu.memory_space<hbm>> -> memref<1x162x128xi32, #tpu.memory_space<hbm>>
      %dma_start3A_395 = tpu.memref_squeeze %dma_start3A_394 : memref<1x162x128xi32, #tpu.memory_space<hbm>> -> memref<162x128xi32, #tpu.memory_space<hbm>>
      %dma_start3A_396 = arith.constant 0 : i32
      %dma_start3A_397 = arith.constant 0 : i32
      %dma_start3A_398 = tpu.memref_slice %arg5[%arg1, %dma_start3A_396, %dma_start3A_397] : memref<16x162x128xi32, #tpu.memory_space<hbm>> -> memref<1x162x128xi32, #tpu.memory_space<hbm>>
      %dma_start3A_399 = tpu.memref_squeeze %dma_start3A_398 : memref<1x162x128xi32, #tpu.memory_space<hbm>> -> memref<162x128xi32, #tpu.memory_space<hbm>>
      tpu.enqueue_dma source(%dma_start3A_399 : memref<162x128xi32, #tpu.memory_space<hbm>>) target(%arg8 : memref<162x128xi32, #tpu.memory_space<vmem>>) target_semaphore(%run_scoped3A : memref<!tpu.dma_semaphore, #tpu.memory_space<semaphore_mem>>)
      %dma_wait3A_400 = arith.constant 0 : i32
      %dma_wait3A_401 = arith.constant 0 : i32
      %dma_wait3A_402 = tpu.memref_slice %arg5[%arg1, %dma_wait3A_400, %dma_wait3A_401] : memref<16x162x128xi32, #tpu.memory_space<hbm>> -> memref<1x162x128xi32, #tpu.memory_space<hbm>>
      %dma_wait3A_403 = tpu.memref_squeeze %dma_wait3A_402 : memref<1x162x128xi32, #tpu.memory_space<hbm>> -> memref<162x128xi32, #tpu.memory_space<hbm>>
      %dma_wait3A_404 = arith.constant 0 : i32
      %dma_wait3A_405 = arith.constant 0 : i32
      %dma_wait3A_406 = tpu.memref_slice %arg5[%arg1, %dma_wait3A_404, %dma_wait3A_405] : memref<16x162x128xi32, #tpu.memory_space<hbm>> -> memref<1x162x128xi32, #tpu.memory_space<hbm>>
      %dma_wait3A_407 = tpu.memref_squeeze %dma_wait3A_406 : memref<1x162x128xi32, #tpu.memory_space<hbm>> -> memref<162x128xi32, #tpu.memory_space<hbm>>
      tpu.wait_dma2 semaphore(%run_scoped3A : memref<!tpu.dma_semaphore, #tpu.memory_space<semaphore_mem>>) src(%dma_wait3A_407 : memref<162x128xi32, #tpu.memory_space<hbm>>) dst(%arg8 : memref<162x128xi32, #tpu.memory_space<vmem>>)
      tpu.yield
    }) : () -> ()
    %barrier3A = arith.constant 0 : index
    tpu.barrier barrier_id(%barrier3A)
    %eq3A = arith.constant 0 : i32
    %eq3A_17 = arith.cmpi eq, %arg0, %eq3A : i32
    %convert_element_type3A = arith.extui %eq3A_17 : i1 to i32
    %cond3A = arith.constant 0 : i32
    %cond3A_18 = arith.cmpi ne, %convert_element_type3A, %cond3A : i32
    scf.if %cond3A_18 {
      %dma_start3A_392 = arith.constant 0 : i32
      %dma_start3A_393 = arith.constant 0 : i32
      %dma_start3A_394 = tpu.memref_slice %arg8[%dma_start3A_392, %dma_start3A_393] : memref<162x128xi32, #tpu.memory_space<vmem>> -> memref<1x128xi32, #tpu.memory_space<vmem>>
      %dma_start3A_395 = tpu.memref_squeeze %dma_start3A_394 : memref<1x128xi32, #tpu.memory_space<vmem>> -> memref<128xi32, #tpu.memory_space<vmem>>
      %dma_start3A_396 = arith.constant 0 : i32
      %dma_start3A_397 = arith.constant 0 : i32
      %dma_start3A_398 = tpu.memref_slice %arg2[%dma_start3A_396, %dma_start3A_397] : memref<10000x64xf32, #tpu.memory_space<hbm>> -> memref<10000x64xf32, #tpu.memory_space<hbm>>
      tpu.enqueue_indirect_dma source(%dma_start3A_398 : memref<10000x64xf32, #tpu.memory_space<hbm>>) target(%arg9 : memref<128x64xf32, #tpu.memory_space<vmem>>) offsets(%dma_start3A_395 : memref<128xi32, #tpu.memory_space<vmem>>) semaphore(%arg16 : memref<!tpu.dma_semaphore, #tpu.memory_space<semaphore_mem>>)
    } else {
    }
    %eq3A_19 = arith.constant 1 : i32
    %eq3A_20 = arith.cmpi eq, %arg0, %eq3A_19 : i32
    %convert_element_type3A_21 = arith.extui %eq3A_20 : i1 to i32
    %cond3A_22 = arith.constant 0 : i32
    %cond3A_23 = arith.cmpi ne, %convert_element_type3A_21, %cond3A_22 : i32
    scf.if %cond3A_23 {
      %dma_start3A_392 = arith.constant 0 : i32
      %dma_start3A_393 = arith.constant 0 : i32
      %dma_start3A_394 = tpu.memref_slice %arg8[%dma_start3A_392, %dma_start3A_393] : memref<162x128xi32, #tpu.memory_space<vmem>> -> memref<1x128xi32, #tpu.memory_space<vmem>>
      %dma_start3A_395 = tpu.memref_squeeze %dma_start3A_394 : memref<1x128xi32, #tpu.memory_space<vmem>> -> memref<128xi32, #tpu.memory_space<vmem>>
      %dma_start3A_396 = arith.constant 0 : i32
      %dma_start3A_397 = arith.constant 0 : i32
      %dma_start3A_398 = tpu.memref_slice %arg3[%dma_start3A_396, %dma_start3A_397] : memref<10000x64xf32, #tpu.memory_space<hbm>> -> memref<10000x64xf32, #tpu.memory_space<hbm>>
      tpu.enqueue_indirect_dma source(%dma_start3A_398 : memref<10000x64xf32, #tpu.memory_space<hbm>>) target(%arg9 : memref<128x64xf32, #tpu.memory_space<vmem>>) offsets(%dma_start3A_395 : memref<128xi32, #tpu.memory_space<vmem>>) semaphore(%arg16 : memref<!tpu.dma_semaphore, #tpu.memory_space<semaphore_mem>>)
    } else {
    }
    %eq3A_24 = arith.constant 0 : i32
    %eq3A_25 = arith.cmpi eq, %arg0, %eq3A_24 : i32
    %convert_element_type3A_26 = arith.extui %eq3A_25 : i1 to i32
    %cond3A_27 = arith.constant 0 : i32
    %cond3A_28 = arith.cmpi ne, %convert_element_type3A_26, %cond3A_27 : i32
    scf.if %cond3A_28 {
      %dma_start3A_392 = arith.constant 1 : i32
      %dma_start3A_393 = arith.constant 0 : i32
      %dma_start3A_394 = tpu.memref_slice %arg8[%dma_start3A_392, %dma_start3A_393] : memref<162x128xi32, #tpu.memory_space<vmem>> -> memref<1x128xi32, #tpu.memory_space<vmem>>
      %dma_start3A_395 = tpu.memref_squeeze %dma_start3A_394 : memref<1x128xi32, #tpu.memory_space<vmem>> -> memref<128xi32, #tpu.memory_space<vmem>>
      %dma_start3A_396 = arith.constant 0 : i32
      %dma_start3A_397 = arith.constant 0 : i32
      %dma_start3A_398 = tpu.memref_slice %arg2[%dma_start3A_396, %dma_start3A_397] : memref<10000x64xf32, #tpu.memory_space<hbm>> -> memref<10000x64xf32, #tpu.memory_space<hbm>>
      tpu.enqueue_indirect_dma source(%dma_start3A_398 : memref<10000x64xf32, #tpu.memory_space<hbm>>) target(%arg10 : memref<128x64xf32, #tpu.memory_space<vmem>>) offsets(%dma_start3A_395 : memref<128xi32, #tpu.memory_space<vmem>>) semaphore(%arg17 : memref<!tpu.dma_semaphore, #tpu.memory_space<semaphore_mem>>)
    } else {
    }
    %eq3A_29 = arith.constant 1 : i32
    %eq3A_30 = arith.cmpi eq, %arg0, %eq3A_29 : i32
    %convert_element_type3A_31 = arith.extui %eq3A_30 : i1 to i32
    %cond3A_32 = arith.constant 0 : i32
    %cond3A_33 = arith.cmpi ne, %convert_element_type3A_31, %cond3A_32 : i32
    scf.if %cond3A_33 {
      %dma_start3A_392 = arith.constant 1 : i32
      %dma_start3A_393 = arith.constant 0 : i32
      %dma_start3A_394 = tpu.memref_slice %arg8[%dma_start3A_392, %dma_start3A_393] : memref<162x128xi32, #tpu.memory_space<vmem>> -> memref<1x128xi32, #tpu.memory_space<vmem>>
      %dma_start3A_395 = tpu.memref_squeeze %dma_start3A_394 : memref<1x128xi32, #tpu.memory_space<vmem>> -> memref<128xi32, #tpu.memory_space<vmem>>
      %dma_start3A_396 = arith.constant 0 : i32
      %dma_start3A_397 = arith.constant 0 : i32
      %dma_start3A_398 = tpu.memref_slice %arg3[%dma_start3A_396, %dma_start3A_397] : memref<10000x64xf32, #tpu.memory_space<hbm>> -> memref<10000x64xf32, #tpu.memory_space<hbm>>
      tpu.enqueue_indirect_dma source(%dma_start3A_398 : memref<10000x64xf32, #tpu.memory_space<hbm>>) target(%arg10 : memref<128x64xf32, #tpu.memory_space<vmem>>) offsets(%dma_start3A_395 : memref<128xi32, #tpu.memory_space<vmem>>) semaphore(%arg17 : memref<!tpu.dma_semaphore, #tpu.memory_space<semaphore_mem>>)
    } else {
    }
    %eq3A_34 = arith.constant 0 : i32
    %eq3A_35 = arith.cmpi eq, %arg0, %eq3A_34 : i32
    %convert_element_type3A_36 = arith.extui %eq3A_35 : i1 to i32
    %cond3A_37 = arith.constant 0 : i32
    %cond3A_38 = arith.cmpi ne, %convert_element_type3A_36, %cond3A_37 : i32
    scf.if %cond3A_38 {
      %dma_start3A_392 = arith.constant 2 : i32
      %dma_start3A_393 = arith.constant 0 : i32
      %dma_start3A_394 = tpu.memref_slice %arg8[%dma_start3A_392, %dma_start3A_393] : memref<162x128xi32, #tpu.memory_space<vmem>> -> memref<1x128xi32, #tpu.memory_space<vmem>>
      %dma_start3A_395 = tpu.memref_squeeze %dma_start3A_394 : memref<1x128xi32, #tpu.memory_space<vmem>> -> memref<128xi32, #tpu.memory_space<vmem>>
      %dma_start3A_396 = arith.constant 0 : i32
      %dma_start3A_397 = arith.constant 0 : i32
      %dma_start3A_398 = tpu.memref_slice %arg2[%dma_start3A_396, %dma_start3A_397] : memref<10000x64xf32, #tpu.memory_space<hbm>> -> memref<10000x64xf32, #tpu.memory_space<hbm>>
      tpu.enqueue_indirect_dma source(%dma_start3A_398 : memref<10000x64xf32, #tpu.memory_space<hbm>>) target(%arg11 : memref<128x64xf32, #tpu.memory_space<vmem>>) offsets(%dma_start3A_395 : memref<128xi32, #tpu.memory_space<vmem>>) semaphore(%arg18 : memref<!tpu.dma_semaphore, #tpu.memory_space<semaphore_mem>>)
    } else {
    }
    %eq3A_39 = arith.constant 1 : i32
    %eq3A_40 = arith.cmpi eq, %arg0, %eq3A_39 : i32
    %convert_element_type3A_41 = arith.extui %eq3A_40 : i1 to i32
    %cond3A_42 = arith.constant 0 : i32
    %cond3A_43 = arith.cmpi ne, %convert_element_type3A_41, %cond3A_42 : i32
    scf.if %cond3A_43 {
      %dma_start3A_392 = arith.constant 2 : i32
      %dma_start3A_393 = arith.constant 0 : i32
      %dma_start3A_394 = tpu.memref_slice %arg8[%dma_start3A_392, %dma_start3A_393] : memref<162x128xi32, #tpu.memory_space<vmem>> -> memref<1x128xi32, #tpu.memory_space<vmem>>
      %dma_start3A_395 = tpu.memref_squeeze %dma_start3A_394 : memref<1x128xi32, #tpu.memory_space<vmem>> -> memref<128xi32, #tpu.memory_space<vmem>>
      %dma_start3A_396 = arith.constant 0 : i32
      %dma_start3A_397 = arith.constant 0 : i32
      %dma_start3A_398 = tpu.memref_slice %arg3[%dma_start3A_396, %dma_start3A_397] : memref<10000x64xf32, #tpu.memory_space<hbm>> -> memref<10000x64xf32, #tpu.memory_space<hbm>>
      tpu.enqueue_indirect_dma source(%dma_start3A_398 : memref<10000x64xf32, #tpu.memory_space<hbm>>) target(%arg11 : memref<128x64xf32, #tpu.memory_space<vmem>>) offsets(%dma_start3A_395 : memref<128xi32, #tpu.memory_space<vmem>>) semaphore(%arg18 : memref<!tpu.dma_semaphore, #tpu.memory_space<semaphore_mem>>)
    } else {
    }
    %eq3A_44 = arith.constant 0 : i32
    %eq3A_45 = arith.cmpi eq, %arg0, %eq3A_44 : i32
    %convert_element_type3A_46 = arith.extui %eq3A_45 : i1 to i32
    %cond3A_47 = arith.constant 0 : i32
    %cond3A_48 = arith.cmpi ne, %convert_element_type3A_46, %cond3A_47 : i32
    scf.if %cond3A_48 {
      %dma_start3A_392 = arith.constant 3 : i32
      %dma_start3A_393 = arith.constant 0 : i32
      %dma_start3A_394 = tpu.memref_slice %arg8[%dma_start3A_392, %dma_start3A_393] : memref<162x128xi32, #tpu.memory_space<vmem>> -> memref<1x128xi32, #tpu.memory_space<vmem>>
      %dma_start3A_395 = tpu.memref_squeeze %dma_start3A_394 : memref<1x128xi32, #tpu.memory_space<vmem>> -> memref<128xi32, #tpu.memory_space<vmem>>
      %dma_start3A_396 = arith.constant 0 : i32
      %dma_start3A_397 = arith.constant 0 : i32
      %dma_start3A_398 = tpu.memref_slice %arg2[%dma_start3A_396, %dma_start3A_397] : memref<10000x64xf32, #tpu.memory_space<hbm>> -> memref<10000x64xf32, #tpu.memory_space<hbm>>
      tpu.enqueue_indirect_dma source(%dma_start3A_398 : memref<10000x64xf32, #tpu.memory_space<hbm>>) target(%arg12 : memref<128x64xf32, #tpu.memory_space<vmem>>) offsets(%dma_start3A_395 : memref<128xi32, #tpu.memory_space<vmem>>) semaphore(%arg19 : memref<!tpu.dma_semaphore, #tpu.memory_space<semaphore_mem>>)
    } else {
    }
    %eq3A_49 = arith.constant 1 : i32
    %eq3A_50 = arith.cmpi eq, %arg0, %eq3A_49 : i32
    %convert_element_type3A_51 = arith.extui %eq3A_50 : i1 to i32
    %cond3A_52 = arith.constant 0 : i32
    %cond3A_53 = arith.cmpi ne, %convert_element_type3A_51, %cond3A_52 : i32
    scf.if %cond3A_53 {
      %dma_start3A_392 = arith.constant 3 : i32
      %dma_start3A_393 = arith.constant 0 : i32
      %dma_start3A_394 = tpu.memref_slice %arg8[%dma_start3A_392, %dma_start3A_393] : memref<162x128xi32, #tpu.memory_space<vmem>> -> memref<1x128xi32, #tpu.memory_space<vmem>>
      %dma_start3A_395 = tpu.memref_squeeze %dma_start3A_394 : memref<1x128xi32, #tpu.memory_space<vmem>> -> memref<128xi32, #tpu.memory_space<vmem>>
      %dma_start3A_396 = arith.constant 0 : i32
      %dma_start3A_397 = arith.constant 0 : i32
      %dma_start3A_398 = tpu.memref_slice %arg3[%dma_start3A_396, %dma_start3A_397] : memref<10000x64xf32, #tpu.memory_space<hbm>> -> memref<10000x64xf32, #tpu.memory_space<hbm>>
      tpu.enqueue_indirect_dma source(%dma_start3A_398 : memref<10000x64xf32, #tpu.memory_space<hbm>>) target(%arg12 : memref<128x64xf32, #tpu.memory_space<vmem>>) offsets(%dma_start3A_395 : memref<128xi32, #tpu.memory_space<vmem>>) semaphore(%arg19 : memref<!tpu.dma_semaphore, #tpu.memory_space<semaphore_mem>>)
    } else {
    }
    %eq3A_54 = arith.constant 0 : i32
    %eq3A_55 = arith.cmpi eq, %arg0, %eq3A_54 : i32
    %convert_element_type3A_56 = arith.extui %eq3A_55 : i1 to i32
    %cond3A_57 = arith.constant 0 : i32
    %cond3A_58 = arith.cmpi ne, %convert_element_type3A_56, %cond3A_57 : i32
    scf.if %cond3A_58 {
      %dma_start3A_392 = arith.constant 4 : i32
      %dma_start3A_393 = arith.constant 0 : i32
      %dma_start3A_394 = tpu.memref_slice %arg8[%dma_start3A_392, %dma_start3A_393] : memref<162x128xi32, #tpu.memory_space<vmem>> -> memref<1x128xi32, #tpu.memory_space<vmem>>
      %dma_start3A_395 = tpu.memref_squeeze %dma_start3A_394 : memref<1x128xi32, #tpu.memory_space<vmem>> -> memref<128xi32, #tpu.memory_space<vmem>>
      %dma_start3A_396 = arith.constant 0 : i32
      %dma_start3A_397 = arith.constant 0 : i32
      %dma_start3A_398 = tpu.memref_slice %arg2[%dma_start3A_396, %dma_start3A_397] : memref<10000x64xf32, #tpu.memory_space<hbm>> -> memref<10000x64xf32, #tpu.memory_space<hbm>>
      tpu.enqueue_indirect_dma source(%dma_start3A_398 : memref<10000x64xf32, #tpu.memory_space<hbm>>) target(%arg13 : memref<128x64xf32, #tpu.memory_space<vmem>>) offsets(%dma_start3A_395 : memref<128xi32, #tpu.memory_space<vmem>>) semaphore(%arg20 : memref<!tpu.dma_semaphore, #tpu.memory_space<semaphore_mem>>)
    } else {
    }
    %eq3A_59 = arith.constant 1 : i32
    %eq3A_60 = arith.cmpi eq, %arg0, %eq3A_59 : i32
    %convert_element_type3A_61 = arith.extui %eq3A_60 : i1 to i32
    %cond3A_62 = arith.constant 0 : i32
    %cond3A_63 = arith.cmpi ne, %convert_element_type3A_61, %cond3A_62 : i32
    scf.if %cond3A_63 {
      %dma_start3A_392 = arith.constant 4 : i32
      %dma_start3A_393 = arith.constant 0 : i32
      %dma_start3A_394 = tpu.memref_slice %arg8[%dma_start3A_392, %dma_start3A_393] : memref<162x128xi32, #tpu.memory_space<vmem>> -> memref<1x128xi32, #tpu.memory_space<vmem>>
      %dma_start3A_395 = tpu.memref_squeeze %dma_start3A_394 : memref<1x128xi32, #tpu.memory_space<vmem>> -> memref<128xi32, #tpu.memory_space<vmem>>
      %dma_start3A_396 = arith.constant 0 : i32
      %dma_start3A_397 = arith.constant 0 : i32
      %dma_start3A_398 = tpu.memref_slice %arg3[%dma_start3A_396, %dma_start3A_397] : memref<10000x64xf32, #tpu.memory_space<hbm>> -> memref<10000x64xf32, #tpu.memory_space<hbm>>
      tpu.enqueue_indirect_dma source(%dma_start3A_398 : memref<10000x64xf32, #tpu.memory_space<hbm>>) target(%arg13 : memref<128x64xf32, #tpu.memory_space<vmem>>) offsets(%dma_start3A_395 : memref<128xi32, #tpu.memory_space<vmem>>) semaphore(%arg20 : memref<!tpu.dma_semaphore, #tpu.memory_space<semaphore_mem>>)
    } else {
    }
    %dma_wait3A = arith.constant 0 : i32
    %dma_wait3A_64 = arith.constant 0 : i32
    %dma_wait3A_65 = tpu.memref_slice %arg8[%dma_wait3A, %dma_wait3A_64] : memref<162x128xi32, #tpu.memory_space<vmem>> -> memref<1x128xi32, #tpu.memory_space<vmem>>
    %dma_wait3A_66 = tpu.memref_squeeze %dma_wait3A_65 : memref<1x128xi32, #tpu.memory_space<vmem>> -> memref<128xi32, #tpu.memory_space<vmem>>
    %dma_wait3A_67 = arith.constant 0 : i32
    %dma_wait3A_68 = arith.constant 0 : i32
    %dma_wait3A_69 = tpu.memref_slice %arg2[%dma_wait3A_67, %dma_wait3A_68] : memref<10000x64xf32, #tpu.memory_space<hbm>> -> memref<10000x64xf32, #tpu.memory_space<hbm>>
    tpu.wait_indirect_dma semaphore(%arg16 : memref<!tpu.dma_semaphore, #tpu.memory_space<semaphore_mem>>) src(%dma_wait3A_69 : memref<10000x64xf32, #tpu.memory_space<hbm>>) dst(%arg9 : memref<128x64xf32, #tpu.memory_space<vmem>>)
    %dma_start3A = arith.constant 0 : i32
    %dma_start3A_70 = arith.constant 0 : i32
    %dma_start3A_71 = tpu.memref_slice %arg7[%dma_start3A, %dma_start3A_70] : memref<162x128xi32, #tpu.memory_space<vmem>> -> memref<1x128xi32, #tpu.memory_space<vmem>>
    %dma_start3A_72 = tpu.memref_squeeze %dma_start3A_71 : memref<1x128xi32, #tpu.memory_space<vmem>> -> memref<128xi32, #tpu.memory_space<vmem>>
    %dma_start3A_73 = arith.constant 0 : i32
    %dma_start3A_74 = arith.constant 0 : i32
    %dma_start3A_75 = tpu.memref_slice %arg15[%dma_start3A_73, %dma_start3A_74] : memref<10112x64xf32, #tpu.memory_space<vmem_shared>> -> memref<10112x64xf32, #tpu.memory_space<vmem_shared>>
    tpu.enqueue_indirect_dma source(%arg9 : memref<128x64xf32, #tpu.memory_space<vmem>>) target(%dma_start3A_75 : memref<10112x64xf32, #tpu.memory_space<vmem_shared>>) offsets(%dma_start3A_72 : memref<128xi32, #tpu.memory_space<vmem>>) semaphore(%arg22 : memref<!tpu.dma_semaphore, #tpu.memory_space<semaphore_mem>>) {add = true}
    %eq3A_76 = arith.constant 0 : i32
    %eq3A_77 = arith.cmpi eq, %arg0, %eq3A_76 : i32
    %convert_element_type3A_78 = arith.extui %eq3A_77 : i1 to i32
    %cond3A_79 = arith.constant 0 : i32
    %cond3A_80 = arith.cmpi ne, %convert_element_type3A_78, %cond3A_79 : i32
    scf.if %cond3A_80 {
      %dma_start3A_392 = arith.constant 5 : i32
      %dma_start3A_393 = arith.constant 0 : i32
      %dma_start3A_394 = tpu.memref_slice %arg8[%dma_start3A_392, %dma_start3A_393] : memref<162x128xi32, #tpu.memory_space<vmem>> -> memref<1x128xi32, #tpu.memory_space<vmem>>
      %dma_start3A_395 = tpu.memref_squeeze %dma_start3A_394 : memref<1x128xi32, #tpu.memory_space<vmem>> -> memref<128xi32, #tpu.memory_space<vmem>>
      %dma_start3A_396 = arith.constant 0 : i32
      %dma_start3A_397 = arith.constant 0 : i32
      %dma_start3A_398 = tpu.memref_slice %arg2[%dma_start3A_396, %dma_start3A_397] : memref<10000x64xf32, #tpu.memory_space<hbm>> -> memref<10000x64xf32, #tpu.memory_space<hbm>>
      tpu.enqueue_indirect_dma source(%dma_start3A_398 : memref<10000x64xf32, #tpu.memory_space<hbm>>) target(%arg14 : memref<128x64xf32, #tpu.memory_space<vmem>>) offsets(%dma_start3A_395 : memref<128xi32, #tpu.memory_space<vmem>>) semaphore(%arg21 : memref<!tpu.dma_semaphore, #tpu.memory_space<semaphore_mem>>)
    } else {
    }
    %eq3A_81 = arith.constant 1 : i32
    %eq3A_82 = arith.cmpi eq, %arg0, %eq3A_81 : i32
    %convert_element_type3A_83 = arith.extui %eq3A_82 : i1 to i32
    %cond3A_84 = arith.constant 0 : i32
    %cond3A_85 = arith.cmpi ne, %convert_element_type3A_83, %cond3A_84 : i32
    scf.if %cond3A_85 {
      %dma_start3A_392 = arith.constant 5 : i32
      %dma_start3A_393 = arith.constant 0 : i32
      %dma_start3A_394 = tpu.memref_slice %arg8[%dma_start3A_392, %dma_start3A_393] : memref<162x128xi32, #tpu.memory_space<vmem>> -> memref<1x128xi32, #tpu.memory_space<vmem>>
      %dma_start3A_395 = tpu.memref_squeeze %dma_start3A_394 : memref<1x128xi32, #tpu.memory_space<vmem>> -> memref<128xi32, #tpu.memory_space<vmem>>
      %dma_start3A_396 = arith.constant 0 : i32
      %dma_start3A_397 = arith.constant 0 : i32
      %dma_start3A_398 = tpu.memref_slice %arg3[%dma_start3A_396, %dma_start3A_397] : memref<10000x64xf32, #tpu.memory_space<hbm>> -> memref<10000x64xf32, #tpu.memory_space<hbm>>
      tpu.enqueue_indirect_dma source(%dma_start3A_398 : memref<10000x64xf32, #tpu.memory_space<hbm>>) target(%arg14 : memref<128x64xf32, #tpu.memory_space<vmem>>) offsets(%dma_start3A_395 : memref<128xi32, #tpu.memory_space<vmem>>) semaphore(%arg21 : memref<!tpu.dma_semaphore, #tpu.memory_space<semaphore_mem>>)
    } else {
    }
    %dma_wait3A_86 = arith.constant 0 : i32
    %dma_wait3A_87 = arith.constant 0 : i32
    %dma_wait3A_88 = tpu.memref_slice %arg8[%dma_wait3A_86, %dma_wait3A_87] : memref<162x128xi32, #tpu.memory_space<vmem>> -> memref<1x128xi32, #tpu.memory_space<vmem>>
    %dma_wait3A_89 = tpu.memref_squeeze %dma_wait3A_88 : memref<1x128xi32, #tpu.memory_space<vmem>> -> memref<128xi32, #tpu.memory_space<vmem>>
    %dma_wait3A_90 = arith.constant 0 : i32
    %dma_wait3A_91 = arith.constant 0 : i32
    %dma_wait3A_92 = tpu.memref_slice %arg2[%dma_wait3A_90, %dma_wait3A_91] : memref<10000x64xf32, #tpu.memory_space<hbm>> -> memref<10000x64xf32, #tpu.memory_space<hbm>>
    tpu.wait_indirect_dma semaphore(%arg17 : memref<!tpu.dma_semaphore, #tpu.memory_space<semaphore_mem>>) src(%dma_wait3A_92 : memref<10000x64xf32, #tpu.memory_space<hbm>>) dst(%arg10 : memref<128x64xf32, #tpu.memory_space<vmem>>)
    %dma_start3A_93 = arith.constant 1 : i32
    %dma_start3A_94 = arith.constant 0 : i32
    %dma_start3A_95 = tpu.memref_slice %arg7[%dma_start3A_93, %dma_start3A_94] : memref<162x128xi32, #tpu.memory_space<vmem>> -> memref<1x128xi32, #tpu.memory_space<vmem>>
    %dma_start3A_96 = tpu.memref_squeeze %dma_start3A_95 : memref<1x128xi32, #tpu.memory_space<vmem>> -> memref<128xi32, #tpu.memory_space<vmem>>
    %dma_start3A_97 = arith.constant 0 : i32
    %dma_start3A_98 = arith.constant 0 : i32
    %dma_start3A_99 = tpu.memref_slice %arg15[%dma_start3A_97, %dma_start3A_98] : memref<10112x64xf32, #tpu.memory_space<vmem_shared>> -> memref<10112x64xf32, #tpu.memory_space<vmem_shared>>
    tpu.enqueue_indirect_dma source(%arg10 : memref<128x64xf32, #tpu.memory_space<vmem>>) target(%dma_start3A_99 : memref<10112x64xf32, #tpu.memory_space<vmem_shared>>) offsets(%dma_start3A_96 : memref<128xi32, #tpu.memory_space<vmem>>) semaphore(%arg23 : memref<!tpu.dma_semaphore, #tpu.memory_space<semaphore_mem>>) {add = true}
    %dma_wait3A_100 = arith.constant 0 : i32
    %dma_wait3A_101 = arith.constant 0 : i32
    %dma_wait3A_102 = tpu.memref_slice %arg7[%dma_wait3A_100, %dma_wait3A_101] : memref<162x128xi32, #tpu.memory_space<vmem>> -> memref<1x128xi32, #tpu.memory_space<vmem>>
    %dma_wait3A_103 = tpu.memref_squeeze %dma_wait3A_102 : memref<1x128xi32, #tpu.memory_space<vmem>> -> memref<128xi32, #tpu.memory_space<vmem>>
    %dma_wait3A_104 = arith.constant 0 : i32
    %dma_wait3A_105 = arith.constant 0 : i32
    %dma_wait3A_106 = tpu.memref_slice %arg15[%dma_wait3A_104, %dma_wait3A_105] : memref<10112x64xf32, #tpu.memory_space<vmem_shared>> -> memref<10112x64xf32, #tpu.memory_space<vmem_shared>>
    tpu.wait_indirect_dma semaphore(%arg22 : memref<!tpu.dma_semaphore, #tpu.memory_space<semaphore_mem>>) src(%arg9 : memref<128x64xf32, #tpu.memory_space<vmem>>) dst(%dma_wait3A_106 : memref<10112x64xf32, #tpu.memory_space<vmem_shared>>)
    %eq3A_107 = arith.constant 0 : i32
    %eq3A_108 = arith.cmpi eq, %arg0, %eq3A_107 : i32
    %convert_element_type3A_109 = arith.extui %eq3A_108 : i1 to i32
    %cond3A_110 = arith.constant 0 : i32
    %cond3A_111 = arith.cmpi ne, %convert_element_type3A_109, %cond3A_110 : i32
    scf.if %cond3A_111 {
      %dma_start3A_392 = arith.constant 6 : i32
      %dma_start3A_393 = arith.constant 0 : i32
      %dma_start3A_394 = tpu.memref_slice %arg8[%dma_start3A_392, %dma_start3A_393] : memref<162x128xi32, #tpu.memory_space<vmem>> -> memref<1x128xi32, #tpu.memory_space<vmem>>
      %dma_start3A_395 = tpu.memref_squeeze %dma_start3A_394 : memref<1x128xi32, #tpu.memory_space<vmem>> -> memref<128xi32, #tpu.memory_space<vmem>>
      %dma_start3A_396 = arith.constant 0 : i32
      %dma_start3A_397 = arith.constant 0 : i32
      %dma_start3A_398 = tpu.memref_slice %arg2[%dma_start3A_396, %dma_start3A_397] : memref<10000x64xf32, #tpu.memory_space<hbm>> -> memref<10000x64xf32, #tpu.memory_space<hbm>>
      tpu.enqueue_indirect_dma source(%dma_start3A_398 : memref<10000x64xf32, #tpu.memory_space<hbm>>) target(%arg9 : memref<128x64xf32, #tpu.memory_space<vmem>>) offsets(%dma_start3A_395 : memref<128xi32, #tpu.memory_space<vmem>>) semaphore(%arg16 : memref<!tpu.dma_semaphore, #tpu.memory_space<semaphore_mem>>)
    } else {
    }
    %eq3A_112 = arith.constant 1 : i32
    %eq3A_113 = arith.cmpi eq, %arg0, %eq3A_112 : i32
    %convert_element_type3A_114 = arith.extui %eq3A_113 : i1 to i32
    %cond3A_115 = arith.constant 0 : i32
    %cond3A_116 = arith.cmpi ne, %convert_element_type3A_114, %cond3A_115 : i32
    scf.if %cond3A_116 {
      %dma_start3A_392 = arith.constant 6 : i32
      %dma_start3A_393 = arith.constant 0 : i32
      %dma_start3A_394 = tpu.memref_slice %arg8[%dma_start3A_392, %dma_start3A_393] : memref<162x128xi32, #tpu.memory_space<vmem>> -> memref<1x128xi32, #tpu.memory_space<vmem>>
      %dma_start3A_395 = tpu.memref_squeeze %dma_start3A_394 : memref<1x128xi32, #tpu.memory_space<vmem>> -> memref<128xi32, #tpu.memory_space<vmem>>
      %dma_start3A_396 = arith.constant 0 : i32
      %dma_start3A_397 = arith.constant 0 : i32
      %dma_start3A_398 = tpu.memref_slice %arg3[%dma_start3A_396, %dma_start3A_397] : memref<10000x64xf32, #tpu.memory_space<hbm>> -> memref<10000x64xf32, #tpu.memory_space<hbm>>
      tpu.enqueue_indirect_dma source(%dma_start3A_398 : memref<10000x64xf32, #tpu.memory_space<hbm>>) target(%arg9 : memref<128x64xf32, #tpu.memory_space<vmem>>) offsets(%dma_start3A_395 : memref<128xi32, #tpu.memory_space<vmem>>) semaphore(%arg16 : memref<!tpu.dma_semaphore, #tpu.memory_space<semaphore_mem>>)
    } else {
    }
    %dma_wait3A_117 = arith.constant 0 : i32
    %dma_wait3A_118 = arith.constant 0 : i32
    %dma_wait3A_119 = tpu.memref_slice %arg8[%dma_wait3A_117, %dma_wait3A_118] : memref<162x128xi32, #tpu.memory_space<vmem>> -> memref<1x128xi32, #tpu.memory_space<vmem>>
    %dma_wait3A_120 = tpu.memref_squeeze %dma_wait3A_119 : memref<1x128xi32, #tpu.memory_space<vmem>> -> memref<128xi32, #tpu.memory_space<vmem>>
    %dma_wait3A_121 = arith.constant 0 : i32
    %dma_wait3A_122 = arith.constant 0 : i32
    %dma_wait3A_123 = tpu.memref_slice %arg2[%dma_wait3A_121, %dma_wait3A_122] : memref<10000x64xf32, #tpu.memory_space<hbm>> -> memref<10000x64xf32, #tpu.memory_space<hbm>>
    tpu.wait_indirect_dma semaphore(%arg18 : memref<!tpu.dma_semaphore, #tpu.memory_space<semaphore_mem>>) src(%dma_wait3A_123 : memref<10000x64xf32, #tpu.memory_space<hbm>>) dst(%arg11 : memref<128x64xf32, #tpu.memory_space<vmem>>)
    %dma_start3A_124 = arith.constant 2 : i32
    %dma_start3A_125 = arith.constant 0 : i32
    %dma_start3A_126 = tpu.memref_slice %arg7[%dma_start3A_124, %dma_start3A_125] : memref<162x128xi32, #tpu.memory_space<vmem>> -> memref<1x128xi32, #tpu.memory_space<vmem>>
    %dma_start3A_127 = tpu.memref_squeeze %dma_start3A_126 : memref<1x128xi32, #tpu.memory_space<vmem>> -> memref<128xi32, #tpu.memory_space<vmem>>
    %dma_start3A_128 = arith.constant 0 : i32
    %dma_start3A_129 = arith.constant 0 : i32
    %dma_start3A_130 = tpu.memref_slice %arg15[%dma_start3A_128, %dma_start3A_129] : memref<10112x64xf32, #tpu.memory_space<vmem_shared>> -> memref<10112x64xf32, #tpu.memory_space<vmem_shared>>
    tpu.enqueue_indirect_dma source(%arg11 : memref<128x64xf32, #tpu.memory_space<vmem>>) target(%dma_start3A_130 : memref<10112x64xf32, #tpu.memory_space<vmem_shared>>) offsets(%dma_start3A_127 : memref<128xi32, #tpu.memory_space<vmem>>) semaphore(%arg24 : memref<!tpu.dma_semaphore, #tpu.memory_space<semaphore_mem>>) {add = true}
    %dma_wait3A_131 = arith.constant 0 : i32
    %dma_wait3A_132 = arith.constant 0 : i32
    %dma_wait3A_133 = tpu.memref_slice %arg7[%dma_wait3A_131, %dma_wait3A_132] : memref<162x128xi32, #tpu.memory_space<vmem>> -> memref<1x128xi32, #tpu.memory_space<vmem>>
    %dma_wait3A_134 = tpu.memref_squeeze %dma_wait3A_133 : memref<1x128xi32, #tpu.memory_space<vmem>> -> memref<128xi32, #tpu.memory_space<vmem>>
    %dma_wait3A_135 = arith.constant 0 : i32
    %dma_wait3A_136 = arith.constant 0 : i32
    %dma_wait3A_137 = tpu.memref_slice %arg15[%dma_wait3A_135, %dma_wait3A_136] : memref<10112x64xf32, #tpu.memory_space<vmem_shared>> -> memref<10112x64xf32, #tpu.memory_space<vmem_shared>>
    tpu.wait_indirect_dma semaphore(%arg23 : memref<!tpu.dma_semaphore, #tpu.memory_space<semaphore_mem>>) src(%arg10 : memref<128x64xf32, #tpu.memory_space<vmem>>) dst(%dma_wait3A_137 : memref<10112x64xf32, #tpu.memory_space<vmem_shared>>)
    %eq3A_138 = arith.constant 0 : i32
    %eq3A_139 = arith.cmpi eq, %arg0, %eq3A_138 : i32
    %convert_element_type3A_140 = arith.extui %eq3A_139 : i1 to i32
    %cond3A_141 = arith.constant 0 : i32
    %cond3A_142 = arith.cmpi ne, %convert_element_type3A_140, %cond3A_141 : i32
    scf.if %cond3A_142 {
      %dma_start3A_392 = arith.constant 7 : i32
      %dma_start3A_393 = arith.constant 0 : i32
      %dma_start3A_394 = tpu.memref_slice %arg8[%dma_start3A_392, %dma_start3A_393] : memref<162x128xi32, #tpu.memory_space<vmem>> -> memref<1x128xi32, #tpu.memory_space<vmem>>
      %dma_start3A_395 = tpu.memref_squeeze %dma_start3A_394 : memref<1x128xi32, #tpu.memory_space<vmem>> -> memref<128xi32, #tpu.memory_space<vmem>>
      %dma_start3A_396 = arith.constant 0 : i32
      %dma_start3A_397 = arith.constant 0 : i32
      %dma_start3A_398 = tpu.memref_slice %arg2[%dma_start3A_396, %dma_start3A_397] : memref<10000x64xf32, #tpu.memory_space<hbm>> -> memref<10000x64xf32, #tpu.memory_space<hbm>>
      tpu.enqueue_indirect_dma source(%dma_start3A_398 : memref<10000x64xf32, #tpu.memory_space<hbm>>) target(%arg10 : memref<128x64xf32, #tpu.memory_space<vmem>>) offsets(%dma_start3A_395 : memref<128xi32, #tpu.memory_space<vmem>>) semaphore(%arg17 : memref<!tpu.dma_semaphore, #tpu.memory_space<semaphore_mem>>)
    } else {
    }
    %eq3A_143 = arith.constant 1 : i32
    %eq3A_144 = arith.cmpi eq, %arg0, %eq3A_143 : i32
    %convert_element_type3A_145 = arith.extui %eq3A_144 : i1 to i32
    %cond3A_146 = arith.constant 0 : i32
    %cond3A_147 = arith.cmpi ne, %convert_element_type3A_145, %cond3A_146 : i32
    scf.if %cond3A_147 {
      %dma_start3A_392 = arith.constant 7 : i32
      %dma_start3A_393 = arith.constant 0 : i32
      %dma_start3A_394 = tpu.memref_slice %arg8[%dma_start3A_392, %dma_start3A_393] : memref<162x128xi32, #tpu.memory_space<vmem>> -> memref<1x128xi32, #tpu.memory_space<vmem>>
      %dma_start3A_395 = tpu.memref_squeeze %dma_start3A_394 : memref<1x128xi32, #tpu.memory_space<vmem>> -> memref<128xi32, #tpu.memory_space<vmem>>
      %dma_start3A_396 = arith.constant 0 : i32
      %dma_start3A_397 = arith.constant 0 : i32
      %dma_start3A_398 = tpu.memref_slice %arg3[%dma_start3A_396, %dma_start3A_397] : memref<10000x64xf32, #tpu.memory_space<hbm>> -> memref<10000x64xf32, #tpu.memory_space<hbm>>
      tpu.enqueue_indirect_dma source(%dma_start3A_398 : memref<10000x64xf32, #tpu.memory_space<hbm>>) target(%arg10 : memref<128x64xf32, #tpu.memory_space<vmem>>) offsets(%dma_start3A_395 : memref<128xi32, #tpu.memory_space<vmem>>) semaphore(%arg17 : memref<!tpu.dma_semaphore, #tpu.memory_space<semaphore_mem>>)
    } else {
    }
    %dma_wait3A_148 = arith.constant 0 : i32
    %dma_wait3A_149 = arith.constant 0 : i32
    %dma_wait3A_150 = tpu.memref_slice %arg8[%dma_wait3A_148, %dma_wait3A_149] : memref<162x128xi32, #tpu.memory_space<vmem>> -> memref<1x128xi32, #tpu.memory_space<vmem>>
    %dma_wait3A_151 = tpu.memref_squeeze %dma_wait3A_150 : memref<1x128xi32, #tpu.memory_space<vmem>> -> memref<128xi32, #tpu.memory_space<vmem>>
    %dma_wait3A_152 = arith.constant 0 : i32
    %dma_wait3A_153 = arith.constant 0 : i32
    %dma_wait3A_154 = tpu.memref_slice %arg2[%dma_wait3A_152, %dma_wait3A_153] : memref<10000x64xf32, #tpu.memory_space<hbm>> -> memref<10000x64xf32, #tpu.memory_space<hbm>>
    tpu.wait_indirect_dma semaphore(%arg19 : memref<!tpu.dma_semaphore, #tpu.memory_space<semaphore_mem>>) src(%dma_wait3A_154 : memref<10000x64xf32, #tpu.memory_space<hbm>>) dst(%arg12 : memref<128x64xf32, #tpu.memory_space<vmem>>)
    %dma_start3A_155 = arith.constant 3 : i32
    %dma_start3A_156 = arith.constant 0 : i32
    %dma_start3A_157 = tpu.memref_slice %arg7[%dma_start3A_155, %dma_start3A_156] : memref<162x128xi32, #tpu.memory_space<vmem>> -> memref<1x128xi32, #tpu.memory_space<vmem>>
    %dma_start3A_158 = tpu.memref_squeeze %dma_start3A_157 : memref<1x128xi32, #tpu.memory_space<vmem>> -> memref<128xi32, #tpu.memory_space<vmem>>
    %dma_start3A_159 = arith.constant 0 : i32
    %dma_start3A_160 = arith.constant 0 : i32
    %dma_start3A_161 = tpu.memref_slice %arg15[%dma_start3A_159, %dma_start3A_160] : memref<10112x64xf32, #tpu.memory_space<vmem_shared>> -> memref<10112x64xf32, #tpu.memory_space<vmem_shared>>
    tpu.enqueue_indirect_dma source(%arg12 : memref<128x64xf32, #tpu.memory_space<vmem>>) target(%dma_start3A_161 : memref<10112x64xf32, #tpu.memory_space<vmem_shared>>) offsets(%dma_start3A_158 : memref<128xi32, #tpu.memory_space<vmem>>) semaphore(%arg25 : memref<!tpu.dma_semaphore, #tpu.memory_space<semaphore_mem>>) {add = true}
    %dma_wait3A_162 = arith.constant 0 : i32
    %dma_wait3A_163 = arith.constant 0 : i32
    %dma_wait3A_164 = tpu.memref_slice %arg7[%dma_wait3A_162, %dma_wait3A_163] : memref<162x128xi32, #tpu.memory_space<vmem>> -> memref<1x128xi32, #tpu.memory_space<vmem>>
    %dma_wait3A_165 = tpu.memref_squeeze %dma_wait3A_164 : memref<1x128xi32, #tpu.memory_space<vmem>> -> memref<128xi32, #tpu.memory_space<vmem>>
    %dma_wait3A_166 = arith.constant 0 : i32
    %dma_wait3A_167 = arith.constant 0 : i32
    %dma_wait3A_168 = tpu.memref_slice %arg15[%dma_wait3A_166, %dma_wait3A_167] : memref<10112x64xf32, #tpu.memory_space<vmem_shared>> -> memref<10112x64xf32, #tpu.memory_space<vmem_shared>>
    tpu.wait_indirect_dma semaphore(%arg24 : memref<!tpu.dma_semaphore, #tpu.memory_space<semaphore_mem>>) src(%arg11 : memref<128x64xf32, #tpu.memory_space<vmem>>) dst(%dma_wait3A_168 : memref<10112x64xf32, #tpu.memory_space<vmem_shared>>)
    %eq3A_169 = arith.constant 0 : i32
    %eq3A_170 = arith.cmpi eq, %arg0, %eq3A_169 : i32
    %convert_element_type3A_171 = arith.extui %eq3A_170 : i1 to i32
    %cond3A_172 = arith.constant 0 : i32
    %cond3A_173 = arith.cmpi ne, %convert_element_type3A_171, %cond3A_172 : i32
    scf.if %cond3A_173 {
      %dma_start3A_392 = arith.constant 8 : i32
      %dma_start3A_393 = arith.constant 0 : i32
      %dma_start3A_394 = tpu.memref_slice %arg8[%dma_start3A_392, %dma_start3A_393] : memref<162x128xi32, #tpu.memory_space<vmem>> -> memref<1x128xi32, #tpu.memory_space<vmem>>
      %dma_start3A_395 = tpu.memref_squeeze %dma_start3A_394 : memref<1x128xi32, #tpu.memory_space<vmem>> -> memref<128xi32, #tpu.memory_space<vmem>>
      %dma_start3A_396 = arith.constant 0 : i32
      %dma_start3A_397 = arith.constant 0 : i32
      %dma_start3A_398 = tpu.memref_slice %arg2[%dma_start3A_396, %dma_start3A_397] : memref<10000x64xf32, #tpu.memory_space<hbm>> -> memref<10000x64xf32, #tpu.memory_space<hbm>>
      tpu.enqueue_indirect_dma source(%dma_start3A_398 : memref<10000x64xf32, #tpu.memory_space<hbm>>) target(%arg11 : memref<128x64xf32, #tpu.memory_space<vmem>>) offsets(%dma_start3A_395 : memref<128xi32, #tpu.memory_space<vmem>>) semaphore(%arg18 : memref<!tpu.dma_semaphore, #tpu.memory_space<semaphore_mem>>)
    } else {
    }
    %eq3A_174 = arith.constant 1 : i32
    %eq3A_175 = arith.cmpi eq, %arg0, %eq3A_174 : i32
    %convert_element_type3A_176 = arith.extui %eq3A_175 : i1 to i32
    %cond3A_177 = arith.constant 0 : i32
    %cond3A_178 = arith.cmpi ne, %convert_element_type3A_176, %cond3A_177 : i32
    scf.if %cond3A_178 {
      %dma_start3A_392 = arith.constant 8 : i32
      %dma_start3A_393 = arith.constant 0 : i32
      %dma_start3A_394 = tpu.memref_slice %arg8[%dma_start3A_392, %dma_start3A_393] : memref<162x128xi32, #tpu.memory_space<vmem>> -> memref<1x128xi32, #tpu.memory_space<vmem>>
      %dma_start3A_395 = tpu.memref_squeeze %dma_start3A_394 : memref<1x128xi32, #tpu.memory_space<vmem>> -> memref<128xi32, #tpu.memory_space<vmem>>
      %dma_start3A_396 = arith.constant 0 : i32
      %dma_start3A_397 = arith.constant 0 : i32
      %dma_start3A_398 = tpu.memref_slice %arg3[%dma_start3A_396, %dma_start3A_397] : memref<10000x64xf32, #tpu.memory_space<hbm>> -> memref<10000x64xf32, #tpu.memory_space<hbm>>
      tpu.enqueue_indirect_dma source(%dma_start3A_398 : memref<10000x64xf32, #tpu.memory_space<hbm>>) target(%arg11 : memref<128x64xf32, #tpu.memory_space<vmem>>) offsets(%dma_start3A_395 : memref<128xi32, #tpu.memory_space<vmem>>) semaphore(%arg18 : memref<!tpu.dma_semaphore, #tpu.memory_space<semaphore_mem>>)
    } else {
    }
    %dma_wait3A_179 = arith.constant 0 : i32
    %dma_wait3A_180 = arith.constant 0 : i32
    %dma_wait3A_181 = tpu.memref_slice %arg8[%dma_wait3A_179, %dma_wait3A_180] : memref<162x128xi32, #tpu.memory_space<vmem>> -> memref<1x128xi32, #tpu.memory_space<vmem>>
    %dma_wait3A_182 = tpu.memref_squeeze %dma_wait3A_181 : memref<1x128xi32, #tpu.memory_space<vmem>> -> memref<128xi32, #tpu.memory_space<vmem>>
    %dma_wait3A_183 = arith.constant 0 : i32
    %dma_wait3A_184 = arith.constant 0 : i32
    %dma_wait3A_185 = tpu.memref_slice %arg2[%dma_wait3A_183, %dma_wait3A_184] : memref<10000x64xf32, #tpu.memory_space<hbm>> -> memref<10000x64xf32, #tpu.memory_space<hbm>>
    tpu.wait_indirect_dma semaphore(%arg20 : memref<!tpu.dma_semaphore, #tpu.memory_space<semaphore_mem>>) src(%dma_wait3A_185 : memref<10000x64xf32, #tpu.memory_space<hbm>>) dst(%arg13 : memref<128x64xf32, #tpu.memory_space<vmem>>)
    %dma_start3A_186 = arith.constant 4 : i32
    %dma_start3A_187 = arith.constant 0 : i32
    %dma_start3A_188 = tpu.memref_slice %arg7[%dma_start3A_186, %dma_start3A_187] : memref<162x128xi32, #tpu.memory_space<vmem>> -> memref<1x128xi32, #tpu.memory_space<vmem>>
    %dma_start3A_189 = tpu.memref_squeeze %dma_start3A_188 : memref<1x128xi32, #tpu.memory_space<vmem>> -> memref<128xi32, #tpu.memory_space<vmem>>
    %dma_start3A_190 = arith.constant 0 : i32
    %dma_start3A_191 = arith.constant 0 : i32
    %dma_start3A_192 = tpu.memref_slice %arg15[%dma_start3A_190, %dma_start3A_191] : memref<10112x64xf32, #tpu.memory_space<vmem_shared>> -> memref<10112x64xf32, #tpu.memory_space<vmem_shared>>
    tpu.enqueue_indirect_dma source(%arg13 : memref<128x64xf32, #tpu.memory_space<vmem>>) target(%dma_start3A_192 : memref<10112x64xf32, #tpu.memory_space<vmem_shared>>) offsets(%dma_start3A_189 : memref<128xi32, #tpu.memory_space<vmem>>) semaphore(%arg26 : memref<!tpu.dma_semaphore, #tpu.memory_space<semaphore_mem>>) {add = true}
    %dma_wait3A_193 = arith.constant 0 : i32
    %dma_wait3A_194 = arith.constant 0 : i32
    %dma_wait3A_195 = tpu.memref_slice %arg7[%dma_wait3A_193, %dma_wait3A_194] : memref<162x128xi32, #tpu.memory_space<vmem>> -> memref<1x128xi32, #tpu.memory_space<vmem>>
    %dma_wait3A_196 = tpu.memref_squeeze %dma_wait3A_195 : memref<1x128xi32, #tpu.memory_space<vmem>> -> memref<128xi32, #tpu.memory_space<vmem>>
    %dma_wait3A_197 = arith.constant 0 : i32
    %dma_wait3A_198 = arith.constant 0 : i32
    %dma_wait3A_199 = tpu.memref_slice %arg15[%dma_wait3A_197, %dma_wait3A_198] : memref<10112x64xf32, #tpu.memory_space<vmem_shared>> -> memref<10112x64xf32, #tpu.memory_space<vmem_shared>>
    tpu.wait_indirect_dma semaphore(%arg25 : memref<!tpu.dma_semaphore, #tpu.memory_space<semaphore_mem>>) src(%arg12 : memref<128x64xf32, #tpu.memory_space<vmem>>) dst(%dma_wait3A_199 : memref<10112x64xf32, #tpu.memory_space<vmem_shared>>)
    %eq3A_200 = arith.constant 0 : i32
    %eq3A_201 = arith.cmpi eq, %arg0, %eq3A_200 : i32
    %convert_element_type3A_202 = arith.extui %eq3A_201 : i1 to i32
    %cond3A_203 = arith.constant 0 : i32
    %cond3A_204 = arith.cmpi ne, %convert_element_type3A_202, %cond3A_203 : i32
    scf.if %cond3A_204 {
      %dma_start3A_392 = arith.constant 9 : i32
      %dma_start3A_393 = arith.constant 0 : i32
      %dma_start3A_394 = tpu.memref_slice %arg8[%dma_start3A_392, %dma_start3A_393] : memref<162x128xi32, #tpu.memory_space<vmem>> -> memref<1x128xi32, #tpu.memory_space<vmem>>
      %dma_start3A_395 = tpu.memref_squeeze %dma_start3A_394 : memref<1x128xi32, #tpu.memory_space<vmem>> -> memref<128xi32, #tpu.memory_space<vmem>>
      %dma_start3A_396 = arith.constant 0 : i32
      %dma_start3A_397 = arith.constant 0 : i32
      %dma_start3A_398 = tpu.memref_slice %arg2[%dma_start3A_396, %dma_start3A_397] : memref<10000x64xf32, #tpu.memory_space<hbm>> -> memref<10000x64xf32, #tpu.memory_space<hbm>>
      tpu.enqueue_indirect_dma source(%dma_start3A_398 : memref<10000x64xf32, #tpu.memory_space<hbm>>) target(%arg12 : memref<128x64xf32, #tpu.memory_space<vmem>>) offsets(%dma_start3A_395 : memref<128xi32, #tpu.memory_space<vmem>>) semaphore(%arg19 : memref<!tpu.dma_semaphore, #tpu.memory_space<semaphore_mem>>)
    } else {
    }
    %eq3A_205 = arith.constant 1 : i32
    %eq3A_206 = arith.cmpi eq, %arg0, %eq3A_205 : i32
    %convert_element_type3A_207 = arith.extui %eq3A_206 : i1 to i32
    %cond3A_208 = arith.constant 0 : i32
    %cond3A_209 = arith.cmpi ne, %convert_element_type3A_207, %cond3A_208 : i32
    scf.if %cond3A_209 {
      %dma_start3A_392 = arith.constant 9 : i32
      %dma_start3A_393 = arith.constant 0 : i32
      %dma_start3A_394 = tpu.memref_slice %arg8[%dma_start3A_392, %dma_start3A_393] : memref<162x128xi32, #tpu.memory_space<vmem>> -> memref<1x128xi32, #tpu.memory_space<vmem>>
      %dma_start3A_395 = tpu.memref_squeeze %dma_start3A_394 : memref<1x128xi32, #tpu.memory_space<vmem>> -> memref<128xi32, #tpu.memory_space<vmem>>
      %dma_start3A_396 = arith.constant 0 : i32
      %dma_start3A_397 = arith.constant 0 : i32
      %dma_start3A_398 = tpu.memref_slice %arg3[%dma_start3A_396, %dma_start3A_397] : memref<10000x64xf32, #tpu.memory_space<hbm>> -> memref<10000x64xf32, #tpu.memory_space<hbm>>
      tpu.enqueue_indirect_dma source(%dma_start3A_398 : memref<10000x64xf32, #tpu.memory_space<hbm>>) target(%arg12 : memref<128x64xf32, #tpu.memory_space<vmem>>) offsets(%dma_start3A_395 : memref<128xi32, #tpu.memory_space<vmem>>) semaphore(%arg19 : memref<!tpu.dma_semaphore, #tpu.memory_space<semaphore_mem>>)
    } else {
    }
    %dma_wait3A_210 = arith.constant 0 : i32
    %dma_wait3A_211 = arith.constant 0 : i32
    %dma_wait3A_212 = tpu.memref_slice %arg8[%dma_wait3A_210, %dma_wait3A_211] : memref<162x128xi32, #tpu.memory_space<vmem>> -> memref<1x128xi32, #tpu.memory_space<vmem>>
    %dma_wait3A_213 = tpu.memref_squeeze %dma_wait3A_212 : memref<1x128xi32, #tpu.memory_space<vmem>> -> memref<128xi32, #tpu.memory_space<vmem>>
    %dma_wait3A_214 = arith.constant 0 : i32
    %dma_wait3A_215 = arith.constant 0 : i32
    %dma_wait3A_216 = tpu.memref_slice %arg2[%dma_wait3A_214, %dma_wait3A_215] : memref<10000x64xf32, #tpu.memory_space<hbm>> -> memref<10000x64xf32, #tpu.memory_space<hbm>>
    tpu.wait_indirect_dma semaphore(%arg21 : memref<!tpu.dma_semaphore, #tpu.memory_space<semaphore_mem>>) src(%dma_wait3A_216 : memref<10000x64xf32, #tpu.memory_space<hbm>>) dst(%arg14 : memref<128x64xf32, #tpu.memory_space<vmem>>)
    %dma_start3A_217 = arith.constant 5 : i32
    %dma_start3A_218 = arith.constant 0 : i32
    %dma_start3A_219 = tpu.memref_slice %arg7[%dma_start3A_217, %dma_start3A_218] : memref<162x128xi32, #tpu.memory_space<vmem>> -> memref<1x128xi32, #tpu.memory_space<vmem>>
    %dma_start3A_220 = tpu.memref_squeeze %dma_start3A_219 : memref<1x128xi32, #tpu.memory_space<vmem>> -> memref<128xi32, #tpu.memory_space<vmem>>
    %dma_start3A_221 = arith.constant 0 : i32
    %dma_start3A_222 = arith.constant 0 : i32
    %dma_start3A_223 = tpu.memref_slice %arg15[%dma_start3A_221, %dma_start3A_222] : memref<10112x64xf32, #tpu.memory_space<vmem_shared>> -> memref<10112x64xf32, #tpu.memory_space<vmem_shared>>
    tpu.enqueue_indirect_dma source(%arg14 : memref<128x64xf32, #tpu.memory_space<vmem>>) target(%dma_start3A_223 : memref<10112x64xf32, #tpu.memory_space<vmem_shared>>) offsets(%dma_start3A_220 : memref<128xi32, #tpu.memory_space<vmem>>) semaphore(%arg27 : memref<!tpu.dma_semaphore, #tpu.memory_space<semaphore_mem>>) {add = true}
    %dma_wait3A_224 = arith.constant 0 : i32
    %dma_wait3A_225 = arith.constant 0 : i32
    %dma_wait3A_226 = tpu.memref_slice %arg7[%dma_wait3A_224, %dma_wait3A_225] : memref<162x128xi32, #tpu.memory_space<vmem>> -> memref<1x128xi32, #tpu.memory_space<vmem>>
    %dma_wait3A_227 = tpu.memref_squeeze %dma_wait3A_226 : memref<1x128xi32, #tpu.memory_space<vmem>> -> memref<128xi32, #tpu.memory_space<vmem>>
    %dma_wait3A_228 = arith.constant 0 : i32
    %dma_wait3A_229 = arith.constant 0 : i32
    %dma_wait3A_230 = tpu.memref_slice %arg15[%dma_wait3A_228, %dma_wait3A_229] : memref<10112x64xf32, #tpu.memory_space<vmem_shared>> -> memref<10112x64xf32, #tpu.memory_space<vmem_shared>>
    tpu.wait_indirect_dma semaphore(%arg26 : memref<!tpu.dma_semaphore, #tpu.memory_space<semaphore_mem>>) src(%arg13 : memref<128x64xf32, #tpu.memory_space<vmem>>) dst(%dma_wait3A_230 : memref<10112x64xf32, #tpu.memory_space<vmem_shared>>)
    %eq3A_231 = arith.constant 0 : i32
    %eq3A_232 = arith.cmpi eq, %arg0, %eq3A_231 : i32
    %convert_element_type3A_233 = arith.extui %eq3A_232 : i1 to i32
    %cond3A_234 = arith.constant 0 : i32
    %cond3A_235 = arith.cmpi ne, %convert_element_type3A_233, %cond3A_234 : i32
    scf.if %cond3A_235 {
      %dma_start3A_392 = arith.constant 10 : i32
      %dma_start3A_393 = arith.constant 0 : i32
      %dma_start3A_394 = tpu.memref_slice %arg8[%dma_start3A_392, %dma_start3A_393] : memref<162x128xi32, #tpu.memory_space<vmem>> -> memref<1x128xi32, #tpu.memory_space<vmem>>
      %dma_start3A_395 = tpu.memref_squeeze %dma_start3A_394 : memref<1x128xi32, #tpu.memory_space<vmem>> -> memref<128xi32, #tpu.memory_space<vmem>>
      %dma_start3A_396 = arith.constant 0 : i32
      %dma_start3A_397 = arith.constant 0 : i32
      %dma_start3A_398 = tpu.memref_slice %arg2[%dma_start3A_396, %dma_start3A_397] : memref<10000x64xf32, #tpu.memory_space<hbm>> -> memref<10000x64xf32, #tpu.memory_space<hbm>>
      tpu.enqueue_indirect_dma source(%dma_start3A_398 : memref<10000x64xf32, #tpu.memory_space<hbm>>) target(%arg13 : memref<128x64xf32, #tpu.memory_space<vmem>>) offsets(%dma_start3A_395 : memref<128xi32, #tpu.memory_space<vmem>>) semaphore(%arg20 : memref<!tpu.dma_semaphore, #tpu.memory_space<semaphore_mem>>)
    } else {
    }
    %eq3A_236 = arith.constant 1 : i32
    %eq3A_237 = arith.cmpi eq, %arg0, %eq3A_236 : i32
    %convert_element_type3A_238 = arith.extui %eq3A_237 : i1 to i32
    %cond3A_239 = arith.constant 0 : i32
    %cond3A_240 = arith.cmpi ne, %convert_element_type3A_238, %cond3A_239 : i32
    scf.if %cond3A_240 {
      %dma_start3A_392 = arith.constant 10 : i32
      %dma_start3A_393 = arith.constant 0 : i32
      %dma_start3A_394 = tpu.memref_slice %arg8[%dma_start3A_392, %dma_start3A_393] : memref<162x128xi32, #tpu.memory_space<vmem>> -> memref<1x128xi32, #tpu.memory_space<vmem>>
      %dma_start3A_395 = tpu.memref_squeeze %dma_start3A_394 : memref<1x128xi32, #tpu.memory_space<vmem>> -> memref<128xi32, #tpu.memory_space<vmem>>
      %dma_start3A_396 = arith.constant 0 : i32
      %dma_start3A_397 = arith.constant 0 : i32
      %dma_start3A_398 = tpu.memref_slice %arg3[%dma_start3A_396, %dma_start3A_397] : memref<10000x64xf32, #tpu.memory_space<hbm>> -> memref<10000x64xf32, #tpu.memory_space<hbm>>
      tpu.enqueue_indirect_dma source(%dma_start3A_398 : memref<10000x64xf32, #tpu.memory_space<hbm>>) target(%arg13 : memref<128x64xf32, #tpu.memory_space<vmem>>) offsets(%dma_start3A_395 : memref<128xi32, #tpu.memory_space<vmem>>) semaphore(%arg20 : memref<!tpu.dma_semaphore, #tpu.memory_space<semaphore_mem>>)
    } else {
    }
    %scan3A_241 = arith.constant 0 : i32
    %scan3A_242 = arith.constant 1 : i32
    %scan3A_243 = arith.constant 25 : i32
    %scan3A_244 = arith.addi %scan3A_242, %scan3A_243 : i32
    %scan3A_245 = arith.constant 1 : i32
    %scan3A_246 = scf.for %scan3A_392 = %scan3A_242 to %scan3A_244 step %scan3A_245 iter_args(%scan3A_393 = %scan3A_241) -> (i32)  : i32 {
      %mul3A_394 = arith.constant 6 : i32
      %mul3A_395 = arith.muli %mul3A_394, %scan3A_392 : i32
      %add3A_396 = arith.constant 0 : i32
      %add3A_397 = arith.addi %mul3A_395, %add3A_396 : i32
      %dma_wait3A_398 = arith.constant 0 : i32
      %dma_wait3A_399 = arith.constant 0 : i32
      %dma_wait3A_400 = tpu.memref_slice %arg8[%dma_wait3A_398, %dma_wait3A_399] : memref<162x128xi32, #tpu.memory_space<vmem>> -> memref<1x128xi32, #tpu.memory_space<vmem>>
      %dma_wait3A_401 = tpu.memref_squeeze %dma_wait3A_400 : memref<1x128xi32, #tpu.memory_space<vmem>> -> memref<128xi32, #tpu.memory_space<vmem>>
      %dma_wait3A_402 = arith.constant 0 : i32
      %dma_wait3A_403 = arith.constant 0 : i32
      %dma_wait3A_404 = tpu.memref_slice %arg2[%dma_wait3A_402, %dma_wait3A_403] : memref<10000x64xf32, #tpu.memory_space<hbm>> -> memref<10000x64xf32, #tpu.memory_space<hbm>>
      tpu.wait_indirect_dma semaphore(%arg16 : memref<!tpu.dma_semaphore, #tpu.memory_space<semaphore_mem>>) src(%dma_wait3A_404 : memref<10000x64xf32, #tpu.memory_space<hbm>>) dst(%arg9 : memref<128x64xf32, #tpu.memory_space<vmem>>)
      %dma_start3A_405 = arith.constant 0 : i32
      %dma_start3A_406 = tpu.memref_slice %arg7[%add3A_397, %dma_start3A_405] : memref<162x128xi32, #tpu.memory_space<vmem>> -> memref<1x128xi32, #tpu.memory_space<vmem>>
      %dma_start3A_407 = tpu.memref_squeeze %dma_start3A_406 : memref<1x128xi32, #tpu.memory_space<vmem>> -> memref<128xi32, #tpu.memory_space<vmem>>
      %dma_start3A_408 = arith.constant 0 : i32
      %dma_start3A_409 = arith.constant 0 : i32
      %dma_start3A_410 = tpu.memref_slice %arg15[%dma_start3A_408, %dma_start3A_409] : memref<10112x64xf32, #tpu.memory_space<vmem_shared>> -> memref<10112x64xf32, #tpu.memory_space<vmem_shared>>
      tpu.enqueue_indirect_dma source(%arg9 : memref<128x64xf32, #tpu.memory_space<vmem>>) target(%dma_start3A_410 : memref<10112x64xf32, #tpu.memory_space<vmem_shared>>) offsets(%dma_start3A_407 : memref<128xi32, #tpu.memory_space<vmem>>) semaphore(%arg22 : memref<!tpu.dma_semaphore, #tpu.memory_space<semaphore_mem>>) {add = true}
      %dma_wait3A_411 = arith.constant 0 : i32
      %dma_wait3A_412 = arith.constant 0 : i32
      %dma_wait3A_413 = tpu.memref_slice %arg7[%dma_wait3A_411, %dma_wait3A_412] : memref<162x128xi32, #tpu.memory_space<vmem>> -> memref<1x128xi32, #tpu.memory_space<vmem>>
      %dma_wait3A_414 = tpu.memref_squeeze %dma_wait3A_413 : memref<1x128xi32, #tpu.memory_space<vmem>> -> memref<128xi32, #tpu.memory_space<vmem>>
      %dma_wait3A_415 = arith.constant 0 : i32
      %dma_wait3A_416 = arith.constant 0 : i32
      %dma_wait3A_417 = tpu.memref_slice %arg15[%dma_wait3A_415, %dma_wait3A_416] : memref<10112x64xf32, #tpu.memory_space<vmem_shared>> -> memref<10112x64xf32, #tpu.memory_space<vmem_shared>>
      tpu.wait_indirect_dma semaphore(%arg27 : memref<!tpu.dma_semaphore, #tpu.memory_space<semaphore_mem>>) src(%arg14 : memref<128x64xf32, #tpu.memory_space<vmem>>) dst(%dma_wait3A_417 : memref<10112x64xf32, #tpu.memory_space<vmem_shared>>)
      %add3A_418 = arith.constant 5 : i32
      %add3A_419 = arith.addi %add3A_397, %add3A_418 : i32
      %eq3A_420 = arith.constant 0 : i32
      %eq3A_421 = arith.cmpi eq, %arg0, %eq3A_420 : i32
      %convert_element_type3A_422 = arith.extui %eq3A_421 : i1 to i32
      %cond3A_423 = arith.constant 0 : i32
      %cond3A_424 = arith.cmpi ne, %convert_element_type3A_422, %cond3A_423 : i32
      scf.if %cond3A_424 {
        %dma_start3A_601 = arith.constant 0 : i32
        %dma_start3A_602 = tpu.memref_slice %arg8[%add3A_419, %dma_start3A_601] : memref<162x128xi32, #tpu.memory_space<vmem>> -> memref<1x128xi32, #tpu.memory_space<vmem>>
        %dma_start3A_603 = tpu.memref_squeeze %dma_start3A_602 : memref<1x128xi32, #tpu.memory_space<vmem>> -> memref<128xi32, #tpu.memory_space<vmem>>
        %dma_start3A_604 = arith.constant 0 : i32
        %dma_start3A_605 = arith.constant 0 : i32
        %dma_start3A_606 = tpu.memref_slice %arg2[%dma_start3A_604, %dma_start3A_605] : memref<10000x64xf32, #tpu.memory_space<hbm>> -> memref<10000x64xf32, #tpu.memory_space<hbm>>
        tpu.enqueue_indirect_dma source(%dma_start3A_606 : memref<10000x64xf32, #tpu.memory_space<hbm>>) target(%arg14 : memref<128x64xf32, #tpu.memory_space<vmem>>) offsets(%dma_start3A_603 : memref<128xi32, #tpu.memory_space<vmem>>) semaphore(%arg21 : memref<!tpu.dma_semaphore, #tpu.memory_space<semaphore_mem>>)
      } else {
      }
      %eq3A_425 = arith.constant 1 : i32
      %eq3A_426 = arith.cmpi eq, %arg0, %eq3A_425 : i32
      %convert_element_type3A_427 = arith.extui %eq3A_426 : i1 to i32
      %cond3A_428 = arith.constant 0 : i32
      %cond3A_429 = arith.cmpi ne, %convert_element_type3A_427, %cond3A_428 : i32
      scf.if %cond3A_429 {
        %dma_start3A_601 = arith.constant 0 : i32
        %dma_start3A_602 = tpu.memref_slice %arg8[%add3A_419, %dma_start3A_601] : memref<162x128xi32, #tpu.memory_space<vmem>> -> memref<1x128xi32, #tpu.memory_space<vmem>>
        %dma_start3A_603 = tpu.memref_squeeze %dma_start3A_602 : memref<1x128xi32, #tpu.memory_space<vmem>> -> memref<128xi32, #tpu.memory_space<vmem>>
        %dma_start3A_604 = arith.constant 0 : i32
        %dma_start3A_605 = arith.constant 0 : i32
        %dma_start3A_606 = tpu.memref_slice %arg3[%dma_start3A_604, %dma_start3A_605] : memref<10000x64xf32, #tpu.memory_space<hbm>> -> memref<10000x64xf32, #tpu.memory_space<hbm>>
        tpu.enqueue_indirect_dma source(%dma_start3A_606 : memref<10000x64xf32, #tpu.memory_space<hbm>>) target(%arg14 : memref<128x64xf32, #tpu.memory_space<vmem>>) offsets(%dma_start3A_603 : memref<128xi32, #tpu.memory_space<vmem>>) semaphore(%arg21 : memref<!tpu.dma_semaphore, #tpu.memory_space<semaphore_mem>>)
      } else {
      }
      %add3A_430 = arith.constant 1 : i32
      %add3A_431 = arith.addi %mul3A_395, %add3A_430 : i32
      %dma_wait3A_432 = arith.constant 0 : i32
      %dma_wait3A_433 = arith.constant 0 : i32
      %dma_wait3A_434 = tpu.memref_slice %arg8[%dma_wait3A_432, %dma_wait3A_433] : memref<162x128xi32, #tpu.memory_space<vmem>> -> memref<1x128xi32, #tpu.memory_space<vmem>>
      %dma_wait3A_435 = tpu.memref_squeeze %dma_wait3A_434 : memref<1x128xi32, #tpu.memory_space<vmem>> -> memref<128xi32, #tpu.memory_space<vmem>>
      %dma_wait3A_436 = arith.constant 0 : i32
      %dma_wait3A_437 = arith.constant 0 : i32
      %dma_wait3A_438 = tpu.memref_slice %arg2[%dma_wait3A_436, %dma_wait3A_437] : memref<10000x64xf32, #tpu.memory_space<hbm>> -> memref<10000x64xf32, #tpu.memory_space<hbm>>
      tpu.wait_indirect_dma semaphore(%arg17 : memref<!tpu.dma_semaphore, #tpu.memory_space<semaphore_mem>>) src(%dma_wait3A_438 : memref<10000x64xf32, #tpu.memory_space<hbm>>) dst(%arg10 : memref<128x64xf32, #tpu.memory_space<vmem>>)
      %dma_start3A_439 = arith.constant 0 : i32
      %dma_start3A_440 = tpu.memref_slice %arg7[%add3A_431, %dma_start3A_439] : memref<162x128xi32, #tpu.memory_space<vmem>> -> memref<1x128xi32, #tpu.memory_space<vmem>>
      %dma_start3A_441 = tpu.memref_squeeze %dma_start3A_440 : memref<1x128xi32, #tpu.memory_space<vmem>> -> memref<128xi32, #tpu.memory_space<vmem>>
      %dma_start3A_442 = arith.constant 0 : i32
      %dma_start3A_443 = arith.constant 0 : i32
      %dma_start3A_444 = tpu.memref_slice %arg15[%dma_start3A_442, %dma_start3A_443] : memref<10112x64xf32, #tpu.memory_space<vmem_shared>> -> memref<10112x64xf32, #tpu.memory_space<vmem_shared>>
      tpu.enqueue_indirect_dma source(%arg10 : memref<128x64xf32, #tpu.memory_space<vmem>>) target(%dma_start3A_444 : memref<10112x64xf32, #tpu.memory_space<vmem_shared>>) offsets(%dma_start3A_441 : memref<128xi32, #tpu.memory_space<vmem>>) semaphore(%arg23 : memref<!tpu.dma_semaphore, #tpu.memory_space<semaphore_mem>>) {add = true}
      %dma_wait3A_445 = arith.constant 0 : i32
      %dma_wait3A_446 = arith.constant 0 : i32
      %dma_wait3A_447 = tpu.memref_slice %arg7[%dma_wait3A_445, %dma_wait3A_446] : memref<162x128xi32, #tpu.memory_space<vmem>> -> memref<1x128xi32, #tpu.memory_space<vmem>>
      %dma_wait3A_448 = tpu.memref_squeeze %dma_wait3A_447 : memref<1x128xi32, #tpu.memory_space<vmem>> -> memref<128xi32, #tpu.memory_space<vmem>>
      %dma_wait3A_449 = arith.constant 0 : i32
      %dma_wait3A_450 = arith.constant 0 : i32
      %dma_wait3A_451 = tpu.memref_slice %arg15[%dma_wait3A_449, %dma_wait3A_450] : memref<10112x64xf32, #tpu.memory_space<vmem_shared>> -> memref<10112x64xf32, #tpu.memory_space<vmem_shared>>
      tpu.wait_indirect_dma semaphore(%arg22 : memref<!tpu.dma_semaphore, #tpu.memory_space<semaphore_mem>>) src(%arg9 : memref<128x64xf32, #tpu.memory_space<vmem>>) dst(%dma_wait3A_451 : memref<10112x64xf32, #tpu.memory_space<vmem_shared>>)
      %add3A_452 = arith.constant 5 : i32
      %add3A_453 = arith.addi %add3A_431, %add3A_452 : i32
      %eq3A_454 = arith.constant 0 : i32
      %eq3A_455 = arith.cmpi eq, %arg0, %eq3A_454 : i32
      %convert_element_type3A_456 = arith.extui %eq3A_455 : i1 to i32
      %cond3A_457 = arith.constant 0 : i32
      %cond3A_458 = arith.cmpi ne, %convert_element_type3A_456, %cond3A_457 : i32
      scf.if %cond3A_458 {
        %dma_start3A_601 = arith.constant 0 : i32
        %dma_start3A_602 = tpu.memref_slice %arg8[%add3A_453, %dma_start3A_601] : memref<162x128xi32, #tpu.memory_space<vmem>> -> memref<1x128xi32, #tpu.memory_space<vmem>>
        %dma_start3A_603 = tpu.memref_squeeze %dma_start3A_602 : memref<1x128xi32, #tpu.memory_space<vmem>> -> memref<128xi32, #tpu.memory_space<vmem>>
        %dma_start3A_604 = arith.constant 0 : i32
        %dma_start3A_605 = arith.constant 0 : i32
        %dma_start3A_606 = tpu.memref_slice %arg2[%dma_start3A_604, %dma_start3A_605] : memref<10000x64xf32, #tpu.memory_space<hbm>> -> memref<10000x64xf32, #tpu.memory_space<hbm>>
        tpu.enqueue_indirect_dma source(%dma_start3A_606 : memref<10000x64xf32, #tpu.memory_space<hbm>>) target(%arg9 : memref<128x64xf32, #tpu.memory_space<vmem>>) offsets(%dma_start3A_603 : memref<128xi32, #tpu.memory_space<vmem>>) semaphore(%arg16 : memref<!tpu.dma_semaphore, #tpu.memory_space<semaphore_mem>>)
      } else {
      }
      %eq3A_459 = arith.constant 1 : i32
      %eq3A_460 = arith.cmpi eq, %arg0, %eq3A_459 : i32
      %convert_element_type3A_461 = arith.extui %eq3A_460 : i1 to i32
      %cond3A_462 = arith.constant 0 : i32
      %cond3A_463 = arith.cmpi ne, %convert_element_type3A_461, %cond3A_462 : i32
      scf.if %cond3A_463 {
        %dma_start3A_601 = arith.constant 0 : i32
        %dma_start3A_602 = tpu.memref_slice %arg8[%add3A_453, %dma_start3A_601] : memref<162x128xi32, #tpu.memory_space<vmem>> -> memref<1x128xi32, #tpu.memory_space<vmem>>
        %dma_start3A_603 = tpu.memref_squeeze %dma_start3A_602 : memref<1x128xi32, #tpu.memory_space<vmem>> -> memref<128xi32, #tpu.memory_space<vmem>>
        %dma_start3A_604 = arith.constant 0 : i32
        %dma_start3A_605 = arith.constant 0 : i32
        %dma_start3A_606 = tpu.memref_slice %arg3[%dma_start3A_604, %dma_start3A_605] : memref<10000x64xf32, #tpu.memory_space<hbm>> -> memref<10000x64xf32, #tpu.memory_space<hbm>>
        tpu.enqueue_indirect_dma source(%dma_start3A_606 : memref<10000x64xf32, #tpu.memory_space<hbm>>) target(%arg9 : memref<128x64xf32, #tpu.memory_space<vmem>>) offsets(%dma_start3A_603 : memref<128xi32, #tpu.memory_space<vmem>>) semaphore(%arg16 : memref<!tpu.dma_semaphore, #tpu.memory_space<semaphore_mem>>)
      } else {
      }
      %add3A_464 = arith.constant 2 : i32
      %add3A_465 = arith.addi %mul3A_395, %add3A_464 : i32
      %dma_wait3A_466 = arith.constant 0 : i32
      %dma_wait3A_467 = arith.constant 0 : i32
      %dma_wait3A_468 = tpu.memref_slice %arg8[%dma_wait3A_466, %dma_wait3A_467] : memref<162x128xi32, #tpu.memory_space<vmem>> -> memref<1x128xi32, #tpu.memory_space<vmem>>
      %dma_wait3A_469 = tpu.memref_squeeze %dma_wait3A_468 : memref<1x128xi32, #tpu.memory_space<vmem>> -> memref<128xi32, #tpu.memory_space<vmem>>
      %dma_wait3A_470 = arith.constant 0 : i32
      %dma_wait3A_471 = arith.constant 0 : i32
      %dma_wait3A_472 = tpu.memref_slice %arg2[%dma_wait3A_470, %dma_wait3A_471] : memref<10000x64xf32, #tpu.memory_space<hbm>> -> memref<10000x64xf32, #tpu.memory_space<hbm>>
      tpu.wait_indirect_dma semaphore(%arg18 : memref<!tpu.dma_semaphore, #tpu.memory_space<semaphore_mem>>) src(%dma_wait3A_472 : memref<10000x64xf32, #tpu.memory_space<hbm>>) dst(%arg11 : memref<128x64xf32, #tpu.memory_space<vmem>>)
      %dma_start3A_473 = arith.constant 0 : i32
      %dma_start3A_474 = tpu.memref_slice %arg7[%add3A_465, %dma_start3A_473] : memref<162x128xi32, #tpu.memory_space<vmem>> -> memref<1x128xi32, #tpu.memory_space<vmem>>
      %dma_start3A_475 = tpu.memref_squeeze %dma_start3A_474 : memref<1x128xi32, #tpu.memory_space<vmem>> -> memref<128xi32, #tpu.memory_space<vmem>>
      %dma_start3A_476 = arith.constant 0 : i32
      %dma_start3A_477 = arith.constant 0 : i32
      %dma_start3A_478 = tpu.memref_slice %arg15[%dma_start3A_476, %dma_start3A_477] : memref<10112x64xf32, #tpu.memory_space<vmem_shared>> -> memref<10112x64xf32, #tpu.memory_space<vmem_shared>>
      tpu.enqueue_indirect_dma source(%arg11 : memref<128x64xf32, #tpu.memory_space<vmem>>) target(%dma_start3A_478 : memref<10112x64xf32, #tpu.memory_space<vmem_shared>>) offsets(%dma_start3A_475 : memref<128xi32, #tpu.memory_space<vmem>>) semaphore(%arg24 : memref<!tpu.dma_semaphore, #tpu.memory_space<semaphore_mem>>) {add = true}
      %dma_wait3A_479 = arith.constant 0 : i32
      %dma_wait3A_480 = arith.constant 0 : i32
      %dma_wait3A_481 = tpu.memref_slice %arg7[%dma_wait3A_479, %dma_wait3A_480] : memref<162x128xi32, #tpu.memory_space<vmem>> -> memref<1x128xi32, #tpu.memory_space<vmem>>
      %dma_wait3A_482 = tpu.memref_squeeze %dma_wait3A_481 : memref<1x128xi32, #tpu.memory_space<vmem>> -> memref<128xi32, #tpu.memory_space<vmem>>
      %dma_wait3A_483 = arith.constant 0 : i32
      %dma_wait3A_484 = arith.constant 0 : i32
      %dma_wait3A_485 = tpu.memref_slice %arg15[%dma_wait3A_483, %dma_wait3A_484] : memref<10112x64xf32, #tpu.memory_space<vmem_shared>> -> memref<10112x64xf32, #tpu.memory_space<vmem_shared>>
      tpu.wait_indirect_dma semaphore(%arg23 : memref<!tpu.dma_semaphore, #tpu.memory_space<semaphore_mem>>) src(%arg10 : memref<128x64xf32, #tpu.memory_space<vmem>>) dst(%dma_wait3A_485 : memref<10112x64xf32, #tpu.memory_space<vmem_shared>>)
      %add3A_486 = arith.constant 5 : i32
      %add3A_487 = arith.addi %add3A_465, %add3A_486 : i32
      %eq3A_488 = arith.constant 0 : i32
      %eq3A_489 = arith.cmpi eq, %arg0, %eq3A_488 : i32
      %convert_element_type3A_490 = arith.extui %eq3A_489 : i1 to i32
      %cond3A_491 = arith.constant 0 : i32
      %cond3A_492 = arith.cmpi ne, %convert_element_type3A_490, %cond3A_491 : i32
      scf.if %cond3A_492 {
        %dma_start3A_601 = arith.constant 0 : i32
        %dma_start3A_602 = tpu.memref_slice %arg8[%add3A_487, %dma_start3A_601] : memref<162x128xi32, #tpu.memory_space<vmem>> -> memref<1x128xi32, #tpu.memory_space<vmem>>
        %dma_start3A_603 = tpu.memref_squeeze %dma_start3A_602 : memref<1x128xi32, #tpu.memory_space<vmem>> -> memref<128xi32, #tpu.memory_space<vmem>>
        %dma_start3A_604 = arith.constant 0 : i32
        %dma_start3A_605 = arith.constant 0 : i32
        %dma_start3A_606 = tpu.memref_slice %arg2[%dma_start3A_604, %dma_start3A_605] : memref<10000x64xf32, #tpu.memory_space<hbm>> -> memref<10000x64xf32, #tpu.memory_space<hbm>>
        tpu.enqueue_indirect_dma source(%dma_start3A_606 : memref<10000x64xf32, #tpu.memory_space<hbm>>) target(%arg10 : memref<128x64xf32, #tpu.memory_space<vmem>>) offsets(%dma_start3A_603 : memref<128xi32, #tpu.memory_space<vmem>>) semaphore(%arg17 : memref<!tpu.dma_semaphore, #tpu.memory_space<semaphore_mem>>)
      } else {
      }
      %eq3A_493 = arith.constant 1 : i32
      %eq3A_494 = arith.cmpi eq, %arg0, %eq3A_493 : i32
      %convert_element_type3A_495 = arith.extui %eq3A_494 : i1 to i32
      %cond3A_496 = arith.constant 0 : i32
      %cond3A_497 = arith.cmpi ne, %convert_element_type3A_495, %cond3A_496 : i32
      scf.if %cond3A_497 {
        %dma_start3A_601 = arith.constant 0 : i32
        %dma_start3A_602 = tpu.memref_slice %arg8[%add3A_487, %dma_start3A_601] : memref<162x128xi32, #tpu.memory_space<vmem>> -> memref<1x128xi32, #tpu.memory_space<vmem>>
        %dma_start3A_603 = tpu.memref_squeeze %dma_start3A_602 : memref<1x128xi32, #tpu.memory_space<vmem>> -> memref<128xi32, #tpu.memory_space<vmem>>
        %dma_start3A_604 = arith.constant 0 : i32
        %dma_start3A_605 = arith.constant 0 : i32
        %dma_start3A_606 = tpu.memref_slice %arg3[%dma_start3A_604, %dma_start3A_605] : memref<10000x64xf32, #tpu.memory_space<hbm>> -> memref<10000x64xf32, #tpu.memory_space<hbm>>
        tpu.enqueue_indirect_dma source(%dma_start3A_606 : memref<10000x64xf32, #tpu.memory_space<hbm>>) target(%arg10 : memref<128x64xf32, #tpu.memory_space<vmem>>) offsets(%dma_start3A_603 : memref<128xi32, #tpu.memory_space<vmem>>) semaphore(%arg17 : memref<!tpu.dma_semaphore, #tpu.memory_space<semaphore_mem>>)
      } else {
      }
      %add3A_498 = arith.constant 3 : i32
      %add3A_499 = arith.addi %mul3A_395, %add3A_498 : i32
      %dma_wait3A_500 = arith.constant 0 : i32
      %dma_wait3A_501 = arith.constant 0 : i32
      %dma_wait3A_502 = tpu.memref_slice %arg8[%dma_wait3A_500, %dma_wait3A_501] : memref<162x128xi32, #tpu.memory_space<vmem>> -> memref<1x128xi32, #tpu.memory_space<vmem>>
      %dma_wait3A_503 = tpu.memref_squeeze %dma_wait3A_502 : memref<1x128xi32, #tpu.memory_space<vmem>> -> memref<128xi32, #tpu.memory_space<vmem>>
      %dma_wait3A_504 = arith.constant 0 : i32
      %dma_wait3A_505 = arith.constant 0 : i32
      %dma_wait3A_506 = tpu.memref_slice %arg2[%dma_wait3A_504, %dma_wait3A_505] : memref<10000x64xf32, #tpu.memory_space<hbm>> -> memref<10000x64xf32, #tpu.memory_space<hbm>>
      tpu.wait_indirect_dma semaphore(%arg19 : memref<!tpu.dma_semaphore, #tpu.memory_space<semaphore_mem>>) src(%dma_wait3A_506 : memref<10000x64xf32, #tpu.memory_space<hbm>>) dst(%arg12 : memref<128x64xf32, #tpu.memory_space<vmem>>)
      %dma_start3A_507 = arith.constant 0 : i32
      %dma_start3A_508 = tpu.memref_slice %arg7[%add3A_499, %dma_start3A_507] : memref<162x128xi32, #tpu.memory_space<vmem>> -> memref<1x128xi32, #tpu.memory_space<vmem>>
      %dma_start3A_509 = tpu.memref_squeeze %dma_start3A_508 : memref<1x128xi32, #tpu.memory_space<vmem>> -> memref<128xi32, #tpu.memory_space<vmem>>
      %dma_start3A_510 = arith.constant 0 : i32
      %dma_start3A_511 = arith.constant 0 : i32
      %dma_start3A_512 = tpu.memref_slice %arg15[%dma_start3A_510, %dma_start3A_511] : memref<10112x64xf32, #tpu.memory_space<vmem_shared>> -> memref<10112x64xf32, #tpu.memory_space<vmem_shared>>
      tpu.enqueue_indirect_dma source(%arg12 : memref<128x64xf32, #tpu.memory_space<vmem>>) target(%dma_start3A_512 : memref<10112x64xf32, #tpu.memory_space<vmem_shared>>) offsets(%dma_start3A_509 : memref<128xi32, #tpu.memory_space<vmem>>) semaphore(%arg25 : memref<!tpu.dma_semaphore, #tpu.memory_space<semaphore_mem>>) {add = true}
      %dma_wait3A_513 = arith.constant 0 : i32
      %dma_wait3A_514 = arith.constant 0 : i32
      %dma_wait3A_515 = tpu.memref_slice %arg7[%dma_wait3A_513, %dma_wait3A_514] : memref<162x128xi32, #tpu.memory_space<vmem>> -> memref<1x128xi32, #tpu.memory_space<vmem>>
      %dma_wait3A_516 = tpu.memref_squeeze %dma_wait3A_515 : memref<1x128xi32, #tpu.memory_space<vmem>> -> memref<128xi32, #tpu.memory_space<vmem>>
      %dma_wait3A_517 = arith.constant 0 : i32
      %dma_wait3A_518 = arith.constant 0 : i32
      %dma_wait3A_519 = tpu.memref_slice %arg15[%dma_wait3A_517, %dma_wait3A_518] : memref<10112x64xf32, #tpu.memory_space<vmem_shared>> -> memref<10112x64xf32, #tpu.memory_space<vmem_shared>>
      tpu.wait_indirect_dma semaphore(%arg24 : memref<!tpu.dma_semaphore, #tpu.memory_space<semaphore_mem>>) src(%arg11 : memref<128x64xf32, #tpu.memory_space<vmem>>) dst(%dma_wait3A_519 : memref<10112x64xf32, #tpu.memory_space<vmem_shared>>)
      %add3A_520 = arith.constant 5 : i32
      %add3A_521 = arith.addi %add3A_499, %add3A_520 : i32
      %eq3A_522 = arith.constant 0 : i32
      %eq3A_523 = arith.cmpi eq, %arg0, %eq3A_522 : i32
      %convert_element_type3A_524 = arith.extui %eq3A_523 : i1 to i32
      %cond3A_525 = arith.constant 0 : i32
      %cond3A_526 = arith.cmpi ne, %convert_element_type3A_524, %cond3A_525 : i32
      scf.if %cond3A_526 {
        %dma_start3A_601 = arith.constant 0 : i32
        %dma_start3A_602 = tpu.memref_slice %arg8[%add3A_521, %dma_start3A_601] : memref<162x128xi32, #tpu.memory_space<vmem>> -> memref<1x128xi32, #tpu.memory_space<vmem>>
        %dma_start3A_603 = tpu.memref_squeeze %dma_start3A_602 : memref<1x128xi32, #tpu.memory_space<vmem>> -> memref<128xi32, #tpu.memory_space<vmem>>
        %dma_start3A_604 = arith.constant 0 : i32
        %dma_start3A_605 = arith.constant 0 : i32
        %dma_start3A_606 = tpu.memref_slice %arg2[%dma_start3A_604, %dma_start3A_605] : memref<10000x64xf32, #tpu.memory_space<hbm>> -> memref<10000x64xf32, #tpu.memory_space<hbm>>
        tpu.enqueue_indirect_dma source(%dma_start3A_606 : memref<10000x64xf32, #tpu.memory_space<hbm>>) target(%arg11 : memref<128x64xf32, #tpu.memory_space<vmem>>) offsets(%dma_start3A_603 : memref<128xi32, #tpu.memory_space<vmem>>) semaphore(%arg18 : memref<!tpu.dma_semaphore, #tpu.memory_space<semaphore_mem>>)
      } else {
      }
      %eq3A_527 = arith.constant 1 : i32
      %eq3A_528 = arith.cmpi eq, %arg0, %eq3A_527 : i32
      %convert_element_type3A_529 = arith.extui %eq3A_528 : i1 to i32
      %cond3A_530 = arith.constant 0 : i32
      %cond3A_531 = arith.cmpi ne, %convert_element_type3A_529, %cond3A_530 : i32
      scf.if %cond3A_531 {
        %dma_start3A_601 = arith.constant 0 : i32
        %dma_start3A_602 = tpu.memref_slice %arg8[%add3A_521, %dma_start3A_601] : memref<162x128xi32, #tpu.memory_space<vmem>> -> memref<1x128xi32, #tpu.memory_space<vmem>>
        %dma_start3A_603 = tpu.memref_squeeze %dma_start3A_602 : memref<1x128xi32, #tpu.memory_space<vmem>> -> memref<128xi32, #tpu.memory_space<vmem>>
        %dma_start3A_604 = arith.constant 0 : i32
        %dma_start3A_605 = arith.constant 0 : i32
        %dma_start3A_606 = tpu.memref_slice %arg3[%dma_start3A_604, %dma_start3A_605] : memref<10000x64xf32, #tpu.memory_space<hbm>> -> memref<10000x64xf32, #tpu.memory_space<hbm>>
        tpu.enqueue_indirect_dma source(%dma_start3A_606 : memref<10000x64xf32, #tpu.memory_space<hbm>>) target(%arg11 : memref<128x64xf32, #tpu.memory_space<vmem>>) offsets(%dma_start3A_603 : memref<128xi32, #tpu.memory_space<vmem>>) semaphore(%arg18 : memref<!tpu.dma_semaphore, #tpu.memory_space<semaphore_mem>>)
      } else {
      }
      %add3A_532 = arith.constant 4 : i32
      %add3A_533 = arith.addi %mul3A_395, %add3A_532 : i32
      %dma_wait3A_534 = arith.constant 0 : i32
      %dma_wait3A_535 = arith.constant 0 : i32
      %dma_wait3A_536 = tpu.memref_slice %arg8[%dma_wait3A_534, %dma_wait3A_535] : memref<162x128xi32, #tpu.memory_space<vmem>> -> memref<1x128xi32, #tpu.memory_space<vmem>>
      %dma_wait3A_537 = tpu.memref_squeeze %dma_wait3A_536 : memref<1x128xi32, #tpu.memory_space<vmem>> -> memref<128xi32, #tpu.memory_space<vmem>>
      %dma_wait3A_538 = arith.constant 0 : i32
      %dma_wait3A_539 = arith.constant 0 : i32
      %dma_wait3A_540 = tpu.memref_slice %arg2[%dma_wait3A_538, %dma_wait3A_539] : memref<10000x64xf32, #tpu.memory_space<hbm>> -> memref<10000x64xf32, #tpu.memory_space<hbm>>
      tpu.wait_indirect_dma semaphore(%arg20 : memref<!tpu.dma_semaphore, #tpu.memory_space<semaphore_mem>>) src(%dma_wait3A_540 : memref<10000x64xf32, #tpu.memory_space<hbm>>) dst(%arg13 : memref<128x64xf32, #tpu.memory_space<vmem>>)
      %dma_start3A_541 = arith.constant 0 : i32
      %dma_start3A_542 = tpu.memref_slice %arg7[%add3A_533, %dma_start3A_541] : memref<162x128xi32, #tpu.memory_space<vmem>> -> memref<1x128xi32, #tpu.memory_space<vmem>>
      %dma_start3A_543 = tpu.memref_squeeze %dma_start3A_542 : memref<1x128xi32, #tpu.memory_space<vmem>> -> memref<128xi32, #tpu.memory_space<vmem>>
      %dma_start3A_544 = arith.constant 0 : i32
      %dma_start3A_545 = arith.constant 0 : i32
      %dma_start3A_546 = tpu.memref_slice %arg15[%dma_start3A_544, %dma_start3A_545] : memref<10112x64xf32, #tpu.memory_space<vmem_shared>> -> memref<10112x64xf32, #tpu.memory_space<vmem_shared>>
      tpu.enqueue_indirect_dma source(%arg13 : memref<128x64xf32, #tpu.memory_space<vmem>>) target(%dma_start3A_546 : memref<10112x64xf32, #tpu.memory_space<vmem_shared>>) offsets(%dma_start3A_543 : memref<128xi32, #tpu.memory_space<vmem>>) semaphore(%arg26 : memref<!tpu.dma_semaphore, #tpu.memory_space<semaphore_mem>>) {add = true}
      %dma_wait3A_547 = arith.constant 0 : i32
      %dma_wait3A_548 = arith.constant 0 : i32
      %dma_wait3A_549 = tpu.memref_slice %arg7[%dma_wait3A_547, %dma_wait3A_548] : memref<162x128xi32, #tpu.memory_space<vmem>> -> memref<1x128xi32, #tpu.memory_space<vmem>>
      %dma_wait3A_550 = tpu.memref_squeeze %dma_wait3A_549 : memref<1x128xi32, #tpu.memory_space<vmem>> -> memref<128xi32, #tpu.memory_space<vmem>>
      %dma_wait3A_551 = arith.constant 0 : i32
      %dma_wait3A_552 = arith.constant 0 : i32
      %dma_wait3A_553 = tpu.memref_slice %arg15[%dma_wait3A_551, %dma_wait3A_552] : memref<10112x64xf32, #tpu.memory_space<vmem_shared>> -> memref<10112x64xf32, #tpu.memory_space<vmem_shared>>
      tpu.wait_indirect_dma semaphore(%arg25 : memref<!tpu.dma_semaphore, #tpu.memory_space<semaphore_mem>>) src(%arg12 : memref<128x64xf32, #tpu.memory_space<vmem>>) dst(%dma_wait3A_553 : memref<10112x64xf32, #tpu.memory_space<vmem_shared>>)
      %add3A_554 = arith.constant 5 : i32
      %add3A_555 = arith.addi %add3A_533, %add3A_554 : i32
      %eq3A_556 = arith.constant 0 : i32
      %eq3A_557 = arith.cmpi eq, %arg0, %eq3A_556 : i32
      %convert_element_type3A_558 = arith.extui %eq3A_557 : i1 to i32
      %cond3A_559 = arith.constant 0 : i32
      %cond3A_560 = arith.cmpi ne, %convert_element_type3A_558, %cond3A_559 : i32
      scf.if %cond3A_560 {
        %dma_start3A_601 = arith.constant 0 : i32
        %dma_start3A_602 = tpu.memref_slice %arg8[%add3A_555, %dma_start3A_601] : memref<162x128xi32, #tpu.memory_space<vmem>> -> memref<1x128xi32, #tpu.memory_space<vmem>>
        %dma_start3A_603 = tpu.memref_squeeze %dma_start3A_602 : memref<1x128xi32, #tpu.memory_space<vmem>> -> memref<128xi32, #tpu.memory_space<vmem>>
        %dma_start3A_604 = arith.constant 0 : i32
        %dma_start3A_605 = arith.constant 0 : i32
        %dma_start3A_606 = tpu.memref_slice %arg2[%dma_start3A_604, %dma_start3A_605] : memref<10000x64xf32, #tpu.memory_space<hbm>> -> memref<10000x64xf32, #tpu.memory_space<hbm>>
        tpu.enqueue_indirect_dma source(%dma_start3A_606 : memref<10000x64xf32, #tpu.memory_space<hbm>>) target(%arg12 : memref<128x64xf32, #tpu.memory_space<vmem>>) offsets(%dma_start3A_603 : memref<128xi32, #tpu.memory_space<vmem>>) semaphore(%arg19 : memref<!tpu.dma_semaphore, #tpu.memory_space<semaphore_mem>>)
      } else {
      }
      %eq3A_561 = arith.constant 1 : i32
      %eq3A_562 = arith.cmpi eq, %arg0, %eq3A_561 : i32
      %convert_element_type3A_563 = arith.extui %eq3A_562 : i1 to i32
      %cond3A_564 = arith.constant 0 : i32
      %cond3A_565 = arith.cmpi ne, %convert_element_type3A_563, %cond3A_564 : i32
      scf.if %cond3A_565 {
        %dma_start3A_601 = arith.constant 0 : i32
        %dma_start3A_602 = tpu.memref_slice %arg8[%add3A_555, %dma_start3A_601] : memref<162x128xi32, #tpu.memory_space<vmem>> -> memref<1x128xi32, #tpu.memory_space<vmem>>
        %dma_start3A_603 = tpu.memref_squeeze %dma_start3A_602 : memref<1x128xi32, #tpu.memory_space<vmem>> -> memref<128xi32, #tpu.memory_space<vmem>>
        %dma_start3A_604 = arith.constant 0 : i32
        %dma_start3A_605 = arith.constant 0 : i32
        %dma_start3A_606 = tpu.memref_slice %arg3[%dma_start3A_604, %dma_start3A_605] : memref<10000x64xf32, #tpu.memory_space<hbm>> -> memref<10000x64xf32, #tpu.memory_space<hbm>>
        tpu.enqueue_indirect_dma source(%dma_start3A_606 : memref<10000x64xf32, #tpu.memory_space<hbm>>) target(%arg12 : memref<128x64xf32, #tpu.memory_space<vmem>>) offsets(%dma_start3A_603 : memref<128xi32, #tpu.memory_space<vmem>>) semaphore(%arg19 : memref<!tpu.dma_semaphore, #tpu.memory_space<semaphore_mem>>)
      } else {
      }
      %add3A_566 = arith.constant 5 : i32
      %add3A_567 = arith.addi %mul3A_395, %add3A_566 : i32
      %dma_wait3A_568 = arith.constant 0 : i32
      %dma_wait3A_569 = arith.constant 0 : i32
      %dma_wait3A_570 = tpu.memref_slice %arg8[%dma_wait3A_568, %dma_wait3A_569] : memref<162x128xi32, #tpu.memory_space<vmem>> -> memref<1x128xi32, #tpu.memory_space<vmem>>
      %dma_wait3A_571 = tpu.memref_squeeze %dma_wait3A_570 : memref<1x128xi32, #tpu.memory_space<vmem>> -> memref<128xi32, #tpu.memory_space<vmem>>
      %dma_wait3A_572 = arith.constant 0 : i32
      %dma_wait3A_573 = arith.constant 0 : i32
      %dma_wait3A_574 = tpu.memref_slice %arg2[%dma_wait3A_572, %dma_wait3A_573] : memref<10000x64xf32, #tpu.memory_space<hbm>> -> memref<10000x64xf32, #tpu.memory_space<hbm>>
      tpu.wait_indirect_dma semaphore(%arg21 : memref<!tpu.dma_semaphore, #tpu.memory_space<semaphore_mem>>) src(%dma_wait3A_574 : memref<10000x64xf32, #tpu.memory_space<hbm>>) dst(%arg14 : memref<128x64xf32, #tpu.memory_space<vmem>>)
      %dma_start3A_575 = arith.constant 0 : i32
      %dma_start3A_576 = tpu.memref_slice %arg7[%add3A_567, %dma_start3A_575] : memref<162x128xi32, #tpu.memory_space<vmem>> -> memref<1x128xi32, #tpu.memory_space<vmem>>
      %dma_start3A_577 = tpu.memref_squeeze %dma_start3A_576 : memref<1x128xi32, #tpu.memory_space<vmem>> -> memref<128xi32, #tpu.memory_space<vmem>>
      %dma_start3A_578 = arith.constant 0 : i32
      %dma_start3A_579 = arith.constant 0 : i32
      %dma_start3A_580 = tpu.memref_slice %arg15[%dma_start3A_578, %dma_start3A_579] : memref<10112x64xf32, #tpu.memory_space<vmem_shared>> -> memref<10112x64xf32, #tpu.memory_space<vmem_shared>>
      tpu.enqueue_indirect_dma source(%arg14 : memref<128x64xf32, #tpu.memory_space<vmem>>) target(%dma_start3A_580 : memref<10112x64xf32, #tpu.memory_space<vmem_shared>>) offsets(%dma_start3A_577 : memref<128xi32, #tpu.memory_space<vmem>>) semaphore(%arg27 : memref<!tpu.dma_semaphore, #tpu.memory_space<semaphore_mem>>) {add = true}
      %dma_wait3A_581 = arith.constant 0 : i32
      %dma_wait3A_582 = arith.constant 0 : i32
      %dma_wait3A_583 = tpu.memref_slice %arg7[%dma_wait3A_581, %dma_wait3A_582] : memref<162x128xi32, #tpu.memory_space<vmem>> -> memref<1x128xi32, #tpu.memory_space<vmem>>
      %dma_wait3A_584 = tpu.memref_squeeze %dma_wait3A_583 : memref<1x128xi32, #tpu.memory_space<vmem>> -> memref<128xi32, #tpu.memory_space<vmem>>
      %dma_wait3A_585 = arith.constant 0 : i32
      %dma_wait3A_586 = arith.constant 0 : i32
      %dma_wait3A_587 = tpu.memref_slice %arg15[%dma_wait3A_585, %dma_wait3A_586] : memref<10112x64xf32, #tpu.memory_space<vmem_shared>> -> memref<10112x64xf32, #tpu.memory_space<vmem_shared>>
      tpu.wait_indirect_dma semaphore(%arg26 : memref<!tpu.dma_semaphore, #tpu.memory_space<semaphore_mem>>) src(%arg13 : memref<128x64xf32, #tpu.memory_space<vmem>>) dst(%dma_wait3A_587 : memref<10112x64xf32, #tpu.memory_space<vmem_shared>>)
      %add3A_588 = arith.constant 5 : i32
      %add3A_589 = arith.addi %add3A_567, %add3A_588 : i32
      %eq3A_590 = arith.constant 0 : i32
      %eq3A_591 = arith.cmpi eq, %arg0, %eq3A_590 : i32
      %convert_element_type3A_592 = arith.extui %eq3A_591 : i1 to i32
      %cond3A_593 = arith.constant 0 : i32
      %cond3A_594 = arith.cmpi ne, %convert_element_type3A_592, %cond3A_593 : i32
      scf.if %cond3A_594 {
        %dma_start3A_601 = arith.constant 0 : i32
        %dma_start3A_602 = tpu.memref_slice %arg8[%add3A_589, %dma_start3A_601] : memref<162x128xi32, #tpu.memory_space<vmem>> -> memref<1x128xi32, #tpu.memory_space<vmem>>
        %dma_start3A_603 = tpu.memref_squeeze %dma_start3A_602 : memref<1x128xi32, #tpu.memory_space<vmem>> -> memref<128xi32, #tpu.memory_space<vmem>>
        %dma_start3A_604 = arith.constant 0 : i32
        %dma_start3A_605 = arith.constant 0 : i32
        %dma_start3A_606 = tpu.memref_slice %arg2[%dma_start3A_604, %dma_start3A_605] : memref<10000x64xf32, #tpu.memory_space<hbm>> -> memref<10000x64xf32, #tpu.memory_space<hbm>>
        tpu.enqueue_indirect_dma source(%dma_start3A_606 : memref<10000x64xf32, #tpu.memory_space<hbm>>) target(%arg13 : memref<128x64xf32, #tpu.memory_space<vmem>>) offsets(%dma_start3A_603 : memref<128xi32, #tpu.memory_space<vmem>>) semaphore(%arg20 : memref<!tpu.dma_semaphore, #tpu.memory_space<semaphore_mem>>)
      } else {
      }
      %eq3A_595 = arith.constant 1 : i32
      %eq3A_596 = arith.cmpi eq, %arg0, %eq3A_595 : i32
      %convert_element_type3A_597 = arith.extui %eq3A_596 : i1 to i32
      %cond3A_598 = arith.constant 0 : i32
      %cond3A_599 = arith.cmpi ne, %convert_element_type3A_597, %cond3A_598 : i32
      scf.if %cond3A_599 {
        %dma_start3A_601 = arith.constant 0 : i32
        %dma_start3A_602 = tpu.memref_slice %arg8[%add3A_589, %dma_start3A_601] : memref<162x128xi32, #tpu.memory_space<vmem>> -> memref<1x128xi32, #tpu.memory_space<vmem>>
        %dma_start3A_603 = tpu.memref_squeeze %dma_start3A_602 : memref<1x128xi32, #tpu.memory_space<vmem>> -> memref<128xi32, #tpu.memory_space<vmem>>
        %dma_start3A_604 = arith.constant 0 : i32
        %dma_start3A_605 = arith.constant 0 : i32
        %dma_start3A_606 = tpu.memref_slice %arg3[%dma_start3A_604, %dma_start3A_605] : memref<10000x64xf32, #tpu.memory_space<hbm>> -> memref<10000x64xf32, #tpu.memory_space<hbm>>
        tpu.enqueue_indirect_dma source(%dma_start3A_606 : memref<10000x64xf32, #tpu.memory_space<hbm>>) target(%arg13 : memref<128x64xf32, #tpu.memory_space<vmem>>) offsets(%dma_start3A_603 : memref<128xi32, #tpu.memory_space<vmem>>) semaphore(%arg20 : memref<!tpu.dma_semaphore, #tpu.memory_space<semaphore_mem>>)
      } else {
      }
      %scan3A_600 = arith.constant 0 : i32
      scf.yield %scan3A_600 : i32
    }
    %scan3A_247 = arith.constant 25 : i32
    %dma_wait3A_248 = arith.constant 0 : i32
    %dma_wait3A_249 = arith.constant 0 : i32
    %dma_wait3A_250 = tpu.memref_slice %arg8[%dma_wait3A_248, %dma_wait3A_249] : memref<162x128xi32, #tpu.memory_space<vmem>> -> memref<1x128xi32, #tpu.memory_space<vmem>>
    %dma_wait3A_251 = tpu.memref_squeeze %dma_wait3A_250 : memref<1x128xi32, #tpu.memory_space<vmem>> -> memref<128xi32, #tpu.memory_space<vmem>>
    %dma_wait3A_252 = arith.constant 0 : i32
    %dma_wait3A_253 = arith.constant 0 : i32
    %dma_wait3A_254 = tpu.memref_slice %arg2[%dma_wait3A_252, %dma_wait3A_253] : memref<10000x64xf32, #tpu.memory_space<hbm>> -> memref<10000x64xf32, #tpu.memory_space<hbm>>
    tpu.wait_indirect_dma semaphore(%arg16 : memref<!tpu.dma_semaphore, #tpu.memory_space<semaphore_mem>>) src(%dma_wait3A_254 : memref<10000x64xf32, #tpu.memory_space<hbm>>) dst(%arg9 : memref<128x64xf32, #tpu.memory_space<vmem>>)
    %dma_start3A_255 = arith.constant 156 : i32
    %dma_start3A_256 = arith.constant 0 : i32
    %dma_start3A_257 = tpu.memref_slice %arg7[%dma_start3A_255, %dma_start3A_256] : memref<162x128xi32, #tpu.memory_space<vmem>> -> memref<1x128xi32, #tpu.memory_space<vmem>>
    %dma_start3A_258 = tpu.memref_squeeze %dma_start3A_257 : memref<1x128xi32, #tpu.memory_space<vmem>> -> memref<128xi32, #tpu.memory_space<vmem>>
    %dma_start3A_259 = arith.constant 0 : i32
    %dma_start3A_260 = arith.constant 0 : i32
    %dma_start3A_261 = tpu.memref_slice %arg15[%dma_start3A_259, %dma_start3A_260] : memref<10112x64xf32, #tpu.memory_space<vmem_shared>> -> memref<10112x64xf32, #tpu.memory_space<vmem_shared>>
    tpu.enqueue_indirect_dma source(%arg9 : memref<128x64xf32, #tpu.memory_space<vmem>>) target(%dma_start3A_261 : memref<10112x64xf32, #tpu.memory_space<vmem_shared>>) offsets(%dma_start3A_258 : memref<128xi32, #tpu.memory_space<vmem>>) semaphore(%arg22 : memref<!tpu.dma_semaphore, #tpu.memory_space<semaphore_mem>>) {add = true}
    %dma_wait3A_262 = arith.constant 0 : i32
    %dma_wait3A_263 = arith.constant 0 : i32
    %dma_wait3A_264 = tpu.memref_slice %arg7[%dma_wait3A_262, %dma_wait3A_263] : memref<162x128xi32, #tpu.memory_space<vmem>> -> memref<1x128xi32, #tpu.memory_space<vmem>>
    %dma_wait3A_265 = tpu.memref_squeeze %dma_wait3A_264 : memref<1x128xi32, #tpu.memory_space<vmem>> -> memref<128xi32, #tpu.memory_space<vmem>>
    %dma_wait3A_266 = arith.constant 0 : i32
    %dma_wait3A_267 = arith.constant 0 : i32
    %dma_wait3A_268 = tpu.memref_slice %arg15[%dma_wait3A_266, %dma_wait3A_267] : memref<10112x64xf32, #tpu.memory_space<vmem_shared>> -> memref<10112x64xf32, #tpu.memory_space<vmem_shared>>
    tpu.wait_indirect_dma semaphore(%arg27 : memref<!tpu.dma_semaphore, #tpu.memory_space<semaphore_mem>>) src(%arg14 : memref<128x64xf32, #tpu.memory_space<vmem>>) dst(%dma_wait3A_268 : memref<10112x64xf32, #tpu.memory_space<vmem_shared>>)
    %eq3A_269 = arith.constant 0 : i32
    %eq3A_270 = arith.cmpi eq, %arg0, %eq3A_269 : i32
    %convert_element_type3A_271 = arith.extui %eq3A_270 : i1 to i32
    %cond3A_272 = arith.constant 0 : i32
    %cond3A_273 = arith.cmpi ne, %convert_element_type3A_271, %cond3A_272 : i32
    scf.if %cond3A_273 {
      %dma_start3A_392 = arith.constant 161 : i32
      %dma_start3A_393 = arith.constant 0 : i32
      %dma_start3A_394 = tpu.memref_slice %arg8[%dma_start3A_392, %dma_start3A_393] : memref<162x128xi32, #tpu.memory_space<vmem>> -> memref<1x128xi32, #tpu.memory_space<vmem>>
      %dma_start3A_395 = tpu.memref_squeeze %dma_start3A_394 : memref<1x128xi32, #tpu.memory_space<vmem>> -> memref<128xi32, #tpu.memory_space<vmem>>
      %dma_start3A_396 = arith.constant 0 : i32
      %dma_start3A_397 = arith.constant 0 : i32
      %dma_start3A_398 = tpu.memref_slice %arg2[%dma_start3A_396, %dma_start3A_397] : memref<10000x64xf32, #tpu.memory_space<hbm>> -> memref<10000x64xf32, #tpu.memory_space<hbm>>
      tpu.enqueue_indirect_dma source(%dma_start3A_398 : memref<10000x64xf32, #tpu.memory_space<hbm>>) target(%arg14 : memref<128x64xf32, #tpu.memory_space<vmem>>) offsets(%dma_start3A_395 : memref<128xi32, #tpu.memory_space<vmem>>) semaphore(%arg21 : memref<!tpu.dma_semaphore, #tpu.memory_space<semaphore_mem>>)
    } else {
    }
    %eq3A_274 = arith.constant 1 : i32
    %eq3A_275 = arith.cmpi eq, %arg0, %eq3A_274 : i32
    %convert_element_type3A_276 = arith.extui %eq3A_275 : i1 to i32
    %cond3A_277 = arith.constant 0 : i32
    %cond3A_278 = arith.cmpi ne, %convert_element_type3A_276, %cond3A_277 : i32
    scf.if %cond3A_278 {
      %dma_start3A_392 = arith.constant 161 : i32
      %dma_start3A_393 = arith.constant 0 : i32
      %dma_start3A_394 = tpu.memref_slice %arg8[%dma_start3A_392, %dma_start3A_393] : memref<162x128xi32, #tpu.memory_space<vmem>> -> memref<1x128xi32, #tpu.memory_space<vmem>>
      %dma_start3A_395 = tpu.memref_squeeze %dma_start3A_394 : memref<1x128xi32, #tpu.memory_space<vmem>> -> memref<128xi32, #tpu.memory_space<vmem>>
      %dma_start3A_396 = arith.constant 0 : i32
      %dma_start3A_397 = arith.constant 0 : i32
      %dma_start3A_398 = tpu.memref_slice %arg3[%dma_start3A_396, %dma_start3A_397] : memref<10000x64xf32, #tpu.memory_space<hbm>> -> memref<10000x64xf32, #tpu.memory_space<hbm>>
      tpu.enqueue_indirect_dma source(%dma_start3A_398 : memref<10000x64xf32, #tpu.memory_space<hbm>>) target(%arg14 : memref<128x64xf32, #tpu.memory_space<vmem>>) offsets(%dma_start3A_395 : memref<128xi32, #tpu.memory_space<vmem>>) semaphore(%arg21 : memref<!tpu.dma_semaphore, #tpu.memory_space<semaphore_mem>>)
    } else {
    }
    %dma_wait3A_279 = arith.constant 0 : i32
    %dma_wait3A_280 = arith.constant 0 : i32
    %dma_wait3A_281 = tpu.memref_slice %arg8[%dma_wait3A_279, %dma_wait3A_280] : memref<162x128xi32, #tpu.memory_space<vmem>> -> memref<1x128xi32, #tpu.memory_space<vmem>>
    %dma_wait3A_282 = tpu.memref_squeeze %dma_wait3A_281 : memref<1x128xi32, #tpu.memory_space<vmem>> -> memref<128xi32, #tpu.memory_space<vmem>>
    %dma_wait3A_283 = arith.constant 0 : i32
    %dma_wait3A_284 = arith.constant 0 : i32
    %dma_wait3A_285 = tpu.memref_slice %arg2[%dma_wait3A_283, %dma_wait3A_284] : memref<10000x64xf32, #tpu.memory_space<hbm>> -> memref<10000x64xf32, #tpu.memory_space<hbm>>
    tpu.wait_indirect_dma semaphore(%arg17 : memref<!tpu.dma_semaphore, #tpu.memory_space<semaphore_mem>>) src(%dma_wait3A_285 : memref<10000x64xf32, #tpu.memory_space<hbm>>) dst(%arg10 : memref<128x64xf32, #tpu.memory_space<vmem>>)
    %dma_start3A_286 = arith.constant 157 : i32
    %dma_start3A_287 = arith.constant 0 : i32
    %dma_start3A_288 = tpu.memref_slice %arg7[%dma_start3A_286, %dma_start3A_287] : memref<162x128xi32, #tpu.memory_space<vmem>> -> memref<1x128xi32, #tpu.memory_space<vmem>>
    %dma_start3A_289 = tpu.memref_squeeze %dma_start3A_288 : memref<1x128xi32, #tpu.memory_space<vmem>> -> memref<128xi32, #tpu.memory_space<vmem>>
    %dma_start3A_290 = arith.constant 0 : i32
    %dma_start3A_291 = arith.constant 0 : i32
    %dma_start3A_292 = tpu.memref_slice %arg15[%dma_start3A_290, %dma_start3A_291] : memref<10112x64xf32, #tpu.memory_space<vmem_shared>> -> memref<10112x64xf32, #tpu.memory_space<vmem_shared>>
    tpu.enqueue_indirect_dma source(%arg10 : memref<128x64xf32, #tpu.memory_space<vmem>>) target(%dma_start3A_292 : memref<10112x64xf32, #tpu.memory_space<vmem_shared>>) offsets(%dma_start3A_289 : memref<128xi32, #tpu.memory_space<vmem>>) semaphore(%arg23 : memref<!tpu.dma_semaphore, #tpu.memory_space<semaphore_mem>>) {add = true}
    %dma_wait3A_293 = arith.constant 0 : i32
    %dma_wait3A_294 = arith.constant 0 : i32
    %dma_wait3A_295 = tpu.memref_slice %arg7[%dma_wait3A_293, %dma_wait3A_294] : memref<162x128xi32, #tpu.memory_space<vmem>> -> memref<1x128xi32, #tpu.memory_space<vmem>>
    %dma_wait3A_296 = tpu.memref_squeeze %dma_wait3A_295 : memref<1x128xi32, #tpu.memory_space<vmem>> -> memref<128xi32, #tpu.memory_space<vmem>>
    %dma_wait3A_297 = arith.constant 0 : i32
    %dma_wait3A_298 = arith.constant 0 : i32
    %dma_wait3A_299 = tpu.memref_slice %arg15[%dma_wait3A_297, %dma_wait3A_298] : memref<10112x64xf32, #tpu.memory_space<vmem_shared>> -> memref<10112x64xf32, #tpu.memory_space<vmem_shared>>
    tpu.wait_indirect_dma semaphore(%arg22 : memref<!tpu.dma_semaphore, #tpu.memory_space<semaphore_mem>>) src(%arg9 : memref<128x64xf32, #tpu.memory_space<vmem>>) dst(%dma_wait3A_299 : memref<10112x64xf32, #tpu.memory_space<vmem_shared>>)
    %dma_wait3A_300 = arith.constant 0 : i32
    %dma_wait3A_301 = arith.constant 0 : i32
    %dma_wait3A_302 = tpu.memref_slice %arg8[%dma_wait3A_300, %dma_wait3A_301] : memref<162x128xi32, #tpu.memory_space<vmem>> -> memref<1x128xi32, #tpu.memory_space<vmem>>
    %dma_wait3A_303 = tpu.memref_squeeze %dma_wait3A_302 : memref<1x128xi32, #tpu.memory_space<vmem>> -> memref<128xi32, #tpu.memory_space<vmem>>
    %dma_wait3A_304 = arith.constant 0 : i32
    %dma_wait3A_305 = arith.constant 0 : i32
    %dma_wait3A_306 = tpu.memref_slice %arg2[%dma_wait3A_304, %dma_wait3A_305] : memref<10000x64xf32, #tpu.memory_space<hbm>> -> memref<10000x64xf32, #tpu.memory_space<hbm>>
    tpu.wait_indirect_dma semaphore(%arg18 : memref<!tpu.dma_semaphore, #tpu.memory_space<semaphore_mem>>) src(%dma_wait3A_306 : memref<10000x64xf32, #tpu.memory_space<hbm>>) dst(%arg11 : memref<128x64xf32, #tpu.memory_space<vmem>>)
    %dma_start3A_307 = arith.constant 158 : i32
    %dma_start3A_308 = arith.constant 0 : i32
    %dma_start3A_309 = tpu.memref_slice %arg7[%dma_start3A_307, %dma_start3A_308] : memref<162x128xi32, #tpu.memory_space<vmem>> -> memref<1x128xi32, #tpu.memory_space<vmem>>
    %dma_start3A_310 = tpu.memref_squeeze %dma_start3A_309 : memref<1x128xi32, #tpu.memory_space<vmem>> -> memref<128xi32, #tpu.memory_space<vmem>>
    %dma_start3A_311 = arith.constant 0 : i32
    %dma_start3A_312 = arith.constant 0 : i32
    %dma_start3A_313 = tpu.memref_slice %arg15[%dma_start3A_311, %dma_start3A_312] : memref<10112x64xf32, #tpu.memory_space<vmem_shared>> -> memref<10112x64xf32, #tpu.memory_space<vmem_shared>>
    tpu.enqueue_indirect_dma source(%arg11 : memref<128x64xf32, #tpu.memory_space<vmem>>) target(%dma_start3A_313 : memref<10112x64xf32, #tpu.memory_space<vmem_shared>>) offsets(%dma_start3A_310 : memref<128xi32, #tpu.memory_space<vmem>>) semaphore(%arg24 : memref<!tpu.dma_semaphore, #tpu.memory_space<semaphore_mem>>) {add = true}
    %dma_wait3A_314 = arith.constant 0 : i32
    %dma_wait3A_315 = arith.constant 0 : i32
    %dma_wait3A_316 = tpu.memref_slice %arg7[%dma_wait3A_314, %dma_wait3A_315] : memref<162x128xi32, #tpu.memory_space<vmem>> -> memref<1x128xi32, #tpu.memory_space<vmem>>
    %dma_wait3A_317 = tpu.memref_squeeze %dma_wait3A_316 : memref<1x128xi32, #tpu.memory_space<vmem>> -> memref<128xi32, #tpu.memory_space<vmem>>
    %dma_wait3A_318 = arith.constant 0 : i32
    %dma_wait3A_319 = arith.constant 0 : i32
    %dma_wait3A_320 = tpu.memref_slice %arg15[%dma_wait3A_318, %dma_wait3A_319] : memref<10112x64xf32, #tpu.memory_space<vmem_shared>> -> memref<10112x64xf32, #tpu.memory_space<vmem_shared>>
    tpu.wait_indirect_dma semaphore(%arg23 : memref<!tpu.dma_semaphore, #tpu.memory_space<semaphore_mem>>) src(%arg10 : memref<128x64xf32, #tpu.memory_space<vmem>>) dst(%dma_wait3A_320 : memref<10112x64xf32, #tpu.memory_space<vmem_shared>>)
    %dma_wait3A_321 = arith.constant 0 : i32
    %dma_wait3A_322 = arith.constant 0 : i32
    %dma_wait3A_323 = tpu.memref_slice %arg8[%dma_wait3A_321, %dma_wait3A_322] : memref<162x128xi32, #tpu.memory_space<vmem>> -> memref<1x128xi32, #tpu.memory_space<vmem>>
    %dma_wait3A_324 = tpu.memref_squeeze %dma_wait3A_323 : memref<1x128xi32, #tpu.memory_space<vmem>> -> memref<128xi32, #tpu.memory_space<vmem>>
    %dma_wait3A_325 = arith.constant 0 : i32
    %dma_wait3A_326 = arith.constant 0 : i32
    %dma_wait3A_327 = tpu.memref_slice %arg2[%dma_wait3A_325, %dma_wait3A_326] : memref<10000x64xf32, #tpu.memory_space<hbm>> -> memref<10000x64xf32, #tpu.memory_space<hbm>>
    tpu.wait_indirect_dma semaphore(%arg19 : memref<!tpu.dma_semaphore, #tpu.memory_space<semaphore_mem>>) src(%dma_wait3A_327 : memref<10000x64xf32, #tpu.memory_space<hbm>>) dst(%arg12 : memref<128x64xf32, #tpu.memory_space<vmem>>)
    %dma_start3A_328 = arith.constant 159 : i32
    %dma_start3A_329 = arith.constant 0 : i32
    %dma_start3A_330 = tpu.memref_slice %arg7[%dma_start3A_328, %dma_start3A_329] : memref<162x128xi32, #tpu.memory_space<vmem>> -> memref<1x128xi32, #tpu.memory_space<vmem>>
    %dma_start3A_331 = tpu.memref_squeeze %dma_start3A_330 : memref<1x128xi32, #tpu.memory_space<vmem>> -> memref<128xi32, #tpu.memory_space<vmem>>
    %dma_start3A_332 = arith.constant 0 : i32
    %dma_start3A_333 = arith.constant 0 : i32
    %dma_start3A_334 = tpu.memref_slice %arg15[%dma_start3A_332, %dma_start3A_333] : memref<10112x64xf32, #tpu.memory_space<vmem_shared>> -> memref<10112x64xf32, #tpu.memory_space<vmem_shared>>
    tpu.enqueue_indirect_dma source(%arg12 : memref<128x64xf32, #tpu.memory_space<vmem>>) target(%dma_start3A_334 : memref<10112x64xf32, #tpu.memory_space<vmem_shared>>) offsets(%dma_start3A_331 : memref<128xi32, #tpu.memory_space<vmem>>) semaphore(%arg25 : memref<!tpu.dma_semaphore, #tpu.memory_space<semaphore_mem>>) {add = true}
    %dma_wait3A_335 = arith.constant 0 : i32
    %dma_wait3A_336 = arith.constant 0 : i32
    %dma_wait3A_337 = tpu.memref_slice %arg7[%dma_wait3A_335, %dma_wait3A_336] : memref<162x128xi32, #tpu.memory_space<vmem>> -> memref<1x128xi32, #tpu.memory_space<vmem>>
    %dma_wait3A_338 = tpu.memref_squeeze %dma_wait3A_337 : memref<1x128xi32, #tpu.memory_space<vmem>> -> memref<128xi32, #tpu.memory_space<vmem>>
    %dma_wait3A_339 = arith.constant 0 : i32
    %dma_wait3A_340 = arith.constant 0 : i32
    %dma_wait3A_341 = tpu.memref_slice %arg15[%dma_wait3A_339, %dma_wait3A_340] : memref<10112x64xf32, #tpu.memory_space<vmem_shared>> -> memref<10112x64xf32, #tpu.memory_space<vmem_shared>>
    tpu.wait_indirect_dma semaphore(%arg24 : memref<!tpu.dma_semaphore, #tpu.memory_space<semaphore_mem>>) src(%arg11 : memref<128x64xf32, #tpu.memory_space<vmem>>) dst(%dma_wait3A_341 : memref<10112x64xf32, #tpu.memory_space<vmem_shared>>)
    %dma_wait3A_342 = arith.constant 0 : i32
    %dma_wait3A_343 = arith.constant 0 : i32
    %dma_wait3A_344 = tpu.memref_slice %arg8[%dma_wait3A_342, %dma_wait3A_343] : memref<162x128xi32, #tpu.memory_space<vmem>> -> memref<1x128xi32, #tpu.memory_space<vmem>>
    %dma_wait3A_345 = tpu.memref_squeeze %dma_wait3A_344 : memref<1x128xi32, #tpu.memory_space<vmem>> -> memref<128xi32, #tpu.memory_space<vmem>>
    %dma_wait3A_346 = arith.constant 0 : i32
    %dma_wait3A_347 = arith.constant 0 : i32
    %dma_wait3A_348 = tpu.memref_slice %arg2[%dma_wait3A_346, %dma_wait3A_347] : memref<10000x64xf32, #tpu.memory_space<hbm>> -> memref<10000x64xf32, #tpu.memory_space<hbm>>
    tpu.wait_indirect_dma semaphore(%arg20 : memref<!tpu.dma_semaphore, #tpu.memory_space<semaphore_mem>>) src(%dma_wait3A_348 : memref<10000x64xf32, #tpu.memory_space<hbm>>) dst(%arg13 : memref<128x64xf32, #tpu.memory_space<vmem>>)
    %dma_start3A_349 = arith.constant 160 : i32
    %dma_start3A_350 = arith.constant 0 : i32
    %dma_start3A_351 = tpu.memref_slice %arg7[%dma_start3A_349, %dma_start3A_350] : memref<162x128xi32, #tpu.memory_space<vmem>> -> memref<1x128xi32, #tpu.memory_space<vmem>>
    %dma_start3A_352 = tpu.memref_squeeze %dma_start3A_351 : memref<1x128xi32, #tpu.memory_space<vmem>> -> memref<128xi32, #tpu.memory_space<vmem>>
    %dma_start3A_353 = arith.constant 0 : i32
    %dma_start3A_354 = arith.constant 0 : i32
    %dma_start3A_355 = tpu.memref_slice %arg15[%dma_start3A_353, %dma_start3A_354] : memref<10112x64xf32, #tpu.memory_space<vmem_shared>> -> memref<10112x64xf32, #tpu.memory_space<vmem_shared>>
    tpu.enqueue_indirect_dma source(%arg13 : memref<128x64xf32, #tpu.memory_space<vmem>>) target(%dma_start3A_355 : memref<10112x64xf32, #tpu.memory_space<vmem_shared>>) offsets(%dma_start3A_352 : memref<128xi32, #tpu.memory_space<vmem>>) semaphore(%arg26 : memref<!tpu.dma_semaphore, #tpu.memory_space<semaphore_mem>>) {add = true}
    %dma_wait3A_356 = arith.constant 0 : i32
    %dma_wait3A_357 = arith.constant 0 : i32
    %dma_wait3A_358 = tpu.memref_slice %arg7[%dma_wait3A_356, %dma_wait3A_357] : memref<162x128xi32, #tpu.memory_space<vmem>> -> memref<1x128xi32, #tpu.memory_space<vmem>>
    %dma_wait3A_359 = tpu.memref_squeeze %dma_wait3A_358 : memref<1x128xi32, #tpu.memory_space<vmem>> -> memref<128xi32, #tpu.memory_space<vmem>>
    %dma_wait3A_360 = arith.constant 0 : i32
    %dma_wait3A_361 = arith.constant 0 : i32
    %dma_wait3A_362 = tpu.memref_slice %arg15[%dma_wait3A_360, %dma_wait3A_361] : memref<10112x64xf32, #tpu.memory_space<vmem_shared>> -> memref<10112x64xf32, #tpu.memory_space<vmem_shared>>
    tpu.wait_indirect_dma semaphore(%arg25 : memref<!tpu.dma_semaphore, #tpu.memory_space<semaphore_mem>>) src(%arg12 : memref<128x64xf32, #tpu.memory_space<vmem>>) dst(%dma_wait3A_362 : memref<10112x64xf32, #tpu.memory_space<vmem_shared>>)
    %dma_wait3A_363 = arith.constant 0 : i32
    %dma_wait3A_364 = arith.constant 0 : i32
    %dma_wait3A_365 = tpu.memref_slice %arg8[%dma_wait3A_363, %dma_wait3A_364] : memref<162x128xi32, #tpu.memory_space<vmem>> -> memref<1x128xi32, #tpu.memory_space<vmem>>
    %dma_wait3A_366 = tpu.memref_squeeze %dma_wait3A_365 : memref<1x128xi32, #tpu.memory_space<vmem>> -> memref<128xi32, #tpu.memory_space<vmem>>
    %dma_wait3A_367 = arith.constant 0 : i32
    %dma_wait3A_368 = arith.constant 0 : i32
    %dma_wait3A_369 = tpu.memref_slice %arg2[%dma_wait3A_367, %dma_wait3A_368] : memref<10000x64xf32, #tpu.memory_space<hbm>> -> memref<10000x64xf32, #tpu.memory_space<hbm>>
    tpu.wait_indirect_dma semaphore(%arg21 : memref<!tpu.dma_semaphore, #tpu.memory_space<semaphore_mem>>) src(%dma_wait3A_369 : memref<10000x64xf32, #tpu.memory_space<hbm>>) dst(%arg14 : memref<128x64xf32, #tpu.memory_space<vmem>>)
    %dma_start3A_370 = arith.constant 161 : i32
    %dma_start3A_371 = arith.constant 0 : i32
    %dma_start3A_372 = tpu.memref_slice %arg7[%dma_start3A_370, %dma_start3A_371] : memref<162x128xi32, #tpu.memory_space<vmem>> -> memref<1x128xi32, #tpu.memory_space<vmem>>
    %dma_start3A_373 = tpu.memref_squeeze %dma_start3A_372 : memref<1x128xi32, #tpu.memory_space<vmem>> -> memref<128xi32, #tpu.memory_space<vmem>>
    %dma_start3A_374 = arith.constant 0 : i32
    %dma_start3A_375 = arith.constant 0 : i32
    %dma_start3A_376 = tpu.memref_slice %arg15[%dma_start3A_374, %dma_start3A_375] : memref<10112x64xf32, #tpu.memory_space<vmem_shared>> -> memref<10112x64xf32, #tpu.memory_space<vmem_shared>>
    tpu.enqueue_indirect_dma source(%arg14 : memref<128x64xf32, #tpu.memory_space<vmem>>) target(%dma_start3A_376 : memref<10112x64xf32, #tpu.memory_space<vmem_shared>>) offsets(%dma_start3A_373 : memref<128xi32, #tpu.memory_space<vmem>>) semaphore(%arg27 : memref<!tpu.dma_semaphore, #tpu.memory_space<semaphore_mem>>) {add = true}
    %dma_wait3A_377 = arith.constant 0 : i32
    %dma_wait3A_378 = arith.constant 0 : i32
    %dma_wait3A_379 = tpu.memref_slice %arg7[%dma_wait3A_377, %dma_wait3A_378] : memref<162x128xi32, #tpu.memory_space<vmem>> -> memref<1x128xi32, #tpu.memory_space<vmem>>
    %dma_wait3A_380 = tpu.memref_squeeze %dma_wait3A_379 : memref<1x128xi32, #tpu.memory_space<vmem>> -> memref<128xi32, #tpu.memory_space<vmem>>
    %dma_wait3A_381 = arith.constant 0 : i32
    %dma_wait3A_382 = arith.constant 0 : i32
    %dma_wait3A_383 = tpu.memref_slice %arg15[%dma_wait3A_381, %dma_wait3A_382] : memref<10112x64xf32, #tpu.memory_space<vmem_shared>> -> memref<10112x64xf32, #tpu.memory_space<vmem_shared>>
    tpu.wait_indirect_dma semaphore(%arg26 : memref<!tpu.dma_semaphore, #tpu.memory_space<semaphore_mem>>) src(%arg13 : memref<128x64xf32, #tpu.memory_space<vmem>>) dst(%dma_wait3A_383 : memref<10112x64xf32, #tpu.memory_space<vmem_shared>>)
    %dma_wait3A_384 = arith.constant 0 : i32
    %dma_wait3A_385 = arith.constant 0 : i32
    %dma_wait3A_386 = tpu.memref_slice %arg7[%dma_wait3A_384, %dma_wait3A_385] : memref<162x128xi32, #tpu.memory_space<vmem>> -> memref<1x128xi32, #tpu.memory_space<vmem>>
    %dma_wait3A_387 = tpu.memref_squeeze %dma_wait3A_386 : memref<1x128xi32, #tpu.memory_space<vmem>> -> memref<128xi32, #tpu.memory_space<vmem>>
    %dma_wait3A_388 = arith.constant 0 : i32
    %dma_wait3A_389 = arith.constant 0 : i32
    %dma_wait3A_390 = tpu.memref_slice %arg15[%dma_wait3A_388, %dma_wait3A_389] : memref<10112x64xf32, #tpu.memory_space<vmem_shared>> -> memref<10112x64xf32, #tpu.memory_space<vmem_shared>>
    tpu.wait_indirect_dma semaphore(%arg27 : memref<!tpu.dma_semaphore, #tpu.memory_space<semaphore_mem>>) src(%arg14 : memref<128x64xf32, #tpu.memory_space<vmem>>) dst(%dma_wait3A_390 : memref<10112x64xf32, #tpu.memory_space<vmem_shared>>)
    %barrier3A_391 = arith.constant 0 : index
    tpu.barrier barrier_id(%barrier3A_391)
    "tpu.region"() ({
      %run_scoped3A = tpu.sem_alloc : memref<!tpu.dma_semaphore, #tpu.memory_space<semaphore_mem>>
      %dma_start3A_392 = arith.constant 0 : i32
      %dma_start3A_393 = tpu.memref_slice %arg6[%arg0, %mul3A_7, %dma_start3A_392] : memref<2x10112x64xf32, #tpu.memory_space<hbm>> -> memref<1x632x64xf32, #tpu.memory_space<hbm>>
      %dma_start3A_394 = tpu.memref_squeeze %dma_start3A_393 : memref<1x632x64xf32, #tpu.memory_space<hbm>> -> memref<632x64xf32, #tpu.memory_space<hbm>>
      %dma_start3A_395 = arith.constant 0 : i32
      %dma_start3A_396 = tpu.memref_slice %arg15[%mul3A_7, %dma_start3A_395] : memref<10112x64xf32, #tpu.memory_space<vmem_shared>> -> memref<632x64xf32, #tpu.memory_space<vmem_shared>>
      tpu.enqueue_dma source(%dma_start3A_396 : memref<632x64xf32, #tpu.memory_space<vmem_shared>>) target(%dma_start3A_394 : memref<632x64xf32, #tpu.memory_space<hbm>>) target_semaphore(%run_scoped3A : memref<!tpu.dma_semaphore, #tpu.memory_space<semaphore_mem>>)
      %dma_wait3A_397 = arith.constant 0 : i32
      %dma_wait3A_398 = tpu.memref_slice %arg6[%arg0, %mul3A_7, %dma_wait3A_397] : memref<2x10112x64xf32, #tpu.memory_space<hbm>> -> memref<1x632x64xf32, #tpu.memory_space<hbm>>
      %dma_wait3A_399 = tpu.memref_squeeze %dma_wait3A_398 : memref<1x632x64xf32, #tpu.memory_space<hbm>> -> memref<632x64xf32, #tpu.memory_space<hbm>>
      %dma_wait3A_400 = arith.constant 0 : i32
      %dma_wait3A_401 = tpu.memref_slice %arg15[%mul3A_7, %dma_wait3A_400] : memref<10112x64xf32, #tpu.memory_space<vmem_shared>> -> memref<632x64xf32, #tpu.memory_space<vmem_shared>>
      tpu.wait_dma2 semaphore(%run_scoped3A : memref<!tpu.dma_semaphore, #tpu.memory_space<semaphore_mem>>) src(%dma_wait3A_401 : memref<632x64xf32, #tpu.memory_space<vmem_shared>>) dst(%dma_wait3A_399 : memref<632x64xf32, #tpu.memory_space<hbm>>)
      tpu.yield
    }) : () -> ()
    return
  }
}

#map = affine_map<(d0, d1) -> (0, 0, 0)>
module attributes {stable_mosaic.version = 14 : i64} {
  func.func @body(%arg0: i32, %arg1: i32, %arg2: memref<32x79x128xi32, #tpu.memory_space<hbm>>, %arg3: memref<2x128x128xf32, #tpu.memory_space<hbm>>, %arg4: memref<79x128xi32, #tpu.memory_space<vmem>>, %arg5: memref<16384xf32, #tpu.memory_space<vmem>>, %arg6: memref<128x128xf32, #tpu.memory_space<vmem>>, %arg7: memref<1x128xi32, #tpu.memory_space<vmem>>, %arg8: memref<128x128xf32, #tpu.memory_space<vmem_shared>>, %arg9: memref<!tpu.dma_semaphore, #tpu.memory_space<semaphore_mem>>) attributes {dimension_semantics = [#tpu.dimension_semantics<core_parallel>, #tpu.dimension_semantics<subcore_parallel>], iteration_bounds = array<i64: 2, 16>, scalar_prefetch = 0 : i64, scratch_operands = 6 : i64, tpu.core_type = #tpu.core_type<sc_vector_subcore>, window_params = [{transform_indices = #map}, {transform_indices = #map}]} {
    %mul3A = arith.constant 16 : i32
    %mul3A_0 = arith.muli %arg0, %mul3A : i32
    %add3A = arith.addi %mul3A_0, %arg1 : i32
    %broadcast_in_dim3A = arith.constant 0.000000e+00 : f32
    %broadcast_in_dim3A_1 = vector.broadcast %broadcast_in_dim3A : f32 to vector<16xf32>
    %scan3A = arith.constant 0 : i32
    %scan3A_2 = arith.constant 0 : i32
    %scan3A_3 = arith.constant 1024 : i32
    %scan3A_4 = arith.addi %scan3A_2, %scan3A_3 : i32
    %scan3A_5 = arith.constant 1 : i32
    %scan3A_6 = scf.for %scan3A_93 = %scan3A_2 to %scan3A_4 step %scan3A_5 iter_args(%scan3A_94 = %scan3A) -> (i32)  : i32 {
      %mul3A_95 = arith.constant 16 : i32
      %mul3A_96 = arith.muli %scan3A_93, %mul3A_95 : i32
      %swap3A_97 = arith.index_cast %mul3A_96 : i32 to index
      %swap3A_98 = tpu.vector_load %arg5[%swap3A_97] {strides = array<i32>} : memref<16384xf32, #tpu.memory_space<vmem>>, vector<16xf32>,
      tpu.vector_store %arg5[%swap3A_97], %broadcast_in_dim3A_1 {strides = array<i32>} : memref<16384xf32, #tpu.memory_space<vmem>>, vector<16xf32>,
      %scan3A_99 = arith.constant 0 : i32
      scf.yield %scan3A_99 : i32
    }
    %scan3A_7 = arith.constant 1024 : i32
    %scan3A_8 = arith.constant 0 : i32
    %scan3A_9 = arith.constant 0 : i32
    %scan3A_10 = arith.constant 8 : i32
    %scan3A_11 = arith.addi %scan3A_9, %scan3A_10 : i32
    %scan3A_12 = arith.constant 1 : i32
    %scan3A_13 = scf.for %scan3A_93 = %scan3A_9 to %scan3A_11 step %scan3A_12 iter_args(%scan3A_94 = %scan3A_8) -> (i32)  : i32 {
      %swap3A_95 = arith.index_cast %scan3A_93 : i32 to index
      %swap3A_96 = arith.constant 0 : index
      %swap3A_97 = tpu.vector_load %arg6[%swap3A_95, %swap3A_96] {strides = array<i32>} : memref<128x128xf32, #tpu.memory_space<vmem>>, vector<16xf32>,
      tpu.vector_store %arg6[%swap3A_95, %swap3A_96], %broadcast_in_dim3A_1 {strides = array<i32>} : memref<128x128xf32, #tpu.memory_space<vmem>>, vector<16xf32>,
      %swap3A_98 = arith.index_cast %scan3A_93 : i32 to index
      %swap3A_99 = arith.constant 16 : index
      %swap3A_100 = tpu.vector_load %arg6[%swap3A_98, %swap3A_99] {strides = array<i32>} : memref<128x128xf32, #tpu.memory_space<vmem>>, vector<16xf32>,
      tpu.vector_store %arg6[%swap3A_98, %swap3A_99], %broadcast_in_dim3A_1 {strides = array<i32>} : memref<128x128xf32, #tpu.memory_space<vmem>>, vector<16xf32>,
      %swap3A_101 = arith.index_cast %scan3A_93 : i32 to index
      %swap3A_102 = arith.constant 32 : index
      %swap3A_103 = tpu.vector_load %arg6[%swap3A_101, %swap3A_102] {strides = array<i32>} : memref<128x128xf32, #tpu.memory_space<vmem>>, vector<16xf32>,
      tpu.vector_store %arg6[%swap3A_101, %swap3A_102], %broadcast_in_dim3A_1 {strides = array<i32>} : memref<128x128xf32, #tpu.memory_space<vmem>>, vector<16xf32>,
      %swap3A_104 = arith.index_cast %scan3A_93 : i32 to index
      %swap3A_105 = arith.constant 48 : index
      %swap3A_106 = tpu.vector_load %arg6[%swap3A_104, %swap3A_105] {strides = array<i32>} : memref<128x128xf32, #tpu.memory_space<vmem>>, vector<16xf32>,
      tpu.vector_store %arg6[%swap3A_104, %swap3A_105], %broadcast_in_dim3A_1 {strides = array<i32>} : memref<128x128xf32, #tpu.memory_space<vmem>>, vector<16xf32>,
      %swap3A_107 = arith.index_cast %scan3A_93 : i32 to index
      %swap3A_108 = arith.constant 64 : index
      %swap3A_109 = tpu.vector_load %arg6[%swap3A_107, %swap3A_108] {strides = array<i32>} : memref<128x128xf32, #tpu.memory_space<vmem>>, vector<16xf32>,
      tpu.vector_store %arg6[%swap3A_107, %swap3A_108], %broadcast_in_dim3A_1 {strides = array<i32>} : memref<128x128xf32, #tpu.memory_space<vmem>>, vector<16xf32>,
      %swap3A_110 = arith.index_cast %scan3A_93 : i32 to index
      %swap3A_111 = arith.constant 80 : index
      %swap3A_112 = tpu.vector_load %arg6[%swap3A_110, %swap3A_111] {strides = array<i32>} : memref<128x128xf32, #tpu.memory_space<vmem>>, vector<16xf32>,
      tpu.vector_store %arg6[%swap3A_110, %swap3A_111], %broadcast_in_dim3A_1 {strides = array<i32>} : memref<128x128xf32, #tpu.memory_space<vmem>>, vector<16xf32>,
      %swap3A_113 = arith.index_cast %scan3A_93 : i32 to index
      %swap3A_114 = arith.constant 96 : index
      %swap3A_115 = tpu.vector_load %arg6[%swap3A_113, %swap3A_114] {strides = array<i32>} : memref<128x128xf32, #tpu.memory_space<vmem>>, vector<16xf32>,
      tpu.vector_store %arg6[%swap3A_113, %swap3A_114], %broadcast_in_dim3A_1 {strides = array<i32>} : memref<128x128xf32, #tpu.memory_space<vmem>>, vector<16xf32>,
      %swap3A_116 = arith.index_cast %scan3A_93 : i32 to index
      %swap3A_117 = arith.constant 112 : index
      %swap3A_118 = tpu.vector_load %arg6[%swap3A_116, %swap3A_117] {strides = array<i32>} : memref<128x128xf32, #tpu.memory_space<vmem>>, vector<16xf32>,
      tpu.vector_store %arg6[%swap3A_116, %swap3A_117], %broadcast_in_dim3A_1 {strides = array<i32>} : memref<128x128xf32, #tpu.memory_space<vmem>>, vector<16xf32>,
      %scan3A_119 = arith.constant 0 : i32
      scf.yield %scan3A_119 : i32
    }
    %scan3A_14 = arith.constant 8 : i32
    %mul3A_15 = arith.constant 8 : i32
    %mul3A_16 = arith.muli %arg1, %mul3A_15 : i32
    "tpu.region"() ({
      %run_scoped3A_93 = tpu.sem_alloc : memref<!tpu.dma_semaphore, #tpu.memory_space<semaphore_mem>>
      %dma_start3A = arith.constant 0 : i32
      %dma_start3A_94 = arith.constant 0 : i32
      %dma_start3A_95 = tpu.memref_slice %arg6[%dma_start3A, %dma_start3A_94] : memref<128x128xf32, #tpu.memory_space<vmem>> -> memref<8x128xf32, #tpu.memory_space<vmem>>
      %dma_start3A_96 = arith.constant 0 : i32
      %dma_start3A_97 = tpu.memref_slice %arg8[%mul3A_16, %dma_start3A_96] : memref<128x128xf32, #tpu.memory_space<vmem_shared>> -> memref<8x128xf32, #tpu.memory_space<vmem_shared>>
      %dma_start3A_98 = arith.constant 0 : i32
      %dma_start3A_99 = tpu.memref_slice %arg8[%mul3A_16, %dma_start3A_98] : memref<128x128xf32, #tpu.memory_space<vmem_shared>> -> memref<8x128xf32, #tpu.memory_space<vmem_shared>>
      %dma_start3A_100 = arith.constant 0 : i32
      %dma_start3A_101 = arith.constant 0 : i32
      %dma_start3A_102 = tpu.memref_slice %arg6[%dma_start3A_100, %dma_start3A_101] : memref<128x128xf32, #tpu.memory_space<vmem>> -> memref<8x128xf32, #tpu.memory_space<vmem>>
      tpu.enqueue_dma source(%dma_start3A_102 : memref<8x128xf32, #tpu.memory_space<vmem>>) target(%dma_start3A_99 : memref<8x128xf32, #tpu.memory_space<vmem_shared>>) target_semaphore(%run_scoped3A_93 : memref<!tpu.dma_semaphore, #tpu.memory_space<semaphore_mem>>)
      %dma_wait3A = arith.constant 0 : i32
      %dma_wait3A_103 = arith.constant 0 : i32
      %dma_wait3A_104 = tpu.memref_slice %arg6[%dma_wait3A, %dma_wait3A_103] : memref<128x128xf32, #tpu.memory_space<vmem>> -> memref<8x128xf32, #tpu.memory_space<vmem>>
      %dma_wait3A_105 = arith.constant 0 : i32
      %dma_wait3A_106 = tpu.memref_slice %arg8[%mul3A_16, %dma_wait3A_105] : memref<128x128xf32, #tpu.memory_space<vmem_shared>> -> memref<8x128xf32, #tpu.memory_space<vmem_shared>>
      %dma_wait3A_107 = arith.constant 0 : i32
      %dma_wait3A_108 = tpu.memref_slice %arg8[%mul3A_16, %dma_wait3A_107] : memref<128x128xf32, #tpu.memory_space<vmem_shared>> -> memref<8x128xf32, #tpu.memory_space<vmem_shared>>
      %dma_wait3A_109 = arith.constant 0 : i32
      %dma_wait3A_110 = arith.constant 0 : i32
      %dma_wait3A_111 = tpu.memref_slice %arg6[%dma_wait3A_109, %dma_wait3A_110] : memref<128x128xf32, #tpu.memory_space<vmem>> -> memref<8x128xf32, #tpu.memory_space<vmem>>
      tpu.wait_dma2 semaphore(%run_scoped3A_93 : memref<!tpu.dma_semaphore, #tpu.memory_space<semaphore_mem>>) src(%dma_wait3A_111 : memref<8x128xf32, #tpu.memory_space<vmem>>) dst(%dma_wait3A_108 : memref<8x128xf32, #tpu.memory_space<vmem_shared>>)
      tpu.yield
    }) : () -> ()
    %iota3A = tpu.iota {dimensions = array<i32: 0>} : vector<16xi32>
    %add3A_17 = arith.constant 0 : i32
    %add3A_18 = vector.broadcast %add3A_17 : i32 to vector<16xi32>
    %add3A_19 = arith.addi %iota3A, %add3A_18 : vector<16xi32>
    %swap3A = arith.constant 0 : i32
    %swap3A_20 = arith.index_cast %swap3A : i32 to index
    %swap3A_21 = arith.constant 0 : index
    %swap3A_22 = tpu.vector_load %arg7[%swap3A_20, %swap3A_21] {strides = array<i32>} : memref<1x128xi32, #tpu.memory_space<vmem>>, vector<16xi32>,
    tpu.vector_store %arg7[%swap3A_20, %swap3A_21], %add3A_19 {strides = array<i32>} : memref<1x128xi32, #tpu.memory_space<vmem>>, vector<16xi32>,
    %add3A_23 = arith.constant 16 : i32
    %add3A_24 = vector.broadcast %add3A_23 : i32 to vector<16xi32>
    %add3A_25 = arith.addi %iota3A, %add3A_24 : vector<16xi32>
    %swap3A_26 = arith.constant 0 : i32
    %swap3A_27 = arith.index_cast %swap3A_26 : i32 to index
    %swap3A_28 = arith.constant 16 : index
    %swap3A_29 = tpu.vector_load %arg7[%swap3A_27, %swap3A_28] {strides = array<i32>} : memref<1x128xi32, #tpu.memory_space<vmem>>, vector<16xi32>,
    tpu.vector_store %arg7[%swap3A_27, %swap3A_28], %add3A_25 {strides = array<i32>} : memref<1x128xi32, #tpu.memory_space<vmem>>, vector<16xi32>,
    %add3A_30 = arith.constant 32 : i32
    %add3A_31 = vector.broadcast %add3A_30 : i32 to vector<16xi32>
    %add3A_32 = arith.addi %iota3A, %add3A_31 : vector<16xi32>
    %swap3A_33 = arith.constant 0 : i32
    %swap3A_34 = arith.index_cast %swap3A_33 : i32 to index
    %swap3A_35 = arith.constant 32 : index
    %swap3A_36 = tpu.vector_load %arg7[%swap3A_34, %swap3A_35] {strides = array<i32>} : memref<1x128xi32, #tpu.memory_space<vmem>>, vector<16xi32>,
    tpu.vector_store %arg7[%swap3A_34, %swap3A_35], %add3A_32 {strides = array<i32>} : memref<1x128xi32, #tpu.memory_space<vmem>>, vector<16xi32>,
    %add3A_37 = arith.constant 48 : i32
    %add3A_38 = vector.broadcast %add3A_37 : i32 to vector<16xi32>
    %add3A_39 = arith.addi %iota3A, %add3A_38 : vector<16xi32>
    %swap3A_40 = arith.constant 0 : i32
    %swap3A_41 = arith.index_cast %swap3A_40 : i32 to index
    %swap3A_42 = arith.constant 48 : index
    %swap3A_43 = tpu.vector_load %arg7[%swap3A_41, %swap3A_42] {strides = array<i32>} : memref<1x128xi32, #tpu.memory_space<vmem>>, vector<16xi32>,
    tpu.vector_store %arg7[%swap3A_41, %swap3A_42], %add3A_39 {strides = array<i32>} : memref<1x128xi32, #tpu.memory_space<vmem>>, vector<16xi32>,
    %add3A_44 = arith.constant 64 : i32
    %add3A_45 = vector.broadcast %add3A_44 : i32 to vector<16xi32>
    %add3A_46 = arith.addi %iota3A, %add3A_45 : vector<16xi32>
    %swap3A_47 = arith.constant 0 : i32
    %swap3A_48 = arith.index_cast %swap3A_47 : i32 to index
    %swap3A_49 = arith.constant 64 : index
    %swap3A_50 = tpu.vector_load %arg7[%swap3A_48, %swap3A_49] {strides = array<i32>} : memref<1x128xi32, #tpu.memory_space<vmem>>, vector<16xi32>,
    tpu.vector_store %arg7[%swap3A_48, %swap3A_49], %add3A_46 {strides = array<i32>} : memref<1x128xi32, #tpu.memory_space<vmem>>, vector<16xi32>,
    %add3A_51 = arith.constant 80 : i32
    %add3A_52 = vector.broadcast %add3A_51 : i32 to vector<16xi32>
    %add3A_53 = arith.addi %iota3A, %add3A_52 : vector<16xi32>
    %swap3A_54 = arith.constant 0 : i32
    %swap3A_55 = arith.index_cast %swap3A_54 : i32 to index
    %swap3A_56 = arith.constant 80 : index
    %swap3A_57 = tpu.vector_load %arg7[%swap3A_55, %swap3A_56] {strides = array<i32>} : memref<1x128xi32, #tpu.memory_space<vmem>>, vector<16xi32>,
    tpu.vector_store %arg7[%swap3A_55, %swap3A_56], %add3A_53 {strides = array<i32>} : memref<1x128xi32, #tpu.memory_space<vmem>>, vector<16xi32>,
    %add3A_58 = arith.constant 96 : i32
    %add3A_59 = vector.broadcast %add3A_58 : i32 to vector<16xi32>
    %add3A_60 = arith.addi %iota3A, %add3A_59 : vector<16xi32>
    %swap3A_61 = arith.constant 0 : i32
    %swap3A_62 = arith.index_cast %swap3A_61 : i32 to index
    %swap3A_63 = arith.constant 96 : index
    %swap3A_64 = tpu.vector_load %arg7[%swap3A_62, %swap3A_63] {strides = array<i32>} : memref<1x128xi32, #tpu.memory_space<vmem>>, vector<16xi32>,
    tpu.vector_store %arg7[%swap3A_62, %swap3A_63], %add3A_60 {strides = array<i32>} : memref<1x128xi32, #tpu.memory_space<vmem>>, vector<16xi32>,
    %add3A_65 = arith.constant 112 : i32
    %add3A_66 = vector.broadcast %add3A_65 : i32 to vector<16xi32>
    %add3A_67 = arith.addi %iota3A, %add3A_66 : vector<16xi32>
    %swap3A_68 = arith.constant 0 : i32
    %swap3A_69 = arith.index_cast %swap3A_68 : i32 to index
    %swap3A_70 = arith.constant 112 : index
    %swap3A_71 = tpu.vector_load %arg7[%swap3A_69, %swap3A_70] {strides = array<i32>} : memref<1x128xi32, #tpu.memory_space<vmem>>, vector<16xi32>,
    tpu.vector_store %arg7[%swap3A_69, %swap3A_70], %add3A_67 {strides = array<i32>} : memref<1x128xi32, #tpu.memory_space<vmem>>, vector<16xi32>,
    "tpu.region"() ({
      %run_scoped3A_93 = tpu.sem_alloc : memref<!tpu.dma_semaphore, #tpu.memory_space<semaphore_mem>>
      %dma_start3A = arith.constant 0 : i32
      %dma_start3A_94 = arith.constant 0 : i32
      %dma_start3A_95 = tpu.memref_slice %arg2[%add3A, %dma_start3A, %dma_start3A_94] : memref<32x79x128xi32, #tpu.memory_space<hbm>> -> memref<1x79x128xi32, #tpu.memory_space<hbm>>
      %dma_start3A_96 = tpu.memref_squeeze %dma_start3A_95 : memref<1x79x128xi32, #tpu.memory_space<hbm>> -> memref<79x128xi32, #tpu.memory_space<hbm>>
      %dma_start3A_97 = arith.constant 0 : i32
      %dma_start3A_98 = arith.constant 0 : i32
      %dma_start3A_99 = tpu.memref_slice %arg2[%add3A, %dma_start3A_97, %dma_start3A_98] : memref<32x79x128xi32, #tpu.memory_space<hbm>> -> memref<1x79x128xi32, #tpu.memory_space<hbm>>
      %dma_start3A_100 = tpu.memref_squeeze %dma_start3A_99 : memref<1x79x128xi32, #tpu.memory_space<hbm>> -> memref<79x128xi32, #tpu.memory_space<hbm>>
      tpu.enqueue_dma source(%dma_start3A_100 : memref<79x128xi32, #tpu.memory_space<hbm>>) target(%arg4 : memref<79x128xi32, #tpu.memory_space<vmem>>) target_semaphore(%run_scoped3A_93 : memref<!tpu.dma_semaphore, #tpu.memory_space<semaphore_mem>>)
      %dma_wait3A = arith.constant 0 : i32
      %dma_wait3A_101 = arith.constant 0 : i32
      %dma_wait3A_102 = tpu.memref_slice %arg2[%add3A, %dma_wait3A, %dma_wait3A_101] : memref<32x79x128xi32, #tpu.memory_space<hbm>> -> memref<1x79x128xi32, #tpu.memory_space<hbm>>
      %dma_wait3A_103 = tpu.memref_squeeze %dma_wait3A_102 : memref<1x79x128xi32, #tpu.memory_space<hbm>> -> memref<79x128xi32, #tpu.memory_space<hbm>>
      %dma_wait3A_104 = arith.constant 0 : i32
      %dma_wait3A_105 = arith.constant 0 : i32
      %dma_wait3A_106 = tpu.memref_slice %arg2[%add3A, %dma_wait3A_104, %dma_wait3A_105] : memref<32x79x128xi32, #tpu.memory_space<hbm>> -> memref<1x79x128xi32, #tpu.memory_space<hbm>>
      %dma_wait3A_107 = tpu.memref_squeeze %dma_wait3A_106 : memref<1x79x128xi32, #tpu.memory_space<hbm>> -> memref<79x128xi32, #tpu.memory_space<hbm>>
      tpu.wait_dma2 semaphore(%run_scoped3A_93 : memref<!tpu.dma_semaphore, #tpu.memory_space<semaphore_mem>>) src(%dma_wait3A_107 : memref<79x128xi32, #tpu.memory_space<hbm>>) dst(%arg4 : memref<79x128xi32, #tpu.memory_space<vmem>>)
      tpu.yield
    }) : () -> ()
    %broadcast_in_dim3A_72 = arith.constant 1.000000e+00 : f32
    %broadcast_in_dim3A_73 = vector.broadcast %broadcast_in_dim3A_72 : f32 to vector<16xf32>
    %scan3A_74 = arith.constant 0 : i32
    %scan3A_75 = arith.constant 0 : i32
    %scan3A_76 = arith.constant 79 : i32
    %scan3A_77 = arith.addi %scan3A_75, %scan3A_76 : i32
    %scan3A_78 = arith.constant 1 : i32
    %scan3A_79 = scf.for %scan3A_93 = %scan3A_75 to %scan3A_77 step %scan3A_78 iter_args(%scan3A_94 = %scan3A_74) -> (i32)  : i32 {
      %get3A = arith.index_cast %scan3A_93 : i32 to index
      %get3A_95 = arith.constant 0 : index
      %get3A_96 = tpu.vector_load %arg4[%get3A, %get3A_95] {strides = array<i32>} : memref<79x128xi32, #tpu.memory_space<vmem>>, vector<16xi32>,
      tpu.vector_store_idx %arg5[%get3A_96], %broadcast_in_dim3A_73 {add = true} : memref<16384xf32, #tpu.memory_space<vmem>>[vector<16xi32>], vector<16xf32>,
      %get3A_97 = arith.index_cast %scan3A_93 : i32 to index
      %get3A_98 = arith.constant 16 : index
      %get3A_99 = tpu.vector_load %arg4[%get3A_97, %get3A_98] {strides = array<i32>} : memref<79x128xi32, #tpu.memory_space<vmem>>, vector<16xi32>,
      tpu.vector_store_idx %arg5[%get3A_99], %broadcast_in_dim3A_73 {add = true} : memref<16384xf32, #tpu.memory_space<vmem>>[vector<16xi32>], vector<16xf32>,
      %get3A_100 = arith.index_cast %scan3A_93 : i32 to index
      %get3A_101 = arith.constant 32 : index
      %get3A_102 = tpu.vector_load %arg4[%get3A_100, %get3A_101] {strides = array<i32>} : memref<79x128xi32, #tpu.memory_space<vmem>>, vector<16xi32>,
      tpu.vector_store_idx %arg5[%get3A_102], %broadcast_in_dim3A_73 {add = true} : memref<16384xf32, #tpu.memory_space<vmem>>[vector<16xi32>], vector<16xf32>,
      %get3A_103 = arith.index_cast %scan3A_93 : i32 to index
      %get3A_104 = arith.constant 48 : index
      %get3A_105 = tpu.vector_load %arg4[%get3A_103, %get3A_104] {strides = array<i32>} : memref<79x128xi32, #tpu.memory_space<vmem>>, vector<16xi32>,
      tpu.vector_store_idx %arg5[%get3A_105], %broadcast_in_dim3A_73 {add = true} : memref<16384xf32, #tpu.memory_space<vmem>>[vector<16xi32>], vector<16xf32>,
      %get3A_106 = arith.index_cast %scan3A_93 : i32 to index
      %get3A_107 = arith.constant 64 : index
      %get3A_108 = tpu.vector_load %arg4[%get3A_106, %get3A_107] {strides = array<i32>} : memref<79x128xi32, #tpu.memory_space<vmem>>, vector<16xi32>,
      tpu.vector_store_idx %arg5[%get3A_108], %broadcast_in_dim3A_73 {add = true} : memref<16384xf32, #tpu.memory_space<vmem>>[vector<16xi32>], vector<16xf32>,
      %get3A_109 = arith.index_cast %scan3A_93 : i32 to index
      %get3A_110 = arith.constant 80 : index
      %get3A_111 = tpu.vector_load %arg4[%get3A_109, %get3A_110] {strides = array<i32>} : memref<79x128xi32, #tpu.memory_space<vmem>>, vector<16xi32>,
      tpu.vector_store_idx %arg5[%get3A_111], %broadcast_in_dim3A_73 {add = true} : memref<16384xf32, #tpu.memory_space<vmem>>[vector<16xi32>], vector<16xf32>,
      %get3A_112 = arith.index_cast %scan3A_93 : i32 to index
      %get3A_113 = arith.constant 96 : index
      %get3A_114 = tpu.vector_load %arg4[%get3A_112, %get3A_113] {strides = array<i32>} : memref<79x128xi32, #tpu.memory_space<vmem>>, vector<16xi32>,
      tpu.vector_store_idx %arg5[%get3A_114], %broadcast_in_dim3A_73 {add = true} : memref<16384xf32, #tpu.memory_space<vmem>>[vector<16xi32>], vector<16xf32>,
      %get3A_115 = arith.index_cast %scan3A_93 : i32 to index
      %get3A_116 = arith.constant 112 : index
      %get3A_117 = tpu.vector_load %arg4[%get3A_115, %get3A_116] {strides = array<i32>} : memref<79x128xi32, #tpu.memory_space<vmem>>, vector<16xi32>,
      tpu.vector_store_idx %arg5[%get3A_117], %broadcast_in_dim3A_73 {add = true} : memref<16384xf32, #tpu.memory_space<vmem>>[vector<16xi32>], vector<16xf32>,
      %scan3A_118 = arith.constant 0 : i32
      scf.yield %scan3A_118 : i32
    }
    %scan3A_80 = arith.constant 79 : i32
    %scan3A_81 = arith.constant 0 : i32
    %scan3A_82 = arith.constant 0 : i32
    %scan3A_83 = arith.constant 128 : i32
    %scan3A_84 = arith.addi %scan3A_82, %scan3A_83 : i32
    %scan3A_85 = arith.constant 1 : i32
    %scan3A_86 = scf.for %scan3A_93 = %scan3A_82 to %scan3A_84 step %scan3A_85 iter_args(%scan3A_94 = %scan3A_81) -> (i32)  : i32 {
      %mul3A_95 = arith.constant 128 : i32
      %mul3A_96 = arith.muli %scan3A_93, %mul3A_95 : i32
      %add3A_97 = arith.constant 0 : i32
      %add3A_98 = arith.addi %mul3A_96, %add3A_97 : i32
      %get3A = arith.index_cast %add3A_98 : i32 to index
      %get3A_99 = tpu.vector_load %arg5[%get3A] {strides = array<i32>} : memref<16384xf32, #tpu.memory_space<vmem>>, vector<16xf32>,
      %swap3A_100 = arith.index_cast %scan3A_93 : i32 to index
      %swap3A_101 = arith.constant 0 : index
      %swap3A_102 = tpu.vector_load %arg6[%swap3A_100, %swap3A_101] {strides = array<i32>} : memref<128x128xf32, #tpu.memory_space<vmem>>, vector<16xf32>,
      tpu.vector_store %arg6[%swap3A_100, %swap3A_101], %get3A_99 {strides = array<i32>} : memref<128x128xf32, #tpu.memory_space<vmem>>, vector<16xf32>,
      %mul3A_103 = arith.constant 128 : i32
      %mul3A_104 = arith.muli %scan3A_93, %mul3A_103 : i32
      %add3A_105 = arith.constant 16 : i32
      %add3A_106 = arith.addi %mul3A_104, %add3A_105 : i32
      %get3A_107 = arith.index_cast %add3A_106 : i32 to index
      %get3A_108 = tpu.vector_load %arg5[%get3A_107] {strides = array<i32>} : memref<16384xf32, #tpu.memory_space<vmem>>, vector<16xf32>,
      %swap3A_109 = arith.index_cast %scan3A_93 : i32 to index
      %swap3A_110 = arith.constant 16 : index
      %swap3A_111 = tpu.vector_load %arg6[%swap3A_109, %swap3A_110] {strides = array<i32>} : memref<128x128xf32, #tpu.memory_space<vmem>>, vector<16xf32>,
      tpu.vector_store %arg6[%swap3A_109, %swap3A_110], %get3A_108 {strides = array<i32>} : memref<128x128xf32, #tpu.memory_space<vmem>>, vector<16xf32>,
      %mul3A_112 = arith.constant 128 : i32
      %mul3A_113 = arith.muli %scan3A_93, %mul3A_112 : i32
      %add3A_114 = arith.constant 32 : i32
      %add3A_115 = arith.addi %mul3A_113, %add3A_114 : i32
      %get3A_116 = arith.index_cast %add3A_115 : i32 to index
      %get3A_117 = tpu.vector_load %arg5[%get3A_116] {strides = array<i32>} : memref<16384xf32, #tpu.memory_space<vmem>>, vector<16xf32>,
      %swap3A_118 = arith.index_cast %scan3A_93 : i32 to index
      %swap3A_119 = arith.constant 32 : index
      %swap3A_120 = tpu.vector_load %arg6[%swap3A_118, %swap3A_119] {strides = array<i32>} : memref<128x128xf32, #tpu.memory_space<vmem>>, vector<16xf32>,
      tpu.vector_store %arg6[%swap3A_118, %swap3A_119], %get3A_117 {strides = array<i32>} : memref<128x128xf32, #tpu.memory_space<vmem>>, vector<16xf32>,
      %mul3A_121 = arith.constant 128 : i32
      %mul3A_122 = arith.muli %scan3A_93, %mul3A_121 : i32
      %add3A_123 = arith.constant 48 : i32
      %add3A_124 = arith.addi %mul3A_122, %add3A_123 : i32
      %get3A_125 = arith.index_cast %add3A_124 : i32 to index
      %get3A_126 = tpu.vector_load %arg5[%get3A_125] {strides = array<i32>} : memref<16384xf32, #tpu.memory_space<vmem>>, vector<16xf32>,
      %swap3A_127 = arith.index_cast %scan3A_93 : i32 to index
      %swap3A_128 = arith.constant 48 : index
      %swap3A_129 = tpu.vector_load %arg6[%swap3A_127, %swap3A_128] {strides = array<i32>} : memref<128x128xf32, #tpu.memory_space<vmem>>, vector<16xf32>,
      tpu.vector_store %arg6[%swap3A_127, %swap3A_128], %get3A_126 {strides = array<i32>} : memref<128x128xf32, #tpu.memory_space<vmem>>, vector<16xf32>,
      %mul3A_130 = arith.constant 128 : i32
      %mul3A_131 = arith.muli %scan3A_93, %mul3A_130 : i32
      %add3A_132 = arith.constant 64 : i32
      %add3A_133 = arith.addi %mul3A_131, %add3A_132 : i32
      %get3A_134 = arith.index_cast %add3A_133 : i32 to index
      %get3A_135 = tpu.vector_load %arg5[%get3A_134] {strides = array<i32>} : memref<16384xf32, #tpu.memory_space<vmem>>, vector<16xf32>,
      %swap3A_136 = arith.index_cast %scan3A_93 : i32 to index
      %swap3A_137 = arith.constant 64 : index
      %swap3A_138 = tpu.vector_load %arg6[%swap3A_136, %swap3A_137] {strides = array<i32>} : memref<128x128xf32, #tpu.memory_space<vmem>>, vector<16xf32>,
      tpu.vector_store %arg6[%swap3A_136, %swap3A_137], %get3A_135 {strides = array<i32>} : memref<128x128xf32, #tpu.memory_space<vmem>>, vector<16xf32>,
      %mul3A_139 = arith.constant 128 : i32
      %mul3A_140 = arith.muli %scan3A_93, %mul3A_139 : i32
      %add3A_141 = arith.constant 80 : i32
      %add3A_142 = arith.addi %mul3A_140, %add3A_141 : i32
      %get3A_143 = arith.index_cast %add3A_142 : i32 to index
      %get3A_144 = tpu.vector_load %arg5[%get3A_143] {strides = array<i32>} : memref<16384xf32, #tpu.memory_space<vmem>>, vector<16xf32>,
      %swap3A_145 = arith.index_cast %scan3A_93 : i32 to index
      %swap3A_146 = arith.constant 80 : index
      %swap3A_147 = tpu.vector_load %arg6[%swap3A_145, %swap3A_146] {strides = array<i32>} : memref<128x128xf32, #tpu.memory_space<vmem>>, vector<16xf32>,
      tpu.vector_store %arg6[%swap3A_145, %swap3A_146], %get3A_144 {strides = array<i32>} : memref<128x128xf32, #tpu.memory_space<vmem>>, vector<16xf32>,
      %mul3A_148 = arith.constant 128 : i32
      %mul3A_149 = arith.muli %scan3A_93, %mul3A_148 : i32
      %add3A_150 = arith.constant 96 : i32
      %add3A_151 = arith.addi %mul3A_149, %add3A_150 : i32
      %get3A_152 = arith.index_cast %add3A_151 : i32 to index
      %get3A_153 = tpu.vector_load %arg5[%get3A_152] {strides = array<i32>} : memref<16384xf32, #tpu.memory_space<vmem>>, vector<16xf32>,
      %swap3A_154 = arith.index_cast %scan3A_93 : i32 to index
      %swap3A_155 = arith.constant 96 : index
      %swap3A_156 = tpu.vector_load %arg6[%swap3A_154, %swap3A_155] {strides = array<i32>} : memref<128x128xf32, #tpu.memory_space<vmem>>, vector<16xf32>,
      tpu.vector_store %arg6[%swap3A_154, %swap3A_155], %get3A_153 {strides = array<i32>} : memref<128x128xf32, #tpu.memory_space<vmem>>, vector<16xf32>,
      %mul3A_157 = arith.constant 128 : i32
      %mul3A_158 = arith.muli %scan3A_93, %mul3A_157 : i32
      %add3A_159 = arith.constant 112 : i32
      %add3A_160 = arith.addi %mul3A_158, %add3A_159 : i32
      %get3A_161 = arith.index_cast %add3A_160 : i32 to index
      %get3A_162 = tpu.vector_load %arg5[%get3A_161] {strides = array<i32>} : memref<16384xf32, #tpu.memory_space<vmem>>, vector<16xf32>,
      %swap3A_163 = arith.index_cast %scan3A_93 : i32 to index
      %swap3A_164 = arith.constant 112 : index
      %swap3A_165 = tpu.vector_load %arg6[%swap3A_163, %swap3A_164] {strides = array<i32>} : memref<128x128xf32, #tpu.memory_space<vmem>>, vector<16xf32>,
      tpu.vector_store %arg6[%swap3A_163, %swap3A_164], %get3A_162 {strides = array<i32>} : memref<128x128xf32, #tpu.memory_space<vmem>>, vector<16xf32>,
      %scan3A_166 = arith.constant 0 : i32
      scf.yield %scan3A_166 : i32
    }
    %scan3A_87 = arith.constant 128 : i32
    %barrier3A = arith.constant 0 : index
    tpu.barrier barrier_id(%barrier3A)
    %run_scoped3A = arith.constant 0 : i32
    "tpu.region"() ({
      %run_scoped3A_93 = tpu.sem_alloc : memref<!tpu.dma_semaphore, #tpu.memory_space<semaphore_mem>>
      %dma_start3A = arith.constant 0 : i32
      %dma_start3A_94 = tpu.memref_slice %arg7[%run_scoped3A, %dma_start3A] : memref<1x128xi32, #tpu.memory_space<vmem>> -> memref<1x128xi32, #tpu.memory_space<vmem>>
      %dma_start3A_95 = tpu.memref_squeeze %dma_start3A_94 : memref<1x128xi32, #tpu.memory_space<vmem>> -> memref<128xi32, #tpu.memory_space<vmem>>
      %dma_start3A_96 = arith.constant 0 : i32
      %dma_start3A_97 = arith.constant 0 : i32
      %dma_start3A_98 = tpu.memref_slice %arg8[%dma_start3A_96, %dma_start3A_97] : memref<128x128xf32, #tpu.memory_space<vmem_shared>> -> memref<128x128xf32, #tpu.memory_space<vmem_shared>>
      tpu.enqueue_indirect_dma source(%arg6 : memref<128x128xf32, #tpu.memory_space<vmem>>) target(%dma_start3A_98 : memref<128x128xf32, #tpu.memory_space<vmem_shared>>) offsets(%dma_start3A_95 : memref<128xi32, #tpu.memory_space<vmem>>) semaphore(%run_scoped3A_93 : memref<!tpu.dma_semaphore, #tpu.memory_space<semaphore_mem>>) {add = true}
      %dma_wait3A = arith.constant 0 : i32
      %dma_wait3A_99 = tpu.memref_slice %arg7[%run_scoped3A, %dma_wait3A] : memref<1x128xi32, #tpu.memory_space<vmem>> -> memref<1x128xi32, #tpu.memory_space<vmem>>
      %dma_wait3A_100 = tpu.memref_squeeze %dma_wait3A_99 : memref<1x128xi32, #tpu.memory_space<vmem>> -> memref<128xi32, #tpu.memory_space<vmem>>
      %dma_wait3A_101 = arith.constant 0 : i32
      %dma_wait3A_102 = arith.constant 0 : i32
      %dma_wait3A_103 = tpu.memref_slice %arg8[%dma_wait3A_101, %dma_wait3A_102] : memref<128x128xf32, #tpu.memory_space<vmem_shared>> -> memref<128x128xf32, #tpu.memory_space<vmem_shared>>
      tpu.wait_indirect_dma semaphore(%run_scoped3A_93 : memref<!tpu.dma_semaphore, #tpu.memory_space<semaphore_mem>>) src(%arg6 : memref<128x128xf32, #tpu.memory_space<vmem>>) dst(%dma_wait3A_103 : memref<128x128xf32, #tpu.memory_space<vmem_shared>>)
      tpu.yield
    }) : () -> ()
    %barrier3A_88 = arith.constant 0 : index
    tpu.barrier barrier_id(%barrier3A_88)
    %mul3A_89 = arith.constant 8 : i32
    %mul3A_90 = arith.muli %arg1, %mul3A_89 : i32
    %mul3A_91 = arith.constant 8 : i32
    %mul3A_92 = arith.muli %arg1, %mul3A_91 : i32
    "tpu.region"() ({
      %run_scoped3A_93 = tpu.sem_alloc : memref<!tpu.dma_semaphore, #tpu.memory_space<semaphore_mem>>
      %dma_start3A = arith.constant 0 : i32
      %dma_start3A_94 = tpu.memref_slice %arg3[%arg0, %mul3A_92, %dma_start3A] : memref<2x128x128xf32, #tpu.memory_space<hbm>> -> memref<1x8x128xf32, #tpu.memory_space<hbm>>
      %dma_start3A_95 = tpu.memref_squeeze %dma_start3A_94 : memref<1x8x128xf32, #tpu.memory_space<hbm>> -> memref<8x128xf32, #tpu.memory_space<hbm>>
      %dma_start3A_96 = arith.constant 0 : i32
      %dma_start3A_97 = tpu.memref_slice %arg8[%mul3A_90, %dma_start3A_96] : memref<128x128xf32, #tpu.memory_space<vmem_shared>> -> memref<8x128xf32, #tpu.memory_space<vmem_shared>>
      tpu.enqueue_dma source(%dma_start3A_97 : memref<8x128xf32, #tpu.memory_space<vmem_shared>>) target(%dma_start3A_95 : memref<8x128xf32, #tpu.memory_space<hbm>>) target_semaphore(%run_scoped3A_93 : memref<!tpu.dma_semaphore, #tpu.memory_space<semaphore_mem>>)
      %dma_wait3A = arith.constant 0 : i32
      %dma_wait3A_98 = tpu.memref_slice %arg3[%arg0, %mul3A_92, %dma_wait3A] : memref<2x128x128xf32, #tpu.memory_space<hbm>> -> memref<1x8x128xf32, #tpu.memory_space<hbm>>
      %dma_wait3A_99 = tpu.memref_squeeze %dma_wait3A_98 : memref<1x8x128xf32, #tpu.memory_space<hbm>> -> memref<8x128xf32, #tpu.memory_space<hbm>>
      %dma_wait3A_100 = arith.constant 0 : i32
      %dma_wait3A_101 = tpu.memref_slice %arg8[%mul3A_90, %dma_wait3A_100] : memref<128x128xf32, #tpu.memory_space<vmem_shared>> -> memref<8x128xf32, #tpu.memory_space<vmem_shared>>
      tpu.wait_dma2 semaphore(%run_scoped3A_93 : memref<!tpu.dma_semaphore, #tpu.memory_space<semaphore_mem>>) src(%dma_wait3A_101 : memref<8x128xf32, #tpu.memory_space<vmem_shared>>) dst(%dma_wait3A_99 : memref<8x128xf32, #tpu.memory_space<hbm>>)
      tpu.yield
    }) : () -> ()
    return
  }
}

#map = affine_map<(d0, d1) -> (0, 0)>
#map1 = affine_map<(d0, d1) -> (0, 0, 0)>
module attributes {stable_mosaic.version = 14 : i64} {
  func.func @body(%arg0: i32, %arg1: i32, %arg2: memref<10000x64xf32, #tpu.memory_space<hbm>>, %arg3: memref<10000x64xf32, #tpu.memory_space<hbm>>, %arg4: memref<16x162x128xi32, #tpu.memory_space<hbm>>, %arg5: memref<16x162x128xi32, #tpu.memory_space<hbm>>, %arg6: memref<2x10112x64xf32, #tpu.memory_space<hbm>>, %arg7: memref<162x128xi32, #tpu.memory_space<vmem>>, %arg8: memref<162x128xi32, #tpu.memory_space<vmem>>, %arg9: memref<128x64xf32, #tpu.memory_space<vmem>>, %arg10: memref<128x64xf32, #tpu.memory_space<vmem>>, %arg11: memref<128x64xf32, #tpu.memory_space<vmem>>, %arg12: memref<128x64xf32, #tpu.memory_space<vmem>>, %arg13: memref<128x64xf32, #tpu.memory_space<vmem>>, %arg14: memref<128x64xf32, #tpu.memory_space<vmem>>, %arg15: memref<10112x64xf32, #tpu.memory_space<vmem_shared>>, %arg16: memref<!tpu.dma_semaphore, #tpu.memory_space<semaphore_mem>>, %arg17: memref<!tpu.dma_semaphore, #tpu.memory_space<semaphore_mem>>, %arg18: memref<!tpu.dma_semaphore, #tpu.memory_space<semaphore_mem>>, %arg19: memref<!tpu.dma_semaphore, #tpu.memory_space<semaphore_mem>>, %arg20: memref<!tpu.dma_semaphore, #tpu.memory_space<semaphore_mem>>, %arg21: memref<!tpu.dma_semaphore, #tpu.memory_space<semaphore_mem>>, %arg22: memref<!tpu.dma_semaphore, #tpu.memory_space<semaphore_mem>>, %arg23: memref<!tpu.dma_semaphore, #tpu.memory_space<semaphore_mem>>, %arg24: memref<!tpu.dma_semaphore, #tpu.memory_space<semaphore_mem>>, %arg25: memref<!tpu.dma_semaphore, #tpu.memory_space<semaphore_mem>>, %arg26: memref<!tpu.dma_semaphore, #tpu.memory_space<semaphore_mem>>, %arg27: memref<!tpu.dma_semaphore, #tpu.memory_space<semaphore_mem>>) attributes {dimension_semantics = [#tpu.dimension_semantics<core_parallel>, #tpu.dimension_semantics<subcore_parallel>], iteration_bounds = array<i64: 2, 16>, scalar_prefetch = 0 : i64, scratch_operands = 21 : i64, tpu.core_type = #tpu.core_type<sc_vector_subcore>, window_params = [{transform_indices = #map}, {transform_indices = #map}, {transform_indices = #map1}, {transform_indices = #map1}, {transform_indices = #map1}]} {
    %broadcast_in_dim3A = arith.constant 0.000000e+00 : f32
    %broadcast_in_dim3A_0 = vector.broadcast %broadcast_in_dim3A : f32 to vector<16xf32>
    %scan3A = arith.constant 0 : i32
    %scan3A_1 = arith.constant 0 : i32
    %scan3A_2 = arith.constant 128 : i32
    %scan3A_3 = arith.addi %scan3A_1, %scan3A_2 : i32
    %scan3A_4 = arith.constant 1 : i32
    %scan3A_5 = scf.for %scan3A_392 = %scan3A_1 to %scan3A_3 step %scan3A_4 iter_args(%scan3A_393 = %scan3A) -> (i32)  : i32 {
      %swap3A = arith.index_cast %scan3A_392 : i32 to index
      %swap3A_394 = arith.constant 0 : index
      %swap3A_395 = tpu.vector_load %arg9[%swap3A, %swap3A_394] {strides = array<i32>} : memref<128x64xf32, #tpu.memory_space<vmem>>, vector<16xf32>,
      tpu.vector_store %arg9[%swap3A, %swap3A_394], %broadcast_in_dim3A_0 {strides = array<i32>} : memref<128x64xf32, #tpu.memory_space<vmem>>, vector<16xf32>,
      %swap3A_396 = arith.index_cast %scan3A_392 : i32 to index
      %swap3A_397 = arith.constant 16 : index
      %swap3A_398 = tpu.vector_load %arg9[%swap3A_396, %swap3A_397] {strides = array<i32>} : memref<128x64xf32, #tpu.memory_space<vmem>>, vector<16xf32>,
      tpu.vector_store %arg9[%swap3A_396, %swap3A_397], %broadcast_in_dim3A_0 {strides = array<i32>} : memref<128x64xf32, #tpu.memory_space<vmem>>, vector<16xf32>,
      %swap3A_399 = arith.index_cast %scan3A_392 : i32 to index
      %swap3A_400 = arith.constant 32 : index
      %swap3A_401 = tpu.vector_load %arg9[%swap3A_399, %swap3A_400] {strides = array<i32>} : memref<128x64xf32, #tpu.memory_space<vmem>>, vector<16xf32>,
      tpu.vector_store %arg9[%swap3A_399, %swap3A_400], %broadcast_in_dim3A_0 {strides = array<i32>} : memref<128x64xf32, #tpu.memory_space<vmem>>, vector<16xf32>,
      %swap3A_402 = arith.index_cast %scan3A_392 : i32 to index
      %swap3A_403 = arith.constant 48 : index
      %swap3A_404 = tpu.vector_load %arg9[%swap3A_402, %swap3A_403] {strides = array<i32>} : memref<128x64xf32, #tpu.memory_space<vmem>>, vector<16xf32>,
      tpu.vector_store %arg9[%swap3A_402, %swap3A_403], %broadcast_in_dim3A_0 {strides = array<i32>} : memref<128x64xf32, #tpu.memory_space<vmem>>, vector<16xf32>,
      %scan3A_405 = arith.constant 0 : i32
      scf.yield %scan3A_405 : i32
    }
    %scan3A_6 = arith.constant 128 : i32
    %mul3A = arith.constant 632 : i32
    %mul3A_7 = arith.muli %arg1, %mul3A : i32
    %add3A = arith.constant 0 : i32
    %add3A_8 = arith.addi %mul3A_7, %add3A : i32
    "tpu.region"() ({
      %run_scoped3A = tpu.sem_alloc : memref<!tpu.dma_semaphore, #tpu.memory_space<semaphore_mem>>
      %dma_start3A_392 = arith.constant 0 : i32
      %dma_start3A_393 = tpu.memref_slice %arg15[%add3A_8, %dma_start3A_392] : memref<10112x64xf32, #tpu.memory_space<vmem_shared>> -> memref<128x64xf32, #tpu.memory_space<vmem_shared>>
      %dma_start3A_394 = arith.constant 0 : i32
      %dma_start3A_395 = tpu.memref_slice %arg15[%add3A_8, %dma_start3A_394] : memref<10112x64xf32, #tpu.memory_space<vmem_shared>> -> memref<128x64xf32, #tpu.memory_space<vmem_shared>>
      tpu.enqueue_dma source(%arg9 : memref<128x64xf32, #tpu.memory_space<vmem>>) target(%dma_start3A_395 : memref<128x64xf32, #tpu.memory_space<vmem_shared>>) target_semaphore(%run_scoped3A : memref<!tpu.dma_semaphore, #tpu.memory_space<semaphore_mem>>)
      %dma_wait3A_396 = arith.constant 0 : i32
      %dma_wait3A_397 = tpu.memref_slice %arg15[%add3A_8, %dma_wait3A_396] : memref<10112x64xf32, #tpu.memory_space<vmem_shared>> -> memref<128x64xf32, #tpu.memory_space<vmem_shared>>
      %dma_wait3A_398 = arith.constant 0 : i32
      %dma_wait3A_399 = tpu.memref_slice %arg15[%add3A_8, %dma_wait3A_398] : memref<10112x64xf32, #tpu.memory_space<vmem_shared>> -> memref<128x64xf32, #tpu.memory_space<vmem_shared>>
      tpu.wait_dma2 semaphore(%run_scoped3A : memref<!tpu.dma_semaphore, #tpu.memory_space<semaphore_mem>>) src(%arg9 : memref<128x64xf32, #tpu.memory_space<vmem>>) dst(%dma_wait3A_399 : memref<128x64xf32, #tpu.memory_space<vmem_shared>>)
      tpu.yield
    }) : () -> ()
    %add3A_9 = arith.constant 128 : i32
    %add3A_10 = arith.addi %mul3A_7, %add3A_9 : i32
    "tpu.region"() ({
      %run_scoped3A = tpu.sem_alloc : memref<!tpu.dma_semaphore, #tpu.memory_space<semaphore_mem>>
      %dma_start3A_392 = arith.constant 0 : i32
      %dma_start3A_393 = tpu.memref_slice %arg15[%add3A_10, %dma_start3A_392] : memref<10112x64xf32, #tpu.memory_space<vmem_shared>> -> memref<128x64xf32, #tpu.memory_space<vmem_shared>>
      %dma_start3A_394 = arith.constant 0 : i32
      %dma_start3A_395 = tpu.memref_slice %arg15[%add3A_10, %dma_start3A_394] : memref<10112x64xf32, #tpu.memory_space<vmem_shared>> -> memref<128x64xf32, #tpu.memory_space<vmem_shared>>
      tpu.enqueue_dma source(%arg9 : memref<128x64xf32, #tpu.memory_space<vmem>>) target(%dma_start3A_395 : memref<128x64xf32, #tpu.memory_space<vmem_shared>>) target_semaphore(%run_scoped3A : memref<!tpu.dma_semaphore, #tpu.memory_space<semaphore_mem>>)
      %dma_wait3A_396 = arith.constant 0 : i32
      %dma_wait3A_397 = tpu.memref_slice %arg15[%add3A_10, %dma_wait3A_396] : memref<10112x64xf32, #tpu.memory_space<vmem_shared>> -> memref<128x64xf32, #tpu.memory_space<vmem_shared>>
      %dma_wait3A_398 = arith.constant 0 : i32
      %dma_wait3A_399 = tpu.memref_slice %arg15[%add3A_10, %dma_wait3A_398] : memref<10112x64xf32, #tpu.memory_space<vmem_shared>> -> memref<128x64xf32, #tpu.memory_space<vmem_shared>>
      tpu.wait_dma2 semaphore(%run_scoped3A : memref<!tpu.dma_semaphore, #tpu.memory_space<semaphore_mem>>) src(%arg9 : memref<128x64xf32, #tpu.memory_space<vmem>>) dst(%dma_wait3A_399 : memref<128x64xf32, #tpu.memory_space<vmem_shared>>)
      tpu.yield
    }) : () -> ()
    %add3A_11 = arith.constant 256 : i32
    %add3A_12 = arith.addi %mul3A_7, %add3A_11 : i32
    "tpu.region"() ({
      %run_scoped3A = tpu.sem_alloc : memref<!tpu.dma_semaphore, #tpu.memory_space<semaphore_mem>>
      %dma_start3A_392 = arith.constant 0 : i32
      %dma_start3A_393 = tpu.memref_slice %arg15[%add3A_12, %dma_start3A_392] : memref<10112x64xf32, #tpu.memory_space<vmem_shared>> -> memref<128x64xf32, #tpu.memory_space<vmem_shared>>
      %dma_start3A_394 = arith.constant 0 : i32
      %dma_start3A_395 = tpu.memref_slice %arg15[%add3A_12, %dma_start3A_394] : memref<10112x64xf32, #tpu.memory_space<vmem_shared>> -> memref<128x64xf32, #tpu.memory_space<vmem_shared>>
      tpu.enqueue_dma source(%arg9 : memref<128x64xf32, #tpu.memory_space<vmem>>) target(%dma_start3A_395 : memref<128x64xf32, #tpu.memory_space<vmem_shared>>) target_semaphore(%run_scoped3A : memref<!tpu.dma_semaphore, #tpu.memory_space<semaphore_mem>>)
      %dma_wait3A_396 = arith.constant 0 : i32
      %dma_wait3A_397 = tpu.memref_slice %arg15[%add3A_12, %dma_wait3A_396] : memref<10112x64xf32, #tpu.memory_space<vmem_shared>> -> memref<128x64xf32, #tpu.memory_space<vmem_shared>>
      %dma_wait3A_398 = arith.constant 0 : i32
      %dma_wait3A_399 = tpu.memref_slice %arg15[%add3A_12, %dma_wait3A_398] : memref<10112x64xf32, #tpu.memory_space<vmem_shared>> -> memref<128x64xf32, #tpu.memory_space<vmem_shared>>
      tpu.wait_dma2 semaphore(%run_scoped3A : memref<!tpu.dma_semaphore, #tpu.memory_space<semaphore_mem>>) src(%arg9 : memref<128x64xf32, #tpu.memory_space<vmem>>) dst(%dma_wait3A_399 : memref<128x64xf32, #tpu.memory_space<vmem_shared>>)
      tpu.yield
    }) : () -> ()
    %add3A_13 = arith.constant 384 : i32
    %add3A_14 = arith.addi %mul3A_7, %add3A_13 : i32
    "tpu.region"() ({
      %run_scoped3A = tpu.sem_alloc : memref<!tpu.dma_semaphore, #tpu.memory_space<semaphore_mem>>
      %dma_start3A_392 = arith.constant 0 : i32
      %dma_start3A_393 = tpu.memref_slice %arg15[%add3A_14, %dma_start3A_392] : memref<10112x64xf32, #tpu.memory_space<vmem_shared>> -> memref<128x64xf32, #tpu.memory_space<vmem_shared>>
      %dma_start3A_394 = arith.constant 0 : i32
      %dma_start3A_395 = tpu.memref_slice %arg15[%add3A_14, %dma_start3A_394] : memref<10112x64xf32, #tpu.memory_space<vmem_shared>> -> memref<128x64xf32, #tpu.memory_space<vmem_shared>>
      tpu.enqueue_dma source(%arg9 : memref<128x64xf32, #tpu.memory_space<vmem>>) target(%dma_start3A_395 : memref<128x64xf32, #tpu.memory_space<vmem_shared>>) target_semaphore(%run_scoped3A : memref<!tpu.dma_semaphore, #tpu.memory_space<semaphore_mem>>)
      %dma_wait3A_396 = arith.constant 0 : i32
      %dma_wait3A_397 = tpu.memref_slice %arg15[%add3A_14, %dma_wait3A_396] : memref<10112x64xf32, #tpu.memory_space<vmem_shared>> -> memref<128x64xf32, #tpu.memory_space<vmem_shared>>
      %dma_wait3A_398 = arith.constant 0 : i32
      %dma_wait3A_399 = tpu.memref_slice %arg15[%add3A_14, %dma_wait3A_398] : memref<10112x64xf32, #tpu.memory_space<vmem_shared>> -> memref<128x64xf32, #tpu.memory_space<vmem_shared>>
      tpu.wait_dma2 semaphore(%run_scoped3A : memref<!tpu.dma_semaphore, #tpu.memory_space<semaphore_mem>>) src(%arg9 : memref<128x64xf32, #tpu.memory_space<vmem>>) dst(%dma_wait3A_399 : memref<128x64xf32, #tpu.memory_space<vmem_shared>>)
      tpu.yield
    }) : () -> ()
    %add3A_15 = arith.constant 512 : i32
    %add3A_16 = arith.addi %mul3A_7, %add3A_15 : i32
    "tpu.region"() ({
      %run_scoped3A = tpu.sem_alloc : memref<!tpu.dma_semaphore, #tpu.memory_space<semaphore_mem>>
      %dma_start3A_392 = arith.constant 0 : i32
      %dma_start3A_393 = arith.constant 0 : i32
      %dma_start3A_394 = tpu.memref_slice %arg9[%dma_start3A_392, %dma_start3A_393] : memref<128x64xf32, #tpu.memory_space<vmem>> -> memref<120x64xf32, #tpu.memory_space<vmem>>
      %dma_start3A_395 = arith.constant 0 : i32
      %dma_start3A_396 = tpu.memref_slice %arg15[%add3A_16, %dma_start3A_395] : memref<10112x64xf32, #tpu.memory_space<vmem_shared>> -> memref<120x64xf32, #tpu.memory_space<vmem_shared>>
      %dma_start3A_397 = arith.constant 0 : i32
      %dma_start3A_398 = tpu.memref_slice %arg15[%add3A_16, %dma_start3A_397] : memref<10112x64xf32, #tpu.memory_space<vmem_shared>> -> memref<120x64xf32, #tpu.memory_space<vmem_shared>>
      %dma_start3A_399 = arith.constant 0 : i32
      %dma_start3A_400 = arith.constant 0 : i32
      %dma_start3A_401 = tpu.memref_slice %arg9[%dma_start3A_399, %dma_start3A_400] : memref<128x64xf32, #tpu.memory_space<vmem>> -> memref<120x64xf32, #tpu.memory_space<vmem>>
      tpu.enqueue_dma source(%dma_start3A_401 : memref<120x64xf32, #tpu.memory_space<vmem>>) target(%dma_start3A_398 : memref<120x64xf32, #tpu.memory_space<vmem_shared>>) target_semaphore(%run_scoped3A : memref<!tpu.dma_semaphore, #tpu.memory_space<semaphore_mem>>)
      %dma_wait3A_402 = arith.constant 0 : i32
      %dma_wait3A_403 = arith.constant 0 : i32
      %dma_wait3A_404 = tpu.memref_slice %arg9[%dma_wait3A_402, %dma_wait3A_403] : memref<128x64xf32, #tpu.memory_space<vmem>> -> memref<120x64xf32, #tpu.memory_space<vmem>>
      %dma_wait3A_405 = arith.constant 0 : i32
      %dma_wait3A_406 = tpu.memref_slice %arg15[%add3A_16, %dma_wait3A_405] : memref<10112x64xf32, #tpu.memory_space<vmem_shared>> -> memref<120x64xf32, #tpu.memory_space<vmem_shared>>
      %dma_wait3A_407 = arith.constant 0 : i32
      %dma_wait3A_408 = tpu.memref_slice %arg15[%add3A_16, %dma_wait3A_407] : memref<10112x64xf32, #tpu.memory_space<vmem_shared>> -> memref<120x64xf32, #tpu.memory_space<vmem_shared>>
      %dma_wait3A_409 = arith.constant 0 : i32
      %dma_wait3A_410 = arith.constant 0 : i32
      %dma_wait3A_411 = tpu.memref_slice %arg9[%dma_wait3A_409, %dma_wait3A_410] : memref<128x64xf32, #tpu.memory_space<vmem>> -> memref<120x64xf32, #tpu.memory_space<vmem>>
      tpu.wait_dma2 semaphore(%run_scoped3A : memref<!tpu.dma_semaphore, #tpu.memory_space<semaphore_mem>>) src(%dma_wait3A_411 : memref<120x64xf32, #tpu.memory_space<vmem>>) dst(%dma_wait3A_408 : memref<120x64xf32, #tpu.memory_space<vmem_shared>>)
      tpu.yield
    }) : () -> ()
    "tpu.region"() ({
      %run_scoped3A = tpu.sem_alloc : memref<!tpu.dma_semaphore, #tpu.memory_space<semaphore_mem>>
      %dma_start3A_392 = arith.constant 0 : i32
      %dma_start3A_393 = arith.constant 0 : i32
      %dma_start3A_394 = tpu.memref_slice %arg4[%arg1, %dma_start3A_392, %dma_start3A_393] : memref<16x162x128xi32, #tpu.memory_space<hbm>> -> memref<1x162x128xi32, #tpu.memory_space<hbm>>
      %dma_start3A_395 = tpu.memref_squeeze %dma_start3A_394 : memref<1x162x128xi32, #tpu.memory_space<hbm>> -> memref<162x128xi32, #tpu.memory_space<hbm>>
      %dma_start3A_396 = arith.constant 0 : i32
      %dma_start3A_397 = arith.constant 0 : i32
      %dma_start3A_398 = tpu.memref_slice %arg4[%arg1, %dma_start3A_396, %dma_start3A_397] : memref<16x162x128xi32, #tpu.memory_space<hbm>> -> memref<1x162x128xi32, #tpu.memory_space<hbm>>
      %dma_start3A_399 = tpu.memref_squeeze %dma_start3A_398 : memref<1x162x128xi32, #tpu.memory_space<hbm>> -> memref<162x128xi32, #tpu.memory_space<hbm>>
      tpu.enqueue_dma source(%dma_start3A_399 : memref<162x128xi32, #tpu.memory_space<hbm>>) target(%arg7 : memref<162x128xi32, #tpu.memory_space<vmem>>) target_semaphore(%run_scoped3A : memref<!tpu.dma_semaphore, #tpu.memory_space<semaphore_mem>>)
      %dma_wait3A_400 = arith.constant 0 : i32
      %dma_wait3A_401 = arith.constant 0 : i32
      %dma_wait3A_402 = tpu.memref_slice %arg4[%arg1, %dma_wait3A_400, %dma_wait3A_401] : memref<16x162x128xi32, #tpu.memory_space<hbm>> -> memref<1x162x128xi32, #tpu.memory_space<hbm>>
      %dma_wait3A_403 = tpu.memref_squeeze %dma_wait3A_402 : memref<1x162x128xi32, #tpu.memory_space<hbm>> -> memref<162x128xi32, #tpu.memory_space<hbm>>
      %dma_wait3A_404 = arith.constant 0 : i32
      %dma_wait3A_405 = arith.constant 0 : i32
      %dma_wait3A_406 = tpu.memref_slice %arg4[%arg1, %dma_wait3A_404, %dma_wait3A_405] : memref<16x162x128xi32, #tpu.memory_space<hbm>> -> memref<1x162x128xi32, #tpu.memory_space<hbm>>
      %dma_wait3A_407 = tpu.memref_squeeze %dma_wait3A_406 : memref<1x162x128xi32, #tpu.memory_space<hbm>> -> memref<162x128xi32, #tpu.memory_space<hbm>>
      tpu.wait_dma2 semaphore(%run_scoped3A : memref<!tpu.dma_semaphore, #tpu.memory_space<semaphore_mem>>) src(%dma_wait3A_407 : memref<162x128xi32, #tpu.memory_space<hbm>>) dst(%arg7 : memref<162x128xi32, #tpu.memory_space<vmem>>)
      tpu.yield
    }) : () -> ()
    "tpu.region"() ({
      %run_scoped3A = tpu.sem_alloc : memref<!tpu.dma_semaphore, #tpu.memory_space<semaphore_mem>>
      %dma_start3A_392 = arith.constant 0 : i32
      %dma_start3A_393 = arith.constant 0 : i32
      %dma_start3A_394 = tpu.memref_slice %arg5[%arg1, %dma_start3A_392, %dma_start3A_393] : memref<16x162x128xi32, #tpu.memory_space<hbm>> -> memref<1x162x128xi32, #tpu.memory_space<hbm>>
      %dma_start3A_395 = tpu.memref_squeeze %dma_start3A_394 : memref<1x162x128xi32, #tpu.memory_space<hbm>> -> memref<162x128xi32, #tpu.memory_space<hbm>>
      %dma_start3A_396 = arith.constant 0 : i32
      %dma_start3A_397 = arith.constant 0 : i32
      %dma_start3A_398 = tpu.memref_slice %arg5[%arg1, %dma_start3A_396, %dma_start3A_397] : memref<16x162x128xi32, #tpu.memory_space<hbm>> -> memref<1x162x128xi32, #tpu.memory_space<hbm>>
      %dma_start3A_399 = tpu.memref_squeeze %dma_start3A_398 : memref<1x162x128xi32, #tpu.memory_space<hbm>> -> memref<162x128xi32, #tpu.memory_space<hbm>>
      tpu.enqueue_dma source(%dma_start3A_399 : memref<162x128xi32, #tpu.memory_space<hbm>>) target(%arg8 : memref<162x128xi32, #tpu.memory_space<vmem>>) target_semaphore(%run_scoped3A : memref<!tpu.dma_semaphore, #tpu.memory_space<semaphore_mem>>)
      %dma_wait3A_400 = arith.constant 0 : i32
      %dma_wait3A_401 = arith.constant 0 : i32
      %dma_wait3A_402 = tpu.memref_slice %arg5[%arg1, %dma_wait3A_400, %dma_wait3A_401] : memref<16x162x128xi32, #tpu.memory_space<hbm>> -> memref<1x162x128xi32, #tpu.memory_space<hbm>>
      %dma_wait3A_403 = tpu.memref_squeeze %dma_wait3A_402 : memref<1x162x128xi32, #tpu.memory_space<hbm>> -> memref<162x128xi32, #tpu.memory_space<hbm>>
      %dma_wait3A_404 = arith.constant 0 : i32
      %dma_wait3A_405 = arith.constant 0 : i32
      %dma_wait3A_406 = tpu.memref_slice %arg5[%arg1, %dma_wait3A_404, %dma_wait3A_405] : memref<16x162x128xi32, #tpu.memory_space<hbm>> -> memref<1x162x128xi32, #tpu.memory_space<hbm>>
      %dma_wait3A_407 = tpu.memref_squeeze %dma_wait3A_406 : memref<1x162x128xi32, #tpu.memory_space<hbm>> -> memref<162x128xi32, #tpu.memory_space<hbm>>
      tpu.wait_dma2 semaphore(%run_scoped3A : memref<!tpu.dma_semaphore, #tpu.memory_space<semaphore_mem>>) src(%dma_wait3A_407 : memref<162x128xi32, #tpu.memory_space<hbm>>) dst(%arg8 : memref<162x128xi32, #tpu.memory_space<vmem>>)
      tpu.yield
    }) : () -> ()
    %barrier3A = arith.constant 0 : index
    tpu.barrier barrier_id(%barrier3A)
    %eq3A = arith.constant 0 : i32
    %eq3A_17 = arith.cmpi eq, %arg0, %eq3A : i32
    %convert_element_type3A = arith.extui %eq3A_17 : i1 to i32
    %cond3A = arith.constant 0 : i32
    %cond3A_18 = arith.cmpi ne, %convert_element_type3A, %cond3A : i32
    scf.if %cond3A_18 {
      %dma_start3A_392 = arith.constant 0 : i32
      %dma_start3A_393 = arith.constant 0 : i32
      %dma_start3A_394 = tpu.memref_slice %arg8[%dma_start3A_392, %dma_start3A_393] : memref<162x128xi32, #tpu.memory_space<vmem>> -> memref<1x128xi32, #tpu.memory_space<vmem>>
      %dma_start3A_395 = tpu.memref_squeeze %dma_start3A_394 : memref<1x128xi32, #tpu.memory_space<vmem>> -> memref<128xi32, #tpu.memory_space<vmem>>
      %dma_start3A_396 = arith.constant 0 : i32
      %dma_start3A_397 = arith.constant 0 : i32
      %dma_start3A_398 = tpu.memref_slice %arg2[%dma_start3A_396, %dma_start3A_397] : memref<10000x64xf32, #tpu.memory_space<hbm>> -> memref<10000x64xf32, #tpu.memory_space<hbm>>
      tpu.enqueue_indirect_dma source(%dma_start3A_398 : memref<10000x64xf32, #tpu.memory_space<hbm>>) target(%arg9 : memref<128x64xf32, #tpu.memory_space<vmem>>) offsets(%dma_start3A_395 : memref<128xi32, #tpu.memory_space<vmem>>) semaphore(%arg16 : memref<!tpu.dma_semaphore, #tpu.memory_space<semaphore_mem>>)
    } else {
    }
    %eq3A_19 = arith.constant 1 : i32
    %eq3A_20 = arith.cmpi eq, %arg0, %eq3A_19 : i32
    %convert_element_type3A_21 = arith.extui %eq3A_20 : i1 to i32
    %cond3A_22 = arith.constant 0 : i32
    %cond3A_23 = arith.cmpi ne, %convert_element_type3A_21, %cond3A_22 : i32
    scf.if %cond3A_23 {
      %dma_start3A_392 = arith.constant 0 : i32
      %dma_start3A_393 = arith.constant 0 : i32
      %dma_start3A_394 = tpu.memref_slice %arg8[%dma_start3A_392, %dma_start3A_393] : memref<162x128xi32, #tpu.memory_space<vmem>> -> memref<1x128xi32, #tpu.memory_space<vmem>>
      %dma_start3A_395 = tpu.memref_squeeze %dma_start3A_394 : memref<1x128xi32, #tpu.memory_space<vmem>> -> memref<128xi32, #tpu.memory_space<vmem>>
      %dma_start3A_396 = arith.constant 0 : i32
      %dma_start3A_397 = arith.constant 0 : i32
      %dma_start3A_398 = tpu.memref_slice %arg3[%dma_start3A_396, %dma_start3A_397] : memref<10000x64xf32, #tpu.memory_space<hbm>> -> memref<10000x64xf32, #tpu.memory_space<hbm>>
      tpu.enqueue_indirect_dma source(%dma_start3A_398 : memref<10000x64xf32, #tpu.memory_space<hbm>>) target(%arg9 : memref<128x64xf32, #tpu.memory_space<vmem>>) offsets(%dma_start3A_395 : memref<128xi32, #tpu.memory_space<vmem>>) semaphore(%arg16 : memref<!tpu.dma_semaphore, #tpu.memory_space<semaphore_mem>>)
    } else {
    }
    %eq3A_24 = arith.constant 0 : i32
    %eq3A_25 = arith.cmpi eq, %arg0, %eq3A_24 : i32
    %convert_element_type3A_26 = arith.extui %eq3A_25 : i1 to i32
    %cond3A_27 = arith.constant 0 : i32
    %cond3A_28 = arith.cmpi ne, %convert_element_type3A_26, %cond3A_27 : i32
    scf.if %cond3A_28 {
      %dma_start3A_392 = arith.constant 1 : i32
      %dma_start3A_393 = arith.constant 0 : i32
      %dma_start3A_394 = tpu.memref_slice %arg8[%dma_start3A_392, %dma_start3A_393] : memref<162x128xi32, #tpu.memory_space<vmem>> -> memref<1x128xi32, #tpu.memory_space<vmem>>
      %dma_start3A_395 = tpu.memref_squeeze %dma_start3A_394 : memref<1x128xi32, #tpu.memory_space<vmem>> -> memref<128xi32, #tpu.memory_space<vmem>>
      %dma_start3A_396 = arith.constant 0 : i32
      %dma_start3A_397 = arith.constant 0 : i32
      %dma_start3A_398 = tpu.memref_slice %arg2[%dma_start3A_396, %dma_start3A_397] : memref<10000x64xf32, #tpu.memory_space<hbm>> -> memref<10000x64xf32, #tpu.memory_space<hbm>>
      tpu.enqueue_indirect_dma source(%dma_start3A_398 : memref<10000x64xf32, #tpu.memory_space<hbm>>) target(%arg10 : memref<128x64xf32, #tpu.memory_space<vmem>>) offsets(%dma_start3A_395 : memref<128xi32, #tpu.memory_space<vmem>>) semaphore(%arg17 : memref<!tpu.dma_semaphore, #tpu.memory_space<semaphore_mem>>)
    } else {
    }
    %eq3A_29 = arith.constant 1 : i32
    %eq3A_30 = arith.cmpi eq, %arg0, %eq3A_29 : i32
    %convert_element_type3A_31 = arith.extui %eq3A_30 : i1 to i32
    %cond3A_32 = arith.constant 0 : i32
    %cond3A_33 = arith.cmpi ne, %convert_element_type3A_31, %cond3A_32 : i32
    scf.if %cond3A_33 {
      %dma_start3A_392 = arith.constant 1 : i32
      %dma_start3A_393 = arith.constant 0 : i32
      %dma_start3A_394 = tpu.memref_slice %arg8[%dma_start3A_392, %dma_start3A_393] : memref<162x128xi32, #tpu.memory_space<vmem>> -> memref<1x128xi32, #tpu.memory_space<vmem>>
      %dma_start3A_395 = tpu.memref_squeeze %dma_start3A_394 : memref<1x128xi32, #tpu.memory_space<vmem>> -> memref<128xi32, #tpu.memory_space<vmem>>
      %dma_start3A_396 = arith.constant 0 : i32
      %dma_start3A_397 = arith.constant 0 : i32
      %dma_start3A_398 = tpu.memref_slice %arg3[%dma_start3A_396, %dma_start3A_397] : memref<10000x64xf32, #tpu.memory_space<hbm>> -> memref<10000x64xf32, #tpu.memory_space<hbm>>
      tpu.enqueue_indirect_dma source(%dma_start3A_398 : memref<10000x64xf32, #tpu.memory_space<hbm>>) target(%arg10 : memref<128x64xf32, #tpu.memory_space<vmem>>) offsets(%dma_start3A_395 : memref<128xi32, #tpu.memory_space<vmem>>) semaphore(%arg17 : memref<!tpu.dma_semaphore, #tpu.memory_space<semaphore_mem>>)
    } else {
    }
    %eq3A_34 = arith.constant 0 : i32
    %eq3A_35 = arith.cmpi eq, %arg0, %eq3A_34 : i32
    %convert_element_type3A_36 = arith.extui %eq3A_35 : i1 to i32
    %cond3A_37 = arith.constant 0 : i32
    %cond3A_38 = arith.cmpi ne, %convert_element_type3A_36, %cond3A_37 : i32
    scf.if %cond3A_38 {
      %dma_start3A_392 = arith.constant 2 : i32
      %dma_start3A_393 = arith.constant 0 : i32
      %dma_start3A_394 = tpu.memref_slice %arg8[%dma_start3A_392, %dma_start3A_393] : memref<162x128xi32, #tpu.memory_space<vmem>> -> memref<1x128xi32, #tpu.memory_space<vmem>>
      %dma_start3A_395 = tpu.memref_squeeze %dma_start3A_394 : memref<1x128xi32, #tpu.memory_space<vmem>> -> memref<128xi32, #tpu.memory_space<vmem>>
      %dma_start3A_396 = arith.constant 0 : i32
      %dma_start3A_397 = arith.constant 0 : i32
      %dma_start3A_398 = tpu.memref_slice %arg2[%dma_start3A_396, %dma_start3A_397] : memref<10000x64xf32, #tpu.memory_space<hbm>> -> memref<10000x64xf32, #tpu.memory_space<hbm>>
      tpu.enqueue_indirect_dma source(%dma_start3A_398 : memref<10000x64xf32, #tpu.memory_space<hbm>>) target(%arg11 : memref<128x64xf32, #tpu.memory_space<vmem>>) offsets(%dma_start3A_395 : memref<128xi32, #tpu.memory_space<vmem>>) semaphore(%arg18 : memref<!tpu.dma_semaphore, #tpu.memory_space<semaphore_mem>>)
    } else {
    }
    %eq3A_39 = arith.constant 1 : i32
    %eq3A_40 = arith.cmpi eq, %arg0, %eq3A_39 : i32
    %convert_element_type3A_41 = arith.extui %eq3A_40 : i1 to i32
    %cond3A_42 = arith.constant 0 : i32
    %cond3A_43 = arith.cmpi ne, %convert_element_type3A_41, %cond3A_42 : i32
    scf.if %cond3A_43 {
      %dma_start3A_392 = arith.constant 2 : i32
      %dma_start3A_393 = arith.constant 0 : i32
      %dma_start3A_394 = tpu.memref_slice %arg8[%dma_start3A_392, %dma_start3A_393] : memref<162x128xi32, #tpu.memory_space<vmem>> -> memref<1x128xi32, #tpu.memory_space<vmem>>
      %dma_start3A_395 = tpu.memref_squeeze %dma_start3A_394 : memref<1x128xi32, #tpu.memory_space<vmem>> -> memref<128xi32, #tpu.memory_space<vmem>>
      %dma_start3A_396 = arith.constant 0 : i32
      %dma_start3A_397 = arith.constant 0 : i32
      %dma_start3A_398 = tpu.memref_slice %arg3[%dma_start3A_396, %dma_start3A_397] : memref<10000x64xf32, #tpu.memory_space<hbm>> -> memref<10000x64xf32, #tpu.memory_space<hbm>>
      tpu.enqueue_indirect_dma source(%dma_start3A_398 : memref<10000x64xf32, #tpu.memory_space<hbm>>) target(%arg11 : memref<128x64xf32, #tpu.memory_space<vmem>>) offsets(%dma_start3A_395 : memref<128xi32, #tpu.memory_space<vmem>>) semaphore(%arg18 : memref<!tpu.dma_semaphore, #tpu.memory_space<semaphore_mem>>)
    } else {
    }
    %eq3A_44 = arith.constant 0 : i32
    %eq3A_45 = arith.cmpi eq, %arg0, %eq3A_44 : i32
    %convert_element_type3A_46 = arith.extui %eq3A_45 : i1 to i32
    %cond3A_47 = arith.constant 0 : i32
    %cond3A_48 = arith.cmpi ne, %convert_element_type3A_46, %cond3A_47 : i32
    scf.if %cond3A_48 {
      %dma_start3A_392 = arith.constant 3 : i32
      %dma_start3A_393 = arith.constant 0 : i32
      %dma_start3A_394 = tpu.memref_slice %arg8[%dma_start3A_392, %dma_start3A_393] : memref<162x128xi32, #tpu.memory_space<vmem>> -> memref<1x128xi32, #tpu.memory_space<vmem>>
      %dma_start3A_395 = tpu.memref_squeeze %dma_start3A_394 : memref<1x128xi32, #tpu.memory_space<vmem>> -> memref<128xi32, #tpu.memory_space<vmem>>
      %dma_start3A_396 = arith.constant 0 : i32
      %dma_start3A_397 = arith.constant 0 : i32
      %dma_start3A_398 = tpu.memref_slice %arg2[%dma_start3A_396, %dma_start3A_397] : memref<10000x64xf32, #tpu.memory_space<hbm>> -> memref<10000x64xf32, #tpu.memory_space<hbm>>
      tpu.enqueue_indirect_dma source(%dma_start3A_398 : memref<10000x64xf32, #tpu.memory_space<hbm>>) target(%arg12 : memref<128x64xf32, #tpu.memory_space<vmem>>) offsets(%dma_start3A_395 : memref<128xi32, #tpu.memory_space<vmem>>) semaphore(%arg19 : memref<!tpu.dma_semaphore, #tpu.memory_space<semaphore_mem>>)
    } else {
    }
    %eq3A_49 = arith.constant 1 : i32
    %eq3A_50 = arith.cmpi eq, %arg0, %eq3A_49 : i32
    %convert_element_type3A_51 = arith.extui %eq3A_50 : i1 to i32
    %cond3A_52 = arith.constant 0 : i32
    %cond3A_53 = arith.cmpi ne, %convert_element_type3A_51, %cond3A_52 : i32
    scf.if %cond3A_53 {
      %dma_start3A_392 = arith.constant 3 : i32
      %dma_start3A_393 = arith.constant 0 : i32
      %dma_start3A_394 = tpu.memref_slice %arg8[%dma_start3A_392, %dma_start3A_393] : memref<162x128xi32, #tpu.memory_space<vmem>> -> memref<1x128xi32, #tpu.memory_space<vmem>>
      %dma_start3A_395 = tpu.memref_squeeze %dma_start3A_394 : memref<1x128xi32, #tpu.memory_space<vmem>> -> memref<128xi32, #tpu.memory_space<vmem>>
      %dma_start3A_396 = arith.constant 0 : i32
      %dma_start3A_397 = arith.constant 0 : i32
      %dma_start3A_398 = tpu.memref_slice %arg3[%dma_start3A_396, %dma_start3A_397] : memref<10000x64xf32, #tpu.memory_space<hbm>> -> memref<10000x64xf32, #tpu.memory_space<hbm>>
      tpu.enqueue_indirect_dma source(%dma_start3A_398 : memref<10000x64xf32, #tpu.memory_space<hbm>>) target(%arg12 : memref<128x64xf32, #tpu.memory_space<vmem>>) offsets(%dma_start3A_395 : memref<128xi32, #tpu.memory_space<vmem>>) semaphore(%arg19 : memref<!tpu.dma_semaphore, #tpu.memory_space<semaphore_mem>>)
    } else {
    }
    %eq3A_54 = arith.constant 0 : i32
    %eq3A_55 = arith.cmpi eq, %arg0, %eq3A_54 : i32
    %convert_element_type3A_56 = arith.extui %eq3A_55 : i1 to i32
    %cond3A_57 = arith.constant 0 : i32
    %cond3A_58 = arith.cmpi ne, %convert_element_type3A_56, %cond3A_57 : i32
    scf.if %cond3A_58 {
      %dma_start3A_392 = arith.constant 4 : i32
      %dma_start3A_393 = arith.constant 0 : i32
      %dma_start3A_394 = tpu.memref_slice %arg8[%dma_start3A_392, %dma_start3A_393] : memref<162x128xi32, #tpu.memory_space<vmem>> -> memref<1x128xi32, #tpu.memory_space<vmem>>
      %dma_start3A_395 = tpu.memref_squeeze %dma_start3A_394 : memref<1x128xi32, #tpu.memory_space<vmem>> -> memref<128xi32, #tpu.memory_space<vmem>>
      %dma_start3A_396 = arith.constant 0 : i32
      %dma_start3A_397 = arith.constant 0 : i32
      %dma_start3A_398 = tpu.memref_slice %arg2[%dma_start3A_396, %dma_start3A_397] : memref<10000x64xf32, #tpu.memory_space<hbm>> -> memref<10000x64xf32, #tpu.memory_space<hbm>>
      tpu.enqueue_indirect_dma source(%dma_start3A_398 : memref<10000x64xf32, #tpu.memory_space<hbm>>) target(%arg13 : memref<128x64xf32, #tpu.memory_space<vmem>>) offsets(%dma_start3A_395 : memref<128xi32, #tpu.memory_space<vmem>>) semaphore(%arg20 : memref<!tpu.dma_semaphore, #tpu.memory_space<semaphore_mem>>)
    } else {
    }
    %eq3A_59 = arith.constant 1 : i32
    %eq3A_60 = arith.cmpi eq, %arg0, %eq3A_59 : i32
    %convert_element_type3A_61 = arith.extui %eq3A_60 : i1 to i32
    %cond3A_62 = arith.constant 0 : i32
    %cond3A_63 = arith.cmpi ne, %convert_element_type3A_61, %cond3A_62 : i32
    scf.if %cond3A_63 {
      %dma_start3A_392 = arith.constant 4 : i32
      %dma_start3A_393 = arith.constant 0 : i32
      %dma_start3A_394 = tpu.memref_slice %arg8[%dma_start3A_392, %dma_start3A_393] : memref<162x128xi32, #tpu.memory_space<vmem>> -> memref<1x128xi32, #tpu.memory_space<vmem>>
      %dma_start3A_395 = tpu.memref_squeeze %dma_start3A_394 : memref<1x128xi32, #tpu.memory_space<vmem>> -> memref<128xi32, #tpu.memory_space<vmem>>
      %dma_start3A_396 = arith.constant 0 : i32
      %dma_start3A_397 = arith.constant 0 : i32
      %dma_start3A_398 = tpu.memref_slice %arg3[%dma_start3A_396, %dma_start3A_397] : memref<10000x64xf32, #tpu.memory_space<hbm>> -> memref<10000x64xf32, #tpu.memory_space<hbm>>
      tpu.enqueue_indirect_dma source(%dma_start3A_398 : memref<10000x64xf32, #tpu.memory_space<hbm>>) target(%arg13 : memref<128x64xf32, #tpu.memory_space<vmem>>) offsets(%dma_start3A_395 : memref<128xi32, #tpu.memory_space<vmem>>) semaphore(%arg20 : memref<!tpu.dma_semaphore, #tpu.memory_space<semaphore_mem>>)
    } else {
    }
    %dma_wait3A = arith.constant 0 : i32
    %dma_wait3A_64 = arith.constant 0 : i32
    %dma_wait3A_65 = tpu.memref_slice %arg8[%dma_wait3A, %dma_wait3A_64] : memref<162x128xi32, #tpu.memory_space<vmem>> -> memref<1x128xi32, #tpu.memory_space<vmem>>
    %dma_wait3A_66 = tpu.memref_squeeze %dma_wait3A_65 : memref<1x128xi32, #tpu.memory_space<vmem>> -> memref<128xi32, #tpu.memory_space<vmem>>
    %dma_wait3A_67 = arith.constant 0 : i32
    %dma_wait3A_68 = arith.constant 0 : i32
    %dma_wait3A_69 = tpu.memref_slice %arg2[%dma_wait3A_67, %dma_wait3A_68] : memref<10000x64xf32, #tpu.memory_space<hbm>> -> memref<10000x64xf32, #tpu.memory_space<hbm>>
    tpu.wait_indirect_dma semaphore(%arg16 : memref<!tpu.dma_semaphore, #tpu.memory_space<semaphore_mem>>) src(%dma_wait3A_69 : memref<10000x64xf32, #tpu.memory_space<hbm>>) dst(%arg9 : memref<128x64xf32, #tpu.memory_space<vmem>>)
    %dma_start3A = arith.constant 0 : i32
    %dma_start3A_70 = arith.constant 0 : i32
    %dma_start3A_71 = tpu.memref_slice %arg7[%dma_start3A, %dma_start3A_70] : memref<162x128xi32, #tpu.memory_space<vmem>> -> memref<1x128xi32, #tpu.memory_space<vmem>>
    %dma_start3A_72 = tpu.memref_squeeze %dma_start3A_71 : memref<1x128xi32, #tpu.memory_space<vmem>> -> memref<128xi32, #tpu.memory_space<vmem>>
    %dma_start3A_73 = arith.constant 0 : i32
    %dma_start3A_74 = arith.constant 0 : i32
    %dma_start3A_75 = tpu.memref_slice %arg15[%dma_start3A_73, %dma_start3A_74] : memref<10112x64xf32, #tpu.memory_space<vmem_shared>> -> memref<10112x64xf32, #tpu.memory_space<vmem_shared>>
    tpu.enqueue_indirect_dma source(%arg9 : memref<128x64xf32, #tpu.memory_space<vmem>>) target(%dma_start3A_75 : memref<10112x64xf32, #tpu.memory_space<vmem_shared>>) offsets(%dma_start3A_72 : memref<128xi32, #tpu.memory_space<vmem>>) semaphore(%arg22 : memref<!tpu.dma_semaphore, #tpu.memory_space<semaphore_mem>>) {add = true}
    %eq3A_76 = arith.constant 0 : i32
    %eq3A_77 = arith.cmpi eq, %arg0, %eq3A_76 : i32
    %convert_element_type3A_78 = arith.extui %eq3A_77 : i1 to i32
    %cond3A_79 = arith.constant 0 : i32
    %cond3A_80 = arith.cmpi ne, %convert_element_type3A_78, %cond3A_79 : i32
    scf.if %cond3A_80 {
      %dma_start3A_392 = arith.constant 5 : i32
      %dma_start3A_393 = arith.constant 0 : i32
      %dma_start3A_394 = tpu.memref_slice %arg8[%dma_start3A_392, %dma_start3A_393] : memref<162x128xi32, #tpu.memory_space<vmem>> -> memref<1x128xi32, #tpu.memory_space<vmem>>
      %dma_start3A_395 = tpu.memref_squeeze %dma_start3A_394 : memref<1x128xi32, #tpu.memory_space<vmem>> -> memref<128xi32, #tpu.memory_space<vmem>>
      %dma_start3A_396 = arith.constant 0 : i32
      %dma_start3A_397 = arith.constant 0 : i32
      %dma_start3A_398 = tpu.memref_slice %arg2[%dma_start3A_396, %dma_start3A_397] : memref<10000x64xf32, #tpu.memory_space<hbm>> -> memref<10000x64xf32, #tpu.memory_space<hbm>>
      tpu.enqueue_indirect_dma source(%dma_start3A_398 : memref<10000x64xf32, #tpu.memory_space<hbm>>) target(%arg14 : memref<128x64xf32, #tpu.memory_space<vmem>>) offsets(%dma_start3A_395 : memref<128xi32, #tpu.memory_space<vmem>>) semaphore(%arg21 : memref<!tpu.dma_semaphore, #tpu.memory_space<semaphore_mem>>)
    } else {
    }
    %eq3A_81 = arith.constant 1 : i32
    %eq3A_82 = arith.cmpi eq, %arg0, %eq3A_81 : i32
    %convert_element_type3A_83 = arith.extui %eq3A_82 : i1 to i32
    %cond3A_84 = arith.constant 0 : i32
    %cond3A_85 = arith.cmpi ne, %convert_element_type3A_83, %cond3A_84 : i32
    scf.if %cond3A_85 {
      %dma_start3A_392 = arith.constant 5 : i32
      %dma_start3A_393 = arith.constant 0 : i32
      %dma_start3A_394 = tpu.memref_slice %arg8[%dma_start3A_392, %dma_start3A_393] : memref<162x128xi32, #tpu.memory_space<vmem>> -> memref<1x128xi32, #tpu.memory_space<vmem>>
      %dma_start3A_395 = tpu.memref_squeeze %dma_start3A_394 : memref<1x128xi32, #tpu.memory_space<vmem>> -> memref<128xi32, #tpu.memory_space<vmem>>
      %dma_start3A_396 = arith.constant 0 : i32
      %dma_start3A_397 = arith.constant 0 : i32
      %dma_start3A_398 = tpu.memref_slice %arg3[%dma_start3A_396, %dma_start3A_397] : memref<10000x64xf32, #tpu.memory_space<hbm>> -> memref<10000x64xf32, #tpu.memory_space<hbm>>
      tpu.enqueue_indirect_dma source(%dma_start3A_398 : memref<10000x64xf32, #tpu.memory_space<hbm>>) target(%arg14 : memref<128x64xf32, #tpu.memory_space<vmem>>) offsets(%dma_start3A_395 : memref<128xi32, #tpu.memory_space<vmem>>) semaphore(%arg21 : memref<!tpu.dma_semaphore, #tpu.memory_space<semaphore_mem>>)
    } else {
    }
    %dma_wait3A_86 = arith.constant 0 : i32
    %dma_wait3A_87 = arith.constant 0 : i32
    %dma_wait3A_88 = tpu.memref_slice %arg8[%dma_wait3A_86, %dma_wait3A_87] : memref<162x128xi32, #tpu.memory_space<vmem>> -> memref<1x128xi32, #tpu.memory_space<vmem>>
    %dma_wait3A_89 = tpu.memref_squeeze %dma_wait3A_88 : memref<1x128xi32, #tpu.memory_space<vmem>> -> memref<128xi32, #tpu.memory_space<vmem>>
    %dma_wait3A_90 = arith.constant 0 : i32
    %dma_wait3A_91 = arith.constant 0 : i32
    %dma_wait3A_92 = tpu.memref_slice %arg2[%dma_wait3A_90, %dma_wait3A_91] : memref<10000x64xf32, #tpu.memory_space<hbm>> -> memref<10000x64xf32, #tpu.memory_space<hbm>>
    tpu.wait_indirect_dma semaphore(%arg17 : memref<!tpu.dma_semaphore, #tpu.memory_space<semaphore_mem>>) src(%dma_wait3A_92 : memref<10000x64xf32, #tpu.memory_space<hbm>>) dst(%arg10 : memref<128x64xf32, #tpu.memory_space<vmem>>)
    %dma_start3A_93 = arith.constant 1 : i32
    %dma_start3A_94 = arith.constant 0 : i32
    %dma_start3A_95 = tpu.memref_slice %arg7[%dma_start3A_93, %dma_start3A_94] : memref<162x128xi32, #tpu.memory_space<vmem>> -> memref<1x128xi32, #tpu.memory_space<vmem>>
    %dma_start3A_96 = tpu.memref_squeeze %dma_start3A_95 : memref<1x128xi32, #tpu.memory_space<vmem>> -> memref<128xi32, #tpu.memory_space<vmem>>
    %dma_start3A_97 = arith.constant 0 : i32
    %dma_start3A_98 = arith.constant 0 : i32
    %dma_start3A_99 = tpu.memref_slice %arg15[%dma_start3A_97, %dma_start3A_98] : memref<10112x64xf32, #tpu.memory_space<vmem_shared>> -> memref<10112x64xf32, #tpu.memory_space<vmem_shared>>
    tpu.enqueue_indirect_dma source(%arg10 : memref<128x64xf32, #tpu.memory_space<vmem>>) target(%dma_start3A_99 : memref<10112x64xf32, #tpu.memory_space<vmem_shared>>) offsets(%dma_start3A_96 : memref<128xi32, #tpu.memory_space<vmem>>) semaphore(%arg23 : memref<!tpu.dma_semaphore, #tpu.memory_space<semaphore_mem>>) {add = true}
    %dma_wait3A_100 = arith.constant 0 : i32
    %dma_wait3A_101 = arith.constant 0 : i32
    %dma_wait3A_102 = tpu.memref_slice %arg7[%dma_wait3A_100, %dma_wait3A_101] : memref<162x128xi32, #tpu.memory_space<vmem>> -> memref<1x128xi32, #tpu.memory_space<vmem>>
    %dma_wait3A_103 = tpu.memref_squeeze %dma_wait3A_102 : memref<1x128xi32, #tpu.memory_space<vmem>> -> memref<128xi32, #tpu.memory_space<vmem>>
    %dma_wait3A_104 = arith.constant 0 : i32
    %dma_wait3A_105 = arith.constant 0 : i32
    %dma_wait3A_106 = tpu.memref_slice %arg15[%dma_wait3A_104, %dma_wait3A_105] : memref<10112x64xf32, #tpu.memory_space<vmem_shared>> -> memref<10112x64xf32, #tpu.memory_space<vmem_shared>>
    tpu.wait_indirect_dma semaphore(%arg22 : memref<!tpu.dma_semaphore, #tpu.memory_space<semaphore_mem>>) src(%arg9 : memref<128x64xf32, #tpu.memory_space<vmem>>) dst(%dma_wait3A_106 : memref<10112x64xf32, #tpu.memory_space<vmem_shared>>)
    %eq3A_107 = arith.constant 0 : i32
    %eq3A_108 = arith.cmpi eq, %arg0, %eq3A_107 : i32
    %convert_element_type3A_109 = arith.extui %eq3A_108 : i1 to i32
    %cond3A_110 = arith.constant 0 : i32
    %cond3A_111 = arith.cmpi ne, %convert_element_type3A_109, %cond3A_110 : i32
    scf.if %cond3A_111 {
      %dma_start3A_392 = arith.constant 6 : i32
      %dma_start3A_393 = arith.constant 0 : i32
      %dma_start3A_394 = tpu.memref_slice %arg8[%dma_start3A_392, %dma_start3A_393] : memref<162x128xi32, #tpu.memory_space<vmem>> -> memref<1x128xi32, #tpu.memory_space<vmem>>
      %dma_start3A_395 = tpu.memref_squeeze %dma_start3A_394 : memref<1x128xi32, #tpu.memory_space<vmem>> -> memref<128xi32, #tpu.memory_space<vmem>>
      %dma_start3A_396 = arith.constant 0 : i32
      %dma_start3A_397 = arith.constant 0 : i32
      %dma_start3A_398 = tpu.memref_slice %arg2[%dma_start3A_396, %dma_start3A_397] : memref<10000x64xf32, #tpu.memory_space<hbm>> -> memref<10000x64xf32, #tpu.memory_space<hbm>>
      tpu.enqueue_indirect_dma source(%dma_start3A_398 : memref<10000x64xf32, #tpu.memory_space<hbm>>) target(%arg9 : memref<128x64xf32, #tpu.memory_space<vmem>>) offsets(%dma_start3A_395 : memref<128xi32, #tpu.memory_space<vmem>>) semaphore(%arg16 : memref<!tpu.dma_semaphore, #tpu.memory_space<semaphore_mem>>)
    } else {
    }
    %eq3A_112 = arith.constant 1 : i32
    %eq3A_113 = arith.cmpi eq, %arg0, %eq3A_112 : i32
    %convert_element_type3A_114 = arith.extui %eq3A_113 : i1 to i32
    %cond3A_115 = arith.constant 0 : i32
    %cond3A_116 = arith.cmpi ne, %convert_element_type3A_114, %cond3A_115 : i32
    scf.if %cond3A_116 {
      %dma_start3A_392 = arith.constant 6 : i32
      %dma_start3A_393 = arith.constant 0 : i32
      %dma_start3A_394 = tpu.memref_slice %arg8[%dma_start3A_392, %dma_start3A_393] : memref<162x128xi32, #tpu.memory_space<vmem>> -> memref<1x128xi32, #tpu.memory_space<vmem>>
      %dma_start3A_395 = tpu.memref_squeeze %dma_start3A_394 : memref<1x128xi32, #tpu.memory_space<vmem>> -> memref<128xi32, #tpu.memory_space<vmem>>
      %dma_start3A_396 = arith.constant 0 : i32
      %dma_start3A_397 = arith.constant 0 : i32
      %dma_start3A_398 = tpu.memref_slice %arg3[%dma_start3A_396, %dma_start3A_397] : memref<10000x64xf32, #tpu.memory_space<hbm>> -> memref<10000x64xf32, #tpu.memory_space<hbm>>
      tpu.enqueue_indirect_dma source(%dma_start3A_398 : memref<10000x64xf32, #tpu.memory_space<hbm>>) target(%arg9 : memref<128x64xf32, #tpu.memory_space<vmem>>) offsets(%dma_start3A_395 : memref<128xi32, #tpu.memory_space<vmem>>) semaphore(%arg16 : memref<!tpu.dma_semaphore, #tpu.memory_space<semaphore_mem>>)
    } else {
    }
    %dma_wait3A_117 = arith.constant 0 : i32
    %dma_wait3A_118 = arith.constant 0 : i32
    %dma_wait3A_119 = tpu.memref_slice %arg8[%dma_wait3A_117, %dma_wait3A_118] : memref<162x128xi32, #tpu.memory_space<vmem>> -> memref<1x128xi32, #tpu.memory_space<vmem>>
    %dma_wait3A_120 = tpu.memref_squeeze %dma_wait3A_119 : memref<1x128xi32, #tpu.memory_space<vmem>> -> memref<128xi32, #tpu.memory_space<vmem>>
    %dma_wait3A_121 = arith.constant 0 : i32
    %dma_wait3A_122 = arith.constant 0 : i32
    %dma_wait3A_123 = tpu.memref_slice %arg2[%dma_wait3A_121, %dma_wait3A_122] : memref<10000x64xf32, #tpu.memory_space<hbm>> -> memref<10000x64xf32, #tpu.memory_space<hbm>>
    tpu.wait_indirect_dma semaphore(%arg18 : memref<!tpu.dma_semaphore, #tpu.memory_space<semaphore_mem>>) src(%dma_wait3A_123 : memref<10000x64xf32, #tpu.memory_space<hbm>>) dst(%arg11 : memref<128x64xf32, #tpu.memory_space<vmem>>)
    %dma_start3A_124 = arith.constant 2 : i32
    %dma_start3A_125 = arith.constant 0 : i32
    %dma_start3A_126 = tpu.memref_slice %arg7[%dma_start3A_124, %dma_start3A_125] : memref<162x128xi32, #tpu.memory_space<vmem>> -> memref<1x128xi32, #tpu.memory_space<vmem>>
    %dma_start3A_127 = tpu.memref_squeeze %dma_start3A_126 : memref<1x128xi32, #tpu.memory_space<vmem>> -> memref<128xi32, #tpu.memory_space<vmem>>
    %dma_start3A_128 = arith.constant 0 : i32
    %dma_start3A_129 = arith.constant 0 : i32
    %dma_start3A_130 = tpu.memref_slice %arg15[%dma_start3A_128, %dma_start3A_129] : memref<10112x64xf32, #tpu.memory_space<vmem_shared>> -> memref<10112x64xf32, #tpu.memory_space<vmem_shared>>
    tpu.enqueue_indirect_dma source(%arg11 : memref<128x64xf32, #tpu.memory_space<vmem>>) target(%dma_start3A_130 : memref<10112x64xf32, #tpu.memory_space<vmem_shared>>) offsets(%dma_start3A_127 : memref<128xi32, #tpu.memory_space<vmem>>) semaphore(%arg24 : memref<!tpu.dma_semaphore, #tpu.memory_space<semaphore_mem>>) {add = true}
    %dma_wait3A_131 = arith.constant 0 : i32
    %dma_wait3A_132 = arith.constant 0 : i32
    %dma_wait3A_133 = tpu.memref_slice %arg7[%dma_wait3A_131, %dma_wait3A_132] : memref<162x128xi32, #tpu.memory_space<vmem>> -> memref<1x128xi32, #tpu.memory_space<vmem>>
    %dma_wait3A_134 = tpu.memref_squeeze %dma_wait3A_133 : memref<1x128xi32, #tpu.memory_space<vmem>> -> memref<128xi32, #tpu.memory_space<vmem>>
    %dma_wait3A_135 = arith.constant 0 : i32
    %dma_wait3A_136 = arith.constant 0 : i32
    %dma_wait3A_137 = tpu.memref_slice %arg15[%dma_wait3A_135, %dma_wait3A_136] : memref<10112x64xf32, #tpu.memory_space<vmem_shared>> -> memref<10112x64xf32, #tpu.memory_space<vmem_shared>>
    tpu.wait_indirect_dma semaphore(%arg23 : memref<!tpu.dma_semaphore, #tpu.memory_space<semaphore_mem>>) src(%arg10 : memref<128x64xf32, #tpu.memory_space<vmem>>) dst(%dma_wait3A_137 : memref<10112x64xf32, #tpu.memory_space<vmem_shared>>)
    %eq3A_138 = arith.constant 0 : i32
    %eq3A_139 = arith.cmpi eq, %arg0, %eq3A_138 : i32
    %convert_element_type3A_140 = arith.extui %eq3A_139 : i1 to i32
    %cond3A_141 = arith.constant 0 : i32
    %cond3A_142 = arith.cmpi ne, %convert_element_type3A_140, %cond3A_141 : i32
    scf.if %cond3A_142 {
      %dma_start3A_392 = arith.constant 7 : i32
      %dma_start3A_393 = arith.constant 0 : i32
      %dma_start3A_394 = tpu.memref_slice %arg8[%dma_start3A_392, %dma_start3A_393] : memref<162x128xi32, #tpu.memory_space<vmem>> -> memref<1x128xi32, #tpu.memory_space<vmem>>
      %dma_start3A_395 = tpu.memref_squeeze %dma_start3A_394 : memref<1x128xi32, #tpu.memory_space<vmem>> -> memref<128xi32, #tpu.memory_space<vmem>>
      %dma_start3A_396 = arith.constant 0 : i32
      %dma_start3A_397 = arith.constant 0 : i32
      %dma_start3A_398 = tpu.memref_slice %arg2[%dma_start3A_396, %dma_start3A_397] : memref<10000x64xf32, #tpu.memory_space<hbm>> -> memref<10000x64xf32, #tpu.memory_space<hbm>>
      tpu.enqueue_indirect_dma source(%dma_start3A_398 : memref<10000x64xf32, #tpu.memory_space<hbm>>) target(%arg10 : memref<128x64xf32, #tpu.memory_space<vmem>>) offsets(%dma_start3A_395 : memref<128xi32, #tpu.memory_space<vmem>>) semaphore(%arg17 : memref<!tpu.dma_semaphore, #tpu.memory_space<semaphore_mem>>)
    } else {
    }
    %eq3A_143 = arith.constant 1 : i32
    %eq3A_144 = arith.cmpi eq, %arg0, %eq3A_143 : i32
    %convert_element_type3A_145 = arith.extui %eq3A_144 : i1 to i32
    %cond3A_146 = arith.constant 0 : i32
    %cond3A_147 = arith.cmpi ne, %convert_element_type3A_145, %cond3A_146 : i32
    scf.if %cond3A_147 {
      %dma_start3A_392 = arith.constant 7 : i32
      %dma_start3A_393 = arith.constant 0 : i32
      %dma_start3A_394 = tpu.memref_slice %arg8[%dma_start3A_392, %dma_start3A_393] : memref<162x128xi32, #tpu.memory_space<vmem>> -> memref<1x128xi32, #tpu.memory_space<vmem>>
      %dma_start3A_395 = tpu.memref_squeeze %dma_start3A_394 : memref<1x128xi32, #tpu.memory_space<vmem>> -> memref<128xi32, #tpu.memory_space<vmem>>
      %dma_start3A_396 = arith.constant 0 : i32
      %dma_start3A_397 = arith.constant 0 : i32
      %dma_start3A_398 = tpu.memref_slice %arg3[%dma_start3A_396, %dma_start3A_397] : memref<10000x64xf32, #tpu.memory_space<hbm>> -> memref<10000x64xf32, #tpu.memory_space<hbm>>
      tpu.enqueue_indirect_dma source(%dma_start3A_398 : memref<10000x64xf32, #tpu.memory_space<hbm>>) target(%arg10 : memref<128x64xf32, #tpu.memory_space<vmem>>) offsets(%dma_start3A_395 : memref<128xi32, #tpu.memory_space<vmem>>) semaphore(%arg17 : memref<!tpu.dma_semaphore, #tpu.memory_space<semaphore_mem>>)
    } else {
    }
    %dma_wait3A_148 = arith.constant 0 : i32
    %dma_wait3A_149 = arith.constant 0 : i32
    %dma_wait3A_150 = tpu.memref_slice %arg8[%dma_wait3A_148, %dma_wait3A_149] : memref<162x128xi32, #tpu.memory_space<vmem>> -> memref<1x128xi32, #tpu.memory_space<vmem>>
    %dma_wait3A_151 = tpu.memref_squeeze %dma_wait3A_150 : memref<1x128xi32, #tpu.memory_space<vmem>> -> memref<128xi32, #tpu.memory_space<vmem>>
    %dma_wait3A_152 = arith.constant 0 : i32
    %dma_wait3A_153 = arith.constant 0 : i32
    %dma_wait3A_154 = tpu.memref_slice %arg2[%dma_wait3A_152, %dma_wait3A_153] : memref<10000x64xf32, #tpu.memory_space<hbm>> -> memref<10000x64xf32, #tpu.memory_space<hbm>>
    tpu.wait_indirect_dma semaphore(%arg19 : memref<!tpu.dma_semaphore, #tpu.memory_space<semaphore_mem>>) src(%dma_wait3A_154 : memref<10000x64xf32, #tpu.memory_space<hbm>>) dst(%arg12 : memref<128x64xf32, #tpu.memory_space<vmem>>)
    %dma_start3A_155 = arith.constant 3 : i32
    %dma_start3A_156 = arith.constant 0 : i32
    %dma_start3A_157 = tpu.memref_slice %arg7[%dma_start3A_155, %dma_start3A_156] : memref<162x128xi32, #tpu.memory_space<vmem>> -> memref<1x128xi32, #tpu.memory_space<vmem>>
    %dma_start3A_158 = tpu.memref_squeeze %dma_start3A_157 : memref<1x128xi32, #tpu.memory_space<vmem>> -> memref<128xi32, #tpu.memory_space<vmem>>
    %dma_start3A_159 = arith.constant 0 : i32
    %dma_start3A_160 = arith.constant 0 : i32
    %dma_start3A_161 = tpu.memref_slice %arg15[%dma_start3A_159, %dma_start3A_160] : memref<10112x64xf32, #tpu.memory_space<vmem_shared>> -> memref<10112x64xf32, #tpu.memory_space<vmem_shared>>
    tpu.enqueue_indirect_dma source(%arg12 : memref<128x64xf32, #tpu.memory_space<vmem>>) target(%dma_start3A_161 : memref<10112x64xf32, #tpu.memory_space<vmem_shared>>) offsets(%dma_start3A_158 : memref<128xi32, #tpu.memory_space<vmem>>) semaphore(%arg25 : memref<!tpu.dma_semaphore, #tpu.memory_space<semaphore_mem>>) {add = true}
    %dma_wait3A_162 = arith.constant 0 : i32
    %dma_wait3A_163 = arith.constant 0 : i32
    %dma_wait3A_164 = tpu.memref_slice %arg7[%dma_wait3A_162, %dma_wait3A_163] : memref<162x128xi32, #tpu.memory_space<vmem>> -> memref<1x128xi32, #tpu.memory_space<vmem>>
    %dma_wait3A_165 = tpu.memref_squeeze %dma_wait3A_164 : memref<1x128xi32, #tpu.memory_space<vmem>> -> memref<128xi32, #tpu.memory_space<vmem>>
    %dma_wait3A_166 = arith.constant 0 : i32
    %dma_wait3A_167 = arith.constant 0 : i32
    %dma_wait3A_168 = tpu.memref_slice %arg15[%dma_wait3A_166, %dma_wait3A_167] : memref<10112x64xf32, #tpu.memory_space<vmem_shared>> -> memref<10112x64xf32, #tpu.memory_space<vmem_shared>>
    tpu.wait_indirect_dma semaphore(%arg24 : memref<!tpu.dma_semaphore, #tpu.memory_space<semaphore_mem>>) src(%arg11 : memref<128x64xf32, #tpu.memory_space<vmem>>) dst(%dma_wait3A_168 : memref<10112x64xf32, #tpu.memory_space<vmem_shared>>)
    %eq3A_169 = arith.constant 0 : i32
    %eq3A_170 = arith.cmpi eq, %arg0, %eq3A_169 : i32
    %convert_element_type3A_171 = arith.extui %eq3A_170 : i1 to i32
    %cond3A_172 = arith.constant 0 : i32
    %cond3A_173 = arith.cmpi ne, %convert_element_type3A_171, %cond3A_172 : i32
    scf.if %cond3A_173 {
      %dma_start3A_392 = arith.constant 8 : i32
      %dma_start3A_393 = arith.constant 0 : i32
      %dma_start3A_394 = tpu.memref_slice %arg8[%dma_start3A_392, %dma_start3A_393] : memref<162x128xi32, #tpu.memory_space<vmem>> -> memref<1x128xi32, #tpu.memory_space<vmem>>
      %dma_start3A_395 = tpu.memref_squeeze %dma_start3A_394 : memref<1x128xi32, #tpu.memory_space<vmem>> -> memref<128xi32, #tpu.memory_space<vmem>>
      %dma_start3A_396 = arith.constant 0 : i32
      %dma_start3A_397 = arith.constant 0 : i32
      %dma_start3A_398 = tpu.memref_slice %arg2[%dma_start3A_396, %dma_start3A_397] : memref<10000x64xf32, #tpu.memory_space<hbm>> -> memref<10000x64xf32, #tpu.memory_space<hbm>>
      tpu.enqueue_indirect_dma source(%dma_start3A_398 : memref<10000x64xf32, #tpu.memory_space<hbm>>) target(%arg11 : memref<128x64xf32, #tpu.memory_space<vmem>>) offsets(%dma_start3A_395 : memref<128xi32, #tpu.memory_space<vmem>>) semaphore(%arg18 : memref<!tpu.dma_semaphore, #tpu.memory_space<semaphore_mem>>)
    } else {
    }
    %eq3A_174 = arith.constant 1 : i32
    %eq3A_175 = arith.cmpi eq, %arg0, %eq3A_174 : i32
    %convert_element_type3A_176 = arith.extui %eq3A_175 : i1 to i32
    %cond3A_177 = arith.constant 0 : i32
    %cond3A_178 = arith.cmpi ne, %convert_element_type3A_176, %cond3A_177 : i32
    scf.if %cond3A_178 {
      %dma_start3A_392 = arith.constant 8 : i32
      %dma_start3A_393 = arith.constant 0 : i32
      %dma_start3A_394 = tpu.memref_slice %arg8[%dma_start3A_392, %dma_start3A_393] : memref<162x128xi32, #tpu.memory_space<vmem>> -> memref<1x128xi32, #tpu.memory_space<vmem>>
      %dma_start3A_395 = tpu.memref_squeeze %dma_start3A_394 : memref<1x128xi32, #tpu.memory_space<vmem>> -> memref<128xi32, #tpu.memory_space<vmem>>
      %dma_start3A_396 = arith.constant 0 : i32
      %dma_start3A_397 = arith.constant 0 : i32
      %dma_start3A_398 = tpu.memref_slice %arg3[%dma_start3A_396, %dma_start3A_397] : memref<10000x64xf32, #tpu.memory_space<hbm>> -> memref<10000x64xf32, #tpu.memory_space<hbm>>
      tpu.enqueue_indirect_dma source(%dma_start3A_398 : memref<10000x64xf32, #tpu.memory_space<hbm>>) target(%arg11 : memref<128x64xf32, #tpu.memory_space<vmem>>) offsets(%dma_start3A_395 : memref<128xi32, #tpu.memory_space<vmem>>) semaphore(%arg18 : memref<!tpu.dma_semaphore, #tpu.memory_space<semaphore_mem>>)
    } else {
    }
    %dma_wait3A_179 = arith.constant 0 : i32
    %dma_wait3A_180 = arith.constant 0 : i32
    %dma_wait3A_181 = tpu.memref_slice %arg8[%dma_wait3A_179, %dma_wait3A_180] : memref<162x128xi32, #tpu.memory_space<vmem>> -> memref<1x128xi32, #tpu.memory_space<vmem>>
    %dma_wait3A_182 = tpu.memref_squeeze %dma_wait3A_181 : memref<1x128xi32, #tpu.memory_space<vmem>> -> memref<128xi32, #tpu.memory_space<vmem>>
    %dma_wait3A_183 = arith.constant 0 : i32
    %dma_wait3A_184 = arith.constant 0 : i32
    %dma_wait3A_185 = tpu.memref_slice %arg2[%dma_wait3A_183, %dma_wait3A_184] : memref<10000x64xf32, #tpu.memory_space<hbm>> -> memref<10000x64xf32, #tpu.memory_space<hbm>>
    tpu.wait_indirect_dma semaphore(%arg20 : memref<!tpu.dma_semaphore, #tpu.memory_space<semaphore_mem>>) src(%dma_wait3A_185 : memref<10000x64xf32, #tpu.memory_space<hbm>>) dst(%arg13 : memref<128x64xf32, #tpu.memory_space<vmem>>)
    %dma_start3A_186 = arith.constant 4 : i32
    %dma_start3A_187 = arith.constant 0 : i32
    %dma_start3A_188 = tpu.memref_slice %arg7[%dma_start3A_186, %dma_start3A_187] : memref<162x128xi32, #tpu.memory_space<vmem>> -> memref<1x128xi32, #tpu.memory_space<vmem>>
    %dma_start3A_189 = tpu.memref_squeeze %dma_start3A_188 : memref<1x128xi32, #tpu.memory_space<vmem>> -> memref<128xi32, #tpu.memory_space<vmem>>
    %dma_start3A_190 = arith.constant 0 : i32
    %dma_start3A_191 = arith.constant 0 : i32
    %dma_start3A_192 = tpu.memref_slice %arg15[%dma_start3A_190, %dma_start3A_191] : memref<10112x64xf32, #tpu.memory_space<vmem_shared>> -> memref<10112x64xf32, #tpu.memory_space<vmem_shared>>
    tpu.enqueue_indirect_dma source(%arg13 : memref<128x64xf32, #tpu.memory_space<vmem>>) target(%dma_start3A_192 : memref<10112x64xf32, #tpu.memory_space<vmem_shared>>) offsets(%dma_start3A_189 : memref<128xi32, #tpu.memory_space<vmem>>) semaphore(%arg26 : memref<!tpu.dma_semaphore, #tpu.memory_space<semaphore_mem>>) {add = true}
    %dma_wait3A_193 = arith.constant 0 : i32
    %dma_wait3A_194 = arith.constant 0 : i32
    %dma_wait3A_195 = tpu.memref_slice %arg7[%dma_wait3A_193, %dma_wait3A_194] : memref<162x128xi32, #tpu.memory_space<vmem>> -> memref<1x128xi32, #tpu.memory_space<vmem>>
    %dma_wait3A_196 = tpu.memref_squeeze %dma_wait3A_195 : memref<1x128xi32, #tpu.memory_space<vmem>> -> memref<128xi32, #tpu.memory_space<vmem>>
    %dma_wait3A_197 = arith.constant 0 : i32
    %dma_wait3A_198 = arith.constant 0 : i32
    %dma_wait3A_199 = tpu.memref_slice %arg15[%dma_wait3A_197, %dma_wait3A_198] : memref<10112x64xf32, #tpu.memory_space<vmem_shared>> -> memref<10112x64xf32, #tpu.memory_space<vmem_shared>>
    tpu.wait_indirect_dma semaphore(%arg25 : memref<!tpu.dma_semaphore, #tpu.memory_space<semaphore_mem>>) src(%arg12 : memref<128x64xf32, #tpu.memory_space<vmem>>) dst(%dma_wait3A_199 : memref<10112x64xf32, #tpu.memory_space<vmem_shared>>)
    %eq3A_200 = arith.constant 0 : i32
    %eq3A_201 = arith.cmpi eq, %arg0, %eq3A_200 : i32
    %convert_element_type3A_202 = arith.extui %eq3A_201 : i1 to i32
    %cond3A_203 = arith.constant 0 : i32
    %cond3A_204 = arith.cmpi ne, %convert_element_type3A_202, %cond3A_203 : i32
    scf.if %cond3A_204 {
      %dma_start3A_392 = arith.constant 9 : i32
      %dma_start3A_393 = arith.constant 0 : i32
      %dma_start3A_394 = tpu.memref_slice %arg8[%dma_start3A_392, %dma_start3A_393] : memref<162x128xi32, #tpu.memory_space<vmem>> -> memref<1x128xi32, #tpu.memory_space<vmem>>
      %dma_start3A_395 = tpu.memref_squeeze %dma_start3A_394 : memref<1x128xi32, #tpu.memory_space<vmem>> -> memref<128xi32, #tpu.memory_space<vmem>>
      %dma_start3A_396 = arith.constant 0 : i32
      %dma_start3A_397 = arith.constant 0 : i32
      %dma_start3A_398 = tpu.memref_slice %arg2[%dma_start3A_396, %dma_start3A_397] : memref<10000x64xf32, #tpu.memory_space<hbm>> -> memref<10000x64xf32, #tpu.memory_space<hbm>>
      tpu.enqueue_indirect_dma source(%dma_start3A_398 : memref<10000x64xf32, #tpu.memory_space<hbm>>) target(%arg12 : memref<128x64xf32, #tpu.memory_space<vmem>>) offsets(%dma_start3A_395 : memref<128xi32, #tpu.memory_space<vmem>>) semaphore(%arg19 : memref<!tpu.dma_semaphore, #tpu.memory_space<semaphore_mem>>)
    } else {
    }
    %eq3A_205 = arith.constant 1 : i32
    %eq3A_206 = arith.cmpi eq, %arg0, %eq3A_205 : i32
    %convert_element_type3A_207 = arith.extui %eq3A_206 : i1 to i32
    %cond3A_208 = arith.constant 0 : i32
    %cond3A_209 = arith.cmpi ne, %convert_element_type3A_207, %cond3A_208 : i32
    scf.if %cond3A_209 {
      %dma_start3A_392 = arith.constant 9 : i32
      %dma_start3A_393 = arith.constant 0 : i32
      %dma_start3A_394 = tpu.memref_slice %arg8[%dma_start3A_392, %dma_start3A_393] : memref<162x128xi32, #tpu.memory_space<vmem>> -> memref<1x128xi32, #tpu.memory_space<vmem>>
      %dma_start3A_395 = tpu.memref_squeeze %dma_start3A_394 : memref<1x128xi32, #tpu.memory_space<vmem>> -> memref<128xi32, #tpu.memory_space<vmem>>
      %dma_start3A_396 = arith.constant 0 : i32
      %dma_start3A_397 = arith.constant 0 : i32
      %dma_start3A_398 = tpu.memref_slice %arg3[%dma_start3A_396, %dma_start3A_397] : memref<10000x64xf32, #tpu.memory_space<hbm>> -> memref<10000x64xf32, #tpu.memory_space<hbm>>
      tpu.enqueue_indirect_dma source(%dma_start3A_398 : memref<10000x64xf32, #tpu.memory_space<hbm>>) target(%arg12 : memref<128x64xf32, #tpu.memory_space<vmem>>) offsets(%dma_start3A_395 : memref<128xi32, #tpu.memory_space<vmem>>) semaphore(%arg19 : memref<!tpu.dma_semaphore, #tpu.memory_space<semaphore_mem>>)
    } else {
    }
    %dma_wait3A_210 = arith.constant 0 : i32
    %dma_wait3A_211 = arith.constant 0 : i32
    %dma_wait3A_212 = tpu.memref_slice %arg8[%dma_wait3A_210, %dma_wait3A_211] : memref<162x128xi32, #tpu.memory_space<vmem>> -> memref<1x128xi32, #tpu.memory_space<vmem>>
    %dma_wait3A_213 = tpu.memref_squeeze %dma_wait3A_212 : memref<1x128xi32, #tpu.memory_space<vmem>> -> memref<128xi32, #tpu.memory_space<vmem>>
    %dma_wait3A_214 = arith.constant 0 : i32
    %dma_wait3A_215 = arith.constant 0 : i32
    %dma_wait3A_216 = tpu.memref_slice %arg2[%dma_wait3A_214, %dma_wait3A_215] : memref<10000x64xf32, #tpu.memory_space<hbm>> -> memref<10000x64xf32, #tpu.memory_space<hbm>>
    tpu.wait_indirect_dma semaphore(%arg21 : memref<!tpu.dma_semaphore, #tpu.memory_space<semaphore_mem>>) src(%dma_wait3A_216 : memref<10000x64xf32, #tpu.memory_space<hbm>>) dst(%arg14 : memref<128x64xf32, #tpu.memory_space<vmem>>)
    %dma_start3A_217 = arith.constant 5 : i32
    %dma_start3A_218 = arith.constant 0 : i32
    %dma_start3A_219 = tpu.memref_slice %arg7[%dma_start3A_217, %dma_start3A_218] : memref<162x128xi32, #tpu.memory_space<vmem>> -> memref<1x128xi32, #tpu.memory_space<vmem>>
    %dma_start3A_220 = tpu.memref_squeeze %dma_start3A_219 : memref<1x128xi32, #tpu.memory_space<vmem>> -> memref<128xi32, #tpu.memory_space<vmem>>
    %dma_start3A_221 = arith.constant 0 : i32
    %dma_start3A_222 = arith.constant 0 : i32
    %dma_start3A_223 = tpu.memref_slice %arg15[%dma_start3A_221, %dma_start3A_222] : memref<10112x64xf32, #tpu.memory_space<vmem_shared>> -> memref<10112x64xf32, #tpu.memory_space<vmem_shared>>
    tpu.enqueue_indirect_dma source(%arg14 : memref<128x64xf32, #tpu.memory_space<vmem>>) target(%dma_start3A_223 : memref<10112x64xf32, #tpu.memory_space<vmem_shared>>) offsets(%dma_start3A_220 : memref<128xi32, #tpu.memory_space<vmem>>) semaphore(%arg27 : memref<!tpu.dma_semaphore, #tpu.memory_space<semaphore_mem>>) {add = true}
    %dma_wait3A_224 = arith.constant 0 : i32
    %dma_wait3A_225 = arith.constant 0 : i32
    %dma_wait3A_226 = tpu.memref_slice %arg7[%dma_wait3A_224, %dma_wait3A_225] : memref<162x128xi32, #tpu.memory_space<vmem>> -> memref<1x128xi32, #tpu.memory_space<vmem>>
    %dma_wait3A_227 = tpu.memref_squeeze %dma_wait3A_226 : memref<1x128xi32, #tpu.memory_space<vmem>> -> memref<128xi32, #tpu.memory_space<vmem>>
    %dma_wait3A_228 = arith.constant 0 : i32
    %dma_wait3A_229 = arith.constant 0 : i32
    %dma_wait3A_230 = tpu.memref_slice %arg15[%dma_wait3A_228, %dma_wait3A_229] : memref<10112x64xf32, #tpu.memory_space<vmem_shared>> -> memref<10112x64xf32, #tpu.memory_space<vmem_shared>>
    tpu.wait_indirect_dma semaphore(%arg26 : memref<!tpu.dma_semaphore, #tpu.memory_space<semaphore_mem>>) src(%arg13 : memref<128x64xf32, #tpu.memory_space<vmem>>) dst(%dma_wait3A_230 : memref<10112x64xf32, #tpu.memory_space<vmem_shared>>)
    %eq3A_231 = arith.constant 0 : i32
    %eq3A_232 = arith.cmpi eq, %arg0, %eq3A_231 : i32
    %convert_element_type3A_233 = arith.extui %eq3A_232 : i1 to i32
    %cond3A_234 = arith.constant 0 : i32
    %cond3A_235 = arith.cmpi ne, %convert_element_type3A_233, %cond3A_234 : i32
    scf.if %cond3A_235 {
      %dma_start3A_392 = arith.constant 10 : i32
      %dma_start3A_393 = arith.constant 0 : i32
      %dma_start3A_394 = tpu.memref_slice %arg8[%dma_start3A_392, %dma_start3A_393] : memref<162x128xi32, #tpu.memory_space<vmem>> -> memref<1x128xi32, #tpu.memory_space<vmem>>
      %dma_start3A_395 = tpu.memref_squeeze %dma_start3A_394 : memref<1x128xi32, #tpu.memory_space<vmem>> -> memref<128xi32, #tpu.memory_space<vmem>>
      %dma_start3A_396 = arith.constant 0 : i32
      %dma_start3A_397 = arith.constant 0 : i32
      %dma_start3A_398 = tpu.memref_slice %arg2[%dma_start3A_396, %dma_start3A_397] : memref<10000x64xf32, #tpu.memory_space<hbm>> -> memref<10000x64xf32, #tpu.memory_space<hbm>>
      tpu.enqueue_indirect_dma source(%dma_start3A_398 : memref<10000x64xf32, #tpu.memory_space<hbm>>) target(%arg13 : memref<128x64xf32, #tpu.memory_space<vmem>>) offsets(%dma_start3A_395 : memref<128xi32, #tpu.memory_space<vmem>>) semaphore(%arg20 : memref<!tpu.dma_semaphore, #tpu.memory_space<semaphore_mem>>)
    } else {
    }
    %eq3A_236 = arith.constant 1 : i32
    %eq3A_237 = arith.cmpi eq, %arg0, %eq3A_236 : i32
    %convert_element_type3A_238 = arith.extui %eq3A_237 : i1 to i32
    %cond3A_239 = arith.constant 0 : i32
    %cond3A_240 = arith.cmpi ne, %convert_element_type3A_238, %cond3A_239 : i32
    scf.if %cond3A_240 {
      %dma_start3A_392 = arith.constant 10 : i32
      %dma_start3A_393 = arith.constant 0 : i32
      %dma_start3A_394 = tpu.memref_slice %arg8[%dma_start3A_392, %dma_start3A_393] : memref<162x128xi32, #tpu.memory_space<vmem>> -> memref<1x128xi32, #tpu.memory_space<vmem>>
      %dma_start3A_395 = tpu.memref_squeeze %dma_start3A_394 : memref<1x128xi32, #tpu.memory_space<vmem>> -> memref<128xi32, #tpu.memory_space<vmem>>
      %dma_start3A_396 = arith.constant 0 : i32
      %dma_start3A_397 = arith.constant 0 : i32
      %dma_start3A_398 = tpu.memref_slice %arg3[%dma_start3A_396, %dma_start3A_397] : memref<10000x64xf32, #tpu.memory_space<hbm>> -> memref<10000x64xf32, #tpu.memory_space<hbm>>
      tpu.enqueue_indirect_dma source(%dma_start3A_398 : memref<10000x64xf32, #tpu.memory_space<hbm>>) target(%arg13 : memref<128x64xf32, #tpu.memory_space<vmem>>) offsets(%dma_start3A_395 : memref<128xi32, #tpu.memory_space<vmem>>) semaphore(%arg20 : memref<!tpu.dma_semaphore, #tpu.memory_space<semaphore_mem>>)
    } else {
    }
    %scan3A_241 = arith.constant 0 : i32
    %scan3A_242 = arith.constant 1 : i32
    %scan3A_243 = arith.constant 25 : i32
    %scan3A_244 = arith.addi %scan3A_242, %scan3A_243 : i32
    %scan3A_245 = arith.constant 1 : i32
    %scan3A_246 = scf.for %scan3A_392 = %scan3A_242 to %scan3A_244 step %scan3A_245 iter_args(%scan3A_393 = %scan3A_241) -> (i32)  : i32 {
      %mul3A_394 = arith.constant 6 : i32
      %mul3A_395 = arith.muli %mul3A_394, %scan3A_392 : i32
      %add3A_396 = arith.constant 0 : i32
      %add3A_397 = arith.addi %mul3A_395, %add3A_396 : i32
      %dma_wait3A_398 = arith.constant 0 : i32
      %dma_wait3A_399 = arith.constant 0 : i32
      %dma_wait3A_400 = tpu.memref_slice %arg8[%dma_wait3A_398, %dma_wait3A_399] : memref<162x128xi32, #tpu.memory_space<vmem>> -> memref<1x128xi32, #tpu.memory_space<vmem>>
      %dma_wait3A_401 = tpu.memref_squeeze %dma_wait3A_400 : memref<1x128xi32, #tpu.memory_space<vmem>> -> memref<128xi32, #tpu.memory_space<vmem>>
      %dma_wait3A_402 = arith.constant 0 : i32
      %dma_wait3A_403 = arith.constant 0 : i32
      %dma_wait3A_404 = tpu.memref_slice %arg2[%dma_wait3A_402, %dma_wait3A_403] : memref<10000x64xf32, #tpu.memory_space<hbm>> -> memref<10000x64xf32, #tpu.memory_space<hbm>>
      tpu.wait_indirect_dma semaphore(%arg16 : memref<!tpu.dma_semaphore, #tpu.memory_space<semaphore_mem>>) src(%dma_wait3A_404 : memref<10000x64xf32, #tpu.memory_space<hbm>>) dst(%arg9 : memref<128x64xf32, #tpu.memory_space<vmem>>)
      %dma_start3A_405 = arith.constant 0 : i32
      %dma_start3A_406 = tpu.memref_slice %arg7[%add3A_397, %dma_start3A_405] : memref<162x128xi32, #tpu.memory_space<vmem>> -> memref<1x128xi32, #tpu.memory_space<vmem>>
      %dma_start3A_407 = tpu.memref_squeeze %dma_start3A_406 : memref<1x128xi32, #tpu.memory_space<vmem>> -> memref<128xi32, #tpu.memory_space<vmem>>
      %dma_start3A_408 = arith.constant 0 : i32
      %dma_start3A_409 = arith.constant 0 : i32
      %dma_start3A_410 = tpu.memref_slice %arg15[%dma_start3A_408, %dma_start3A_409] : memref<10112x64xf32, #tpu.memory_space<vmem_shared>> -> memref<10112x64xf32, #tpu.memory_space<vmem_shared>>
      tpu.enqueue_indirect_dma source(%arg9 : memref<128x64xf32, #tpu.memory_space<vmem>>) target(%dma_start3A_410 : memref<10112x64xf32, #tpu.memory_space<vmem_shared>>) offsets(%dma_start3A_407 : memref<128xi32, #tpu.memory_space<vmem>>) semaphore(%arg22 : memref<!tpu.dma_semaphore, #tpu.memory_space<semaphore_mem>>) {add = true}
      %dma_wait3A_411 = arith.constant 0 : i32
      %dma_wait3A_412 = arith.constant 0 : i32
      %dma_wait3A_413 = tpu.memref_slice %arg7[%dma_wait3A_411, %dma_wait3A_412] : memref<162x128xi32, #tpu.memory_space<vmem>> -> memref<1x128xi32, #tpu.memory_space<vmem>>
      %dma_wait3A_414 = tpu.memref_squeeze %dma_wait3A_413 : memref<1x128xi32, #tpu.memory_space<vmem>> -> memref<128xi32, #tpu.memory_space<vmem>>
      %dma_wait3A_415 = arith.constant 0 : i32
      %dma_wait3A_416 = arith.constant 0 : i32
      %dma_wait3A_417 = tpu.memref_slice %arg15[%dma_wait3A_415, %dma_wait3A_416] : memref<10112x64xf32, #tpu.memory_space<vmem_shared>> -> memref<10112x64xf32, #tpu.memory_space<vmem_shared>>
      tpu.wait_indirect_dma semaphore(%arg27 : memref<!tpu.dma_semaphore, #tpu.memory_space<semaphore_mem>>) src(%arg14 : memref<128x64xf32, #tpu.memory_space<vmem>>) dst(%dma_wait3A_417 : memref<10112x64xf32, #tpu.memory_space<vmem_shared>>)
      %add3A_418 = arith.constant 5 : i32
      %add3A_419 = arith.addi %add3A_397, %add3A_418 : i32
      %eq3A_420 = arith.constant 0 : i32
      %eq3A_421 = arith.cmpi eq, %arg0, %eq3A_420 : i32
      %convert_element_type3A_422 = arith.extui %eq3A_421 : i1 to i32
      %cond3A_423 = arith.constant 0 : i32
      %cond3A_424 = arith.cmpi ne, %convert_element_type3A_422, %cond3A_423 : i32
      scf.if %cond3A_424 {
        %dma_start3A_601 = arith.constant 0 : i32
        %dma_start3A_602 = tpu.memref_slice %arg8[%add3A_419, %dma_start3A_601] : memref<162x128xi32, #tpu.memory_space<vmem>> -> memref<1x128xi32, #tpu.memory_space<vmem>>
        %dma_start3A_603 = tpu.memref_squeeze %dma_start3A_602 : memref<1x128xi32, #tpu.memory_space<vmem>> -> memref<128xi32, #tpu.memory_space<vmem>>
        %dma_start3A_604 = arith.constant 0 : i32
        %dma_start3A_605 = arith.constant 0 : i32
        %dma_start3A_606 = tpu.memref_slice %arg2[%dma_start3A_604, %dma_start3A_605] : memref<10000x64xf32, #tpu.memory_space<hbm>> -> memref<10000x64xf32, #tpu.memory_space<hbm>>
        tpu.enqueue_indirect_dma source(%dma_start3A_606 : memref<10000x64xf32, #tpu.memory_space<hbm>>) target(%arg14 : memref<128x64xf32, #tpu.memory_space<vmem>>) offsets(%dma_start3A_603 : memref<128xi32, #tpu.memory_space<vmem>>) semaphore(%arg21 : memref<!tpu.dma_semaphore, #tpu.memory_space<semaphore_mem>>)
      } else {
      }
      %eq3A_425 = arith.constant 1 : i32
      %eq3A_426 = arith.cmpi eq, %arg0, %eq3A_425 : i32
      %convert_element_type3A_427 = arith.extui %eq3A_426 : i1 to i32
      %cond3A_428 = arith.constant 0 : i32
      %cond3A_429 = arith.cmpi ne, %convert_element_type3A_427, %cond3A_428 : i32
      scf.if %cond3A_429 {
        %dma_start3A_601 = arith.constant 0 : i32
        %dma_start3A_602 = tpu.memref_slice %arg8[%add3A_419, %dma_start3A_601] : memref<162x128xi32, #tpu.memory_space<vmem>> -> memref<1x128xi32, #tpu.memory_space<vmem>>
        %dma_start3A_603 = tpu.memref_squeeze %dma_start3A_602 : memref<1x128xi32, #tpu.memory_space<vmem>> -> memref<128xi32, #tpu.memory_space<vmem>>
        %dma_start3A_604 = arith.constant 0 : i32
        %dma_start3A_605 = arith.constant 0 : i32
        %dma_start3A_606 = tpu.memref_slice %arg3[%dma_start3A_604, %dma_start3A_605] : memref<10000x64xf32, #tpu.memory_space<hbm>> -> memref<10000x64xf32, #tpu.memory_space<hbm>>
        tpu.enqueue_indirect_dma source(%dma_start3A_606 : memref<10000x64xf32, #tpu.memory_space<hbm>>) target(%arg14 : memref<128x64xf32, #tpu.memory_space<vmem>>) offsets(%dma_start3A_603 : memref<128xi32, #tpu.memory_space<vmem>>) semaphore(%arg21 : memref<!tpu.dma_semaphore, #tpu.memory_space<semaphore_mem>>)
      } else {
      }
      %add3A_430 = arith.constant 1 : i32
      %add3A_431 = arith.addi %mul3A_395, %add3A_430 : i32
      %dma_wait3A_432 = arith.constant 0 : i32
      %dma_wait3A_433 = arith.constant 0 : i32
      %dma_wait3A_434 = tpu.memref_slice %arg8[%dma_wait3A_432, %dma_wait3A_433] : memref<162x128xi32, #tpu.memory_space<vmem>> -> memref<1x128xi32, #tpu.memory_space<vmem>>
      %dma_wait3A_435 = tpu.memref_squeeze %dma_wait3A_434 : memref<1x128xi32, #tpu.memory_space<vmem>> -> memref<128xi32, #tpu.memory_space<vmem>>
      %dma_wait3A_436 = arith.constant 0 : i32
      %dma_wait3A_437 = arith.constant 0 : i32
      %dma_wait3A_438 = tpu.memref_slice %arg2[%dma_wait3A_436, %dma_wait3A_437] : memref<10000x64xf32, #tpu.memory_space<hbm>> -> memref<10000x64xf32, #tpu.memory_space<hbm>>
      tpu.wait_indirect_dma semaphore(%arg17 : memref<!tpu.dma_semaphore, #tpu.memory_space<semaphore_mem>>) src(%dma_wait3A_438 : memref<10000x64xf32, #tpu.memory_space<hbm>>) dst(%arg10 : memref<128x64xf32, #tpu.memory_space<vmem>>)
      %dma_start3A_439 = arith.constant 0 : i32
      %dma_start3A_440 = tpu.memref_slice %arg7[%add3A_431, %dma_start3A_439] : memref<162x128xi32, #tpu.memory_space<vmem>> -> memref<1x128xi32, #tpu.memory_space<vmem>>
      %dma_start3A_441 = tpu.memref_squeeze %dma_start3A_440 : memref<1x128xi32, #tpu.memory_space<vmem>> -> memref<128xi32, #tpu.memory_space<vmem>>
      %dma_start3A_442 = arith.constant 0 : i32
      %dma_start3A_443 = arith.constant 0 : i32
      %dma_start3A_444 = tpu.memref_slice %arg15[%dma_start3A_442, %dma_start3A_443] : memref<10112x64xf32, #tpu.memory_space<vmem_shared>> -> memref<10112x64xf32, #tpu.memory_space<vmem_shared>>
      tpu.enqueue_indirect_dma source(%arg10 : memref<128x64xf32, #tpu.memory_space<vmem>>) target(%dma_start3A_444 : memref<10112x64xf32, #tpu.memory_space<vmem_shared>>) offsets(%dma_start3A_441 : memref<128xi32, #tpu.memory_space<vmem>>) semaphore(%arg23 : memref<!tpu.dma_semaphore, #tpu.memory_space<semaphore_mem>>) {add = true}
      %dma_wait3A_445 = arith.constant 0 : i32
      %dma_wait3A_446 = arith.constant 0 : i32
      %dma_wait3A_447 = tpu.memref_slice %arg7[%dma_wait3A_445, %dma_wait3A_446] : memref<162x128xi32, #tpu.memory_space<vmem>> -> memref<1x128xi32, #tpu.memory_space<vmem>>
      %dma_wait3A_448 = tpu.memref_squeeze %dma_wait3A_447 : memref<1x128xi32, #tpu.memory_space<vmem>> -> memref<128xi32, #tpu.memory_space<vmem>>
      %dma_wait3A_449 = arith.constant 0 : i32
      %dma_wait3A_450 = arith.constant 0 : i32
      %dma_wait3A_451 = tpu.memref_slice %arg15[%dma_wait3A_449, %dma_wait3A_450] : memref<10112x64xf32, #tpu.memory_space<vmem_shared>> -> memref<10112x64xf32, #tpu.memory_space<vmem_shared>>
      tpu.wait_indirect_dma semaphore(%arg22 : memref<!tpu.dma_semaphore, #tpu.memory_space<semaphore_mem>>) src(%arg9 : memref<128x64xf32, #tpu.memory_space<vmem>>) dst(%dma_wait3A_451 : memref<10112x64xf32, #tpu.memory_space<vmem_shared>>)
      %add3A_452 = arith.constant 5 : i32
      %add3A_453 = arith.addi %add3A_431, %add3A_452 : i32
      %eq3A_454 = arith.constant 0 : i32
      %eq3A_455 = arith.cmpi eq, %arg0, %eq3A_454 : i32
      %convert_element_type3A_456 = arith.extui %eq3A_455 : i1 to i32
      %cond3A_457 = arith.constant 0 : i32
      %cond3A_458 = arith.cmpi ne, %convert_element_type3A_456, %cond3A_457 : i32
      scf.if %cond3A_458 {
        %dma_start3A_601 = arith.constant 0 : i32
        %dma_start3A_602 = tpu.memref_slice %arg8[%add3A_453, %dma_start3A_601] : memref<162x128xi32, #tpu.memory_space<vmem>> -> memref<1x128xi32, #tpu.memory_space<vmem>>
        %dma_start3A_603 = tpu.memref_squeeze %dma_start3A_602 : memref<1x128xi32, #tpu.memory_space<vmem>> -> memref<128xi32, #tpu.memory_space<vmem>>
        %dma_start3A_604 = arith.constant 0 : i32
        %dma_start3A_605 = arith.constant 0 : i32
        %dma_start3A_606 = tpu.memref_slice %arg2[%dma_start3A_604, %dma_start3A_605] : memref<10000x64xf32, #tpu.memory_space<hbm>> -> memref<10000x64xf32, #tpu.memory_space<hbm>>
        tpu.enqueue_indirect_dma source(%dma_start3A_606 : memref<10000x64xf32, #tpu.memory_space<hbm>>) target(%arg9 : memref<128x64xf32, #tpu.memory_space<vmem>>) offsets(%dma_start3A_603 : memref<128xi32, #tpu.memory_space<vmem>>) semaphore(%arg16 : memref<!tpu.dma_semaphore, #tpu.memory_space<semaphore_mem>>)
      } else {
      }
      %eq3A_459 = arith.constant 1 : i32
      %eq3A_460 = arith.cmpi eq, %arg0, %eq3A_459 : i32
      %convert_element_type3A_461 = arith.extui %eq3A_460 : i1 to i32
      %cond3A_462 = arith.constant 0 : i32
      %cond3A_463 = arith.cmpi ne, %convert_element_type3A_461, %cond3A_462 : i32
      scf.if %cond3A_463 {
        %dma_start3A_601 = arith.constant 0 : i32
        %dma_start3A_602 = tpu.memref_slice %arg8[%add3A_453, %dma_start3A_601] : memref<162x128xi32, #tpu.memory_space<vmem>> -> memref<1x128xi32, #tpu.memory_space<vmem>>
        %dma_start3A_603 = tpu.memref_squeeze %dma_start3A_602 : memref<1x128xi32, #tpu.memory_space<vmem>> -> memref<128xi32, #tpu.memory_space<vmem>>
        %dma_start3A_604 = arith.constant 0 : i32
        %dma_start3A_605 = arith.constant 0 : i32
        %dma_start3A_606 = tpu.memref_slice %arg3[%dma_start3A_604, %dma_start3A_605] : memref<10000x64xf32, #tpu.memory_space<hbm>> -> memref<10000x64xf32, #tpu.memory_space<hbm>>
        tpu.enqueue_indirect_dma source(%dma_start3A_606 : memref<10000x64xf32, #tpu.memory_space<hbm>>) target(%arg9 : memref<128x64xf32, #tpu.memory_space<vmem>>) offsets(%dma_start3A_603 : memref<128xi32, #tpu.memory_space<vmem>>) semaphore(%arg16 : memref<!tpu.dma_semaphore, #tpu.memory_space<semaphore_mem>>)
      } else {
      }
      %add3A_464 = arith.constant 2 : i32
      %add3A_465 = arith.addi %mul3A_395, %add3A_464 : i32
      %dma_wait3A_466 = arith.constant 0 : i32
      %dma_wait3A_467 = arith.constant 0 : i32
      %dma_wait3A_468 = tpu.memref_slice %arg8[%dma_wait3A_466, %dma_wait3A_467] : memref<162x128xi32, #tpu.memory_space<vmem>> -> memref<1x128xi32, #tpu.memory_space<vmem>>
      %dma_wait3A_469 = tpu.memref_squeeze %dma_wait3A_468 : memref<1x128xi32, #tpu.memory_space<vmem>> -> memref<128xi32, #tpu.memory_space<vmem>>
      %dma_wait3A_470 = arith.constant 0 : i32
      %dma_wait3A_471 = arith.constant 0 : i32
      %dma_wait3A_472 = tpu.memref_slice %arg2[%dma_wait3A_470, %dma_wait3A_471] : memref<10000x64xf32, #tpu.memory_space<hbm>> -> memref<10000x64xf32, #tpu.memory_space<hbm>>
      tpu.wait_indirect_dma semaphore(%arg18 : memref<!tpu.dma_semaphore, #tpu.memory_space<semaphore_mem>>) src(%dma_wait3A_472 : memref<10000x64xf32, #tpu.memory_space<hbm>>) dst(%arg11 : memref<128x64xf32, #tpu.memory_space<vmem>>)
      %dma_start3A_473 = arith.constant 0 : i32
      %dma_start3A_474 = tpu.memref_slice %arg7[%add3A_465, %dma_start3A_473] : memref<162x128xi32, #tpu.memory_space<vmem>> -> memref<1x128xi32, #tpu.memory_space<vmem>>
      %dma_start3A_475 = tpu.memref_squeeze %dma_start3A_474 : memref<1x128xi32, #tpu.memory_space<vmem>> -> memref<128xi32, #tpu.memory_space<vmem>>
      %dma_start3A_476 = arith.constant 0 : i32
      %dma_start3A_477 = arith.constant 0 : i32
      %dma_start3A_478 = tpu.memref_slice %arg15[%dma_start3A_476, %dma_start3A_477] : memref<10112x64xf32, #tpu.memory_space<vmem_shared>> -> memref<10112x64xf32, #tpu.memory_space<vmem_shared>>
      tpu.enqueue_indirect_dma source(%arg11 : memref<128x64xf32, #tpu.memory_space<vmem>>) target(%dma_start3A_478 : memref<10112x64xf32, #tpu.memory_space<vmem_shared>>) offsets(%dma_start3A_475 : memref<128xi32, #tpu.memory_space<vmem>>) semaphore(%arg24 : memref<!tpu.dma_semaphore, #tpu.memory_space<semaphore_mem>>) {add = true}
      %dma_wait3A_479 = arith.constant 0 : i32
      %dma_wait3A_480 = arith.constant 0 : i32
      %dma_wait3A_481 = tpu.memref_slice %arg7[%dma_wait3A_479, %dma_wait3A_480] : memref<162x128xi32, #tpu.memory_space<vmem>> -> memref<1x128xi32, #tpu.memory_space<vmem>>
      %dma_wait3A_482 = tpu.memref_squeeze %dma_wait3A_481 : memref<1x128xi32, #tpu.memory_space<vmem>> -> memref<128xi32, #tpu.memory_space<vmem>>
      %dma_wait3A_483 = arith.constant 0 : i32
      %dma_wait3A_484 = arith.constant 0 : i32
      %dma_wait3A_485 = tpu.memref_slice %arg15[%dma_wait3A_483, %dma_wait3A_484] : memref<10112x64xf32, #tpu.memory_space<vmem_shared>> -> memref<10112x64xf32, #tpu.memory_space<vmem_shared>>
      tpu.wait_indirect_dma semaphore(%arg23 : memref<!tpu.dma_semaphore, #tpu.memory_space<semaphore_mem>>) src(%arg10 : memref<128x64xf32, #tpu.memory_space<vmem>>) dst(%dma_wait3A_485 : memref<10112x64xf32, #tpu.memory_space<vmem_shared>>)
      %add3A_486 = arith.constant 5 : i32
      %add3A_487 = arith.addi %add3A_465, %add3A_486 : i32
      %eq3A_488 = arith.constant 0 : i32
      %eq3A_489 = arith.cmpi eq, %arg0, %eq3A_488 : i32
      %convert_element_type3A_490 = arith.extui %eq3A_489 : i1 to i32
      %cond3A_491 = arith.constant 0 : i32
      %cond3A_492 = arith.cmpi ne, %convert_element_type3A_490, %cond3A_491 : i32
      scf.if %cond3A_492 {
        %dma_start3A_601 = arith.constant 0 : i32
        %dma_start3A_602 = tpu.memref_slice %arg8[%add3A_487, %dma_start3A_601] : memref<162x128xi32, #tpu.memory_space<vmem>> -> memref<1x128xi32, #tpu.memory_space<vmem>>
        %dma_start3A_603 = tpu.memref_squeeze %dma_start3A_602 : memref<1x128xi32, #tpu.memory_space<vmem>> -> memref<128xi32, #tpu.memory_space<vmem>>
        %dma_start3A_604 = arith.constant 0 : i32
        %dma_start3A_605 = arith.constant 0 : i32
        %dma_start3A_606 = tpu.memref_slice %arg2[%dma_start3A_604, %dma_start3A_605] : memref<10000x64xf32, #tpu.memory_space<hbm>> -> memref<10000x64xf32, #tpu.memory_space<hbm>>
        tpu.enqueue_indirect_dma source(%dma_start3A_606 : memref<10000x64xf32, #tpu.memory_space<hbm>>) target(%arg10 : memref<128x64xf32, #tpu.memory_space<vmem>>) offsets(%dma_start3A_603 : memref<128xi32, #tpu.memory_space<vmem>>) semaphore(%arg17 : memref<!tpu.dma_semaphore, #tpu.memory_space<semaphore_mem>>)
      } else {
      }
      %eq3A_493 = arith.constant 1 : i32
      %eq3A_494 = arith.cmpi eq, %arg0, %eq3A_493 : i32
      %convert_element_type3A_495 = arith.extui %eq3A_494 : i1 to i32
      %cond3A_496 = arith.constant 0 : i32
      %cond3A_497 = arith.cmpi ne, %convert_element_type3A_495, %cond3A_496 : i32
      scf.if %cond3A_497 {
        %dma_start3A_601 = arith.constant 0 : i32
        %dma_start3A_602 = tpu.memref_slice %arg8[%add3A_487, %dma_start3A_601] : memref<162x128xi32, #tpu.memory_space<vmem>> -> memref<1x128xi32, #tpu.memory_space<vmem>>
        %dma_start3A_603 = tpu.memref_squeeze %dma_start3A_602 : memref<1x128xi32, #tpu.memory_space<vmem>> -> memref<128xi32, #tpu.memory_space<vmem>>
        %dma_start3A_604 = arith.constant 0 : i32
        %dma_start3A_605 = arith.constant 0 : i32
        %dma_start3A_606 = tpu.memref_slice %arg3[%dma_start3A_604, %dma_start3A_605] : memref<10000x64xf32, #tpu.memory_space<hbm>> -> memref<10000x64xf32, #tpu.memory_space<hbm>>
        tpu.enqueue_indirect_dma source(%dma_start3A_606 : memref<10000x64xf32, #tpu.memory_space<hbm>>) target(%arg10 : memref<128x64xf32, #tpu.memory_space<vmem>>) offsets(%dma_start3A_603 : memref<128xi32, #tpu.memory_space<vmem>>) semaphore(%arg17 : memref<!tpu.dma_semaphore, #tpu.memory_space<semaphore_mem>>)
      } else {
      }
      %add3A_498 = arith.constant 3 : i32
      %add3A_499 = arith.addi %mul3A_395, %add3A_498 : i32
      %dma_wait3A_500 = arith.constant 0 : i32
      %dma_wait3A_501 = arith.constant 0 : i32
      %dma_wait3A_502 = tpu.memref_slice %arg8[%dma_wait3A_500, %dma_wait3A_501] : memref<162x128xi32, #tpu.memory_space<vmem>> -> memref<1x128xi32, #tpu.memory_space<vmem>>
      %dma_wait3A_503 = tpu.memref_squeeze %dma_wait3A_502 : memref<1x128xi32, #tpu.memory_space<vmem>> -> memref<128xi32, #tpu.memory_space<vmem>>
      %dma_wait3A_504 = arith.constant 0 : i32
      %dma_wait3A_505 = arith.constant 0 : i32
      %dma_wait3A_506 = tpu.memref_slice %arg2[%dma_wait3A_504, %dma_wait3A_505] : memref<10000x64xf32, #tpu.memory_space<hbm>> -> memref<10000x64xf32, #tpu.memory_space<hbm>>
      tpu.wait_indirect_dma semaphore(%arg19 : memref<!tpu.dma_semaphore, #tpu.memory_space<semaphore_mem>>) src(%dma_wait3A_506 : memref<10000x64xf32, #tpu.memory_space<hbm>>) dst(%arg12 : memref<128x64xf32, #tpu.memory_space<vmem>>)
      %dma_start3A_507 = arith.constant 0 : i32
      %dma_start3A_508 = tpu.memref_slice %arg7[%add3A_499, %dma_start3A_507] : memref<162x128xi32, #tpu.memory_space<vmem>> -> memref<1x128xi32, #tpu.memory_space<vmem>>
      %dma_start3A_509 = tpu.memref_squeeze %dma_start3A_508 : memref<1x128xi32, #tpu.memory_space<vmem>> -> memref<128xi32, #tpu.memory_space<vmem>>
      %dma_start3A_510 = arith.constant 0 : i32
      %dma_start3A_511 = arith.constant 0 : i32
      %dma_start3A_512 = tpu.memref_slice %arg15[%dma_start3A_510, %dma_start3A_511] : memref<10112x64xf32, #tpu.memory_space<vmem_shared>> -> memref<10112x64xf32, #tpu.memory_space<vmem_shared>>
      tpu.enqueue_indirect_dma source(%arg12 : memref<128x64xf32, #tpu.memory_space<vmem>>) target(%dma_start3A_512 : memref<10112x64xf32, #tpu.memory_space<vmem_shared>>) offsets(%dma_start3A_509 : memref<128xi32, #tpu.memory_space<vmem>>) semaphore(%arg25 : memref<!tpu.dma_semaphore, #tpu.memory_space<semaphore_mem>>) {add = true}
      %dma_wait3A_513 = arith.constant 0 : i32
      %dma_wait3A_514 = arith.constant 0 : i32
      %dma_wait3A_515 = tpu.memref_slice %arg7[%dma_wait3A_513, %dma_wait3A_514] : memref<162x128xi32, #tpu.memory_space<vmem>> -> memref<1x128xi32, #tpu.memory_space<vmem>>
      %dma_wait3A_516 = tpu.memref_squeeze %dma_wait3A_515 : memref<1x128xi32, #tpu.memory_space<vmem>> -> memref<128xi32, #tpu.memory_space<vmem>>
      %dma_wait3A_517 = arith.constant 0 : i32
      %dma_wait3A_518 = arith.constant 0 : i32
      %dma_wait3A_519 = tpu.memref_slice %arg15[%dma_wait3A_517, %dma_wait3A_518] : memref<10112x64xf32, #tpu.memory_space<vmem_shared>> -> memref<10112x64xf32, #tpu.memory_space<vmem_shared>>
      tpu.wait_indirect_dma semaphore(%arg24 : memref<!tpu.dma_semaphore, #tpu.memory_space<semaphore_mem>>) src(%arg11 : memref<128x64xf32, #tpu.memory_space<vmem>>) dst(%dma_wait3A_519 : memref<10112x64xf32, #tpu.memory_space<vmem_shared>>)
      %add3A_520 = arith.constant 5 : i32
      %add3A_521 = arith.addi %add3A_499, %add3A_520 : i32
      %eq3A_522 = arith.constant 0 : i32
      %eq3A_523 = arith.cmpi eq, %arg0, %eq3A_522 : i32
      %convert_element_type3A_524 = arith.extui %eq3A_523 : i1 to i32
      %cond3A_525 = arith.constant 0 : i32
      %cond3A_526 = arith.cmpi ne, %convert_element_type3A_524, %cond3A_525 : i32
      scf.if %cond3A_526 {
        %dma_start3A_601 = arith.constant 0 : i32
        %dma_start3A_602 = tpu.memref_slice %arg8[%add3A_521, %dma_start3A_601] : memref<162x128xi32, #tpu.memory_space<vmem>> -> memref<1x128xi32, #tpu.memory_space<vmem>>
        %dma_start3A_603 = tpu.memref_squeeze %dma_start3A_602 : memref<1x128xi32, #tpu.memory_space<vmem>> -> memref<128xi32, #tpu.memory_space<vmem>>
        %dma_start3A_604 = arith.constant 0 : i32
        %dma_start3A_605 = arith.constant 0 : i32
        %dma_start3A_606 = tpu.memref_slice %arg2[%dma_start3A_604, %dma_start3A_605] : memref<10000x64xf32, #tpu.memory_space<hbm>> -> memref<10000x64xf32, #tpu.memory_space<hbm>>
        tpu.enqueue_indirect_dma source(%dma_start3A_606 : memref<10000x64xf32, #tpu.memory_space<hbm>>) target(%arg11 : memref<128x64xf32, #tpu.memory_space<vmem>>) offsets(%dma_start3A_603 : memref<128xi32, #tpu.memory_space<vmem>>) semaphore(%arg18 : memref<!tpu.dma_semaphore, #tpu.memory_space<semaphore_mem>>)
      } else {
      }
      %eq3A_527 = arith.constant 1 : i32
      %eq3A_528 = arith.cmpi eq, %arg0, %eq3A_527 : i32
      %convert_element_type3A_529 = arith.extui %eq3A_528 : i1 to i32
      %cond3A_530 = arith.constant 0 : i32
      %cond3A_531 = arith.cmpi ne, %convert_element_type3A_529, %cond3A_530 : i32
      scf.if %cond3A_531 {
        %dma_start3A_601 = arith.constant 0 : i32
        %dma_start3A_602 = tpu.memref_slice %arg8[%add3A_521, %dma_start3A_601] : memref<162x128xi32, #tpu.memory_space<vmem>> -> memref<1x128xi32, #tpu.memory_space<vmem>>
        %dma_start3A_603 = tpu.memref_squeeze %dma_start3A_602 : memref<1x128xi32, #tpu.memory_space<vmem>> -> memref<128xi32, #tpu.memory_space<vmem>>
        %dma_start3A_604 = arith.constant 0 : i32
        %dma_start3A_605 = arith.constant 0 : i32
        %dma_start3A_606 = tpu.memref_slice %arg3[%dma_start3A_604, %dma_start3A_605] : memref<10000x64xf32, #tpu.memory_space<hbm>> -> memref<10000x64xf32, #tpu.memory_space<hbm>>
        tpu.enqueue_indirect_dma source(%dma_start3A_606 : memref<10000x64xf32, #tpu.memory_space<hbm>>) target(%arg11 : memref<128x64xf32, #tpu.memory_space<vmem>>) offsets(%dma_start3A_603 : memref<128xi32, #tpu.memory_space<vmem>>) semaphore(%arg18 : memref<!tpu.dma_semaphore, #tpu.memory_space<semaphore_mem>>)
      } else {
      }
      %add3A_532 = arith.constant 4 : i32
      %add3A_533 = arith.addi %mul3A_395, %add3A_532 : i32
      %dma_wait3A_534 = arith.constant 0 : i32
      %dma_wait3A_535 = arith.constant 0 : i32
      %dma_wait3A_536 = tpu.memref_slice %arg8[%dma_wait3A_534, %dma_wait3A_535] : memref<162x128xi32, #tpu.memory_space<vmem>> -> memref<1x128xi32, #tpu.memory_space<vmem>>
      %dma_wait3A_537 = tpu.memref_squeeze %dma_wait3A_536 : memref<1x128xi32, #tpu.memory_space<vmem>> -> memref<128xi32, #tpu.memory_space<vmem>>
      %dma_wait3A_538 = arith.constant 0 : i32
      %dma_wait3A_539 = arith.constant 0 : i32
      %dma_wait3A_540 = tpu.memref_slice %arg2[%dma_wait3A_538, %dma_wait3A_539] : memref<10000x64xf32, #tpu.memory_space<hbm>> -> memref<10000x64xf32, #tpu.memory_space<hbm>>
      tpu.wait_indirect_dma semaphore(%arg20 : memref<!tpu.dma_semaphore, #tpu.memory_space<semaphore_mem>>) src(%dma_wait3A_540 : memref<10000x64xf32, #tpu.memory_space<hbm>>) dst(%arg13 : memref<128x64xf32, #tpu.memory_space<vmem>>)
      %dma_start3A_541 = arith.constant 0 : i32
      %dma_start3A_542 = tpu.memref_slice %arg7[%add3A_533, %dma_start3A_541] : memref<162x128xi32, #tpu.memory_space<vmem>> -> memref<1x128xi32, #tpu.memory_space<vmem>>
      %dma_start3A_543 = tpu.memref_squeeze %dma_start3A_542 : memref<1x128xi32, #tpu.memory_space<vmem>> -> memref<128xi32, #tpu.memory_space<vmem>>
      %dma_start3A_544 = arith.constant 0 : i32
      %dma_start3A_545 = arith.constant 0 : i32
      %dma_start3A_546 = tpu.memref_slice %arg15[%dma_start3A_544, %dma_start3A_545] : memref<10112x64xf32, #tpu.memory_space<vmem_shared>> -> memref<10112x64xf32, #tpu.memory_space<vmem_shared>>
      tpu.enqueue_indirect_dma source(%arg13 : memref<128x64xf32, #tpu.memory_space<vmem>>) target(%dma_start3A_546 : memref<10112x64xf32, #tpu.memory_space<vmem_shared>>) offsets(%dma_start3A_543 : memref<128xi32, #tpu.memory_space<vmem>>) semaphore(%arg26 : memref<!tpu.dma_semaphore, #tpu.memory_space<semaphore_mem>>) {add = true}
      %dma_wait3A_547 = arith.constant 0 : i32
      %dma_wait3A_548 = arith.constant 0 : i32
      %dma_wait3A_549 = tpu.memref_slice %arg7[%dma_wait3A_547, %dma_wait3A_548] : memref<162x128xi32, #tpu.memory_space<vmem>> -> memref<1x128xi32, #tpu.memory_space<vmem>>
      %dma_wait3A_550 = tpu.memref_squeeze %dma_wait3A_549 : memref<1x128xi32, #tpu.memory_space<vmem>> -> memref<128xi32, #tpu.memory_space<vmem>>
      %dma_wait3A_551 = arith.constant 0 : i32
      %dma_wait3A_552 = arith.constant 0 : i32
      %dma_wait3A_553 = tpu.memref_slice %arg15[%dma_wait3A_551, %dma_wait3A_552] : memref<10112x64xf32, #tpu.memory_space<vmem_shared>> -> memref<10112x64xf32, #tpu.memory_space<vmem_shared>>
      tpu.wait_indirect_dma semaphore(%arg25 : memref<!tpu.dma_semaphore, #tpu.memory_space<semaphore_mem>>) src(%arg12 : memref<128x64xf32, #tpu.memory_space<vmem>>) dst(%dma_wait3A_553 : memref<10112x64xf32, #tpu.memory_space<vmem_shared>>)
      %add3A_554 = arith.constant 5 : i32
      %add3A_555 = arith.addi %add3A_533, %add3A_554 : i32
      %eq3A_556 = arith.constant 0 : i32
      %eq3A_557 = arith.cmpi eq, %arg0, %eq3A_556 : i32
      %convert_element_type3A_558 = arith.extui %eq3A_557 : i1 to i32
      %cond3A_559 = arith.constant 0 : i32
      %cond3A_560 = arith.cmpi ne, %convert_element_type3A_558, %cond3A_559 : i32
      scf.if %cond3A_560 {
        %dma_start3A_601 = arith.constant 0 : i32
        %dma_start3A_602 = tpu.memref_slice %arg8[%add3A_555, %dma_start3A_601] : memref<162x128xi32, #tpu.memory_space<vmem>> -> memref<1x128xi32, #tpu.memory_space<vmem>>
        %dma_start3A_603 = tpu.memref_squeeze %dma_start3A_602 : memref<1x128xi32, #tpu.memory_space<vmem>> -> memref<128xi32, #tpu.memory_space<vmem>>
        %dma_start3A_604 = arith.constant 0 : i32
        %dma_start3A_605 = arith.constant 0 : i32
        %dma_start3A_606 = tpu.memref_slice %arg2[%dma_start3A_604, %dma_start3A_605] : memref<10000x64xf32, #tpu.memory_space<hbm>> -> memref<10000x64xf32, #tpu.memory_space<hbm>>
        tpu.enqueue_indirect_dma source(%dma_start3A_606 : memref<10000x64xf32, #tpu.memory_space<hbm>>) target(%arg12 : memref<128x64xf32, #tpu.memory_space<vmem>>) offsets(%dma_start3A_603 : memref<128xi32, #tpu.memory_space<vmem>>) semaphore(%arg19 : memref<!tpu.dma_semaphore, #tpu.memory_space<semaphore_mem>>)
      } else {
      }
      %eq3A_561 = arith.constant 1 : i32
      %eq3A_562 = arith.cmpi eq, %arg0, %eq3A_561 : i32
      %convert_element_type3A_563 = arith.extui %eq3A_562 : i1 to i32
      %cond3A_564 = arith.constant 0 : i32
      %cond3A_565 = arith.cmpi ne, %convert_element_type3A_563, %cond3A_564 : i32
      scf.if %cond3A_565 {
        %dma_start3A_601 = arith.constant 0 : i32
        %dma_start3A_602 = tpu.memref_slice %arg8[%add3A_555, %dma_start3A_601] : memref<162x128xi32, #tpu.memory_space<vmem>> -> memref<1x128xi32, #tpu.memory_space<vmem>>
        %dma_start3A_603 = tpu.memref_squeeze %dma_start3A_602 : memref<1x128xi32, #tpu.memory_space<vmem>> -> memref<128xi32, #tpu.memory_space<vmem>>
        %dma_start3A_604 = arith.constant 0 : i32
        %dma_start3A_605 = arith.constant 0 : i32
        %dma_start3A_606 = tpu.memref_slice %arg3[%dma_start3A_604, %dma_start3A_605] : memref<10000x64xf32, #tpu.memory_space<hbm>> -> memref<10000x64xf32, #tpu.memory_space<hbm>>
        tpu.enqueue_indirect_dma source(%dma_start3A_606 : memref<10000x64xf32, #tpu.memory_space<hbm>>) target(%arg12 : memref<128x64xf32, #tpu.memory_space<vmem>>) offsets(%dma_start3A_603 : memref<128xi32, #tpu.memory_space<vmem>>) semaphore(%arg19 : memref<!tpu.dma_semaphore, #tpu.memory_space<semaphore_mem>>)
      } else {
      }
      %add3A_566 = arith.constant 5 : i32
      %add3A_567 = arith.addi %mul3A_395, %add3A_566 : i32
      %dma_wait3A_568 = arith.constant 0 : i32
      %dma_wait3A_569 = arith.constant 0 : i32
      %dma_wait3A_570 = tpu.memref_slice %arg8[%dma_wait3A_568, %dma_wait3A_569] : memref<162x128xi32, #tpu.memory_space<vmem>> -> memref<1x128xi32, #tpu.memory_space<vmem>>
      %dma_wait3A_571 = tpu.memref_squeeze %dma_wait3A_570 : memref<1x128xi32, #tpu.memory_space<vmem>> -> memref<128xi32, #tpu.memory_space<vmem>>
      %dma_wait3A_572 = arith.constant 0 : i32
      %dma_wait3A_573 = arith.constant 0 : i32
      %dma_wait3A_574 = tpu.memref_slice %arg2[%dma_wait3A_572, %dma_wait3A_573] : memref<10000x64xf32, #tpu.memory_space<hbm>> -> memref<10000x64xf32, #tpu.memory_space<hbm>>
      tpu.wait_indirect_dma semaphore(%arg21 : memref<!tpu.dma_semaphore, #tpu.memory_space<semaphore_mem>>) src(%dma_wait3A_574 : memref<10000x64xf32, #tpu.memory_space<hbm>>) dst(%arg14 : memref<128x64xf32, #tpu.memory_space<vmem>>)
      %dma_start3A_575 = arith.constant 0 : i32
      %dma_start3A_576 = tpu.memref_slice %arg7[%add3A_567, %dma_start3A_575] : memref<162x128xi32, #tpu.memory_space<vmem>> -> memref<1x128xi32, #tpu.memory_space<vmem>>
      %dma_start3A_577 = tpu.memref_squeeze %dma_start3A_576 : memref<1x128xi32, #tpu.memory_space<vmem>> -> memref<128xi32, #tpu.memory_space<vmem>>
      %dma_start3A_578 = arith.constant 0 : i32
      %dma_start3A_579 = arith.constant 0 : i32
      %dma_start3A_580 = tpu.memref_slice %arg15[%dma_start3A_578, %dma_start3A_579] : memref<10112x64xf32, #tpu.memory_space<vmem_shared>> -> memref<10112x64xf32, #tpu.memory_space<vmem_shared>>
      tpu.enqueue_indirect_dma source(%arg14 : memref<128x64xf32, #tpu.memory_space<vmem>>) target(%dma_start3A_580 : memref<10112x64xf32, #tpu.memory_space<vmem_shared>>) offsets(%dma_start3A_577 : memref<128xi32, #tpu.memory_space<vmem>>) semaphore(%arg27 : memref<!tpu.dma_semaphore, #tpu.memory_space<semaphore_mem>>) {add = true}
      %dma_wait3A_581 = arith.constant 0 : i32
      %dma_wait3A_582 = arith.constant 0 : i32
      %dma_wait3A_583 = tpu.memref_slice %arg7[%dma_wait3A_581, %dma_wait3A_582] : memref<162x128xi32, #tpu.memory_space<vmem>> -> memref<1x128xi32, #tpu.memory_space<vmem>>
      %dma_wait3A_584 = tpu.memref_squeeze %dma_wait3A_583 : memref<1x128xi32, #tpu.memory_space<vmem>> -> memref<128xi32, #tpu.memory_space<vmem>>
      %dma_wait3A_585 = arith.constant 0 : i32
      %dma_wait3A_586 = arith.constant 0 : i32
      %dma_wait3A_587 = tpu.memref_slice %arg15[%dma_wait3A_585, %dma_wait3A_586] : memref<10112x64xf32, #tpu.memory_space<vmem_shared>> -> memref<10112x64xf32, #tpu.memory_space<vmem_shared>>
      tpu.wait_indirect_dma semaphore(%arg26 : memref<!tpu.dma_semaphore, #tpu.memory_space<semaphore_mem>>) src(%arg13 : memref<128x64xf32, #tpu.memory_space<vmem>>) dst(%dma_wait3A_587 : memref<10112x64xf32, #tpu.memory_space<vmem_shared>>)
      %add3A_588 = arith.constant 5 : i32
      %add3A_589 = arith.addi %add3A_567, %add3A_588 : i32
      %eq3A_590 = arith.constant 0 : i32
      %eq3A_591 = arith.cmpi eq, %arg0, %eq3A_590 : i32
      %convert_element_type3A_592 = arith.extui %eq3A_591 : i1 to i32
      %cond3A_593 = arith.constant 0 : i32
      %cond3A_594 = arith.cmpi ne, %convert_element_type3A_592, %cond3A_593 : i32
      scf.if %cond3A_594 {
        %dma_start3A_601 = arith.constant 0 : i32
        %dma_start3A_602 = tpu.memref_slice %arg8[%add3A_589, %dma_start3A_601] : memref<162x128xi32, #tpu.memory_space<vmem>> -> memref<1x128xi32, #tpu.memory_space<vmem>>
        %dma_start3A_603 = tpu.memref_squeeze %dma_start3A_602 : memref<1x128xi32, #tpu.memory_space<vmem>> -> memref<128xi32, #tpu.memory_space<vmem>>
        %dma_start3A_604 = arith.constant 0 : i32
        %dma_start3A_605 = arith.constant 0 : i32
        %dma_start3A_606 = tpu.memref_slice %arg2[%dma_start3A_604, %dma_start3A_605] : memref<10000x64xf32, #tpu.memory_space<hbm>> -> memref<10000x64xf32, #tpu.memory_space<hbm>>
        tpu.enqueue_indirect_dma source(%dma_start3A_606 : memref<10000x64xf32, #tpu.memory_space<hbm>>) target(%arg13 : memref<128x64xf32, #tpu.memory_space<vmem>>) offsets(%dma_start3A_603 : memref<128xi32, #tpu.memory_space<vmem>>) semaphore(%arg20 : memref<!tpu.dma_semaphore, #tpu.memory_space<semaphore_mem>>)
      } else {
      }
      %eq3A_595 = arith.constant 1 : i32
      %eq3A_596 = arith.cmpi eq, %arg0, %eq3A_595 : i32
      %convert_element_type3A_597 = arith.extui %eq3A_596 : i1 to i32
      %cond3A_598 = arith.constant 0 : i32
      %cond3A_599 = arith.cmpi ne, %convert_element_type3A_597, %cond3A_598 : i32
      scf.if %cond3A_599 {
        %dma_start3A_601 = arith.constant 0 : i32
        %dma_start3A_602 = tpu.memref_slice %arg8[%add3A_589, %dma_start3A_601] : memref<162x128xi32, #tpu.memory_space<vmem>> -> memref<1x128xi32, #tpu.memory_space<vmem>>
        %dma_start3A_603 = tpu.memref_squeeze %dma_start3A_602 : memref<1x128xi32, #tpu.memory_space<vmem>> -> memref<128xi32, #tpu.memory_space<vmem>>
        %dma_start3A_604 = arith.constant 0 : i32
        %dma_start3A_605 = arith.constant 0 : i32
        %dma_start3A_606 = tpu.memref_slice %arg3[%dma_start3A_604, %dma_start3A_605] : memref<10000x64xf32, #tpu.memory_space<hbm>> -> memref<10000x64xf32, #tpu.memory_space<hbm>>
        tpu.enqueue_indirect_dma source(%dma_start3A_606 : memref<10000x64xf32, #tpu.memory_space<hbm>>) target(%arg13 : memref<128x64xf32, #tpu.memory_space<vmem>>) offsets(%dma_start3A_603 : memref<128xi32, #tpu.memory_space<vmem>>) semaphore(%arg20 : memref<!tpu.dma_semaphore, #tpu.memory_space<semaphore_mem>>)
      } else {
      }
      %scan3A_600 = arith.constant 0 : i32
      scf.yield %scan3A_600 : i32
    }
    %scan3A_247 = arith.constant 25 : i32
    %dma_wait3A_248 = arith.constant 0 : i32
    %dma_wait3A_249 = arith.constant 0 : i32
    %dma_wait3A_250 = tpu.memref_slice %arg8[%dma_wait3A_248, %dma_wait3A_249] : memref<162x128xi32, #tpu.memory_space<vmem>> -> memref<1x128xi32, #tpu.memory_space<vmem>>
    %dma_wait3A_251 = tpu.memref_squeeze %dma_wait3A_250 : memref<1x128xi32, #tpu.memory_space<vmem>> -> memref<128xi32, #tpu.memory_space<vmem>>
    %dma_wait3A_252 = arith.constant 0 : i32
    %dma_wait3A_253 = arith.constant 0 : i32
    %dma_wait3A_254 = tpu.memref_slice %arg2[%dma_wait3A_252, %dma_wait3A_253] : memref<10000x64xf32, #tpu.memory_space<hbm>> -> memref<10000x64xf32, #tpu.memory_space<hbm>>
    tpu.wait_indirect_dma semaphore(%arg16 : memref<!tpu.dma_semaphore, #tpu.memory_space<semaphore_mem>>) src(%dma_wait3A_254 : memref<10000x64xf32, #tpu.memory_space<hbm>>) dst(%arg9 : memref<128x64xf32, #tpu.memory_space<vmem>>)
    %dma_start3A_255 = arith.constant 156 : i32
    %dma_start3A_256 = arith.constant 0 : i32
    %dma_start3A_257 = tpu.memref_slice %arg7[%dma_start3A_255, %dma_start3A_256] : memref<162x128xi32, #tpu.memory_space<vmem>> -> memref<1x128xi32, #tpu.memory_space<vmem>>
    %dma_start3A_258 = tpu.memref_squeeze %dma_start3A_257 : memref<1x128xi32, #tpu.memory_space<vmem>> -> memref<128xi32, #tpu.memory_space<vmem>>
    %dma_start3A_259 = arith.constant 0 : i32
    %dma_start3A_260 = arith.constant 0 : i32
    %dma_start3A_261 = tpu.memref_slice %arg15[%dma_start3A_259, %dma_start3A_260] : memref<10112x64xf32, #tpu.memory_space<vmem_shared>> -> memref<10112x64xf32, #tpu.memory_space<vmem_shared>>
    tpu.enqueue_indirect_dma source(%arg9 : memref<128x64xf32, #tpu.memory_space<vmem>>) target(%dma_start3A_261 : memref<10112x64xf32, #tpu.memory_space<vmem_shared>>) offsets(%dma_start3A_258 : memref<128xi32, #tpu.memory_space<vmem>>) semaphore(%arg22 : memref<!tpu.dma_semaphore, #tpu.memory_space<semaphore_mem>>) {add = true}
    %dma_wait3A_262 = arith.constant 0 : i32
    %dma_wait3A_263 = arith.constant 0 : i32
    %dma_wait3A_264 = tpu.memref_slice %arg7[%dma_wait3A_262, %dma_wait3A_263] : memref<162x128xi32, #tpu.memory_space<vmem>> -> memref<1x128xi32, #tpu.memory_space<vmem>>
    %dma_wait3A_265 = tpu.memref_squeeze %dma_wait3A_264 : memref<1x128xi32, #tpu.memory_space<vmem>> -> memref<128xi32, #tpu.memory_space<vmem>>
    %dma_wait3A_266 = arith.constant 0 : i32
    %dma_wait3A_267 = arith.constant 0 : i32
    %dma_wait3A_268 = tpu.memref_slice %arg15[%dma_wait3A_266, %dma_wait3A_267] : memref<10112x64xf32, #tpu.memory_space<vmem_shared>> -> memref<10112x64xf32, #tpu.memory_space<vmem_shared>>
    tpu.wait_indirect_dma semaphore(%arg27 : memref<!tpu.dma_semaphore, #tpu.memory_space<semaphore_mem>>) src(%arg14 : memref<128x64xf32, #tpu.memory_space<vmem>>) dst(%dma_wait3A_268 : memref<10112x64xf32, #tpu.memory_space<vmem_shared>>)
    %eq3A_269 = arith.constant 0 : i32
    %eq3A_270 = arith.cmpi eq, %arg0, %eq3A_269 : i32
    %convert_element_type3A_271 = arith.extui %eq3A_270 : i1 to i32
    %cond3A_272 = arith.constant 0 : i32
    %cond3A_273 = arith.cmpi ne, %convert_element_type3A_271, %cond3A_272 : i32
    scf.if %cond3A_273 {
      %dma_start3A_392 = arith.constant 161 : i32
      %dma_start3A_393 = arith.constant 0 : i32
      %dma_start3A_394 = tpu.memref_slice %arg8[%dma_start3A_392, %dma_start3A_393] : memref<162x128xi32, #tpu.memory_space<vmem>> -> memref<1x128xi32, #tpu.memory_space<vmem>>
      %dma_start3A_395 = tpu.memref_squeeze %dma_start3A_394 : memref<1x128xi32, #tpu.memory_space<vmem>> -> memref<128xi32, #tpu.memory_space<vmem>>
      %dma_start3A_396 = arith.constant 0 : i32
      %dma_start3A_397 = arith.constant 0 : i32
      %dma_start3A_398 = tpu.memref_slice %arg2[%dma_start3A_396, %dma_start3A_397] : memref<10000x64xf32, #tpu.memory_space<hbm>> -> memref<10000x64xf32, #tpu.memory_space<hbm>>
      tpu.enqueue_indirect_dma source(%dma_start3A_398 : memref<10000x64xf32, #tpu.memory_space<hbm>>) target(%arg14 : memref<128x64xf32, #tpu.memory_space<vmem>>) offsets(%dma_start3A_395 : memref<128xi32, #tpu.memory_space<vmem>>) semaphore(%arg21 : memref<!tpu.dma_semaphore, #tpu.memory_space<semaphore_mem>>)
    } else {
    }
    %eq3A_274 = arith.constant 1 : i32
    %eq3A_275 = arith.cmpi eq, %arg0, %eq3A_274 : i32
    %convert_element_type3A_276 = arith.extui %eq3A_275 : i1 to i32
    %cond3A_277 = arith.constant 0 : i32
    %cond3A_278 = arith.cmpi ne, %convert_element_type3A_276, %cond3A_277 : i32
    scf.if %cond3A_278 {
      %dma_start3A_392 = arith.constant 161 : i32
      %dma_start3A_393 = arith.constant 0 : i32
      %dma_start3A_394 = tpu.memref_slice %arg8[%dma_start3A_392, %dma_start3A_393] : memref<162x128xi32, #tpu.memory_space<vmem>> -> memref<1x128xi32, #tpu.memory_space<vmem>>
      %dma_start3A_395 = tpu.memref_squeeze %dma_start3A_394 : memref<1x128xi32, #tpu.memory_space<vmem>> -> memref<128xi32, #tpu.memory_space<vmem>>
      %dma_start3A_396 = arith.constant 0 : i32
      %dma_start3A_397 = arith.constant 0 : i32
      %dma_start3A_398 = tpu.memref_slice %arg3[%dma_start3A_396, %dma_start3A_397] : memref<10000x64xf32, #tpu.memory_space<hbm>> -> memref<10000x64xf32, #tpu.memory_space<hbm>>
      tpu.enqueue_indirect_dma source(%dma_start3A_398 : memref<10000x64xf32, #tpu.memory_space<hbm>>) target(%arg14 : memref<128x64xf32, #tpu.memory_space<vmem>>) offsets(%dma_start3A_395 : memref<128xi32, #tpu.memory_space<vmem>>) semaphore(%arg21 : memref<!tpu.dma_semaphore, #tpu.memory_space<semaphore_mem>>)
    } else {
    }
    %dma_wait3A_279 = arith.constant 0 : i32
    %dma_wait3A_280 = arith.constant 0 : i32
    %dma_wait3A_281 = tpu.memref_slice %arg8[%dma_wait3A_279, %dma_wait3A_280] : memref<162x128xi32, #tpu.memory_space<vmem>> -> memref<1x128xi32, #tpu.memory_space<vmem>>
    %dma_wait3A_282 = tpu.memref_squeeze %dma_wait3A_281 : memref<1x128xi32, #tpu.memory_space<vmem>> -> memref<128xi32, #tpu.memory_space<vmem>>
    %dma_wait3A_283 = arith.constant 0 : i32
    %dma_wait3A_284 = arith.constant 0 : i32
    %dma_wait3A_285 = tpu.memref_slice %arg2[%dma_wait3A_283, %dma_wait3A_284] : memref<10000x64xf32, #tpu.memory_space<hbm>> -> memref<10000x64xf32, #tpu.memory_space<hbm>>
    tpu.wait_indirect_dma semaphore(%arg17 : memref<!tpu.dma_semaphore, #tpu.memory_space<semaphore_mem>>) src(%dma_wait3A_285 : memref<10000x64xf32, #tpu.memory_space<hbm>>) dst(%arg10 : memref<128x64xf32, #tpu.memory_space<vmem>>)
    %dma_start3A_286 = arith.constant 157 : i32
    %dma_start3A_287 = arith.constant 0 : i32
    %dma_start3A_288 = tpu.memref_slice %arg7[%dma_start3A_286, %dma_start3A_287] : memref<162x128xi32, #tpu.memory_space<vmem>> -> memref<1x128xi32, #tpu.memory_space<vmem>>
    %dma_start3A_289 = tpu.memref_squeeze %dma_start3A_288 : memref<1x128xi32, #tpu.memory_space<vmem>> -> memref<128xi32, #tpu.memory_space<vmem>>
    %dma_start3A_290 = arith.constant 0 : i32
    %dma_start3A_291 = arith.constant 0 : i32
    %dma_start3A_292 = tpu.memref_slice %arg15[%dma_start3A_290, %dma_start3A_291] : memref<10112x64xf32, #tpu.memory_space<vmem_shared>> -> memref<10112x64xf32, #tpu.memory_space<vmem_shared>>
    tpu.enqueue_indirect_dma source(%arg10 : memref<128x64xf32, #tpu.memory_space<vmem>>) target(%dma_start3A_292 : memref<10112x64xf32, #tpu.memory_space<vmem_shared>>) offsets(%dma_start3A_289 : memref<128xi32, #tpu.memory_space<vmem>>) semaphore(%arg23 : memref<!tpu.dma_semaphore, #tpu.memory_space<semaphore_mem>>) {add = true}
    %dma_wait3A_293 = arith.constant 0 : i32
    %dma_wait3A_294 = arith.constant 0 : i32
    %dma_wait3A_295 = tpu.memref_slice %arg7[%dma_wait3A_293, %dma_wait3A_294] : memref<162x128xi32, #tpu.memory_space<vmem>> -> memref<1x128xi32, #tpu.memory_space<vmem>>
    %dma_wait3A_296 = tpu.memref_squeeze %dma_wait3A_295 : memref<1x128xi32, #tpu.memory_space<vmem>> -> memref<128xi32, #tpu.memory_space<vmem>>
    %dma_wait3A_297 = arith.constant 0 : i32
    %dma_wait3A_298 = arith.constant 0 : i32
    %dma_wait3A_299 = tpu.memref_slice %arg15[%dma_wait3A_297, %dma_wait3A_298] : memref<10112x64xf32, #tpu.memory_space<vmem_shared>> -> memref<10112x64xf32, #tpu.memory_space<vmem_shared>>
    tpu.wait_indirect_dma semaphore(%arg22 : memref<!tpu.dma_semaphore, #tpu.memory_space<semaphore_mem>>) src(%arg9 : memref<128x64xf32, #tpu.memory_space<vmem>>) dst(%dma_wait3A_299 : memref<10112x64xf32, #tpu.memory_space<vmem_shared>>)
    %dma_wait3A_300 = arith.constant 0 : i32
    %dma_wait3A_301 = arith.constant 0 : i32
    %dma_wait3A_302 = tpu.memref_slice %arg8[%dma_wait3A_300, %dma_wait3A_301] : memref<162x128xi32, #tpu.memory_space<vmem>> -> memref<1x128xi32, #tpu.memory_space<vmem>>
    %dma_wait3A_303 = tpu.memref_squeeze %dma_wait3A_302 : memref<1x128xi32, #tpu.memory_space<vmem>> -> memref<128xi32, #tpu.memory_space<vmem>>
    %dma_wait3A_304 = arith.constant 0 : i32
    %dma_wait3A_305 = arith.constant 0 : i32
    %dma_wait3A_306 = tpu.memref_slice %arg2[%dma_wait3A_304, %dma_wait3A_305] : memref<10000x64xf32, #tpu.memory_space<hbm>> -> memref<10000x64xf32, #tpu.memory_space<hbm>>
    tpu.wait_indirect_dma semaphore(%arg18 : memref<!tpu.dma_semaphore, #tpu.memory_space<semaphore_mem>>) src(%dma_wait3A_306 : memref<10000x64xf32, #tpu.memory_space<hbm>>) dst(%arg11 : memref<128x64xf32, #tpu.memory_space<vmem>>)
    %dma_start3A_307 = arith.constant 158 : i32
    %dma_start3A_308 = arith.constant 0 : i32
    %dma_start3A_309 = tpu.memref_slice %arg7[%dma_start3A_307, %dma_start3A_308] : memref<162x128xi32, #tpu.memory_space<vmem>> -> memref<1x128xi32, #tpu.memory_space<vmem>>
    %dma_start3A_310 = tpu.memref_squeeze %dma_start3A_309 : memref<1x128xi32, #tpu.memory_space<vmem>> -> memref<128xi32, #tpu.memory_space<vmem>>
    %dma_start3A_311 = arith.constant 0 : i32
    %dma_start3A_312 = arith.constant 0 : i32
    %dma_start3A_313 = tpu.memref_slice %arg15[%dma_start3A_311, %dma_start3A_312] : memref<10112x64xf32, #tpu.memory_space<vmem_shared>> -> memref<10112x64xf32, #tpu.memory_space<vmem_shared>>
    tpu.enqueue_indirect_dma source(%arg11 : memref<128x64xf32, #tpu.memory_space<vmem>>) target(%dma_start3A_313 : memref<10112x64xf32, #tpu.memory_space<vmem_shared>>) offsets(%dma_start3A_310 : memref<128xi32, #tpu.memory_space<vmem>>) semaphore(%arg24 : memref<!tpu.dma_semaphore, #tpu.memory_space<semaphore_mem>>) {add = true}
    %dma_wait3A_314 = arith.constant 0 : i32
    %dma_wait3A_315 = arith.constant 0 : i32
    %dma_wait3A_316 = tpu.memref_slice %arg7[%dma_wait3A_314, %dma_wait3A_315] : memref<162x128xi32, #tpu.memory_space<vmem>> -> memref<1x128xi32, #tpu.memory_space<vmem>>
    %dma_wait3A_317 = tpu.memref_squeeze %dma_wait3A_316 : memref<1x128xi32, #tpu.memory_space<vmem>> -> memref<128xi32, #tpu.memory_space<vmem>>
    %dma_wait3A_318 = arith.constant 0 : i32
    %dma_wait3A_319 = arith.constant 0 : i32
    %dma_wait3A_320 = tpu.memref_slice %arg15[%dma_wait3A_318, %dma_wait3A_319] : memref<10112x64xf32, #tpu.memory_space<vmem_shared>> -> memref<10112x64xf32, #tpu.memory_space<vmem_shared>>
    tpu.wait_indirect_dma semaphore(%arg23 : memref<!tpu.dma_semaphore, #tpu.memory_space<semaphore_mem>>) src(%arg10 : memref<128x64xf32, #tpu.memory_space<vmem>>) dst(%dma_wait3A_320 : memref<10112x64xf32, #tpu.memory_space<vmem_shared>>)
    %dma_wait3A_321 = arith.constant 0 : i32
    %dma_wait3A_322 = arith.constant 0 : i32
    %dma_wait3A_323 = tpu.memref_slice %arg8[%dma_wait3A_321, %dma_wait3A_322] : memref<162x128xi32, #tpu.memory_space<vmem>> -> memref<1x128xi32, #tpu.memory_space<vmem>>
    %dma_wait3A_324 = tpu.memref_squeeze %dma_wait3A_323 : memref<1x128xi32, #tpu.memory_space<vmem>> -> memref<128xi32, #tpu.memory_space<vmem>>
    %dma_wait3A_325 = arith.constant 0 : i32
    %dma_wait3A_326 = arith.constant 0 : i32
    %dma_wait3A_327 = tpu.memref_slice %arg2[%dma_wait3A_325, %dma_wait3A_326] : memref<10000x64xf32, #tpu.memory_space<hbm>> -> memref<10000x64xf32, #tpu.memory_space<hbm>>
    tpu.wait_indirect_dma semaphore(%arg19 : memref<!tpu.dma_semaphore, #tpu.memory_space<semaphore_mem>>) src(%dma_wait3A_327 : memref<10000x64xf32, #tpu.memory_space<hbm>>) dst(%arg12 : memref<128x64xf32, #tpu.memory_space<vmem>>)
    %dma_start3A_328 = arith.constant 159 : i32
    %dma_start3A_329 = arith.constant 0 : i32
    %dma_start3A_330 = tpu.memref_slice %arg7[%dma_start3A_328, %dma_start3A_329] : memref<162x128xi32, #tpu.memory_space<vmem>> -> memref<1x128xi32, #tpu.memory_space<vmem>>
    %dma_start3A_331 = tpu.memref_squeeze %dma_start3A_330 : memref<1x128xi32, #tpu.memory_space<vmem>> -> memref<128xi32, #tpu.memory_space<vmem>>
    %dma_start3A_332 = arith.constant 0 : i32
    %dma_start3A_333 = arith.constant 0 : i32
    %dma_start3A_334 = tpu.memref_slice %arg15[%dma_start3A_332, %dma_start3A_333] : memref<10112x64xf32, #tpu.memory_space<vmem_shared>> -> memref<10112x64xf32, #tpu.memory_space<vmem_shared>>
    tpu.enqueue_indirect_dma source(%arg12 : memref<128x64xf32, #tpu.memory_space<vmem>>) target(%dma_start3A_334 : memref<10112x64xf32, #tpu.memory_space<vmem_shared>>) offsets(%dma_start3A_331 : memref<128xi32, #tpu.memory_space<vmem>>) semaphore(%arg25 : memref<!tpu.dma_semaphore, #tpu.memory_space<semaphore_mem>>) {add = true}
    %dma_wait3A_335 = arith.constant 0 : i32
    %dma_wait3A_336 = arith.constant 0 : i32
    %dma_wait3A_337 = tpu.memref_slice %arg7[%dma_wait3A_335, %dma_wait3A_336] : memref<162x128xi32, #tpu.memory_space<vmem>> -> memref<1x128xi32, #tpu.memory_space<vmem>>
    %dma_wait3A_338 = tpu.memref_squeeze %dma_wait3A_337 : memref<1x128xi32, #tpu.memory_space<vmem>> -> memref<128xi32, #tpu.memory_space<vmem>>
    %dma_wait3A_339 = arith.constant 0 : i32
    %dma_wait3A_340 = arith.constant 0 : i32
    %dma_wait3A_341 = tpu.memref_slice %arg15[%dma_wait3A_339, %dma_wait3A_340] : memref<10112x64xf32, #tpu.memory_space<vmem_shared>> -> memref<10112x64xf32, #tpu.memory_space<vmem_shared>>
    tpu.wait_indirect_dma semaphore(%arg24 : memref<!tpu.dma_semaphore, #tpu.memory_space<semaphore_mem>>) src(%arg11 : memref<128x64xf32, #tpu.memory_space<vmem>>) dst(%dma_wait3A_341 : memref<10112x64xf32, #tpu.memory_space<vmem_shared>>)
    %dma_wait3A_342 = arith.constant 0 : i32
    %dma_wait3A_343 = arith.constant 0 : i32
    %dma_wait3A_344 = tpu.memref_slice %arg8[%dma_wait3A_342, %dma_wait3A_343] : memref<162x128xi32, #tpu.memory_space<vmem>> -> memref<1x128xi32, #tpu.memory_space<vmem>>
    %dma_wait3A_345 = tpu.memref_squeeze %dma_wait3A_344 : memref<1x128xi32, #tpu.memory_space<vmem>> -> memref<128xi32, #tpu.memory_space<vmem>>
    %dma_wait3A_346 = arith.constant 0 : i32
    %dma_wait3A_347 = arith.constant 0 : i32
    %dma_wait3A_348 = tpu.memref_slice %arg2[%dma_wait3A_346, %dma_wait3A_347] : memref<10000x64xf32, #tpu.memory_space<hbm>> -> memref<10000x64xf32, #tpu.memory_space<hbm>>
    tpu.wait_indirect_dma semaphore(%arg20 : memref<!tpu.dma_semaphore, #tpu.memory_space<semaphore_mem>>) src(%dma_wait3A_348 : memref<10000x64xf32, #tpu.memory_space<hbm>>) dst(%arg13 : memref<128x64xf32, #tpu.memory_space<vmem>>)
    %dma_start3A_349 = arith.constant 160 : i32
    %dma_start3A_350 = arith.constant 0 : i32
    %dma_start3A_351 = tpu.memref_slice %arg7[%dma_start3A_349, %dma_start3A_350] : memref<162x128xi32, #tpu.memory_space<vmem>> -> memref<1x128xi32, #tpu.memory_space<vmem>>
    %dma_start3A_352 = tpu.memref_squeeze %dma_start3A_351 : memref<1x128xi32, #tpu.memory_space<vmem>> -> memref<128xi32, #tpu.memory_space<vmem>>
    %dma_start3A_353 = arith.constant 0 : i32
    %dma_start3A_354 = arith.constant 0 : i32
    %dma_start3A_355 = tpu.memref_slice %arg15[%dma_start3A_353, %dma_start3A_354] : memref<10112x64xf32, #tpu.memory_space<vmem_shared>> -> memref<10112x64xf32, #tpu.memory_space<vmem_shared>>
    tpu.enqueue_indirect_dma source(%arg13 : memref<128x64xf32, #tpu.memory_space<vmem>>) target(%dma_start3A_355 : memref<10112x64xf32, #tpu.memory_space<vmem_shared>>) offsets(%dma_start3A_352 : memref<128xi32, #tpu.memory_space<vmem>>) semaphore(%arg26 : memref<!tpu.dma_semaphore, #tpu.memory_space<semaphore_mem>>) {add = true}
    %dma_wait3A_356 = arith.constant 0 : i32
    %dma_wait3A_357 = arith.constant 0 : i32
    %dma_wait3A_358 = tpu.memref_slice %arg7[%dma_wait3A_356, %dma_wait3A_357] : memref<162x128xi32, #tpu.memory_space<vmem>> -> memref<1x128xi32, #tpu.memory_space<vmem>>
    %dma_wait3A_359 = tpu.memref_squeeze %dma_wait3A_358 : memref<1x128xi32, #tpu.memory_space<vmem>> -> memref<128xi32, #tpu.memory_space<vmem>>
    %dma_wait3A_360 = arith.constant 0 : i32
    %dma_wait3A_361 = arith.constant 0 : i32
    %dma_wait3A_362 = tpu.memref_slice %arg15[%dma_wait3A_360, %dma_wait3A_361] : memref<10112x64xf32, #tpu.memory_space<vmem_shared>> -> memref<10112x64xf32, #tpu.memory_space<vmem_shared>>
    tpu.wait_indirect_dma semaphore(%arg25 : memref<!tpu.dma_semaphore, #tpu.memory_space<semaphore_mem>>) src(%arg12 : memref<128x64xf32, #tpu.memory_space<vmem>>) dst(%dma_wait3A_362 : memref<10112x64xf32, #tpu.memory_space<vmem_shared>>)
    %dma_wait3A_363 = arith.constant 0 : i32
    %dma_wait3A_364 = arith.constant 0 : i32
    %dma_wait3A_365 = tpu.memref_slice %arg8[%dma_wait3A_363, %dma_wait3A_364] : memref<162x128xi32, #tpu.memory_space<vmem>> -> memref<1x128xi32, #tpu.memory_space<vmem>>
    %dma_wait3A_366 = tpu.memref_squeeze %dma_wait3A_365 : memref<1x128xi32, #tpu.memory_space<vmem>> -> memref<128xi32, #tpu.memory_space<vmem>>
    %dma_wait3A_367 = arith.constant 0 : i32
    %dma_wait3A_368 = arith.constant 0 : i32
    %dma_wait3A_369 = tpu.memref_slice %arg2[%dma_wait3A_367, %dma_wait3A_368] : memref<10000x64xf32, #tpu.memory_space<hbm>> -> memref<10000x64xf32, #tpu.memory_space<hbm>>
    tpu.wait_indirect_dma semaphore(%arg21 : memref<!tpu.dma_semaphore, #tpu.memory_space<semaphore_mem>>) src(%dma_wait3A_369 : memref<10000x64xf32, #tpu.memory_space<hbm>>) dst(%arg14 : memref<128x64xf32, #tpu.memory_space<vmem>>)
    %dma_start3A_370 = arith.constant 161 : i32
    %dma_start3A_371 = arith.constant 0 : i32
    %dma_start3A_372 = tpu.memref_slice %arg7[%dma_start3A_370, %dma_start3A_371] : memref<162x128xi32, #tpu.memory_space<vmem>> -> memref<1x128xi32, #tpu.memory_space<vmem>>
    %dma_start3A_373 = tpu.memref_squeeze %dma_start3A_372 : memref<1x128xi32, #tpu.memory_space<vmem>> -> memref<128xi32, #tpu.memory_space<vmem>>
    %dma_start3A_374 = arith.constant 0 : i32
    %dma_start3A_375 = arith.constant 0 : i32
    %dma_start3A_376 = tpu.memref_slice %arg15[%dma_start3A_374, %dma_start3A_375] : memref<10112x64xf32, #tpu.memory_space<vmem_shared>> -> memref<10112x64xf32, #tpu.memory_space<vmem_shared>>
    tpu.enqueue_indirect_dma source(%arg14 : memref<128x64xf32, #tpu.memory_space<vmem>>) target(%dma_start3A_376 : memref<10112x64xf32, #tpu.memory_space<vmem_shared>>) offsets(%dma_start3A_373 : memref<128xi32, #tpu.memory_space<vmem>>) semaphore(%arg27 : memref<!tpu.dma_semaphore, #tpu.memory_space<semaphore_mem>>) {add = true}
    %dma_wait3A_377 = arith.constant 0 : i32
    %dma_wait3A_378 = arith.constant 0 : i32
    %dma_wait3A_379 = tpu.memref_slice %arg7[%dma_wait3A_377, %dma_wait3A_378] : memref<162x128xi32, #tpu.memory_space<vmem>> -> memref<1x128xi32, #tpu.memory_space<vmem>>
    %dma_wait3A_380 = tpu.memref_squeeze %dma_wait3A_379 : memref<1x128xi32, #tpu.memory_space<vmem>> -> memref<128xi32, #tpu.memory_space<vmem>>
    %dma_wait3A_381 = arith.constant 0 : i32
    %dma_wait3A_382 = arith.constant 0 : i32
    %dma_wait3A_383 = tpu.memref_slice %arg15[%dma_wait3A_381, %dma_wait3A_382] : memref<10112x64xf32, #tpu.memory_space<vmem_shared>> -> memref<10112x64xf32, #tpu.memory_space<vmem_shared>>
    tpu.wait_indirect_dma semaphore(%arg26 : memref<!tpu.dma_semaphore, #tpu.memory_space<semaphore_mem>>) src(%arg13 : memref<128x64xf32, #tpu.memory_space<vmem>>) dst(%dma_wait3A_383 : memref<10112x64xf32, #tpu.memory_space<vmem_shared>>)
    %dma_wait3A_384 = arith.constant 0 : i32
    %dma_wait3A_385 = arith.constant 0 : i32
    %dma_wait3A_386 = tpu.memref_slice %arg7[%dma_wait3A_384, %dma_wait3A_385] : memref<162x128xi32, #tpu.memory_space<vmem>> -> memref<1x128xi32, #tpu.memory_space<vmem>>
    %dma_wait3A_387 = tpu.memref_squeeze %dma_wait3A_386 : memref<1x128xi32, #tpu.memory_space<vmem>> -> memref<128xi32, #tpu.memory_space<vmem>>
    %dma_wait3A_388 = arith.constant 0 : i32
    %dma_wait3A_389 = arith.constant 0 : i32
    %dma_wait3A_390 = tpu.memref_slice %arg15[%dma_wait3A_388, %dma_wait3A_389] : memref<10112x64xf32, #tpu.memory_space<vmem_shared>> -> memref<10112x64xf32, #tpu.memory_space<vmem_shared>>
    tpu.wait_indirect_dma semaphore(%arg27 : memref<!tpu.dma_semaphore, #tpu.memory_space<semaphore_mem>>) src(%arg14 : memref<128x64xf32, #tpu.memory_space<vmem>>) dst(%dma_wait3A_390 : memref<10112x64xf32, #tpu.memory_space<vmem_shared>>)
    %barrier3A_391 = arith.constant 0 : index
    tpu.barrier barrier_id(%barrier3A_391)
    "tpu.region"() ({
      %run_scoped3A = tpu.sem_alloc : memref<!tpu.dma_semaphore, #tpu.memory_space<semaphore_mem>>
      %dma_start3A_392 = arith.constant 0 : i32
      %dma_start3A_393 = tpu.memref_slice %arg6[%arg0, %mul3A_7, %dma_start3A_392] : memref<2x10112x64xf32, #tpu.memory_space<hbm>> -> memref<1x632x64xf32, #tpu.memory_space<hbm>>
      %dma_start3A_394 = tpu.memref_squeeze %dma_start3A_393 : memref<1x632x64xf32, #tpu.memory_space<hbm>> -> memref<632x64xf32, #tpu.memory_space<hbm>>
      %dma_start3A_395 = arith.constant 0 : i32
      %dma_start3A_396 = tpu.memref_slice %arg15[%mul3A_7, %dma_start3A_395] : memref<10112x64xf32, #tpu.memory_space<vmem_shared>> -> memref<632x64xf32, #tpu.memory_space<vmem_shared>>
      tpu.enqueue_dma source(%dma_start3A_396 : memref<632x64xf32, #tpu.memory_space<vmem_shared>>) target(%dma_start3A_394 : memref<632x64xf32, #tpu.memory_space<hbm>>) target_semaphore(%run_scoped3A : memref<!tpu.dma_semaphore, #tpu.memory_space<semaphore_mem>>)
      %dma_wait3A_397 = arith.constant 0 : i32
      %dma_wait3A_398 = tpu.memref_slice %arg6[%arg0, %mul3A_7, %dma_wait3A_397] : memref<2x10112x64xf32, #tpu.memory_space<hbm>> -> memref<1x632x64xf32, #tpu.memory_space<hbm>>
      %dma_wait3A_399 = tpu.memref_squeeze %dma_wait3A_398 : memref<1x632x64xf32, #tpu.memory_space<hbm>> -> memref<632x64xf32, #tpu.memory_space<hbm>>
      %dma_wait3A_400 = arith.constant 0 : i32
      %dma_wait3A_401 = tpu.memref_slice %arg15[%mul3A_7, %dma_wait3A_400] : memref<10112x64xf32, #tpu.memory_space<vmem_shared>> -> memref<632x64xf32, #tpu.memory_space<vmem_shared>>
      tpu.wait_dma2 semaphore(%run_scoped3A : memref<!tpu.dma_semaphore, #tpu.memory_space<semaphore_mem>>) src(%dma_wait3A_401 : memref<632x64xf32, #tpu.memory_space<vmem_shared>>) dst(%dma_wait3A_399 : memref<632x64xf32, #tpu.memory_space<hbm>>)
      tpu.yield
    }) : () -> ()
    return
  }
}

module attributes {stable_mosaic.version = 14 : i64} {
  func.func @body(%arg0: i32, %arg1: memref<1000x128xf32, #tpu.memory_space<vmem>>, %arg2: memref<1000x64xf32, #tpu.memory_space<vmem>>, %arg3: memref<1000x64xf32, #tpu.memory_space<vmem>>, %arg4: memref<1000x1xf32, #tpu.memory_space<vmem>>, %arg5: memref<1000x1xf32, #tpu.memory_space<vmem>>, %arg6: memref<128x128xf32, #tpu.memory_space<vmem>>, %arg7: memref<1x128xf32, #tpu.memory_space<vmem>>, %arg8: memref<128x128xf32, #tpu.memory_space<vmem>>, %arg9: memref<1x128xf32, #tpu.memory_space<vmem>>, %arg10: memref<1x128xf32, #tpu.memory_space<vmem>>, %arg11: memref<1x1xf32, #tpu.memory_space<vmem>>, %arg12: memref<1000x64xf32, #tpu.memory_space<vmem>>, %arg13: memref<1000x64xf32, #tpu.memory_space<vmem>>, %arg14: memref<1000x1xf32, #tpu.memory_space<vmem>>) attributes {dimension_semantics = [#tpu.dimension_semantics<arbitrary>], iteration_bounds = array<i64: 10>, scalar_prefetch = 0 : i64, scratch_operands = 0 : i64, tpu.core_type = #tpu.core_type<tc>, window_params = [{transform_indices = @transform_0, window_bounds = array<i64: 1000, 128>}, {transform_indices = @transform_1, window_bounds = array<i64: 1000, 64>}, {transform_indices = @transform_2, window_bounds = array<i64: 1000, 64>}, {transform_indices = @transform_3, window_bounds = array<i64: 1000, 1>}, {transform_indices = @transform_4, window_bounds = array<i64: 1000, 1>}, {pipeline_mode = #tpu.pipeline_mode<synchronous>, transform_indices = @transform_5, window_bounds = array<i64: 128, 128>}, {pipeline_mode = #tpu.pipeline_mode<synchronous>, transform_indices = @transform_6, window_bounds = array<i64: 1, 128>}, {pipeline_mode = #tpu.pipeline_mode<synchronous>, transform_indices = @transform_7, window_bounds = array<i64: 128, 128>}, {pipeline_mode = #tpu.pipeline_mode<synchronous>, transform_indices = @transform_8, window_bounds = array<i64: 1, 128>}, {pipeline_mode = #tpu.pipeline_mode<synchronous>, transform_indices = @transform_9, window_bounds = array<i64: 1, 128>}, {pipeline_mode = #tpu.pipeline_mode<synchronous>, transform_indices = @transform_10, window_bounds = array<i64: 1, 1>}, {transform_indices = @transform_11, window_bounds = array<i64: 1000, 64>}, {transform_indices = @transform_12, window_bounds = array<i64: 1000, 64>}, {transform_indices = @transform_13, window_bounds = array<i64: 1000, 1>}]} {
    %get3A = arith.constant 0 : index
    %get3A_0 = arith.constant 0 : index
    %get3A_1 = vector.load %arg4[%get3A, %get3A_0] : memref<1000x1xf32, #tpu.memory_space<vmem>>, vector<1000x1xf32>
    %get3A_2 = arith.constant 0 : index
    %get3A_3 = arith.constant 0 : index
    %get3A_4 = vector.load %arg5[%get3A_2, %get3A_3] : memref<1000x1xf32, #tpu.memory_space<vmem>>, vector<1000x1xf32>
    %add3A = arith.addf %get3A_1, %get3A_4 : vector<1000x1xf32>
    %max3A = arith.constant 1.000000e+00 : f32
    %max3A_5 = vector.broadcast %max3A : f32 to vector<1000x1xf32>
    %max3A_6 = arith.maximumf %add3A, %max3A_5 : vector<1000x1xf32>
    %div3A = arith.constant 1.000000e+00 : f32
    %div3A_7 = vector.broadcast %div3A : f32 to vector<1000x1xf32>
    %div3A_8 = arith.divf %div3A_7, %max3A_6 : vector<1000x1xf32>
    %get3A_9 = arith.constant 0 : index
    %get3A_10 = arith.constant 0 : index
    %get3A_11 = vector.load %arg2[%get3A_9, %get3A_10] : memref<1000x64xf32, #tpu.memory_space<vmem>>, vector<1000x64xf32>
    %get3A_12 = arith.constant 0 : index
    %get3A_13 = arith.constant 0 : index
    %get3A_14 = vector.load %arg3[%get3A_12, %get3A_13] : memref<1000x64xf32, #tpu.memory_space<vmem>>, vector<1000x64xf32>
    %concatenate3A = tpu.concatenate %get3A_11, %get3A_14 in 1 : vector<1000x64xf32>, vector<1000x64xf32> -> vector<1000x128xf32>
    %mul3A = vector.broadcast %div3A_8 : vector<1000x1xf32> to vector<1000x128xf32>
    %mul3A_15 = arith.mulf %concatenate3A, %mul3A : vector<1000x128xf32>
    %get3A_16 = arith.constant 0 : index
    %get3A_17 = arith.constant 0 : index
    %get3A_18 = vector.load %arg1[%get3A_16, %get3A_17] : memref<1000x128xf32, #tpu.memory_space<vmem>>, vector<1000x128xf32>
    %get3A_19 = arith.constant 0 : index
    %get3A_20 = arith.constant 0 : index
    %get3A_21 = vector.load %arg6[%get3A_19, %get3A_20] : memref<128x128xf32, #tpu.memory_space<vmem>>, vector<128x128xf32>
    %dot_general3A = arith.constant dense<0.000000e+00> : vector<1000x128xf32>
    %dot_general3A_22 = tpu.matmul %get3A_18, %get3A_21, %dot_general3A {dimension_numbers = #tpu.dot_dimension_numbers<[1], [0], [0], [1], [0, 0, 1, 1], [], []>, transpose_lhs_hint = false} : vector<1000x128xf32>, vector<128x128xf32>, vector<1000x128xf32> -> vector<1000x128xf32>
    %get3A_23 = arith.constant 0 : index
    %get3A_24 = arith.constant 0 : index
    %get3A_25 = vector.load %arg8[%get3A_23, %get3A_24] : memref<128x128xf32, #tpu.memory_space<vmem>>, vector<128x128xf32>
    %dot_general3A_26 = arith.constant dense<0.000000e+00> : vector<1000x128xf32>
    %dot_general3A_27 = tpu.matmul %mul3A_15, %get3A_25, %dot_general3A_26 {dimension_numbers = #tpu.dot_dimension_numbers<[1], [0], [0], [1], [0, 0, 1, 1], [], []>, transpose_lhs_hint = false} : vector<1000x128xf32>, vector<128x128xf32>, vector<1000x128xf32> -> vector<1000x128xf32>
    %add3A_28 = arith.addf %dot_general3A_22, %dot_general3A_27 : vector<1000x128xf32>
    %get3A_29 = arith.constant 0 : index
    %get3A_30 = arith.constant 0 : index
    %get3A_31 = vector.load %arg7[%get3A_29, %get3A_30] : memref<1x128xf32, #tpu.memory_space<vmem>>, vector<1x128xf32>
    %add3A_32 = vector.broadcast %get3A_31 : vector<1x128xf32> to vector<1000x128xf32>
    %add3A_33 = arith.addf %add3A_28, %add3A_32 : vector<1000x128xf32>
    %get3A_34 = arith.constant 0 : index
    %get3A_35 = arith.constant 0 : index
    %get3A_36 = vector.load %arg9[%get3A_34, %get3A_35] : memref<1x128xf32, #tpu.memory_space<vmem>>, vector<1x128xf32>
    %get3A_37 = arith.constant 0 : index
    %get3A_38 = arith.constant 0 : index
    %get3A_39 = vector.load %arg10[%get3A_37, %get3A_38] : memref<1x128xf32, #tpu.memory_space<vmem>>, vector<1x128xf32>
    %get3A_40 = arith.constant 0 : index
    %get3A_41 = arith.constant 0 : index
    %get3A_42 = vector.load %arg11[%get3A_40, %get3A_41] : memref<1x1xf32, #tpu.memory_space<vmem>>, vector<1x1xf32>
    %get3A_43 = vector.extract %get3A_42[0, 0] : f32 from vector<1x1xf32>
    %reduce_sum3A = arith.constant dense<0.000000e+00> : vector<1000xf32>
    %reduce_sum3A_44 = vector.multi_reduction <add>, %add3A_33, %reduce_sum3A [1] : vector<1000x128xf32> to vector<1000xf32>
    %broadcast_in_dim3A = vector.shape_cast %reduce_sum3A_44 : vector<1000xf32> to vector<1000x1xf32>
    %div3A_45 = arith.constant 1.280000e+02 : f32
    %div3A_46 = vector.broadcast %div3A_45 : f32 to vector<1000x1xf32>
    %div3A_47 = arith.divf %broadcast_in_dim3A, %div3A_46 : vector<1000x1xf32>
    %sub3A = vector.broadcast %div3A_47 : vector<1000x1xf32> to vector<1000x128xf32>
    %sub3A_48 = arith.subf %add3A_33, %sub3A : vector<1000x128xf32>
    %integer_pow3A = arith.mulf %sub3A_48, %sub3A_48 : vector<1000x128xf32>
    %reduce_sum3A_49 = arith.constant dense<0.000000e+00> : vector<1000xf32>
    %reduce_sum3A_50 = vector.multi_reduction <add>, %integer_pow3A, %reduce_sum3A_49 [1] : vector<1000x128xf32> to vector<1000xf32>
    %broadcast_in_dim3A_51 = vector.shape_cast %reduce_sum3A_50 : vector<1000xf32> to vector<1000x1xf32>
    %div3A_52 = arith.constant 1.280000e+02 : f32
    %div3A_53 = vector.broadcast %div3A_52 : f32 to vector<1000x1xf32>
    %div3A_54 = arith.divf %broadcast_in_dim3A_51, %div3A_53 : vector<1000x1xf32>
    %sub3A_55 = vector.broadcast %div3A_47 : vector<1000x1xf32> to vector<1000x128xf32>
    %sub3A_56 = arith.subf %add3A_33, %sub3A_55 : vector<1000x128xf32>
    %add3A_57 = arith.constant 9.99999974E-6 : f32
    %add3A_58 = vector.broadcast %add3A_57 : f32 to vector<1000x1xf32>
    %add3A_59 = arith.addf %div3A_54, %add3A_58 : vector<1000x1xf32>
    %rsqrt3A = math.rsqrt %add3A_59 : vector<1000x1xf32>
    %mul3A_60 = vector.broadcast %rsqrt3A : vector<1000x1xf32> to vector<1000x128xf32>
    %mul3A_61 = arith.mulf %sub3A_56, %mul3A_60 : vector<1000x128xf32>
    %mul3A_62 = vector.broadcast %get3A_36 : vector<1x128xf32> to vector<1000x128xf32>
    %mul3A_63 = arith.mulf %mul3A_61, %mul3A_62 : vector<1000x128xf32>
    %add3A_64 = vector.broadcast %get3A_39 : vector<1x128xf32> to vector<1000x128xf32>
    %add3A_65 = arith.addf %mul3A_63, %add3A_64 : vector<1000x128xf32>
    %ge3A = arith.constant 0.000000e+00 : f32
    %ge3A_66 = vector.broadcast %ge3A : f32 to vector<1000x128xf32>
    %ge3A_67 = arith.cmpf oge, %add3A_65, %ge3A_66 : vector<1000x128xf32>
    %mul3A_68 = vector.broadcast %get3A_43 : f32 to vector<1000x128xf32>
    %mul3A_69 = arith.mulf %mul3A_68, %add3A_65 : vector<1000x128xf32>
    %select_n3A = arith.select %ge3A_67, %add3A_65, %mul3A_69 : vector<1000x128xi1>, vector<1000x128xf32>
    %add3A_70 = arith.addf %select_n3A, %get3A_18 : vector<1000x128xf32>
    %slice3A = vector.extract_strided_slice %add3A_70 {offsets = [0, 0], sizes = [1000, 64], strides = [1, 1]} : vector<1000x128xf32> to vector<1000x64xf32>
    %swap3A = arith.constant 0 : index
    %swap3A_71 = arith.constant 0 : index
    %swap3A_72 = vector.load %arg12[%swap3A, %swap3A_71] : memref<1000x64xf32, #tpu.memory_space<vmem>>, vector<1000x64xf32>
    tpu.vector_store %arg12[%swap3A, %swap3A_71], %slice3A {strides = array<i32>} : memref<1000x64xf32, #tpu.memory_space<vmem>>, vector<1000x64xf32>,
    %slice3A_73 = vector.extract_strided_slice %add3A_70 {offsets = [0, 64], sizes = [1000, 64], strides = [1, 1]} : vector<1000x128xf32> to vector<1000x64xf32>
    %swap3A_74 = arith.constant 0 : index
    %swap3A_75 = arith.constant 0 : index
    %swap3A_76 = vector.load %arg13[%swap3A_74, %swap3A_75] : memref<1000x64xf32, #tpu.memory_space<vmem>>, vector<1000x64xf32>
    tpu.vector_store %arg13[%swap3A_74, %swap3A_75], %slice3A_73 {strides = array<i32>} : memref<1000x64xf32, #tpu.memory_space<vmem>>, vector<1000x64xf32>,
    %swap3A_77 = arith.constant 0 : index
    %swap3A_78 = arith.constant 0 : index
    %swap3A_79 = vector.load %arg14[%swap3A_77, %swap3A_78] : memref<1000x1xf32, #tpu.memory_space<vmem>>, vector<1000x1xf32>
    tpu.vector_store %arg14[%swap3A_77, %swap3A_78], %div3A_8 {strides = array<i32>} : memref<1000x1xf32, #tpu.memory_space<vmem>>, vector<1000x1xf32>,
    return
  }
  func.func @transform_0(%arg0: i32) -> (i32, i32) {
    %c0_i32 = arith.constant 0 : i32
    %c0_i32_0 = arith.constant 0 : i32
    return %arg0, %c0_i32 : i32, i32
  }
  func.func @transform_1(%arg0: i32) -> (i32, i32) {
    %c0_i32 = arith.constant 0 : i32
    %c0_i32_0 = arith.constant 0 : i32
    return %arg0, %c0_i32 : i32, i32
  }
  func.func @transform_2(%arg0: i32) -> (i32, i32) {
    %c0_i32 = arith.constant 0 : i32
    %c0_i32_0 = arith.constant 0 : i32
    return %arg0, %c0_i32 : i32, i32
  }
  func.func @transform_3(%arg0: i32) -> (i32, i32) {
    %c0_i32 = arith.constant 0 : i32
    %c0_i32_0 = arith.constant 0 : i32
    return %arg0, %c0_i32 : i32, i32
  }
  func.func @transform_4(%arg0: i32) -> (i32, i32) {
    %c0_i32 = arith.constant 0 : i32
    %c0_i32_0 = arith.constant 0 : i32
    return %arg0, %c0_i32 : i32, i32
  }
  func.func @transform_5(%arg0: i32) -> (i32, i32) {
    %c0_i32 = arith.constant 0 : i32
    %c0_i32_0 = arith.constant 0 : i32
    %c0_i32_1 = arith.constant 0 : i32
    return %c0_i32, %c0_i32_0 : i32, i32
  }
  func.func @transform_6(%arg0: i32) -> (i32, i32) {
    %c0_i32 = arith.constant 0 : i32
    %c0_i32_0 = arith.constant 0 : i32
    %c0_i32_1 = arith.constant 0 : i32
    return %c0_i32, %c0_i32_0 : i32, i32
  }
  func.func @transform_7(%arg0: i32) -> (i32, i32) {
    %c0_i32 = arith.constant 0 : i32
    %c0_i32_0 = arith.constant 0 : i32
    %c0_i32_1 = arith.constant 0 : i32
    return %c0_i32, %c0_i32_0 : i32, i32
  }
  func.func @transform_8(%arg0: i32) -> (i32, i32) {
    %c0_i32 = arith.constant 0 : i32
    %c0_i32_0 = arith.constant 0 : i32
    %c0_i32_1 = arith.constant 0 : i32
    return %c0_i32, %c0_i32_0 : i32, i32
  }
  func.func @transform_9(%arg0: i32) -> (i32, i32) {
    %c0_i32 = arith.constant 0 : i32
    %c0_i32_0 = arith.constant 0 : i32
    %c0_i32_1 = arith.constant 0 : i32
    return %c0_i32, %c0_i32_0 : i32, i32
  }
  func.func @transform_10(%arg0: i32) -> (i32, i32) {
    %c0_i32 = arith.constant 0 : i32
    %c0_i32_0 = arith.constant 0 : i32
    %c0_i32_1 = arith.constant 0 : i32
    return %c0_i32, %c0_i32_0 : i32, i32
  }
  func.func @transform_11(%arg0: i32) -> (i32, i32) {
    %c0_i32 = arith.constant 0 : i32
    %c0_i32_0 = arith.constant 0 : i32
    return %arg0, %c0_i32 : i32, i32
  }
  func.func @transform_12(%arg0: i32) -> (i32, i32) {
    %c0_i32 = arith.constant 0 : i32
    %c0_i32_0 = arith.constant 0 : i32
    return %arg0, %c0_i32 : i32, i32
  }
  func.func @transform_13(%arg0: i32) -> (i32, i32) {
    %c0_i32 = arith.constant 0 : i32
    %c0_i32_0 = arith.constant 0 : i32
    return %arg0, %c0_i32 : i32, i32
  }
}

module attributes {stable_mosaic.version = 14 : i64} {
  func.func @body(%arg0: i32, %arg1: memref<1000x64xf32, #tpu.memory_space<vmem>>, %arg2: memref<1000x64xf32, #tpu.memory_space<vmem>>, %arg3: memref<1000x64xf32, #tpu.memory_space<vmem>>, %arg4: memref<1000x64xf32, #tpu.memory_space<vmem>>, %arg5: memref<1000x1xf32, #tpu.memory_space<vmem>>, %arg6: memref<128x128xf32, #tpu.memory_space<vmem>>, %arg7: memref<1x128xf32, #tpu.memory_space<vmem>>, %arg8: memref<128x128xf32, #tpu.memory_space<vmem>>, %arg9: memref<1x128xf32, #tpu.memory_space<vmem>>, %arg10: memref<1x128xf32, #tpu.memory_space<vmem>>, %arg11: memref<1x1xf32, #tpu.memory_space<vmem>>, %arg12: memref<128x128xf32, #tpu.memory_space<vmem>>, %arg13: memref<1x128xf32, #tpu.memory_space<vmem>>, %arg14: memref<1x128xf32, #tpu.memory_space<vmem>>, %arg15: memref<1x128xf32, #tpu.memory_space<vmem>>, %arg16: memref<1x1xf32, #tpu.memory_space<vmem>>, %arg17: memref<1x128xf32, #tpu.memory_space<vmem>>, %arg18: memref<1x1xf32, #tpu.memory_space<vmem>>, %arg19: memref<1000x1xf32, #tpu.memory_space<vmem>>) attributes {dimension_semantics = [#tpu.dimension_semantics<arbitrary>], iteration_bounds = array<i64: 10>, scalar_prefetch = 0 : i64, scratch_operands = 0 : i64, tpu.core_type = #tpu.core_type<tc>, window_params = [{transform_indices = @transform_0, window_bounds = array<i64: 1000, 64>}, {transform_indices = @transform_1, window_bounds = array<i64: 1000, 64>}, {transform_indices = @transform_2, window_bounds = array<i64: 1000, 64>}, {transform_indices = @transform_3, window_bounds = array<i64: 1000, 64>}, {transform_indices = @transform_4, window_bounds = array<i64: 1000, 1>}, {pipeline_mode = #tpu.pipeline_mode<synchronous>, transform_indices = @transform_5, window_bounds = array<i64: 128, 128>}, {pipeline_mode = #tpu.pipeline_mode<synchronous>, transform_indices = @transform_6, window_bounds = array<i64: 1, 128>}, {pipeline_mode = #tpu.pipeline_mode<synchronous>, transform_indices = @transform_7, window_bounds = array<i64: 128, 128>}, {pipeline_mode = #tpu.pipeline_mode<synchronous>, transform_indices = @transform_8, window_bounds = array<i64: 1, 128>}, {pipeline_mode = #tpu.pipeline_mode<synchronous>, transform_indices = @transform_9, window_bounds = array<i64: 1, 128>}, {pipeline_mode = #tpu.pipeline_mode<synchronous>, transform_indices = @transform_10, window_bounds = array<i64: 1, 1>}, {pipeline_mode = #tpu.pipeline_mode<synchronous>, transform_indices = @transform_11, window_bounds = array<i64: 128, 128>}, {pipeline_mode = #tpu.pipeline_mode<synchronous>, transform_indices = @transform_12, window_bounds = array<i64: 1, 128>}, {pipeline_mode = #tpu.pipeline_mode<synchronous>, transform_indices = @transform_13, window_bounds = array<i64: 1, 128>}, {pipeline_mode = #tpu.pipeline_mode<synchronous>, transform_indices = @transform_14, window_bounds = array<i64: 1, 128>}, {pipeline_mode = #tpu.pipeline_mode<synchronous>, transform_indices = @transform_15, window_bounds = array<i64: 1, 1>}, {pipeline_mode = #tpu.pipeline_mode<synchronous>, transform_indices = @transform_16, window_bounds = array<i64: 1, 128>}, {pipeline_mode = #tpu.pipeline_mode<synchronous>, transform_indices = @transform_17, window_bounds = array<i64: 1, 1>}, {transform_indices = @transform_18, window_bounds = array<i64: 1000, 1>}]} {
    %get3A = arith.constant 0 : index
    %get3A_0 = arith.constant 0 : index
    %get3A_1 = vector.load %arg3[%get3A, %get3A_0] : memref<1000x64xf32, #tpu.memory_space<vmem>>, vector<1000x64xf32>
    %get3A_2 = arith.constant 0 : index
    %get3A_3 = arith.constant 0 : index
    %get3A_4 = vector.load %arg4[%get3A_2, %get3A_3] : memref<1000x64xf32, #tpu.memory_space<vmem>>, vector<1000x64xf32>
    %concatenate3A = tpu.concatenate %get3A_1, %get3A_4 in 1 : vector<1000x64xf32>, vector<1000x64xf32> -> vector<1000x128xf32>
    %get3A_5 = arith.constant 0 : index
    %get3A_6 = arith.constant 0 : index
    %get3A_7 = vector.load %arg5[%get3A_5, %get3A_6] : memref<1000x1xf32, #tpu.memory_space<vmem>>, vector<1000x1xf32>
    %mul3A = vector.broadcast %get3A_7 : vector<1000x1xf32> to vector<1000x128xf32>
    %mul3A_8 = arith.mulf %concatenate3A, %mul3A : vector<1000x128xf32>
    %get3A_9 = arith.constant 0 : index
    %get3A_10 = arith.constant 0 : index
    %get3A_11 = vector.load %arg1[%get3A_9, %get3A_10] : memref<1000x64xf32, #tpu.memory_space<vmem>>, vector<1000x64xf32>
    %get3A_12 = arith.constant 0 : index
    %get3A_13 = arith.constant 0 : index
    %get3A_14 = vector.load %arg2[%get3A_12, %get3A_13] : memref<1000x64xf32, #tpu.memory_space<vmem>>, vector<1000x64xf32>
    %concatenate3A_15 = tpu.concatenate %get3A_11, %get3A_14 in 1 : vector<1000x64xf32>, vector<1000x64xf32> -> vector<1000x128xf32>
    %get3A_16 = arith.constant 0 : index
    %get3A_17 = arith.constant 0 : index
    %get3A_18 = vector.load %arg6[%get3A_16, %get3A_17] : memref<128x128xf32, #tpu.memory_space<vmem>>, vector<128x128xf32>
    %dot_general3A = arith.constant dense<0.000000e+00> : vector<1000x128xf32>
    %dot_general3A_19 = tpu.matmul %concatenate3A_15, %get3A_18, %dot_general3A {dimension_numbers = #tpu.dot_dimension_numbers<[1], [0], [0], [1], [0, 0, 1, 1], [], []>, transpose_lhs_hint = false} : vector<1000x128xf32>, vector<128x128xf32>, vector<1000x128xf32> -> vector<1000x128xf32>
    %get3A_20 = arith.constant 0 : index
    %get3A_21 = arith.constant 0 : index
    %get3A_22 = vector.load %arg8[%get3A_20, %get3A_21] : memref<128x128xf32, #tpu.memory_space<vmem>>, vector<128x128xf32>
    %dot_general3A_23 = arith.constant dense<0.000000e+00> : vector<1000x128xf32>
    %dot_general3A_24 = tpu.matmul %mul3A_8, %get3A_22, %dot_general3A_23 {dimension_numbers = #tpu.dot_dimension_numbers<[1], [0], [0], [1], [0, 0, 1, 1], [], []>, transpose_lhs_hint = false} : vector<1000x128xf32>, vector<128x128xf32>, vector<1000x128xf32> -> vector<1000x128xf32>
    %add3A = arith.addf %dot_general3A_19, %dot_general3A_24 : vector<1000x128xf32>
    %get3A_25 = arith.constant 0 : index
    %get3A_26 = arith.constant 0 : index
    %get3A_27 = vector.load %arg7[%get3A_25, %get3A_26] : memref<1x128xf32, #tpu.memory_space<vmem>>, vector<1x128xf32>
    %add3A_28 = vector.broadcast %get3A_27 : vector<1x128xf32> to vector<1000x128xf32>
    %add3A_29 = arith.addf %add3A, %add3A_28 : vector<1000x128xf32>
    %get3A_30 = arith.constant 0 : index
    %get3A_31 = arith.constant 0 : index
    %get3A_32 = vector.load %arg9[%get3A_30, %get3A_31] : memref<1x128xf32, #tpu.memory_space<vmem>>, vector<1x128xf32>
    %get3A_33 = arith.constant 0 : index
    %get3A_34 = arith.constant 0 : index
    %get3A_35 = vector.load %arg10[%get3A_33, %get3A_34] : memref<1x128xf32, #tpu.memory_space<vmem>>, vector<1x128xf32>
    %get3A_36 = arith.constant 0 : index
    %get3A_37 = arith.constant 0 : index
    %get3A_38 = vector.load %arg11[%get3A_36, %get3A_37] : memref<1x1xf32, #tpu.memory_space<vmem>>, vector<1x1xf32>
    %get3A_39 = vector.extract %get3A_38[0, 0] : f32 from vector<1x1xf32>
    %reduce_sum3A = arith.constant dense<0.000000e+00> : vector<1000xf32>
    %reduce_sum3A_40 = vector.multi_reduction <add>, %add3A_29, %reduce_sum3A [1] : vector<1000x128xf32> to vector<1000xf32>
    %broadcast_in_dim3A = vector.shape_cast %reduce_sum3A_40 : vector<1000xf32> to vector<1000x1xf32>
    %div3A = arith.constant 1.280000e+02 : f32
    %div3A_41 = vector.broadcast %div3A : f32 to vector<1000x1xf32>
    %div3A_42 = arith.divf %broadcast_in_dim3A, %div3A_41 : vector<1000x1xf32>
    %sub3A = vector.broadcast %div3A_42 : vector<1000x1xf32> to vector<1000x128xf32>
    %sub3A_43 = arith.subf %add3A_29, %sub3A : vector<1000x128xf32>
    %integer_pow3A = arith.mulf %sub3A_43, %sub3A_43 : vector<1000x128xf32>
    %reduce_sum3A_44 = arith.constant dense<0.000000e+00> : vector<1000xf32>
    %reduce_sum3A_45 = vector.multi_reduction <add>, %integer_pow3A, %reduce_sum3A_44 [1] : vector<1000x128xf32> to vector<1000xf32>
    %broadcast_in_dim3A_46 = vector.shape_cast %reduce_sum3A_45 : vector<1000xf32> to vector<1000x1xf32>
    %div3A_47 = arith.constant 1.280000e+02 : f32
    %div3A_48 = vector.broadcast %div3A_47 : f32 to vector<1000x1xf32>
    %div3A_49 = arith.divf %broadcast_in_dim3A_46, %div3A_48 : vector<1000x1xf32>
    %sub3A_50 = vector.broadcast %div3A_42 : vector<1000x1xf32> to vector<1000x128xf32>
    %sub3A_51 = arith.subf %add3A_29, %sub3A_50 : vector<1000x128xf32>
    %add3A_52 = arith.constant 9.99999974E-6 : f32
    %add3A_53 = vector.broadcast %add3A_52 : f32 to vector<1000x1xf32>
    %add3A_54 = arith.addf %div3A_49, %add3A_53 : vector<1000x1xf32>
    %rsqrt3A = math.rsqrt %add3A_54 : vector<1000x1xf32>
    %mul3A_55 = vector.broadcast %rsqrt3A : vector<1000x1xf32> to vector<1000x128xf32>
    %mul3A_56 = arith.mulf %sub3A_51, %mul3A_55 : vector<1000x128xf32>
    %mul3A_57 = vector.broadcast %get3A_32 : vector<1x128xf32> to vector<1000x128xf32>
    %mul3A_58 = arith.mulf %mul3A_56, %mul3A_57 : vector<1000x128xf32>
    %add3A_59 = vector.broadcast %get3A_35 : vector<1x128xf32> to vector<1000x128xf32>
    %add3A_60 = arith.addf %mul3A_58, %add3A_59 : vector<1000x128xf32>
    %ge3A = arith.constant 0.000000e+00 : f32
    %ge3A_61 = vector.broadcast %ge3A : f32 to vector<1000x128xf32>
    %ge3A_62 = arith.cmpf oge, %add3A_60, %ge3A_61 : vector<1000x128xf32>
    %mul3A_63 = vector.broadcast %get3A_39 : f32 to vector<1000x128xf32>
    %mul3A_64 = arith.mulf %mul3A_63, %add3A_60 : vector<1000x128xf32>
    %select_n3A = arith.select %ge3A_62, %add3A_60, %mul3A_64 : vector<1000x128xi1>, vector<1000x128xf32>
    %add3A_65 = arith.addf %select_n3A, %concatenate3A_15 : vector<1000x128xf32>
    %get3A_66 = arith.constant 0 : index
    %get3A_67 = arith.constant 0 : index
    %get3A_68 = vector.load %arg12[%get3A_66, %get3A_67] : memref<128x128xf32, #tpu.memory_space<vmem>>, vector<128x128xf32>
    %dot_general3A_69 = arith.constant dense<0.000000e+00> : vector<1000x128xf32>
    %dot_general3A_70 = tpu.matmul %add3A_65, %get3A_68, %dot_general3A_69 {dimension_numbers = #tpu.dot_dimension_numbers<[1], [0], [0], [1], [0, 0, 1, 1], [], []>, transpose_lhs_hint = false} : vector<1000x128xf32>, vector<128x128xf32>, vector<1000x128xf32> -> vector<1000x128xf32>
    %get3A_71 = arith.constant 0 : index
    %get3A_72 = arith.constant 0 : index
    %get3A_73 = vector.load %arg13[%get3A_71, %get3A_72] : memref<1x128xf32, #tpu.memory_space<vmem>>, vector<1x128xf32>
    %add3A_74 = vector.broadcast %get3A_73 : vector<1x128xf32> to vector<1000x128xf32>
    %add3A_75 = arith.addf %dot_general3A_70, %add3A_74 : vector<1000x128xf32>
    %get3A_76 = arith.constant 0 : index
    %get3A_77 = arith.constant 0 : index
    %get3A_78 = vector.load %arg14[%get3A_76, %get3A_77] : memref<1x128xf32, #tpu.memory_space<vmem>>, vector<1x128xf32>
    %get3A_79 = arith.constant 0 : index
    %get3A_80 = arith.constant 0 : index
    %get3A_81 = vector.load %arg15[%get3A_79, %get3A_80] : memref<1x128xf32, #tpu.memory_space<vmem>>, vector<1x128xf32>
    %get3A_82 = arith.constant 0 : index
    %get3A_83 = arith.constant 0 : index
    %get3A_84 = vector.load %arg16[%get3A_82, %get3A_83] : memref<1x1xf32, #tpu.memory_space<vmem>>, vector<1x1xf32>
    %get3A_85 = vector.extract %get3A_84[0, 0] : f32 from vector<1x1xf32>
    %reduce_sum3A_86 = arith.constant dense<0.000000e+00> : vector<1000xf32>
    %reduce_sum3A_87 = vector.multi_reduction <add>, %add3A_75, %reduce_sum3A_86 [1] : vector<1000x128xf32> to vector<1000xf32>
    %broadcast_in_dim3A_88 = vector.shape_cast %reduce_sum3A_87 : vector<1000xf32> to vector<1000x1xf32>
    %div3A_89 = arith.constant 1.280000e+02 : f32
    %div3A_90 = vector.broadcast %div3A_89 : f32 to vector<1000x1xf32>
    %div3A_91 = arith.divf %broadcast_in_dim3A_88, %div3A_90 : vector<1000x1xf32>
    %sub3A_92 = vector.broadcast %div3A_91 : vector<1000x1xf32> to vector<1000x128xf32>
    %sub3A_93 = arith.subf %add3A_75, %sub3A_92 : vector<1000x128xf32>
    %integer_pow3A_94 = arith.mulf %sub3A_93, %sub3A_93 : vector<1000x128xf32>
    %reduce_sum3A_95 = arith.constant dense<0.000000e+00> : vector<1000xf32>
    %reduce_sum3A_96 = vector.multi_reduction <add>, %integer_pow3A_94, %reduce_sum3A_95 [1] : vector<1000x128xf32> to vector<1000xf32>
    %broadcast_in_dim3A_97 = vector.shape_cast %reduce_sum3A_96 : vector<1000xf32> to vector<1000x1xf32>
    %div3A_98 = arith.constant 1.280000e+02 : f32
    %div3A_99 = vector.broadcast %div3A_98 : f32 to vector<1000x1xf32>
    %div3A_100 = arith.divf %broadcast_in_dim3A_97, %div3A_99 : vector<1000x1xf32>
    %sub3A_101 = vector.broadcast %div3A_91 : vector<1000x1xf32> to vector<1000x128xf32>
    %sub3A_102 = arith.subf %add3A_75, %sub3A_101 : vector<1000x128xf32>
    %add3A_103 = arith.constant 9.99999974E-6 : f32
    %add3A_104 = vector.broadcast %add3A_103 : f32 to vector<1000x1xf32>
    %add3A_105 = arith.addf %div3A_100, %add3A_104 : vector<1000x1xf32>
    %rsqrt3A_106 = math.rsqrt %add3A_105 : vector<1000x1xf32>
    %mul3A_107 = vector.broadcast %rsqrt3A_106 : vector<1000x1xf32> to vector<1000x128xf32>
    %mul3A_108 = arith.mulf %sub3A_102, %mul3A_107 : vector<1000x128xf32>
    %mul3A_109 = vector.broadcast %get3A_78 : vector<1x128xf32> to vector<1000x128xf32>
    %mul3A_110 = arith.mulf %mul3A_108, %mul3A_109 : vector<1000x128xf32>
    %add3A_111 = vector.broadcast %get3A_81 : vector<1x128xf32> to vector<1000x128xf32>
    %add3A_112 = arith.addf %mul3A_110, %add3A_111 : vector<1000x128xf32>
    %ge3A_113 = arith.constant 0.000000e+00 : f32
    %ge3A_114 = vector.broadcast %ge3A_113 : f32 to vector<1000x128xf32>
    %ge3A_115 = arith.cmpf oge, %add3A_112, %ge3A_114 : vector<1000x128xf32>
    %mul3A_116 = vector.broadcast %get3A_85 : f32 to vector<1000x128xf32>
    %mul3A_117 = arith.mulf %mul3A_116, %add3A_112 : vector<1000x128xf32>
    %select_n3A_118 = arith.select %ge3A_115, %add3A_112, %mul3A_117 : vector<1000x128xi1>, vector<1000x128xf32>
    %get3A_119 = arith.constant 0 : index
    %get3A_120 = arith.constant 0 : index
    %get3A_121 = vector.load %arg17[%get3A_119, %get3A_120] : memref<1x128xf32, #tpu.memory_space<vmem>>, vector<1x128xf32>
    %mul3A_122 = vector.broadcast %get3A_121 : vector<1x128xf32> to vector<1000x128xf32>
    %mul3A_123 = arith.mulf %select_n3A_118, %mul3A_122 : vector<1000x128xf32>
    %reduce_sum3A_124 = arith.constant dense<0.000000e+00> : vector<1000xf32>
    %reduce_sum3A_125 = vector.multi_reduction <add>, %mul3A_123, %reduce_sum3A_124 [1] : vector<1000x128xf32> to vector<1000xf32>
    %broadcast_in_dim3A_126 = vector.shape_cast %reduce_sum3A_125 : vector<1000xf32> to vector<1000x1xf32>
    %get3A_127 = arith.constant 0 : index
    %get3A_128 = arith.constant 0 : index
    %get3A_129 = vector.load %arg18[%get3A_127, %get3A_128] : memref<1x1xf32, #tpu.memory_space<vmem>>, vector<1x1xf32>
    %get3A_130 = vector.extract %get3A_129[0, 0] : f32 from vector<1x1xf32>
    %add3A_131 = vector.broadcast %get3A_130 : f32 to vector<1000x1xf32>
    %add3A_132 = arith.addf %broadcast_in_dim3A_126, %add3A_131 : vector<1000x1xf32>
    %swap3A = arith.constant 0 : index
    %swap3A_133 = arith.constant 0 : index
    %swap3A_134 = vector.load %arg19[%swap3A, %swap3A_133] : memref<1000x1xf32, #tpu.memory_space<vmem>>, vector<1000x1xf32>
    tpu.vector_store %arg19[%swap3A, %swap3A_133], %add3A_132 {strides = array<i32>} : memref<1000x1xf32, #tpu.memory_space<vmem>>, vector<1000x1xf32>,
    return
  }
  func.func @transform_0(%arg0: i32) -> (i32, i32) {
    %c0_i32 = arith.constant 0 : i32
    %c0_i32_0 = arith.constant 0 : i32
    return %arg0, %c0_i32 : i32, i32
  }
  func.func @transform_1(%arg0: i32) -> (i32, i32) {
    %c0_i32 = arith.constant 0 : i32
    %c0_i32_0 = arith.constant 0 : i32
    return %arg0, %c0_i32 : i32, i32
  }
  func.func @transform_2(%arg0: i32) -> (i32, i32) {
    %c0_i32 = arith.constant 0 : i32
    %c0_i32_0 = arith.constant 0 : i32
    return %arg0, %c0_i32 : i32, i32
  }
  func.func @transform_3(%arg0: i32) -> (i32, i32) {
    %c0_i32 = arith.constant 0 : i32
    %c0_i32_0 = arith.constant 0 : i32
    return %arg0, %c0_i32 : i32, i32
  }
  func.func @transform_4(%arg0: i32) -> (i32, i32) {
    %c0_i32 = arith.constant 0 : i32
    %c0_i32_0 = arith.constant 0 : i32
    return %arg0, %c0_i32 : i32, i32
  }
  func.func @transform_5(%arg0: i32) -> (i32, i32) {
    %c0_i32 = arith.constant 0 : i32
    %c0_i32_0 = arith.constant 0 : i32
    %c0_i32_1 = arith.constant 0 : i32
    return %c0_i32, %c0_i32_0 : i32, i32
  }
  func.func @transform_6(%arg0: i32) -> (i32, i32) {
    %c0_i32 = arith.constant 0 : i32
    %c0_i32_0 = arith.constant 0 : i32
    %c0_i32_1 = arith.constant 0 : i32
    return %c0_i32, %c0_i32_0 : i32, i32
  }
  func.func @transform_7(%arg0: i32) -> (i32, i32) {
    %c0_i32 = arith.constant 0 : i32
    %c0_i32_0 = arith.constant 0 : i32
    %c0_i32_1 = arith.constant 0 : i32
    return %c0_i32, %c0_i32_0 : i32, i32
  }
  func.func @transform_8(%arg0: i32) -> (i32, i32) {
    %c0_i32 = arith.constant 0 : i32
    %c0_i32_0 = arith.constant 0 : i32
    %c0_i32_1 = arith.constant 0 : i32
    return %c0_i32, %c0_i32_0 : i32, i32
  }
  func.func @transform_9(%arg0: i32) -> (i32, i32) {
    %c0_i32 = arith.constant 0 : i32
    %c0_i32_0 = arith.constant 0 : i32
    %c0_i32_1 = arith.constant 0 : i32
    return %c0_i32, %c0_i32_0 : i32, i32
  }
  func.func @transform_10(%arg0: i32) -> (i32, i32) {
    %c0_i32 = arith.constant 0 : i32
    %c0_i32_0 = arith.constant 0 : i32
    %c0_i32_1 = arith.constant 0 : i32
    return %c0_i32, %c0_i32_0 : i32, i32
  }
  func.func @transform_11(%arg0: i32) -> (i32, i32) {
    %c0_i32 = arith.constant 0 : i32
    %c0_i32_0 = arith.constant 0 : i32
    %c0_i32_1 = arith.constant 0 : i32
    return %c0_i32, %c0_i32_0 : i32, i32
  }
  func.func @transform_12(%arg0: i32) -> (i32, i32) {
    %c0_i32 = arith.constant 0 : i32
    %c0_i32_0 = arith.constant 0 : i32
    %c0_i32_1 = arith.constant 0 : i32
    return %c0_i32, %c0_i32_0 : i32, i32
  }
  func.func @transform_13(%arg0: i32) -> (i32, i32) {
    %c0_i32 = arith.constant 0 : i32
    %c0_i32_0 = arith.constant 0 : i32
    %c0_i32_1 = arith.constant 0 : i32
    return %c0_i32, %c0_i32_0 : i32, i32
  }
  func.func @transform_14(%arg0: i32) -> (i32, i32) {
    %c0_i32 = arith.constant 0 : i32
    %c0_i32_0 = arith.constant 0 : i32
    %c0_i32_1 = arith.constant 0 : i32
    return %c0_i32, %c0_i32_0 : i32, i32
  }
  func.func @transform_15(%arg0: i32) -> (i32, i32) {
    %c0_i32 = arith.constant 0 : i32
    %c0_i32_0 = arith.constant 0 : i32
    %c0_i32_1 = arith.constant 0 : i32
    return %c0_i32, %c0_i32_0 : i32, i32
  }
  func.func @transform_16(%arg0: i32) -> (i32, i32) {
    %c0_i32 = arith.constant 0 : i32
    %c0_i32_0 = arith.constant 0 : i32
    %c0_i32_1 = arith.constant 0 : i32
    return %c0_i32, %c0_i32_0 : i32, i32
  }
  func.func @transform_17(%arg0: i32) -> (i32, i32) {
    %c0_i32 = arith.constant 0 : i32
    %c0_i32_0 = arith.constant 0 : i32
    %c0_i32_1 = arith.constant 0 : i32
    return %c0_i32, %c0_i32_0 : i32, i32
  }
  func.func @transform_18(%arg0: i32) -> (i32, i32) {
    %c0_i32 = arith.constant 0 : i32
    %c0_i32_0 = arith.constant 0 : i32
    return %arg0, %c0_i32 : i32, i32
  }
}

</mosaic_0001>

<sc_bundles>
// kernel: kernel.10.cloned.1.call-start
scs
__scs_entry_jumppad:
0x0: {  	(pc) =	sbr.rel $0x88, $3  }
0x1: {  	(tag) =	ssettag $0x0;
	lr =	simm.s32 $0x1  }
0x2: {  	[smem:$0x3F8C] =	sst lr;
	_ =	strace $0xD0000000  }
0x3: {  	_ = 	snop  }
0x4: {  	_ = 	snop  }
0x5: {  	_ = 	snop  }
0x6: {  	_ = 	snop  }
0x7: {  	_ = 	snop  }
__scs_overlays_trampoline_lowered:
0x8: {  	[smem:$0x3F9B] =	sst s0  }
0x9: {  	[smem:$0x3F9C] =	sst s1  }
0xa: {  	[smem:$0x3F9D] =	sst s2  }
0xb: {  	[smem:$0x3F9E] =	sst s3  }
0xc: {  	[smem:$0x3F9F] =	sst s4  }
0xd: {  	[smem:$0x3FA0] =	sst s5  }
0xe: {  	[smem:$0x3FA1] =	sst s6  }
0xf: {  	[smem:$0x3FA2] =	sst s7  }
0x10: {  	[smem:$0x3FA3] =	sst s8  }
0x11: {  	[smem:$0x3FA4] =	sst s9;
	s0 =	simm.s32 @!p0 $0x0  }
0x12: {  	s1 =	sld [smem:$0x3F8A];
	s0 =	simm.s32 @p0 $0x1  }
0x13: {  	[smem:$0x3FA5] =	sst s0;
	s0 =	simm.s32 @!p1 $0x0  }
0x14: {  	s2 =	sld [smem:$0x3F89];
	s0 =	simm.s32 @p1 $0x1  }
0x15: {  	[smem:$0x3FA6] =	sst s0;
	s0 =	simm.s32 @!p2 $0x0  }
0x16: {  	s3 =	sld [smem:$0x3FDB];
	s0 =	simm.s32 @p2 $0x1  }
0x17: {  	s4 =	simm.s32 $0x1BF5;
	[smem:$0x3FA8] =	sst s0  }
0x18: {  	s0 =	sld [smem:$0x3F8B];
	_ =	swait.ge [sflag:s4], $0x0  }
0x19: {  	s7 =	sld [smem:$0x3F8C]  }
0x1a: {  	s8 =	sadd.s32 $0xFFFFE003, lr  }
0x1b: {  	s9 =	sadd.s32 $0xFFFFFEF7, lr;
	s5 =	simm.s32 $0xFFFFFFFF;
	p2 =	slt.u32 s8, $0xFFFFF086  }
0x1c: {  	p1 =	slt.u32 s9, $0xF7A;
	s5 =	simm.s32 @!p2 $0x0  }
0x1d: {  	s5 =	simm.s32 @p1 $0x1;
	p0 =	seq.s32 s7, s2  }
0x1e: {  	s7 =	smul.u32 @!p0 $0xF7A, s2;
	p2 =	seq.s32 @!p0 s5, $0x0  }
0x1f: {  	s9 =	smul.u32 $0xF7A, s1;
	s8 =	simm.s32 @!p0 $0x1BF5;
	p2 =	por !p2, p0  }
0x20: {  	[sflag:s8] =	ssyncset.s32 @!p0 $0xFFFFF086;
	s6 =	sadd.s32 @!p0 s3, s7;
	s7 =	simm.s32 @!p0 $0x108  }
0x21: {  	s3 =	sadd.s32 s3, s9;
	s6 =	sadd.s32 @!p0 $0x88, s6;
	s7 =	simm.s32 @p2 $0x1082  }
0x22: {  	[simem:s7], [sflag:s8] =	dma.local @!p0 [hbm:s6], $0xF7A  }
0x23: {  	s9 =	sor.u32 $0xD0000000, s2;
	s6 =	simm.s32 $0x108;
	_ =	swait.ge @!p0 [sflag:s8], $0x0  }
0x24: {  	s3 =	sadd.s32 $0x88, s3;
	s6 =	simm.s32 @!p1 $0x1082;
	[sflag:s4] =	ssyncset.s32 $0xFFFFF086  }
0x25: {  	[simem:s6], [sflag:s4] =	dma.local [hbm:s3], $0xF7A  }
0x26: {  	[smem:$0x3F8C] =	sst s1;
	(tag) =	ssettag s2;
	_ =	strace s9  }
0x27: {  	s1 =	sld [smem:$0x3F9C]  }
0x28: {  	s2 =	sld [smem:$0x3F9D]  }
0x29: {  	s4 =	sld [smem:$0x3F9F]  }
0x2a: {  	p0 =	seq.s32 s5, $0x0;
	s5 =	sld [smem:$0x3FA0]  }
0x2b: {  	s6 =	sld [smem:$0x3FA1]  }
0x2c: {  	s7 =	sld [smem:$0x3FA2]  }
0x2d: {  	s3 =	simm.s32 $0x108;
	s8 =	sld [smem:$0x3FA3]  }
0x2e: {  	s3 =	simm.s32 @!p0 $0x1082;
	s9 =	sld [smem:$0x3FA4]  }
0x2f: {  	lr =	sadd.s32 s0, s3;
	s0 =	sld [smem:$0x3F9B]  }
0x30: {  	s3 =	sld [smem:$0x3F9E]  }
0x31: {  	[smem:$0x3FA7] =	sst s10  }
0x32: {  	s10 =	sld [smem:$0x3FA5];
	_ =	sdelay $0x3  }
0x33: {  	p0 =	seq.s32 s10, $0x1;
	s10 =	sld [smem:$0x3FA7];
	_ =	sdelay $0x3  }
0x34: {  	[smem:$0x3FA7] =	sst s10  }
0x35: {  	s10 =	sld [smem:$0x3FA6];
	_ =	sdelay $0x3  }
0x36: {  	p1 =	seq.s32 s10, $0x1;
	s10 =	sld [smem:$0x3FA7];
	_ =	sdelay $0x3  }
0x37: {  	[smem:$0x3FA7] =	sst s10  }
0x38: {  	s10 =	sld [smem:$0x3FA8]  }
0x39: {  	_ = 	snop;
	(pc) =	sbr.ind lr, $3  }
0x3a: {  	_ = 	snop  }
0x3b: {  	_ = 	snop  }
0x3c: {  	p2 =	seq.s32 s10, $0x1;
	s10 =	sld [smem:$0x3FA7]  }
0x3d: {  	_ =	shalt  }
0x3e: {  	_ =	shalt  }
0x3f: {  	_ =	shalt  }
0x40: {  	_ =	shalt  }
0x41: {  	_ =	shalt  }
0x42: {  	_ =	shalt  }
0x43: {  	_ =	shalt  }
0x44: {  	_ =	shalt  }
0x45: {  	_ =	shalt  }
0x46: {  	_ =	shalt  }
0x47: {  	_ =	shalt  }
0x48: {  	_ =	shalt  }
0x49: {  	_ =	shalt  }
0x4a: {  	_ =	shalt  }
0x4b: {  	_ =	shalt  }
0x4c: {  	_ =	shalt  }
0x4d: {  	_ =	shalt  }
0x4e: {  	_ =	shalt  }
0x4f: {  	_ =	shalt  }
0x50: {  	_ =	shalt  }
0x51: {  	_ =	shalt  }
0x52: {  	_ =	shalt  }
0x53: {  	_ =	shalt  }
0x54: {  	_ =	shalt  }
0x55: {  	_ =	shalt  }
0x56: {  	_ =	shalt  }
0x57: {  	_ =	shalt  }
0x58: {  	_ =	shalt  }
0x59: {  	_ =	shalt  }
0x5a: {  	_ =	shalt  }
0x5b: {  	_ =	shalt  }
0x5c: {  	_ =	shalt  }
0x5d: {  	_ =	shalt  }
0x5e: {  	_ =	shalt  }
0x5f: {  	_ =	shalt  }
0x60: {  	_ =	shalt  }
0x61: {  	_ =	shalt  }
0x62: {  	_ =	shalt  }
0x63: {  	_ =	shalt  }
0x64: {  	_ =	shalt  }
0x65: {  	_ =	shalt  }
0x66: {  	_ =	shalt  }
0x67: {  	_ =	shalt  }
0x68: {  	_ =	shalt  }
0x69: {  	_ =	shalt  }
0x6a: {  	_ =	shalt  }
0x6b: {  	_ =	shalt  }
0x6c: {  	_ =	shalt  }
0x6d: {  	_ =	shalt  }
0x6e: {  	_ =	shalt  }
0x6f: {  	_ =	shalt  }
0x70: {  	_ =	shalt  }
0x71: {  	_ =	shalt  }
0x72: {  	_ =	shalt  }
0x73: {  	_ =	shalt  }
0x74: {  	_ =	shalt  }
0x75: {  	_ =	shalt  }
0x76: {  	_ =	shalt  }
0x77: {  	_ =	shalt  }
0x78: {  	_ =	shalt  }
0x79: {  	_ =	shalt  }
0x7a: {  	_ =	shalt  }
0x7b: {  	_ =	shalt  }
0x7c: {  	_ =	shalt  }
0x7d: {  	_ =	shalt  }
0x7e: {  	_ =	shalt  }
0x7f: {  	_ =	shalt  }
0x80: {  	_ =	shalt  }
0x81: {  	_ =	shalt  }
0x82: {  	_ =	shalt  }
0x83: {  	_ =	shalt  }
0x84: {  	_ =	shalt  }
0x85: {  	_ =	shalt  }
0x86: {  	_ =	shalt  }
0x87: {  	_ =	shalt  }
.Lfunc_end0:
.L_simem_size_0:
called_computation.1_lowered:
.L_overlay_start_0:
0x88: {  	s2 =	sld [smem:$0x3FD9]  }
0x89: {  	s3 =	sld [smem:$0x3FFE];
	_ =	sdelay $0x1  }
0x8a: {  	s1 =	srdreg.scid  }
0x8b: {  	s0 =	sand.u32 $0x1, s1  }
0x8c: {  	s16 =	sshll.u32 s0, $0xA;
	s2 =	sadd.s32 s3, s2  }
0x8d: {  	s2 =	sadd.s32 s2, s16  }
0x8e: {  	[smem:$0x3FB3] =	sst s2  }
0x8f: {  	_ = 	snop  }
0x90: {  	(tm) =	ssettm $0x1  }
0x91: {  	s17 =	sld [smem:$0x3FFB];
	_ =	sdelay $0x3  }
0x92: {  	_ =	strace s17  }
0x93: {  	s2 =	sld [smem:$0x3FFC];
	_ =	sdelay $0x3  }
0x94: {  	_ =	strace s2  }
0x95: {  	s2 =	sld [smem:$0x3FFD];
	_ =	sdelay $0x3  }
0x96: {  	_ =	strace s2  }
0x97: {  	_ =	strace $0x8FFFFFFF  }
0x98: {  	s18 =	sld [smem:$0x3FDB];
	_ =	sdelay $0x1  }
0x99: {  	s19 =	simm.s32 $_scs_section_size  }
0x9a: {  	s4 =	simm.s32 $_size__tile_overlayer_lowered;
	s5 =	simm.s32 $_tile_overlayer_lowered  }
0x9b: {  	s22 =	simm.s32 $0x1BFF;
	s21 =	sshll.u32 s5, $0x1;
	s2 =	sadd.s32 s19, s18  }
0x9c: {  	s6 =	simm.s32 $0x0;
	s20 =	sshll.u32 s4, $0x1;
	s4 =	sadd.s32 s21, s2  }
0x9d: {  	[timem:s6], [sflag:s22] =	dma.local [hbm:s4], s20  }
0x9e: {  	_ =	swait.ge [sflag:s22], s20  }
0x9f: {  	s3 =	ssub.s32 $0x0, s20;
	[sflag:s22] =	ssyncset.done $0x0  }
0xa0: {  	[sflag:s22] =	ssyncadd.s32 s3;
	_ =	sdelay $0x1  }
0xa1: {  	s23 =	simm.s32 $0x1B8B  }
0xa2: {  	_ =	swait.ge [sflag:s23], $0x1  }
0xa3: {  	[sflag:s23] =	ssyncset.done $0x0  }
0xa4: {  	s25 =	simm.s32 $0x1B8E;
	s24 =	sld [smem:$0x3FFE];
	[sflag:s23] =	ssyncadd.s32 $0xFFFFFFFF  }
0xa5: {  	s26 =	simm.s32 $execute0_lowered;
	[smem:$0x3FD2] =	sst s25  }
0xa6: {  	s4 =	sshll.u32 s26, $0x1;
	_ =	strace $0x80000046;
	[dreg:$0x1] =	wrdreg $0xFFFFFFFF  }
0xa7: {  	s28 =	simm.s32 $_size_execute0_lowered;
	s2 =	sadd.s32 s2, s4;
	[dreg:$0x0] =	wrdreg $0x0  }
0xa8: {  	s4 =	sshll.u32 s28, $0x1;
	[dreg:$0x2] =	wrdreg s2  }
0xa9: {  	[dreg:$0x3] =	wrdreg s4  }
0xaa: {  	[dreg:$0x4] =	wrdreg $0xC0  }
0xab: {  	_ =	task [dreg:s6], $0x5FFFF  }
0xac: {  	[dreg:$0x1] =	wrdreg $0xFFFFFFFF  }
0xad: {  	[dreg:$0x0] =	wrdreg $0x60  }
0xae: {  	[dreg:$0x2] =	wrdreg s24  }
0xaf: {  	[dreg:$0x3] =	wrdreg $0x162000  }
0xb0: {  	[dreg:$0x4] =	wrdreg $0xA  }
0xb1: {  	_ =	task.clear_ibuf [dreg:s6], $0x5FFFF;
	_ =	strace $0x90000046  }
0xb2: {  	s29 =	simm.s32 $0xA;
	_ =	strace $0x80000048  }
0xb3: {  	_ =	swait.ge [sflag:s29], $0x1  }
0xb4: {  	[sflag:s29] =	ssyncadd.s32 $0xFFFFFFFF  }
0xb5: {  	_ =	strace $0x90000048  }
0xb6: {  	_ =	sfence  }
0xb7: {  	s30 =	sld [smem:$0x0];
	_ =	sdelay $0x2  }
0xb8: {  	s31 =	sshll.u32 s1, $0xD;
	s1 =	sshrl.u32 s1, $0x2  }
0xb9: {  	s3 =	sand.u32 $0x4000, s31;
	s1 =	sadd.s32 s1, s30  }
0xba: {  	s0 =	sor.u32 s3, s0;
	s1 =	sshll.u32 s1, $0x11  }
0xbb: {  	s0 =	sor.u32 s1, s0  }
0xbc: {  	s0 =	sadd.s32 $0x8F2B, s0  }
0xbd: {  	[sflag:s0] =	ssyncadd.remote.s32 $0x1  }
0xbe: {  	_ =	sfence.sel $0xFFFF  }
0xbf: {  	[dreg:$0x0] =	wrdreg $0xFFFFFFFF;
	(pc) =	sbr.abs _section_cstart, $3  }
0xc0: {  	[dreg:$0x1] =	wrdreg $0xFFFFFFFF  }
0xc1: {  	_ =	task.clear_ibuf [dreg:s6], $0x2FFFF;
	_ =	strace $0x9FFFFFFF  }
0xc2: {  	(tm) =	ssettm $0x7FFFFFFF  }
0xc3: {  	_ =	shalt  }
tec
execute0_lowered:
.L_overlay_start_1:
0x0: {  	(tag) =	ssettag $0x1  }
0x1: {  	s0 =	rddreg [dreg:$0x0]  }
0x2: {  	s7 =	stileid.u32;
	s1 =	srdreg.scid  }
0x3: {  	s2 =	rddreg [dreg:$0x1];
	s3 =	simm.s32 $0x0;
	s14 =	simm.s32 $0xA200  }
0x4: {  	s15 =	simm.s32 $0xD;
	s16 =	simm.s32 $0x5100;
	s17 =	simm.s32 $0x80  }
0x5: {  	s19 =	simm.s32 $0xC200;
	s21 =	simm.s32 $0xE200;
	s29 =	simm.s32 $0x14200  }
0x6: {  	s30 =	simm.s32 $0x2;
	s31 =	simm.s32 $0x7;
	s4 =	smul.u32 $0x9E00, s7  }
0x7: {  	s18 =	simm.s32 $0x3;
	s22 =	simm.s32 $0x8;
	s6 =	smul.u32 $0xA20, s7  }
0x8: {  	s20 =	simm.s32 $0xA;
	s1 =	sand.u32 $0x1, s1;
	s7 =	smul.u32 $0x27800, s7  }
0x9: {  	s28 =	simm.s32 $0x6;
	[smem:$0x7FF] =	sst s3;
	s5 =	smul.u32 $0x9E000, s1  }
0xa: {  	_ =	strace $0x80000047;
	s8 =	ssub.s32 $0x2, s1;
	p0 =	seq.s32 s1, $0x0  }
0xb: {  	s1 =	simm.s32 $0x16C00;
	s6 =	sadd.s32 s6, s0;
	s9 =	sshrl.u32 s8, $0x1  }
0xc: {  	s7 =	sshrl.u32 s7, $0x2;
	s1 =	simm.s32 @!p0 $0x3200;
	s5 =	sadd.s32 s4, s5  }
0xd: {  	s8 =	ssub.s32 s8, s9;
	s4 =	sadd.s32 s4, s2;
	s7 =	sadd.s32 s7, s2  }
0xe: {  	s26 =	sadd.s32 $0x2A600, s6;
	s10 =	sadd.s32 $0x34800, s6;
	s13 =	sadd.s32 s1, s0  }
0xf: {  	s1 =	simm.s32 $0x9;
	s23 =	sadd.s32 $0x2000, s7;
	[dreg:$0x7] =	wrdreg s26  }
0x10: {  	s6 =	simm.s32 $0xC;
	s24 =	sadd.s32 $0x4000, s7;
	[dreg:$0x3] =	wrdreg s23  }
0x11: {  	s5 =	sshrl.u32 s5, $0x3;
	s25 =	sadd.s32 $0x6000, s7;
	[dreg:$0x4] =	wrdreg s24  }
0x12: {  	s7 =	sadd.s32 $0x8000, s7;
	s12 =	smax.u32 s8, $0x1;
	[dreg:$0x5] =	wrdreg s25  }
0x13: {  	s26 =	simm.s32 $0x1;
	s5 =	sadd.s32 s5, s0;
	[dreg:$0x6] =	wrdreg s7  }
0x14: {  	s23 =	simm.s32 $0x10200;
	s25 =	simm.s32 $0x12200;
	s0 =	simm.s32 $0x4  }
0x15: {  	v0 =	vimm.f32 $0.0e+00;
	s24 =	simm.s32 $0x5;
	s11 =	sadd.s32 $0x3EA00, s5;
	s5 =	simm.s32 $0xB  }
.LBB2_1:
0x16: {  	s8 =	simm.s32 $0x100;
	s7 =	simm.s32 $0x0  }
.LBB2_2:
0x17: {  	p0 =	sne.s32 s8, $0x7F00;
	[tilespmem:s7+$0xA230] =	vst v0;
	s9 =	smov.u32 s8;
	s8 =	sadd.s32 $0x100, s8  }
.Ltmp0:
0x18: {  	[tilespmem:s7+$0xA220] =	vst v0;
	(pc) =	sbr.rel @p0 .LBB2_2-.Ltmp0, $3  }
0x19: {  	[tilespmem:s7+$0xA200] =	vst v0  }
0x1a: {  	[tilespmem:s7+$0xA210] =	vst v0;
	_ =	sdelay $0x1  }
0x1b: {  	s7 =	sshra.s32 s9, $0x2  }
0x1c: {  	[tilespmem:s7+$0xA230] =	vst v0  }
0x1d: {  	[tilespmem:s7+$0xA220] =	vst v0  }
0x1e: {  	[tilespmem:s7+$0xA200] =	vst v0  }
0x1f: {  	[tilespmem:s7+$0xA210] =	vst v0  }
0x20: {  	[spmem:s4] =	stream.linear.scatter [tilespmem:s14], [sflag:$0xD], $0x2000, $0x38;
	v63 =	vld [tilespmem:$0x0]  }
0x21: {  	_ =	swait.ge [sflag:s15], $0x2000  }
0x22: {  	[sflag:s15] =	ssyncset.done $0x0  }
0x23: {  	s9 =	rddreg [dreg:$0x3];
	[sflag:s15] =	ssyncadd.s32 $0xFFFFE000  }
0x24: {  	[spmem:s9] =	stream.linear.scatter [tilespmem:s14], [sflag:$0xD], $0x2000, $0x38;
	v63 =	vld [tilespmem:$0x0]  }
0x25: {  	_ =	swait.ge [sflag:s15], $0x2000  }
0x26: {  	[sflag:s15] =	ssyncset.done $0x0  }
0x27: {  	s8 =	rddreg [dreg:$0x4];
	[sflag:s15] =	ssyncadd.s32 $0xFFFFE000  }
0x28: {  	[spmem:s8] =	stream.linear.scatter [tilespmem:s14], [sflag:$0xD], $0x2000, $0x38;
	v63 =	vld [tilespmem:$0x0]  }
0x29: {  	_ =	swait.ge [sflag:s15], $0x2000  }
0x2a: {  	[sflag:s15] =	ssyncset.done $0x0  }
0x2b: {  	s9 =	rddreg [dreg:$0x5];
	[sflag:s15] =	ssyncadd.s32 $0xFFFFE000  }
0x2c: {  	[spmem:s9] =	stream.linear.scatter [tilespmem:s14], [sflag:$0xD], $0x2000, $0x38;
	v63 =	vld [tilespmem:$0x0]  }
0x2d: {  	_ =	swait.ge [sflag:s15], $0x2000  }
0x2e: {  	[sflag:s15] =	ssyncset.done $0x0  }
0x2f: {  	s8 =	rddreg [dreg:$0x6];
	[sflag:s15] =	ssyncadd.s32 $0xFFFFE000  }
0x30: {  	[spmem:s8] =	stream.linear.scatter [tilespmem:s14], [sflag:$0xD], $0x1E00, $0x38;
	v63 =	vld [tilespmem:$0x0]  }
0x31: {  	_ =	swait.ge [sflag:s15], $0x1E00  }
0x32: {  	[sflag:s15] =	ssyncset.done $0x0  }
0x33: {  	s7 =	simm.s32 $0x0;
	s8 =	rddreg [dreg:$0x7];
	[sflag:s15] =	ssyncadd.s32 $0xFFFFE200  }
0x34: {  	[tilespmem:s7], [sflag:$0xD] =	stream.linear.gather [hbm4b:s8+s7], $0x5100, $0x38;
	v63 =	vld [tilespmem:$0x0]  }
0x35: {  	_ =	swait.ge [sflag:s15], $0x5100  }
0x36: {  	[sflag:s15] =	ssyncset.done $0x0  }
0x37: {  	[sflag:s15] =	ssyncadd.s32 $0xFFFFAF00  }
0x38: {  	[tilespmem:s16], [sflag:$0xD] =	stream.linear.gather [hbm4b:s10+s7], $0x5100, $0x38;
	v63 =	vld [tilespmem:$0x0]  }
0x39: {  	_ =	swait.ge [sflag:s15], $0x5100  }
0x3a: {  	[sflag:s15] =	ssyncset.done $0x0  }
0x3b: {  	[sflag:s15] =	ssyncadd.s32 $0xFFFFAF00  }
0x3c: {  	[bflag:$0x0] =	sbarrier.arrive $0xFFFF  }
0x3d: {  	[tilespmem:s14], [sflag:$0x1] =	stream.indirect.gather [hbm4b:s13+s17], $0x40, s16, s17, $0xb8;
	v63 =	vld [tilespmem:$0x0]  }
0x3e: {  	s9 =	simm.s32 $0x5180  }
0x3f: {  	[tilespmem:s19], [sflag:$0x2] =	stream.indirect.gather [hbm4b:s13+s17], $0x40, s9, s17, $0xb8;
	v63 =	vld [tilespmem:$0x0]  }
0x40: {  	s9 =	simm.s32 $0x5200  }
0x41: {  	[tilespmem:s21], [sflag:$0x3] =	stream.indirect.gather [hbm4b:s13+s17], $0x40, s9, s17, $0xb8;
	v63 =	vld [tilespmem:$0x0]  }
0x42: {  	s9 =	simm.s32 $0x5280  }
0x43: {  	[tilespmem:s23], [sflag:$0x4] =	stream.indirect.gather [hbm4b:s13+s17], $0x40, s9, s17, $0xb8;
	v63 =	vld [tilespmem:$0x0]  }
0x44: {  	s9 =	simm.s32 $0x5300  }
0x45: {  	[tilespmem:s25], [sflag:$0x5] =	stream.indirect.gather [hbm4b:s13+s17], $0x40, s9, s17, $0xb8;
	v63 =	vld [tilespmem:$0x0]  }
0x46: {  	_ =	swait.ge [sflag:s26], $0x2000  }
0x47: {  	[sflag:s26] =	ssyncset.done $0x0  }
0x48: {  	[sflag:s26] =	ssyncadd.s32 $0xFFFFE000  }
0x49: {  	[spmem:s2] =	stream.indirect.scatter.add.f32 [tilespmem:s14], [sflag:$0x7], $0x40, s7, s17, $0xb8;
	v63 =	vld [tilespmem:$0x0]  }
0x4a: {  	s9 =	simm.s32 $0x5380  }
0x4b: {  	[tilespmem:s29], [sflag:$0x6] =	stream.indirect.gather [hbm4b:s13+s17], $0x40, s9, s17, $0xb8;
	v63 =	vld [tilespmem:$0x0]  }
0x4c: {  	_ =	swait.ge [sflag:s30], $0x2000  }
0x4d: {  	[sflag:s30] =	ssyncset.done $0x0  }
0x4e: {  	[sflag:s30] =	ssyncadd.s32 $0xFFFFE000  }
0x4f: {  	[spmem:s2] =	stream.indirect.scatter.add.f32 [tilespmem:s19], [sflag:$0x8], $0x40, s17, s17, $0xb8;
	v63 =	vld [tilespmem:$0x0]  }
0x50: {  	_ =	swait.ge [sflag:s31], $0x2000  }
0x51: {  	[sflag:s31] =	ssyncset.done $0x0  }
0x52: {  	s8 =	simm.s32 $0x5400;
	[sflag:s31] =	ssyncadd.s32 $0xFFFFE000  }
0x53: {  	[tilespmem:s14], [sflag:$0x1] =	stream.indirect.gather [hbm4b:s13+s17], $0x40, s8, s17, $0xb8;
	v63 =	vld [tilespmem:$0x0]  }
0x54: {  	_ =	swait.ge [sflag:s18], $0x2000  }
0x55: {  	[sflag:s18] =	ssyncset.done $0x0  }
0x56: {  	s9 =	simm.s32 $0x100;
	[sflag:s18] =	ssyncadd.s32 $0xFFFFE000  }
0x57: {  	[spmem:s2] =	stream.indirect.scatter.add.f32 [tilespmem:s21], [sflag:$0x9], $0x40, s9, s17, $0xb8;
	v63 =	vld [tilespmem:$0x0]  }
0x58: {  	_ =	swait.ge [sflag:s22], $0x2000  }
0x59: {  	[sflag:s22] =	ssyncset.done $0x0  }
0x5a: {  	s8 =	simm.s32 $0x5480;
	[sflag:s22] =	ssyncadd.s32 $0xFFFFE000  }
0x5b: {  	[tilespmem:s19], [sflag:$0x2] =	stream.indirect.gather [hbm4b:s13+s17], $0x40, s8, s17, $0xb8;
	v63 =	vld [tilespmem:$0x0]  }
0x5c: {  	_ =	swait.ge [sflag:s0], $0x2000  }
0x5d: {  	[sflag:s0] =	ssyncset.done $0x0  }
0x5e: {  	s9 =	simm.s32 $0x180;
	[sflag:s0] =	ssyncadd.s32 $0xFFFFE000  }
0x5f: {  	[spmem:s2] =	stream.indirect.scatter.add.f32 [tilespmem:s23], [sflag:$0xA], $0x40, s9, s17, $0xb8;
	v63 =	vld [tilespmem:$0x0]  }
0x60: {  	_ =	swait.ge [sflag:s1], $0x2000  }
0x61: {  	[sflag:s1] =	ssyncset.done $0x0  }
0x62: {  	s8 =	simm.s32 $0x5500;
	[sflag:s1] =	ssyncadd.s32 $0xFFFFE000  }
0x63: {  	[tilespmem:s21], [sflag:$0x3] =	stream.indirect.gather [hbm4b:s13+s17], $0x40, s8, s17, $0xb8;
	v63 =	vld [tilespmem:$0x0]  }
0x64: {  	_ =	swait.ge [sflag:s24], $0x2000  }
0x65: {  	[sflag:s24] =	ssyncset.done $0x0  }
0x66: {  	s9 =	simm.s32 $0x200;
	[sflag:s24] =	ssyncadd.s32 $0xFFFFE000  }
0x67: {  	[spmem:s2] =	stream.indirect.scatter.add.f32 [tilespmem:s25], [sflag:$0xB], $0x40, s9, s17, $0xb8;
	v63 =	vld [tilespmem:$0x0]  }
0x68: {  	_ =	swait.ge [sflag:s20], $0x2000  }
0x69: {  	[sflag:s20] =	ssyncset.done $0x0  }
0x6a: {  	s8 =	simm.s32 $0x5580;
	[sflag:s20] =	ssyncadd.s32 $0xFFFFE000  }
0x6b: {  	[tilespmem:s23], [sflag:$0x4] =	stream.indirect.gather [hbm4b:s13+s17], $0x40, s8, s17, $0xb8;
	v63 =	vld [tilespmem:$0x0]  }
0x6c: {  	_ =	swait.ge [sflag:s28], $0x2000  }
0x6d: {  	[sflag:s28] =	ssyncset.done $0x0  }
0x6e: {  	s9 =	simm.s32 $0x280;
	[sflag:s28] =	ssyncadd.s32 $0xFFFFE000  }
0x6f: {  	[spmem:s2] =	stream.indirect.scatter.add.f32 [tilespmem:s29], [sflag:$0xC], $0x40, s9, s17, $0xb8;
	v63 =	vld [tilespmem:$0x0]  }
0x70: {  	_ =	swait.ge [sflag:s5], $0x2000  }
0x71: {  	[sflag:s5] =	ssyncset.done $0x0  }
0x72: {  	s8 =	simm.s32 $0x5600;
	[sflag:s5] =	ssyncadd.s32 $0xFFFFE000  }
0x73: {  	[tilespmem:s25], [sflag:$0x5] =	stream.indirect.gather [hbm4b:s13+s17], $0x40, s8, s17, $0xb8;
	v63 =	vld [tilespmem:$0x0]  }
0x74: {  	_ =	swait.ge [sflag:s26], $0x2000  }
0x75: {  	[sflag:s26] =	ssyncset.done $0x0  }
0x76: {  	s9 =	simm.s32 $0x300;
	[sflag:s26] =	ssyncadd.s32 $0xFFFFE000  }
0x77: {  	[spmem:s2] =	stream.indirect.scatter.add.f32 [tilespmem:s14], [sflag:$0x7], $0x40, s9, s17, $0xb8;
	v63 =	vld [tilespmem:$0x0]  }
0x78: {  	_ =	swait.ge [sflag:s6], $0x2000  }
0x79: {  	[sflag:s6] =	ssyncset.done $0x0  }
0x7a: {  	s8 =	simm.s32 $0x5680;
	[sflag:s6] =	ssyncadd.s32 $0xFFFFE000  }
0x7b: {  	[tilespmem:s29], [sflag:$0x6] =	stream.indirect.gather [hbm4b:s13+s17], $0x40, s8, s17, $0xb8;
	v63 =	vld [tilespmem:$0x0]  }
0x7c: {  	_ =	swait.ge [sflag:s30], $0x2000  }
0x7d: {  	[sflag:s30] =	ssyncset.done $0x0  }
0x7e: {  	s9 =	simm.s32 $0x380;
	[sflag:s30] =	ssyncadd.s32 $0xFFFFE000  }
0x7f: {  	[spmem:s2] =	stream.indirect.scatter.add.f32 [tilespmem:s19], [sflag:$0x8], $0x40, s9, s17, $0xb8;
	v63 =	vld [tilespmem:$0x0]  }
0x80: {  	_ =	swait.ge [sflag:s31], $0x2000  }
0x81: {  	[sflag:s31] =	ssyncset.done $0x0  }
0x82: {  	s8 =	simm.s32 $0x5700;
	[sflag:s31] =	ssyncadd.s32 $0xFFFFE000  }
0x83: {  	[tilespmem:s14], [sflag:$0x1] =	stream.indirect.gather [hbm4b:s13+s17], $0x40, s8, s17, $0xb8;
	v63 =	vld [tilespmem:$0x0]  }
0x84: {  	_ =	swait.ge [sflag:s18], $0x2000  }
0x85: {  	[sflag:s18] =	ssyncset.done $0x0  }
0x86: {  	s9 =	simm.s32 $0x400;
	[sflag:s18] =	ssyncadd.s32 $0xFFFFE000  }
0x87: {  	[spmem:s2] =	stream.indirect.scatter.add.f32 [tilespmem:s21], [sflag:$0x9], $0x40, s9, s17, $0xb8;
	v63 =	vld [tilespmem:$0x0]  }
0x88: {  	_ =	swait.ge [sflag:s22], $0x2000  }
0x89: {  	[sflag:s22] =	ssyncset.done $0x0  }
0x8a: {  	s8 =	simm.s32 $0x5780;
	[sflag:s22] =	ssyncadd.s32 $0xFFFFE000  }
0x8b: {  	[tilespmem:s19], [sflag:$0x2] =	stream.indirect.gather [hbm4b:s13+s17], $0x40, s8, s17, $0xb8;
	v63 =	vld [tilespmem:$0x0]  }
0x8c: {  	_ =	swait.ge [sflag:s0], $0x2000  }
0x8d: {  	[sflag:s0] =	ssyncset.done $0x0  }
0x8e: {  	s9 =	simm.s32 $0x480;
	[sflag:s0] =	ssyncadd.s32 $0xFFFFE000  }
0x8f: {  	[spmem:s2] =	stream.indirect.scatter.add.f32 [tilespmem:s23], [sflag:$0xA], $0x40, s9, s17, $0xb8;
	v63 =	vld [tilespmem:$0x0]  }
0x90: {  	_ =	swait.ge [sflag:s1], $0x2000  }
0x91: {  	[sflag:s1] =	ssyncset.done $0x0  }
0x92: {  	s8 =	simm.s32 $0x5800;
	[sflag:s1] =	ssyncadd.s32 $0xFFFFE000  }
0x93: {  	[tilespmem:s21], [sflag:$0x3] =	stream.indirect.gather [hbm4b:s13+s17], $0x40, s8, s17, $0xb8;
	v63 =	vld [tilespmem:$0x0]  }
0x94: {  	_ =	swait.ge [sflag:s24], $0x2000  }
0x95: {  	[sflag:s24] =	ssyncset.done $0x0  }
0x96: {  	s9 =	simm.s32 $0x500;
	[sflag:s24] =	ssyncadd.s32 $0xFFFFE000  }
0x97: {  	[spmem:s2] =	stream.indirect.scatter.add.f32 [tilespmem:s25], [sflag:$0xB], $0x40, s9, s17, $0xb8;
	v63 =	vld [tilespmem:$0x0]  }
0x98: {  	_ =	swait.ge [sflag:s20], $0x2000  }
0x99: {  	[sflag:s20] =	ssyncset.done $0x0  }
0x9a: {  	s8 =	simm.s32 $0x5880;
	[sflag:s20] =	ssyncadd.s32 $0xFFFFE000  }
0x9b: {  	[tilespmem:s23], [sflag:$0x4] =	stream.indirect.gather [hbm4b:s13+s17], $0x40, s8, s17, $0xb8;
	v63 =	vld [tilespmem:$0x0]  }
0x9c: {  	_ =	swait.ge [sflag:s28], $0x2000  }
0x9d: {  	[sflag:s28] =	ssyncset.done $0x0  }
0x9e: {  	s9 =	simm.s32 $0x580;
	[sflag:s28] =	ssyncadd.s32 $0xFFFFE000  }
0x9f: {  	[spmem:s2] =	stream.indirect.scatter.add.f32 [tilespmem:s29], [sflag:$0xC], $0x40, s9, s17, $0xb8;
	v63 =	vld [tilespmem:$0x0]  }
0xa0: {  	_ =	swait.ge [sflag:s5], $0x2000  }
0xa1: {  	[sflag:s5] =	ssyncset.done $0x0  }
0xa2: {  	s7 =	simm.s32 $0xC00;
	s8 =	simm.s32 $0x5900;
	[sflag:s5] =	ssyncadd.s32 $0xFFFFE000  }
.LBB2_4:
0xa3: {  	[tilespmem:s25], [sflag:$0x5] =	stream.indirect.gather [hbm4b:s13+s17], $0x40, s8, s17, $0xb8;
	v63 =	vld [tilespmem:$0x0]  }
0xa4: {  	s8 =	smov.u32 s7  }
0xa5: {  	p0 =	sne.s32 s7, $0x12000;
	s7 =	sadd.s32 $0xC00, s7;
	_ =	swait.ge [sflag:s26], $0x2000  }
0xa6: {  	s8 =	sshra.s32 s8, $0x2;
	[sflag:s26] =	ssyncset.done $0x0  }
0xa7: {  	s9 =	sadd.s32 $0x300, s8;
	[sflag:s26] =	ssyncadd.s32 $0xFFFFE000  }
0xa8: {  	[spmem:s2] =	stream.indirect.scatter.add.f32 [tilespmem:s14], [sflag:$0x7], $0x40, s9, s17, $0xb8;
	v63 =	vld [tilespmem:$0x0]  }
0xa9: {  	_ =	swait.ge [sflag:s6], $0x2000  }
0xaa: {  	[sflag:s6] =	ssyncset.done $0x0  }
0xab: {  	s9 =	sadd.s32 $0x5680, s8;
	[sflag:s6] =	ssyncadd.s32 $0xFFFFE000  }
0xac: {  	[tilespmem:s29], [sflag:$0x6] =	stream.indirect.gather [hbm4b:s13+s17], $0x40, s9, s17, $0xb8;
	v63 =	vld [tilespmem:$0x0]  }
0xad: {  	_ =	swait.ge [sflag:s30], $0x2000  }
0xae: {  	[sflag:s30] =	ssyncset.done $0x0  }
0xaf: {  	s9 =	sadd.s32 $0x380, s8;
	[sflag:s30] =	ssyncadd.s32 $0xFFFFE000  }
0xb0: {  	[spmem:s2] =	stream.indirect.scatter.add.f32 [tilespmem:s19], [sflag:$0x8], $0x40, s9, s17, $0xb8;
	v63 =	vld [tilespmem:$0x0]  }
0xb1: {  	_ =	swait.ge [sflag:s31], $0x2000  }
0xb2: {  	[sflag:s31] =	ssyncset.done $0x0  }
0xb3: {  	s9 =	sadd.s32 $0x5700, s8;
	[sflag:s31] =	ssyncadd.s32 $0xFFFFE000  }
0xb4: {  	[tilespmem:s14], [sflag:$0x1] =	stream.indirect.gather [hbm4b:s13+s17], $0x40, s9, s17, $0xb8;
	v63 =	vld [tilespmem:$0x0]  }
0xb5: {  	_ =	swait.ge [sflag:s18], $0x2000  }
0xb6: {  	[sflag:s18] =	ssyncset.done $0x0  }
0xb7: {  	s9 =	sadd.s32 $0x400, s8;
	[sflag:s18] =	ssyncadd.s32 $0xFFFFE000  }
0xb8: {  	[spmem:s2] =	stream.indirect.scatter.add.f32 [tilespmem:s21], [sflag:$0x9], $0x40, s9, s17, $0xb8;
	v63 =	vld [tilespmem:$0x0]  }
0xb9: {  	_ =	swait.ge [sflag:s22], $0x2000  }
0xba: {  	[sflag:s22] =	ssyncset.done $0x0  }
0xbb: {  	s9 =	sadd.s32 $0x5780, s8;
	[sflag:s22] =	ssyncadd.s32 $0xFFFFE000  }
0xbc: {  	[tilespmem:s19], [sflag:$0x2] =	stream.indirect.gather [hbm4b:s13+s17], $0x40, s9, s17, $0xb8;
	v63 =	vld [tilespmem:$0x0]  }
0xbd: {  	_ =	swait.ge [sflag:s0], $0x2000  }
0xbe: {  	[sflag:s0] =	ssyncset.done $0x0  }
0xbf: {  	s9 =	sadd.s32 $0x480, s8;
	[sflag:s0] =	ssyncadd.s32 $0xFFFFE000  }
0xc0: {  	[spmem:s2] =	stream.indirect.scatter.add.f32 [tilespmem:s23], [sflag:$0xA], $0x40, s9, s17, $0xb8;
	v63 =	vld [tilespmem:$0x0]  }
0xc1: {  	_ =	swait.ge [sflag:s1], $0x2000  }
0xc2: {  	[sflag:s1] =	ssyncset.done $0x0  }
0xc3: {  	s9 =	sadd.s32 $0x5800, s8;
	[sflag:s1] =	ssyncadd.s32 $0xFFFFE000  }
0xc4: {  	[tilespmem:s21], [sflag:$0x3] =	stream.indirect.gather [hbm4b:s13+s17], $0x40, s9, s17, $0xb8;
	v63 =	vld [tilespmem:$0x0]  }
0xc5: {  	_ =	swait.ge [sflag:s24], $0x2000  }
0xc6: {  	[sflag:s24] =	ssyncset.done $0x0  }
0xc7: {  	s9 =	sadd.s32 $0x500, s8;
	[sflag:s24] =	ssyncadd.s32 $0xFFFFE000  }
0xc8: {  	[spmem:s2] =	stream.indirect.scatter.add.f32 [tilespmem:s25], [sflag:$0xB], $0x40, s9, s17, $0xb8;
	v63 =	vld [tilespmem:$0x0]  }
0xc9: {  	_ =	swait.ge [sflag:s20], $0x2000  }
0xca: {  	[sflag:s20] =	ssyncset.done $0x0  }
0xcb: {  	s9 =	sadd.s32 $0x5880, s8;
	[sflag:s20] =	ssyncadd.s32 $0xFFFFE000  }
0xcc: {  	[tilespmem:s23], [sflag:$0x4] =	stream.indirect.gather [hbm4b:s13+s17], $0x40, s9, s17, $0xb8;
	v63 =	vld [tilespmem:$0x0]  }
0xcd: {  	_ =	swait.ge [sflag:s28], $0x2000  }
0xce: {  	[sflag:s28] =	ssyncset.done $0x0  }
.Ltmp1:
0xcf: {  	s9 =	sadd.s32 $0x580, s8;
	[sflag:s28] =	ssyncadd.s32 $0xFFFFE000;
	(pc) =	sbr.rel @p0 .LBB2_4-.Ltmp1, $4  }
0xd0: {  	[spmem:s2] =	stream.indirect.scatter.add.f32 [tilespmem:s29], [sflag:$0xC], $0x40, s9, s17, $0xb8;
	v63 =	vld [tilespmem:$0x0]  }
0xd1: {  	_ =	swait.ge [sflag:s5], $0x2000  }
0xd2: {  	[sflag:s5] =	ssyncset.done $0x0  }
0xd3: {  	s8 =	sadd.s32 $0x5900, s8;
	[sflag:s5] =	ssyncadd.s32 $0xFFFFE000  }
0xd4: {  	[tilespmem:s25], [sflag:$0x5] =	stream.indirect.gather [hbm4b:s13+s17], $0x40, s8, s17, $0xb8;
	v63 =	vld [tilespmem:$0x0]  }
0xd5: {  	_ =	swait.ge [sflag:s26], $0x2000  }
0xd6: {  	[sflag:s26] =	ssyncset.done $0x0  }
0xd7: {  	s7 =	simm.s32 $0x4E00;
	[sflag:s26] =	ssyncadd.s32 $0xFFFFE000  }
0xd8: {  	[spmem:s2] =	stream.indirect.scatter.add.f32 [tilespmem:s14], [sflag:$0x7], $0x40, s7, s17, $0xb8;
	v63 =	vld [tilespmem:$0x0]  }
0xd9: {  	_ =	swait.ge [sflag:s6], $0x2000  }
0xda: {  	[sflag:s6] =	ssyncset.done $0x0  }
0xdb: {  	s8 =	simm.s32 $0xA180;
	[sflag:s6] =	ssyncadd.s32 $0xFFFFE000  }
0xdc: {  	[tilespmem:s29], [sflag:$0x6] =	stream.indirect.gather [hbm4b:s13+s17], $0x40, s8, s17, $0xb8;
	v63 =	vld [tilespmem:$0x0]  }
0xdd: {  	_ =	swait.ge [sflag:s30], $0x2000  }
0xde: {  	[sflag:s30] =	ssyncset.done $0x0  }
0xdf: {  	s9 =	simm.s32 $0x4E80;
	[sflag:s30] =	ssyncadd.s32 $0xFFFFE000  }
0xe0: {  	[spmem:s2] =	stream.indirect.scatter.add.f32 [tilespmem:s19], [sflag:$0x8], $0x40, s9, s17, $0xb8;
	v63 =	vld [tilespmem:$0x0]  }
0xe1: {  	_ =	swait.ge [sflag:s31], $0x2000  }
0xe2: {  	[sflag:s31] =	ssyncset.done $0x0  }
0xe3: {  	[sflag:s31] =	ssyncadd.s32 $0xFFFFE000  }
0xe4: {  	_ =	swait.ge [sflag:s18], $0x2000  }
0xe5: {  	[sflag:s18] =	ssyncset.done $0x0  }
0xe6: {  	s8 =	simm.s32 $0x4F00;
	[sflag:s18] =	ssyncadd.s32 $0xFFFFE000  }
0xe7: {  	[spmem:s2] =	stream.indirect.scatter.add.f32 [tilespmem:s21], [sflag:$0x9], $0x40, s8, s17, $0xb8;
	v63 =	vld [tilespmem:$0x0]  }
0xe8: {  	_ =	swait.ge [sflag:s22], $0x2000  }
0xe9: {  	[sflag:s22] =	ssyncset.done $0x0  }
0xea: {  	[sflag:s22] =	ssyncadd.s32 $0xFFFFE000  }
0xeb: {  	_ =	swait.ge [sflag:s0], $0x2000  }
0xec: {  	[sflag:s0] =	ssyncset.done $0x0  }
0xed: {  	s9 =	simm.s32 $0x4F80;
	[sflag:s0] =	ssyncadd.s32 $0xFFFFE000  }
0xee: {  	[spmem:s2] =	stream.indirect.scatter.add.f32 [tilespmem:s23], [sflag:$0xA], $0x40, s9, s17, $0xb8;
	v63 =	vld [tilespmem:$0x0]  }
0xef: {  	_ =	swait.ge [sflag:s1], $0x2000  }
0xf0: {  	[sflag:s1] =	ssyncset.done $0x0  }
0xf1: {  	[sflag:s1] =	ssyncadd.s32 $0xFFFFE000  }
0xf2: {  	_ =	swait.ge [sflag:s24], $0x2000  }
0xf3: {  	[sflag:s24] =	ssyncset.done $0x0  }
0xf4: {  	s8 =	simm.s32 $0x5000;
	[sflag:s24] =	ssyncadd.s32 $0xFFFFE000  }
0xf5: {  	[spmem:s2] =	stream.indirect.scatter.add.f32 [tilespmem:s25], [sflag:$0xB], $0x40, s8, s17, $0xb8;
	v63 =	vld [tilespmem:$0x0]  }
0xf6: {  	_ =	swait.ge [sflag:s20], $0x2000  }
0xf7: {  	[sflag:s20] =	ssyncset.done $0x0  }
0xf8: {  	[sflag:s20] =	ssyncadd.s32 $0xFFFFE000  }
0xf9: {  	_ =	swait.ge [sflag:s28], $0x2000  }
0xfa: {  	[sflag:s28] =	ssyncset.done $0x0  }
0xfb: {  	s9 =	simm.s32 $0x5080;
	[sflag:s28] =	ssyncadd.s32 $0xFFFFE000  }
0xfc: {  	[spmem:s2] =	stream.indirect.scatter.add.f32 [tilespmem:s29], [sflag:$0xC], $0x40, s9, s17, $0xb8;
	v63 =	vld [tilespmem:$0x0]  }
0xfd: {  	_ =	swait.ge [sflag:s5], $0x2000  }
0xfe: {  	[sflag:s5] =	ssyncset.done $0x0  }
0xff: {  	[sflag:s5] =	ssyncadd.s32 $0xFFFFE000  }
0x100: {  	s8 =	stileid.u32;
	_ =	swait.ge [sflag:s6], $0x2000  }
0x101: {  	s3 =	sadd.s32 $0x1, s3;
	s7 =	sshll.u32 s8, $0x6;
	[sflag:s6] =	ssyncset.done $0x0  }
0x102: {  	p0 =	sne.s32 s3, s12;
	s7 =	sor.u32 $0x1C0D, s7;
	[sflag:s6] =	ssyncadd.s32 $0xFFFFE000  }
.Ltmp2:
0x103: {  	s9 =	sshrl.u32 s4, $0x3;
	[bflag:$0x0] =	sbarrier.arrive $0xFFFF;
	(pc) =	sbr.rel @p0 .LBB2_1-.Ltmp2, $4  }
0x104: {  	[hbm:s11], [sflag:s7] =	dma.local [spmem:s9], $0x13C0  }
0x105: {  	_ =	swait.ge [sflag:s15], $0x13C0  }
0x106: {  	[sflag:s15] =	ssyncset.done $0x0  }
0x107: {  	[sflag:s15] =	ssyncadd.s32 $0xFFFFEC40  }
0x108: {  	_ =	sfence.sel $0x180000  }
0x109: {  	[bflag:$0x0] =	sbarrier.arrive $0xFFFF  }
0x10a: {  	_ =	strace $0x90000047  }
0x10b: {  	s0 =	stileid.u32;
	[bflag:$0x2] =	sbarrier.arrive $0xFFFF  }
0x10c: {  	p0 =	sne.s32 s0, $0x0;
	s0 =	rddreg [dreg:$0x2]  }
0x10d: {  	s0 =	sadd.s32 @!p0 $0x100000, s0  }
0x10e: {  	[sflag:s0] =	ssyncadd.tile.s32 @!p0 $0x1;
	_ =	shalt  }
.Lfunc_end2:
_tile_overlayer_lowered:
.L_overlay_start_2:
0x10f: {  	(tag) =	ssettag $0x2  }
0x110: {  	s0 =	rddreg [dreg:$0x0];
	s2 =	stileid.u32  }
0x111: {  	s1 =	rddreg [dreg:$0x1];
	p0 =	sne.s32 s2, $0x0  }
0x112: {  	s3 =	rddreg [dreg:$0x2];
	[bflag:$0x3] =	sbarrier.arrive $0xFFFF;
	s2 =	simm.s32 @!p0 $0x1C0D  }
0x113: {  	[timem:s3], [sflag:s2] =	dma.local @!p0 [hbm:s0], s1  }
0x114: {  	s0 =	simm.s32 @!p0 $0xD  }
0x115: {  	_ =	swait.ge @!p0 [sflag:s0], s1  }
0x116: {  	s1 =	ssub.s32 @!p0 $0x0, s1;
	[sflag:s0] =	ssyncset.done @!p0 $0x0  }
0x117: {  	[sflag:s0] =	ssyncadd.s32 @!p0 s1  }
0x118: {  	[bflag:$0x3] =	sbarrier.arrive $0xFFFF  }
0x119: {  	_ =	shalt  }

// kernel: kernel.13.cloned.1.call-start
scs
__scs_entry_jumppad:
0x0: {  	(pc) =	sbr.rel $0x88, $3  }
0x1: {  	(tag) =	ssettag $0x0;
	lr =	simm.s32 $0x1  }
0x2: {  	[smem:$0x3F8C] =	sst lr;
	_ =	strace $0xD0000000  }
0x3: {  	_ = 	snop  }
0x4: {  	_ = 	snop  }
0x5: {  	_ = 	snop  }
0x6: {  	_ = 	snop  }
0x7: {  	_ = 	snop  }
__scs_overlays_trampoline_lowered:
0x8: {  	[smem:$0x3F9B] =	sst s0  }
0x9: {  	[smem:$0x3F9C] =	sst s1  }
0xa: {  	[smem:$0x3F9D] =	sst s2  }
0xb: {  	[smem:$0x3F9E] =	sst s3  }
0xc: {  	[smem:$0x3F9F] =	sst s4  }
0xd: {  	[smem:$0x3FA0] =	sst s5  }
0xe: {  	[smem:$0x3FA1] =	sst s6  }
0xf: {  	[smem:$0x3FA2] =	sst s7  }
0x10: {  	[smem:$0x3FA3] =	sst s8  }
0x11: {  	[smem:$0x3FA4] =	sst s9;
	s0 =	simm.s32 @!p0 $0x0  }
0x12: {  	s1 =	sld [smem:$0x3F8A];
	s0 =	simm.s32 @p0 $0x1  }
0x13: {  	[smem:$0x3FA5] =	sst s0;
	s0 =	simm.s32 @!p1 $0x0  }
0x14: {  	s2 =	sld [smem:$0x3F89];
	s0 =	simm.s32 @p1 $0x1  }
0x15: {  	[smem:$0x3FA6] =	sst s0;
	s0 =	simm.s32 @!p2 $0x0  }
0x16: {  	s3 =	sld [smem:$0x3FDB];
	s0 =	simm.s32 @p2 $0x1  }
0x17: {  	s4 =	simm.s32 $0x1BF5;
	[smem:$0x3FA8] =	sst s0  }
0x18: {  	s0 =	sld [smem:$0x3F8B];
	_ =	swait.ge [sflag:s4], $0x0  }
0x19: {  	s7 =	sld [smem:$0x3F8C]  }
0x1a: {  	s8 =	sadd.s32 $0xFFFFE003, lr  }
0x1b: {  	s9 =	sadd.s32 $0xFFFFFEF7, lr;
	s5 =	simm.s32 $0xFFFFFFFF;
	p2 =	slt.u32 s8, $0xFFFFF086  }
0x1c: {  	p1 =	slt.u32 s9, $0xF7A;
	s5 =	simm.s32 @!p2 $0x0  }
0x1d: {  	s5 =	simm.s32 @p1 $0x1;
	p0 =	seq.s32 s7, s2  }
0x1e: {  	s7 =	smul.u32 @!p0 $0xF7A, s2;
	p2 =	seq.s32 @!p0 s5, $0x0  }
0x1f: {  	s9 =	smul.u32 $0xF7A, s1;
	s8 =	simm.s32 @!p0 $0x1BF5;
	p2 =	por !p2, p0  }
0x20: {  	[sflag:s8] =	ssyncset.s32 @!p0 $0xFFFFF086;
	s6 =	sadd.s32 @!p0 s3, s7;
	s7 =	simm.s32 @!p0 $0x108  }
0x21: {  	s3 =	sadd.s32 s3, s9;
	s6 =	sadd.s32 @!p0 $0x88, s6;
	s7 =	simm.s32 @p2 $0x1082  }
0x22: {  	[simem:s7], [sflag:s8] =	dma.local @!p0 [hbm:s6], $0xF7A  }
0x23: {  	s9 =	sor.u32 $0xD0000000, s2;
	s6 =	simm.s32 $0x108;
	_ =	swait.ge @!p0 [sflag:s8], $0x0  }
0x24: {  	s3 =	sadd.s32 $0x88, s3;
	s6 =	simm.s32 @!p1 $0x1082;
	[sflag:s4] =	ssyncset.s32 $0xFFFFF086  }
0x25: {  	[simem:s6], [sflag:s4] =	dma.local [hbm:s3], $0xF7A  }
0x26: {  	[smem:$0x3F8C] =	sst s1;
	(tag) =	ssettag s2;
	_ =	strace s9  }
0x27: {  	s1 =	sld [smem:$0x3F9C]  }
0x28: {  	s2 =	sld [smem:$0x3F9D]  }
0x29: {  	s4 =	sld [smem:$0x3F9F]  }
0x2a: {  	p0 =	seq.s32 s5, $0x0;
	s5 =	sld [smem:$0x3FA0]  }
0x2b: {  	s6 =	sld [smem:$0x3FA1]  }
0x2c: {  	s7 =	sld [smem:$0x3FA2]  }
0x2d: {  	s3 =	simm.s32 $0x108;
	s8 =	sld [smem:$0x3FA3]  }
0x2e: {  	s3 =	simm.s32 @!p0 $0x1082;
	s9 =	sld [smem:$0x3FA4]  }
0x2f: {  	lr =	sadd.s32 s0, s3;
	s0 =	sld [smem:$0x3F9B]  }
0x30: {  	s3 =	sld [smem:$0x3F9E]  }
0x31: {  	[smem:$0x3FA7] =	sst s10  }
0x32: {  	s10 =	sld [smem:$0x3FA5];
	_ =	sdelay $0x3  }
0x33: {  	p0 =	seq.s32 s10, $0x1;
	s10 =	sld [smem:$0x3FA7];
	_ =	sdelay $0x3  }
0x34: {  	[smem:$0x3FA7] =	sst s10  }
0x35: {  	s10 =	sld [smem:$0x3FA6];
	_ =	sdelay $0x3  }
0x36: {  	p1 =	seq.s32 s10, $0x1;
	s10 =	sld [smem:$0x3FA7];
	_ =	sdelay $0x3  }
0x37: {  	[smem:$0x3FA7] =	sst s10  }
0x38: {  	s10 =	sld [smem:$0x3FA8]  }
0x39: {  	_ = 	snop;
	(pc) =	sbr.ind lr, $3  }
0x3a: {  	_ = 	snop  }
0x3b: {  	_ = 	snop  }
0x3c: {  	p2 =	seq.s32 s10, $0x1;
	s10 =	sld [smem:$0x3FA7]  }
0x3d: {  	_ =	shalt  }
0x3e: {  	_ =	shalt  }
0x3f: {  	_ =	shalt  }
0x40: {  	_ =	shalt  }
0x41: {  	_ =	shalt  }
0x42: {  	_ =	shalt  }
0x43: {  	_ =	shalt  }
0x44: {  	_ =	shalt  }
0x45: {  	_ =	shalt  }
0x46: {  	_ =	shalt  }
0x47: {  	_ =	shalt  }
0x48: {  	_ =	shalt  }
0x49: {  	_ =	shalt  }
0x4a: {  	_ =	shalt  }
0x4b: {  	_ =	shalt  }
0x4c: {  	_ =	shalt  }
0x4d: {  	_ =	shalt  }
0x4e: {  	_ =	shalt  }
0x4f: {  	_ =	shalt  }
0x50: {  	_ =	shalt  }
0x51: {  	_ =	shalt  }
0x52: {  	_ =	shalt  }
0x53: {  	_ =	shalt  }
0x54: {  	_ =	shalt  }
0x55: {  	_ =	shalt  }
0x56: {  	_ =	shalt  }
0x57: {  	_ =	shalt  }
0x58: {  	_ =	shalt  }
0x59: {  	_ =	shalt  }
0x5a: {  	_ =	shalt  }
0x5b: {  	_ =	shalt  }
0x5c: {  	_ =	shalt  }
0x5d: {  	_ =	shalt  }
0x5e: {  	_ =	shalt  }
0x5f: {  	_ =	shalt  }
0x60: {  	_ =	shalt  }
0x61: {  	_ =	shalt  }
0x62: {  	_ =	shalt  }
0x63: {  	_ =	shalt  }
0x64: {  	_ =	shalt  }
0x65: {  	_ =	shalt  }
0x66: {  	_ =	shalt  }
0x67: {  	_ =	shalt  }
0x68: {  	_ =	shalt  }
0x69: {  	_ =	shalt  }
0x6a: {  	_ =	shalt  }
0x6b: {  	_ =	shalt  }
0x6c: {  	_ =	shalt  }
0x6d: {  	_ =	shalt  }
0x6e: {  	_ =	shalt  }
0x6f: {  	_ =	shalt  }
0x70: {  	_ =	shalt  }
0x71: {  	_ =	shalt  }
0x72: {  	_ =	shalt  }
0x73: {  	_ =	shalt  }
0x74: {  	_ =	shalt  }
0x75: {  	_ =	shalt  }
0x76: {  	_ =	shalt  }
0x77: {  	_ =	shalt  }
0x78: {  	_ =	shalt  }
0x79: {  	_ =	shalt  }
0x7a: {  	_ =	shalt  }
0x7b: {  	_ =	shalt  }
0x7c: {  	_ =	shalt  }
0x7d: {  	_ =	shalt  }
0x7e: {  	_ =	shalt  }
0x7f: {  	_ =	shalt  }
0x80: {  	_ =	shalt  }
0x81: {  	_ =	shalt  }
0x82: {  	_ =	shalt  }
0x83: {  	_ =	shalt  }
0x84: {  	_ =	shalt  }
0x85: {  	_ =	shalt  }
0x86: {  	_ =	shalt  }
0x87: {  	_ =	shalt  }
.Lfunc_end0:
.L_simem_size_0:
called_computation.2_lowered:
.L_overlay_start_0:
0x88: {  	s2 =	sld [smem:$0x3FD9]  }
0x89: {  	s3 =	sld [smem:$0x3FFE];
	_ =	sdelay $0x1  }
0x8a: {  	s1 =	srdreg.scid  }
0x8b: {  	s0 =	sand.u32 $0x1, s1  }
0x8c: {  	s16 =	sshll.u32 s0, $0xA;
	s2 =	sadd.s32 s3, s2  }
0x8d: {  	s2 =	sadd.s32 s2, s16  }
0x8e: {  	[smem:$0x3FB3] =	sst s2  }
0x8f: {  	_ = 	snop  }
0x90: {  	(tm) =	ssettm $0x1  }
0x91: {  	s17 =	sld [smem:$0x3FFB];
	_ =	sdelay $0x3  }
0x92: {  	_ =	strace s17  }
0x93: {  	s2 =	sld [smem:$0x3FFC];
	_ =	sdelay $0x3  }
0x94: {  	_ =	strace s2  }
0x95: {  	s2 =	sld [smem:$0x3FFD];
	_ =	sdelay $0x3  }
0x96: {  	_ =	strace s2  }
0x97: {  	_ =	strace $0x8FFFFFFF  }
0x98: {  	s18 =	sld [smem:$0x3FDB];
	_ =	sdelay $0x1  }
0x99: {  	s19 =	simm.s32 $_scs_section_size  }
0x9a: {  	s4 =	simm.s32 $_size__tile_overlayer_lowered;
	s5 =	simm.s32 $_tile_overlayer_lowered  }
0x9b: {  	s22 =	simm.s32 $0x1BFF;
	s21 =	sshll.u32 s5, $0x1;
	s2 =	sadd.s32 s19, s18  }
0x9c: {  	s6 =	simm.s32 $0x0;
	s20 =	sshll.u32 s4, $0x1;
	s4 =	sadd.s32 s21, s2  }
0x9d: {  	[timem:s6], [sflag:s22] =	dma.local [hbm:s4], s20  }
0x9e: {  	_ =	swait.ge [sflag:s22], s20  }
0x9f: {  	s3 =	ssub.s32 $0x0, s20;
	[sflag:s22] =	ssyncset.done $0x0  }
0xa0: {  	[sflag:s22] =	ssyncadd.s32 s3;
	_ =	sdelay $0x1  }
0xa1: {  	s23 =	simm.s32 $0x1B8B  }
0xa2: {  	_ =	swait.ge [sflag:s23], $0x1  }
0xa3: {  	[sflag:s23] =	ssyncset.done $0x0  }
0xa4: {  	s25 =	simm.s32 $0x1B8E;
	s24 =	sld [smem:$0x3FFE];
	[sflag:s23] =	ssyncadd.s32 $0xFFFFFFFF  }
0xa5: {  	s26 =	simm.s32 $execute0_lowered;
	[smem:$0x3FD2] =	sst s25  }
0xa6: {  	s4 =	sshll.u32 s26, $0x1;
	_ =	strace $0x8000004C;
	[dreg:$0x1] =	wrdreg $0xFFFFFFFF  }
0xa7: {  	s28 =	simm.s32 $_size_execute0_lowered;
	s2 =	sadd.s32 s2, s4;
	[dreg:$0x0] =	wrdreg $0x0  }
0xa8: {  	s4 =	sshll.u32 s28, $0x1;
	[dreg:$0x2] =	wrdreg s2  }
0xa9: {  	[dreg:$0x3] =	wrdreg s4  }
0xaa: {  	[dreg:$0x4] =	wrdreg $0xC0  }
0xab: {  	_ =	task [dreg:s6], $0x5FFFF  }
0xac: {  	[dreg:$0x1] =	wrdreg $0xFFFFFFFF  }
0xad: {  	[dreg:$0x0] =	wrdreg $0x60  }
0xae: {  	[dreg:$0x2] =	wrdreg s24  }
0xaf: {  	[dreg:$0x3] =	wrdreg $0x162000  }
0xb0: {  	[dreg:$0x4] =	wrdreg $0x9  }
0xb1: {  	_ =	task.clear_ibuf [dreg:s6], $0x5FFFF;
	_ =	strace $0x9000004C  }
0xb2: {  	s29 =	simm.s32 $0x9;
	_ =	strace $0x8000004E  }
0xb3: {  	_ =	swait.ge [sflag:s29], $0x1  }
0xb4: {  	[sflag:s29] =	ssyncadd.s32 $0xFFFFFFFF  }
0xb5: {  	_ =	strace $0x9000004E  }
0xb6: {  	_ =	sfence  }
0xb7: {  	s30 =	sld [smem:$0x0];
	_ =	sdelay $0x2  }
0xb8: {  	s31 =	sshll.u32 s1, $0xD;
	s1 =	sshrl.u32 s1, $0x2  }
0xb9: {  	s3 =	sand.u32 $0x4000, s31;
	s1 =	sadd.s32 s1, s30  }
0xba: {  	s0 =	sor.u32 s3, s0;
	s1 =	sshll.u32 s1, $0x11  }
0xbb: {  	s0 =	sor.u32 s1, s0  }
0xbc: {  	s0 =	sadd.s32 $0x8F2B, s0  }
0xbd: {  	[sflag:s0] =	ssyncadd.remote.s32 $0x1  }
0xbe: {  	_ =	sfence.sel $0xFFFF  }
0xbf: {  	[dreg:$0x0] =	wrdreg $0xFFFFFFFF;
	(pc) =	sbr.abs _section_cstart, $3  }
0xc0: {  	[dreg:$0x1] =	wrdreg $0xFFFFFFFF  }
0xc1: {  	_ =	task.clear_ibuf [dreg:s6], $0x2FFFF;
	_ =	strace $0x9FFFFFFF  }
0xc2: {  	(tm) =	ssettm $0x7FFFFFFF  }
0xc3: {  	_ =	shalt  }
tec
execute0_lowered:
.L_overlay_start_1:
0x0: {  	(tag) =	ssettag $0x1  }
0x1: {  	s0 =	rddreg [dreg:$0x0]  }
0x2: {  	s7 =	stileid.u32;
	s1 =	srdreg.scid  }
0x3: {  	s2 =	rddreg [dreg:$0x1];
	s3 =	simm.s32 $0x0;
	s14 =	simm.s32 $0xA200  }
0x4: {  	s15 =	simm.s32 $0xD;
	s16 =	simm.s32 $0x5100;
	s17 =	simm.s32 $0x80  }
0x5: {  	s19 =	simm.s32 $0xC200;
	s21 =	simm.s32 $0xE200;
	s29 =	simm.s32 $0x14200  }
0x6: {  	s30 =	simm.s32 $0x2;
	s31 =	simm.s32 $0x7;
	s4 =	smul.u32 $0x9E00, s7  }
0x7: {  	s18 =	simm.s32 $0x3;
	s22 =	simm.s32 $0x8;
	s6 =	smul.u32 $0xA20, s7  }
0x8: {  	s20 =	simm.s32 $0xA;
	s1 =	sand.u32 $0x1, s1;
	s7 =	smul.u32 $0x27800, s7  }
0x9: {  	s28 =	simm.s32 $0x6;
	[smem:$0x7FF] =	sst s3;
	s5 =	smul.u32 $0x9E000, s1  }
0xa: {  	_ =	strace $0x8000004D;
	s8 =	ssub.s32 $0x2, s1;
	p0 =	seq.s32 s1, $0x0  }
0xb: {  	s1 =	simm.s32 $0x52400;
	s6 =	sadd.s32 s6, s0;
	s9 =	sshrl.u32 s8, $0x1  }
0xc: {  	s7 =	sshrl.u32 s7, $0x2;
	s1 =	simm.s32 @!p0 $0x3EA00;
	s5 =	sadd.s32 s4, s5  }
0xd: {  	s8 =	ssub.s32 s8, s9;
	s4 =	sadd.s32 s4, s2;
	s7 =	sadd.s32 s7, s2  }
0xe: {  	s26 =	sadd.s32 $0x2A600, s6;
	s10 =	sadd.s32 $0x34800, s6;
	s13 =	sadd.s32 s1, s0  }
0xf: {  	s1 =	simm.s32 $0x9;
	s23 =	sadd.s32 $0x2000, s7;
	[dreg:$0x7] =	wrdreg s26  }
0x10: {  	s6 =	simm.s32 $0xC;
	s24 =	sadd.s32 $0x4000, s7;
	[dreg:$0x3] =	wrdreg s23  }
0x11: {  	s5 =	sshrl.u32 s5, $0x3;
	s25 =	sadd.s32 $0x6000, s7;
	[dreg:$0x4] =	wrdreg s24  }
0x12: {  	s7 =	sadd.s32 $0x8000, s7;
	s12 =	smax.u32 s8, $0x1;
	[dreg:$0x5] =	wrdreg s25  }
0x13: {  	s26 =	simm.s32 $0x1;
	s5 =	sadd.s32 s5, s0;
	[dreg:$0x6] =	wrdreg s7  }
0x14: {  	s23 =	simm.s32 $0x10200;
	s25 =	simm.s32 $0x12200;
	s0 =	simm.s32 $0x4  }
0x15: {  	v0 =	vimm.f32 $0.0e+00;
	s24 =	simm.s32 $0x5;
	s11 =	sadd.s32 $0x65E00, s5;
	s5 =	simm.s32 $0xB  }
.LBB2_1:
0x16: {  	s8 =	simm.s32 $0x100;
	s7 =	simm.s32 $0x0  }
.LBB2_2:
0x17: {  	p0 =	sne.s32 s8, $0x7F00;
	[tilespmem:s7+$0xA230] =	vst v0;
	s9 =	smov.u32 s8;
	s8 =	sadd.s32 $0x100, s8  }
.Ltmp0:
0x18: {  	[tilespmem:s7+$0xA220] =	vst v0;
	(pc) =	sbr.rel @p0 .LBB2_2-.Ltmp0, $3  }
0x19: {  	[tilespmem:s7+$0xA200] =	vst v0  }
0x1a: {  	[tilespmem:s7+$0xA210] =	vst v0;
	_ =	sdelay $0x1  }
0x1b: {  	s7 =	sshra.s32 s9, $0x2  }
0x1c: {  	[tilespmem:s7+$0xA230] =	vst v0  }
0x1d: {  	[tilespmem:s7+$0xA220] =	vst v0  }
0x1e: {  	[tilespmem:s7+$0xA200] =	vst v0  }
0x1f: {  	[tilespmem:s7+$0xA210] =	vst v0  }
0x20: {  	[spmem:s4] =	stream.linear.scatter [tilespmem:s14], [sflag:$0xD], $0x2000, $0x38;
	v63 =	vld [tilespmem:$0x0]  }
0x21: {  	_ =	swait.ge [sflag:s15], $0x2000  }
0x22: {  	[sflag:s15] =	ssyncset.done $0x0  }
0x23: {  	s9 =	rddreg [dreg:$0x3];
	[sflag:s15] =	ssyncadd.s32 $0xFFFFE000  }
0x24: {  	[spmem:s9] =	stream.linear.scatter [tilespmem:s14], [sflag:$0xD], $0x2000, $0x38;
	v63 =	vld [tilespmem:$0x0]  }
0x25: {  	_ =	swait.ge [sflag:s15], $0x2000  }
0x26: {  	[sflag:s15] =	ssyncset.done $0x0  }
0x27: {  	s8 =	rddreg [dreg:$0x4];
	[sflag:s15] =	ssyncadd.s32 $0xFFFFE000  }
0x28: {  	[spmem:s8] =	stream.linear.scatter [tilespmem:s14], [sflag:$0xD], $0x2000, $0x38;
	v63 =	vld [tilespmem:$0x0]  }
0x29: {  	_ =	swait.ge [sflag:s15], $0x2000  }
0x2a: {  	[sflag:s15] =	ssyncset.done $0x0  }
0x2b: {  	s9 =	rddreg [dreg:$0x5];
	[sflag:s15] =	ssyncadd.s32 $0xFFFFE000  }
0x2c: {  	[spmem:s9] =	stream.linear.scatter [tilespmem:s14], [sflag:$0xD], $0x2000, $0x38;
	v63 =	vld [tilespmem:$0x0]  }
0x2d: {  	_ =	swait.ge [sflag:s15], $0x2000  }
0x2e: {  	[sflag:s15] =	ssyncset.done $0x0  }
0x2f: {  	s8 =	rddreg [dreg:$0x6];
	[sflag:s15] =	ssyncadd.s32 $0xFFFFE000  }
0x30: {  	[spmem:s8] =	stream.linear.scatter [tilespmem:s14], [sflag:$0xD], $0x1E00, $0x38;
	v63 =	vld [tilespmem:$0x0]  }
0x31: {  	_ =	swait.ge [sflag:s15], $0x1E00  }
0x32: {  	[sflag:s15] =	ssyncset.done $0x0  }
0x33: {  	s7 =	simm.s32 $0x0;
	s8 =	rddreg [dreg:$0x7];
	[sflag:s15] =	ssyncadd.s32 $0xFFFFE200  }
0x34: {  	[tilespmem:s7], [sflag:$0xD] =	stream.linear.gather [hbm4b:s8+s7], $0x5100, $0x38;
	v63 =	vld [tilespmem:$0x0]  }
0x35: {  	_ =	swait.ge [sflag:s15], $0x5100  }
0x36: {  	[sflag:s15] =	ssyncset.done $0x0  }
0x37: {  	[sflag:s15] =	ssyncadd.s32 $0xFFFFAF00  }
0x38: {  	[tilespmem:s16], [sflag:$0xD] =	stream.linear.gather [hbm4b:s10+s7], $0x5100, $0x38;
	v63 =	vld [tilespmem:$0x0]  }
0x39: {  	_ =	swait.ge [sflag:s15], $0x5100  }
0x3a: {  	[sflag:s15] =	ssyncset.done $0x0  }
0x3b: {  	[sflag:s15] =	ssyncadd.s32 $0xFFFFAF00  }
0x3c: {  	[bflag:$0x0] =	sbarrier.arrive $0xFFFF  }
0x3d: {  	[tilespmem:s14], [sflag:$0x1] =	stream.indirect.gather [hbm4b:s13+s17], $0x40, s16, s17, $0xb8;
	v63 =	vld [tilespmem:$0x0]  }
0x3e: {  	s9 =	simm.s32 $0x5180  }
0x3f: {  	[tilespmem:s19], [sflag:$0x2] =	stream.indirect.gather [hbm4b:s13+s17], $0x40, s9, s17, $0xb8;
	v63 =	vld [tilespmem:$0x0]  }
0x40: {  	s9 =	simm.s32 $0x5200  }
0x41: {  	[tilespmem:s21], [sflag:$0x3] =	stream.indirect.gather [hbm4b:s13+s17], $0x40, s9, s17, $0xb8;
	v63 =	vld [tilespmem:$0x0]  }
0x42: {  	s9 =	simm.s32 $0x5280  }
0x43: {  	[tilespmem:s23], [sflag:$0x4] =	stream.indirect.gather [hbm4b:s13+s17], $0x40, s9, s17, $0xb8;
	v63 =	vld [tilespmem:$0x0]  }
0x44: {  	s9 =	simm.s32 $0x5300  }
0x45: {  	[tilespmem:s25], [sflag:$0x5] =	stream.indirect.gather [hbm4b:s13+s17], $0x40, s9, s17, $0xb8;
	v63 =	vld [tilespmem:$0x0]  }
0x46: {  	_ =	swait.ge [sflag:s26], $0x2000  }
0x47: {  	[sflag:s26] =	ssyncset.done $0x0  }
0x48: {  	[sflag:s26] =	ssyncadd.s32 $0xFFFFE000  }
0x49: {  	[spmem:s2] =	stream.indirect.scatter.add.f32 [tilespmem:s14], [sflag:$0x7], $0x40, s7, s17, $0xb8;
	v63 =	vld [tilespmem:$0x0]  }
0x4a: {  	s9 =	simm.s32 $0x5380  }
0x4b: {  	[tilespmem:s29], [sflag:$0x6] =	stream.indirect.gather [hbm4b:s13+s17], $0x40, s9, s17, $0xb8;
	v63 =	vld [tilespmem:$0x0]  }
0x4c: {  	_ =	swait.ge [sflag:s30], $0x2000  }
0x4d: {  	[sflag:s30] =	ssyncset.done $0x0  }
0x4e: {  	[sflag:s30] =	ssyncadd.s32 $0xFFFFE000  }
0x4f: {  	[spmem:s2] =	stream.indirect.scatter.add.f32 [tilespmem:s19], [sflag:$0x8], $0x40, s17, s17, $0xb8;
	v63 =	vld [tilespmem:$0x0]  }
0x50: {  	_ =	swait.ge [sflag:s31], $0x2000  }
0x51: {  	[sflag:s31] =	ssyncset.done $0x0  }
0x52: {  	s8 =	simm.s32 $0x5400;
	[sflag:s31] =	ssyncadd.s32 $0xFFFFE000  }
0x53: {  	[tilespmem:s14], [sflag:$0x1] =	stream.indirect.gather [hbm4b:s13+s17], $0x40, s8, s17, $0xb8;
	v63 =	vld [tilespmem:$0x0]  }
0x54: {  	_ =	swait.ge [sflag:s18], $0x2000  }
0x55: {  	[sflag:s18] =	ssyncset.done $0x0  }
0x56: {  	s9 =	simm.s32 $0x100;
	[sflag:s18] =	ssyncadd.s32 $0xFFFFE000  }
0x57: {  	[spmem:s2] =	stream.indirect.scatter.add.f32 [tilespmem:s21], [sflag:$0x9], $0x40, s9, s17, $0xb8;
	v63 =	vld [tilespmem:$0x0]  }
0x58: {  	_ =	swait.ge [sflag:s22], $0x2000  }
0x59: {  	[sflag:s22] =	ssyncset.done $0x0  }
0x5a: {  	s8 =	simm.s32 $0x5480;
	[sflag:s22] =	ssyncadd.s32 $0xFFFFE000  }
0x5b: {  	[tilespmem:s19], [sflag:$0x2] =	stream.indirect.gather [hbm4b:s13+s17], $0x40, s8, s17, $0xb8;
	v63 =	vld [tilespmem:$0x0]  }
0x5c: {  	_ =	swait.ge [sflag:s0], $0x2000  }
0x5d: {  	[sflag:s0] =	ssyncset.done $0x0  }
0x5e: {  	s9 =	simm.s32 $0x180;
	[sflag:s0] =	ssyncadd.s32 $0xFFFFE000  }
0x5f: {  	[spmem:s2] =	stream.indirect.scatter.add.f32 [tilespmem:s23], [sflag:$0xA], $0x40, s9, s17, $0xb8;
	v63 =	vld [tilespmem:$0x0]  }
0x60: {  	_ =	swait.ge [sflag:s1], $0x2000  }
0x61: {  	[sflag:s1] =	ssyncset.done $0x0  }
0x62: {  	s8 =	simm.s32 $0x5500;
	[sflag:s1] =	ssyncadd.s32 $0xFFFFE000  }
0x63: {  	[tilespmem:s21], [sflag:$0x3] =	stream.indirect.gather [hbm4b:s13+s17], $0x40, s8, s17, $0xb8;
	v63 =	vld [tilespmem:$0x0]  }
0x64: {  	_ =	swait.ge [sflag:s24], $0x2000  }
0x65: {  	[sflag:s24] =	ssyncset.done $0x0  }
0x66: {  	s9 =	simm.s32 $0x200;
	[sflag:s24] =	ssyncadd.s32 $0xFFFFE000  }
0x67: {  	[spmem:s2] =	stream.indirect.scatter.add.f32 [tilespmem:s25], [sflag:$0xB], $0x40, s9, s17, $0xb8;
	v63 =	vld [tilespmem:$0x0]  }
0x68: {  	_ =	swait.ge [sflag:s20], $0x2000  }
0x69: {  	[sflag:s20] =	ssyncset.done $0x0  }
0x6a: {  	s8 =	simm.s32 $0x5580;
	[sflag:s20] =	ssyncadd.s32 $0xFFFFE000  }
0x6b: {  	[tilespmem:s23], [sflag:$0x4] =	stream.indirect.gather [hbm4b:s13+s17], $0x40, s8, s17, $0xb8;
	v63 =	vld [tilespmem:$0x0]  }
0x6c: {  	_ =	swait.ge [sflag:s28], $0x2000  }
0x6d: {  	[sflag:s28] =	ssyncset.done $0x0  }
0x6e: {  	s9 =	simm.s32 $0x280;
	[sflag:s28] =	ssyncadd.s32 $0xFFFFE000  }
0x6f: {  	[spmem:s2] =	stream.indirect.scatter.add.f32 [tilespmem:s29], [sflag:$0xC], $0x40, s9, s17, $0xb8;
	v63 =	vld [tilespmem:$0x0]  }
0x70: {  	_ =	swait.ge [sflag:s5], $0x2000  }
0x71: {  	[sflag:s5] =	ssyncset.done $0x0  }
0x72: {  	s8 =	simm.s32 $0x5600;
	[sflag:s5] =	ssyncadd.s32 $0xFFFFE000  }
0x73: {  	[tilespmem:s25], [sflag:$0x5] =	stream.indirect.gather [hbm4b:s13+s17], $0x40, s8, s17, $0xb8;
	v63 =	vld [tilespmem:$0x0]  }
0x74: {  	_ =	swait.ge [sflag:s26], $0x2000  }
0x75: {  	[sflag:s26] =	ssyncset.done $0x0  }
0x76: {  	s9 =	simm.s32 $0x300;
	[sflag:s26] =	ssyncadd.s32 $0xFFFFE000  }
0x77: {  	[spmem:s2] =	stream.indirect.scatter.add.f32 [tilespmem:s14], [sflag:$0x7], $0x40, s9, s17, $0xb8;
	v63 =	vld [tilespmem:$0x0]  }
0x78: {  	_ =	swait.ge [sflag:s6], $0x2000  }
0x79: {  	[sflag:s6] =	ssyncset.done $0x0  }
0x7a: {  	s8 =	simm.s32 $0x5680;
	[sflag:s6] =	ssyncadd.s32 $0xFFFFE000  }
0x7b: {  	[tilespmem:s29], [sflag:$0x6] =	stream.indirect.gather [hbm4b:s13+s17], $0x40, s8, s17, $0xb8;
	v63 =	vld [tilespmem:$0x0]  }
0x7c: {  	_ =	swait.ge [sflag:s30], $0x2000  }
0x7d: {  	[sflag:s30] =	ssyncset.done $0x0  }
0x7e: {  	s9 =	simm.s32 $0x380;
	[sflag:s30] =	ssyncadd.s32 $0xFFFFE000  }
0x7f: {  	[spmem:s2] =	stream.indirect.scatter.add.f32 [tilespmem:s19], [sflag:$0x8], $0x40, s9, s17, $0xb8;
	v63 =	vld [tilespmem:$0x0]  }
0x80: {  	_ =	swait.ge [sflag:s31], $0x2000  }
0x81: {  	[sflag:s31] =	ssyncset.done $0x0  }
0x82: {  	s8 =	simm.s32 $0x5700;
	[sflag:s31] =	ssyncadd.s32 $0xFFFFE000  }
0x83: {  	[tilespmem:s14], [sflag:$0x1] =	stream.indirect.gather [hbm4b:s13+s17], $0x40, s8, s17, $0xb8;
	v63 =	vld [tilespmem:$0x0]  }
0x84: {  	_ =	swait.ge [sflag:s18], $0x2000  }
0x85: {  	[sflag:s18] =	ssyncset.done $0x0  }
0x86: {  	s9 =	simm.s32 $0x400;
	[sflag:s18] =	ssyncadd.s32 $0xFFFFE000  }
0x87: {  	[spmem:s2] =	stream.indirect.scatter.add.f32 [tilespmem:s21], [sflag:$0x9], $0x40, s9, s17, $0xb8;
	v63 =	vld [tilespmem:$0x0]  }
0x88: {  	_ =	swait.ge [sflag:s22], $0x2000  }
0x89: {  	[sflag:s22] =	ssyncset.done $0x0  }
0x8a: {  	s8 =	simm.s32 $0x5780;
	[sflag:s22] =	ssyncadd.s32 $0xFFFFE000  }
0x8b: {  	[tilespmem:s19], [sflag:$0x2] =	stream.indirect.gather [hbm4b:s13+s17], $0x40, s8, s17, $0xb8;
	v63 =	vld [tilespmem:$0x0]  }
0x8c: {  	_ =	swait.ge [sflag:s0], $0x2000  }
0x8d: {  	[sflag:s0] =	ssyncset.done $0x0  }
0x8e: {  	s9 =	simm.s32 $0x480;
	[sflag:s0] =	ssyncadd.s32 $0xFFFFE000  }
0x8f: {  	[spmem:s2] =	stream.indirect.scatter.add.f32 [tilespmem:s23], [sflag:$0xA], $0x40, s9, s17, $0xb8;
	v63 =	vld [tilespmem:$0x0]  }
0x90: {  	_ =	swait.ge [sflag:s1], $0x2000  }
0x91: {  	[sflag:s1] =	ssyncset.done $0x0  }
0x92: {  	s8 =	simm.s32 $0x5800;
	[sflag:s1] =	ssyncadd.s32 $0xFFFFE000  }
0x93: {  	[tilespmem:s21], [sflag:$0x3] =	stream.indirect.gather [hbm4b:s13+s17], $0x40, s8, s17, $0xb8;
	v63 =	vld [tilespmem:$0x0]  }
0x94: {  	_ =	swait.ge [sflag:s24], $0x2000  }
0x95: {  	[sflag:s24] =	ssyncset.done $0x0  }
0x96: {  	s9 =	simm.s32 $0x500;
	[sflag:s24] =	ssyncadd.s32 $0xFFFFE000  }
0x97: {  	[spmem:s2] =	stream.indirect.scatter.add.f32 [tilespmem:s25], [sflag:$0xB], $0x40, s9, s17, $0xb8;
	v63 =	vld [tilespmem:$0x0]  }
0x98: {  	_ =	swait.ge [sflag:s20], $0x2000  }
0x99: {  	[sflag:s20] =	ssyncset.done $0x0  }
0x9a: {  	s8 =	simm.s32 $0x5880;
	[sflag:s20] =	ssyncadd.s32 $0xFFFFE000  }
0x9b: {  	[tilespmem:s23], [sflag:$0x4] =	stream.indirect.gather [hbm4b:s13+s17], $0x40, s8, s17, $0xb8;
	v63 =	vld [tilespmem:$0x0]  }
0x9c: {  	_ =	swait.ge [sflag:s28], $0x2000  }
0x9d: {  	[sflag:s28] =	ssyncset.done $0x0  }
0x9e: {  	s9 =	simm.s32 $0x580;
	[sflag:s28] =	ssyncadd.s32 $0xFFFFE000  }
0x9f: {  	[spmem:s2] =	stream.indirect.scatter.add.f32 [tilespmem:s29], [sflag:$0xC], $0x40, s9, s17, $0xb8;
	v63 =	vld [tilespmem:$0x0]  }
0xa0: {  	_ =	swait.ge [sflag:s5], $0x2000  }
0xa1: {  	[sflag:s5] =	ssyncset.done $0x0  }
0xa2: {  	s7 =	simm.s32 $0xC00;
	s8 =	simm.s32 $0x5900;
	[sflag:s5] =	ssyncadd.s32 $0xFFFFE000  }
.LBB2_4:
0xa3: {  	[tilespmem:s25], [sflag:$0x5] =	stream.indirect.gather [hbm4b:s13+s17], $0x40, s8, s17, $0xb8;
	v63 =	vld [tilespmem:$0x0]  }
0xa4: {  	s8 =	smov.u32 s7  }
0xa5: {  	p0 =	sne.s32 s7, $0x12000;
	s7 =	sadd.s32 $0xC00, s7;
	_ =	swait.ge [sflag:s26], $0x2000  }
0xa6: {  	s8 =	sshra.s32 s8, $0x2;
	[sflag:s26] =	ssyncset.done $0x0  }
0xa7: {  	s9 =	sadd.s32 $0x300, s8;
	[sflag:s26] =	ssyncadd.s32 $0xFFFFE000  }
0xa8: {  	[spmem:s2] =	stream.indirect.scatter.add.f32 [tilespmem:s14], [sflag:$0x7], $0x40, s9, s17, $0xb8;
	v63 =	vld [tilespmem:$0x0]  }
0xa9: {  	_ =	swait.ge [sflag:s6], $0x2000  }
0xaa: {  	[sflag:s6] =	ssyncset.done $0x0  }
0xab: {  	s9 =	sadd.s32 $0x5680, s8;
	[sflag:s6] =	ssyncadd.s32 $0xFFFFE000  }
0xac: {  	[tilespmem:s29], [sflag:$0x6] =	stream.indirect.gather [hbm4b:s13+s17], $0x40, s9, s17, $0xb8;
	v63 =	vld [tilespmem:$0x0]  }
0xad: {  	_ =	swait.ge [sflag:s30], $0x2000  }
0xae: {  	[sflag:s30] =	ssyncset.done $0x0  }
0xaf: {  	s9 =	sadd.s32 $0x380, s8;
	[sflag:s30] =	ssyncadd.s32 $0xFFFFE000  }
0xb0: {  	[spmem:s2] =	stream.indirect.scatter.add.f32 [tilespmem:s19], [sflag:$0x8], $0x40, s9, s17, $0xb8;
	v63 =	vld [tilespmem:$0x0]  }
0xb1: {  	_ =	swait.ge [sflag:s31], $0x2000  }
0xb2: {  	[sflag:s31] =	ssyncset.done $0x0  }
0xb3: {  	s9 =	sadd.s32 $0x5700, s8;
	[sflag:s31] =	ssyncadd.s32 $0xFFFFE000  }
0xb4: {  	[tilespmem:s14], [sflag:$0x1] =	stream.indirect.gather [hbm4b:s13+s17], $0x40, s9, s17, $0xb8;
	v63 =	vld [tilespmem:$0x0]  }
0xb5: {  	_ =	swait.ge [sflag:s18], $0x2000  }
0xb6: {  	[sflag:s18] =	ssyncset.done $0x0  }
0xb7: {  	s9 =	sadd.s32 $0x400, s8;
	[sflag:s18] =	ssyncadd.s32 $0xFFFFE000  }
0xb8: {  	[spmem:s2] =	stream.indirect.scatter.add.f32 [tilespmem:s21], [sflag:$0x9], $0x40, s9, s17, $0xb8;
	v63 =	vld [tilespmem:$0x0]  }
0xb9: {  	_ =	swait.ge [sflag:s22], $0x2000  }
0xba: {  	[sflag:s22] =	ssyncset.done $0x0  }
0xbb: {  	s9 =	sadd.s32 $0x5780, s8;
	[sflag:s22] =	ssyncadd.s32 $0xFFFFE000  }
0xbc: {  	[tilespmem:s19], [sflag:$0x2] =	stream.indirect.gather [hbm4b:s13+s17], $0x40, s9, s17, $0xb8;
	v63 =	vld [tilespmem:$0x0]  }
0xbd: {  	_ =	swait.ge [sflag:s0], $0x2000  }
0xbe: {  	[sflag:s0] =	ssyncset.done $0x0  }
0xbf: {  	s9 =	sadd.s32 $0x480, s8;
	[sflag:s0] =	ssyncadd.s32 $0xFFFFE000  }
0xc0: {  	[spmem:s2] =	stream.indirect.scatter.add.f32 [tilespmem:s23], [sflag:$0xA], $0x40, s9, s17, $0xb8;
	v63 =	vld [tilespmem:$0x0]  }
0xc1: {  	_ =	swait.ge [sflag:s1], $0x2000  }
0xc2: {  	[sflag:s1] =	ssyncset.done $0x0  }
0xc3: {  	s9 =	sadd.s32 $0x5800, s8;
	[sflag:s1] =	ssyncadd.s32 $0xFFFFE000  }
0xc4: {  	[tilespmem:s21], [sflag:$0x3] =	stream.indirect.gather [hbm4b:s13+s17], $0x40, s9, s17, $0xb8;
	v63 =	vld [tilespmem:$0x0]  }
0xc5: {  	_ =	swait.ge [sflag:s24], $0x2000  }
0xc6: {  	[sflag:s24] =	ssyncset.done $0x0  }
0xc7: {  	s9 =	sadd.s32 $0x500, s8;
	[sflag:s24] =	ssyncadd.s32 $0xFFFFE000  }
0xc8: {  	[spmem:s2] =	stream.indirect.scatter.add.f32 [tilespmem:s25], [sflag:$0xB], $0x40, s9, s17, $0xb8;
	v63 =	vld [tilespmem:$0x0]  }
0xc9: {  	_ =	swait.ge [sflag:s20], $0x2000  }
0xca: {  	[sflag:s20] =	ssyncset.done $0x0  }
0xcb: {  	s9 =	sadd.s32 $0x5880, s8;
	[sflag:s20] =	ssyncadd.s32 $0xFFFFE000  }
0xcc: {  	[tilespmem:s23], [sflag:$0x4] =	stream.indirect.gather [hbm4b:s13+s17], $0x40, s9, s17, $0xb8;
	v63 =	vld [tilespmem:$0x0]  }
0xcd: {  	_ =	swait.ge [sflag:s28], $0x2000  }
0xce: {  	[sflag:s28] =	ssyncset.done $0x0  }
.Ltmp1:
0xcf: {  	s9 =	sadd.s32 $0x580, s8;
	[sflag:s28] =	ssyncadd.s32 $0xFFFFE000;
	(pc) =	sbr.rel @p0 .LBB2_4-.Ltmp1, $4  }
0xd0: {  	[spmem:s2] =	stream.indirect.scatter.add.f32 [tilespmem:s29], [sflag:$0xC], $0x40, s9, s17, $0xb8;
	v63 =	vld [tilespmem:$0x0]  }
0xd1: {  	_ =	swait.ge [sflag:s5], $0x2000  }
0xd2: {  	[sflag:s5] =	ssyncset.done $0x0  }
0xd3: {  	s8 =	sadd.s32 $0x5900, s8;
	[sflag:s5] =	ssyncadd.s32 $0xFFFFE000  }
0xd4: {  	[tilespmem:s25], [sflag:$0x5] =	stream.indirect.gather [hbm4b:s13+s17], $0x40, s8, s17, $0xb8;
	v63 =	vld [tilespmem:$0x0]  }
0xd5: {  	_ =	swait.ge [sflag:s26], $0x2000  }
0xd6: {  	[sflag:s26] =	ssyncset.done $0x0  }
0xd7: {  	s7 =	simm.s32 $0x4E00;
	[sflag:s26] =	ssyncadd.s32 $0xFFFFE000  }
0xd8: {  	[spmem:s2] =	stream.indirect.scatter.add.f32 [tilespmem:s14], [sflag:$0x7], $0x40, s7, s17, $0xb8;
	v63 =	vld [tilespmem:$0x0]  }
0xd9: {  	_ =	swait.ge [sflag:s6], $0x2000  }
0xda: {  	[sflag:s6] =	ssyncset.done $0x0  }
0xdb: {  	s8 =	simm.s32 $0xA180;
	[sflag:s6] =	ssyncadd.s32 $0xFFFFE000  }
0xdc: {  	[tilespmem:s29], [sflag:$0x6] =	stream.indirect.gather [hbm4b:s13+s17], $0x40, s8, s17, $0xb8;
	v63 =	vld [tilespmem:$0x0]  }
0xdd: {  	_ =	swait.ge [sflag:s30], $0x2000  }
0xde: {  	[sflag:s30] =	ssyncset.done $0x0  }
0xdf: {  	s9 =	simm.s32 $0x4E80;
	[sflag:s30] =	ssyncadd.s32 $0xFFFFE000  }
0xe0: {  	[spmem:s2] =	stream.indirect.scatter.add.f32 [tilespmem:s19], [sflag:$0x8], $0x40, s9, s17, $0xb8;
	v63 =	vld [tilespmem:$0x0]  }
0xe1: {  	_ =	swait.ge [sflag:s31], $0x2000  }
0xe2: {  	[sflag:s31] =	ssyncset.done $0x0  }
0xe3: {  	[sflag:s31] =	ssyncadd.s32 $0xFFFFE000  }
0xe4: {  	_ =	swait.ge [sflag:s18], $0x2000  }
0xe5: {  	[sflag:s18] =	ssyncset.done $0x0  }
0xe6: {  	s8 =	simm.s32 $0x4F00;
	[sflag:s18] =	ssyncadd.s32 $0xFFFFE000  }
0xe7: {  	[spmem:s2] =	stream.indirect.scatter.add.f32 [tilespmem:s21], [sflag:$0x9], $0x40, s8, s17, $0xb8;
	v63 =	vld [tilespmem:$0x0]  }
0xe8: {  	_ =	swait.ge [sflag:s22], $0x2000  }
0xe9: {  	[sflag:s22] =	ssyncset.done $0x0  }
0xea: {  	[sflag:s22] =	ssyncadd.s32 $0xFFFFE000  }
0xeb: {  	_ =	swait.ge [sflag:s0], $0x2000  }
0xec: {  	[sflag:s0] =	ssyncset.done $0x0  }
0xed: {  	s9 =	simm.s32 $0x4F80;
	[sflag:s0] =	ssyncadd.s32 $0xFFFFE000  }
0xee: {  	[spmem:s2] =	stream.indirect.scatter.add.f32 [tilespmem:s23], [sflag:$0xA], $0x40, s9, s17, $0xb8;
	v63 =	vld [tilespmem:$0x0]  }
0xef: {  	_ =	swait.ge [sflag:s1], $0x2000  }
0xf0: {  	[sflag:s1] =	ssyncset.done $0x0  }
0xf1: {  	[sflag:s1] =	ssyncadd.s32 $0xFFFFE000  }
0xf2: {  	_ =	swait.ge [sflag:s24], $0x2000  }
0xf3: {  	[sflag:s24] =	ssyncset.done $0x0  }
0xf4: {  	s8 =	simm.s32 $0x5000;
	[sflag:s24] =	ssyncadd.s32 $0xFFFFE000  }
0xf5: {  	[spmem:s2] =	stream.indirect.scatter.add.f32 [tilespmem:s25], [sflag:$0xB], $0x40, s8, s17, $0xb8;
	v63 =	vld [tilespmem:$0x0]  }
0xf6: {  	_ =	swait.ge [sflag:s20], $0x2000  }
0xf7: {  	[sflag:s20] =	ssyncset.done $0x0  }
0xf8: {  	[sflag:s20] =	ssyncadd.s32 $0xFFFFE000  }
0xf9: {  	_ =	swait.ge [sflag:s28], $0x2000  }
0xfa: {  	[sflag:s28] =	ssyncset.done $0x0  }
0xfb: {  	s9 =	simm.s32 $0x5080;
	[sflag:s28] =	ssyncadd.s32 $0xFFFFE000  }
0xfc: {  	[spmem:s2] =	stream.indirect.scatter.add.f32 [tilespmem:s29], [sflag:$0xC], $0x40, s9, s17, $0xb8;
	v63 =	vld [tilespmem:$0x0]  }
0xfd: {  	_ =	swait.ge [sflag:s5], $0x2000  }
0xfe: {  	[sflag:s5] =	ssyncset.done $0x0  }
0xff: {  	[sflag:s5] =	ssyncadd.s32 $0xFFFFE000  }
0x100: {  	s8 =	stileid.u32;
	_ =	swait.ge [sflag:s6], $0x2000  }
0x101: {  	s3 =	sadd.s32 $0x1, s3;
	s7 =	sshll.u32 s8, $0x6;
	[sflag:s6] =	ssyncset.done $0x0  }
0x102: {  	p0 =	sne.s32 s3, s12;
	s7 =	sor.u32 $0x1C0D, s7;
	[sflag:s6] =	ssyncadd.s32 $0xFFFFE000  }
.Ltmp2:
0x103: {  	s9 =	sshrl.u32 s4, $0x3;
	[bflag:$0x0] =	sbarrier.arrive $0xFFFF;
	(pc) =	sbr.rel @p0 .LBB2_1-.Ltmp2, $4  }
0x104: {  	[hbm:s11], [sflag:s7] =	dma.local [spmem:s9], $0x13C0  }
0x105: {  	_ =	swait.ge [sflag:s15], $0x13C0  }
0x106: {  	[sflag:s15] =	ssyncset.done $0x0  }
0x107: {  	[sflag:s15] =	ssyncadd.s32 $0xFFFFEC40  }
0x108: {  	_ =	sfence.sel $0x180000  }
0x109: {  	[bflag:$0x0] =	sbarrier.arrive $0xFFFF  }
0x10a: {  	_ =	strace $0x9000004D  }
0x10b: {  	s0 =	stileid.u32;
	[bflag:$0x2] =	sbarrier.arrive $0xFFFF  }
0x10c: {  	p0 =	sne.s32 s0, $0x0;
	s0 =	rddreg [dreg:$0x2]  }
0x10d: {  	s0 =	sadd.s32 @!p0 $0x100000, s0  }
0x10e: {  	[sflag:s0] =	ssyncadd.tile.s32 @!p0 $0x1;
	_ =	shalt  }
.Lfunc_end2:
_tile_overlayer_lowered:
.L_overlay_start_2:
0x10f: {  	(tag) =	ssettag $0x2  }
0x110: {  	s0 =	rddreg [dreg:$0x0];
	s2 =	stileid.u32  }
0x111: {  	s1 =	rddreg [dreg:$0x1];
	p0 =	sne.s32 s2, $0x0  }
0x112: {  	s3 =	rddreg [dreg:$0x2];
	[bflag:$0x3] =	sbarrier.arrive $0xFFFF;
	s2 =	simm.s32 @!p0 $0x1C0D  }
0x113: {  	[timem:s3], [sflag:s2] =	dma.local @!p0 [hbm:s0], s1  }
0x114: {  	s0 =	simm.s32 @!p0 $0xD  }
0x115: {  	_ =	swait.ge @!p0 [sflag:s0], s1  }
0x116: {  	s1 =	ssub.s32 @!p0 $0x0, s1;
	[sflag:s0] =	ssyncset.done @!p0 $0x0  }
0x117: {  	[sflag:s0] =	ssyncadd.s32 @!p0 s1  }
0x118: {  	[bflag:$0x3] =	sbarrier.arrive $0xFFFF  }
0x119: {  	_ =	shalt  }

// kernel: kernel.7.cloned.1.call-start
scs
__scs_entry_jumppad:
0x0: {  	(pc) =	sbr.rel $0x88, $3  }
0x1: {  	(tag) =	ssettag $0x0;
	lr =	simm.s32 $0x1  }
0x2: {  	[smem:$0x3F8C] =	sst lr;
	_ =	strace $0xD0000000  }
0x3: {  	_ = 	snop  }
0x4: {  	_ = 	snop  }
0x5: {  	_ = 	snop  }
0x6: {  	_ = 	snop  }
0x7: {  	_ = 	snop  }
__scs_overlays_trampoline_lowered:
0x8: {  	[smem:$0x3F9B] =	sst s0  }
0x9: {  	[smem:$0x3F9C] =	sst s1  }
0xa: {  	[smem:$0x3F9D] =	sst s2  }
0xb: {  	[smem:$0x3F9E] =	sst s3  }
0xc: {  	[smem:$0x3F9F] =	sst s4  }
0xd: {  	[smem:$0x3FA0] =	sst s5  }
0xe: {  	[smem:$0x3FA1] =	sst s6  }
0xf: {  	[smem:$0x3FA2] =	sst s7  }
0x10: {  	[smem:$0x3FA3] =	sst s8  }
0x11: {  	[smem:$0x3FA4] =	sst s9;
	s0 =	simm.s32 @!p0 $0x0  }
0x12: {  	s1 =	sld [smem:$0x3F8A];
	s0 =	simm.s32 @p0 $0x1  }
0x13: {  	[smem:$0x3FA5] =	sst s0;
	s0 =	simm.s32 @!p1 $0x0  }
0x14: {  	s2 =	sld [smem:$0x3F89];
	s0 =	simm.s32 @p1 $0x1  }
0x15: {  	[smem:$0x3FA6] =	sst s0;
	s0 =	simm.s32 @!p2 $0x0  }
0x16: {  	s3 =	sld [smem:$0x3FDB];
	s0 =	simm.s32 @p2 $0x1  }
0x17: {  	s4 =	simm.s32 $0x1BF5;
	[smem:$0x3FA8] =	sst s0  }
0x18: {  	s0 =	sld [smem:$0x3F8B];
	_ =	swait.ge [sflag:s4], $0x0  }
0x19: {  	s7 =	sld [smem:$0x3F8C]  }
0x1a: {  	s8 =	sadd.s32 $0xFFFFE003, lr  }
0x1b: {  	s9 =	sadd.s32 $0xFFFFFEF7, lr;
	s5 =	simm.s32 $0xFFFFFFFF;
	p2 =	slt.u32 s8, $0xFFFFF086  }
0x1c: {  	p1 =	slt.u32 s9, $0xF7A;
	s5 =	simm.s32 @!p2 $0x0  }
0x1d: {  	s5 =	simm.s32 @p1 $0x1;
	p0 =	seq.s32 s7, s2  }
0x1e: {  	s7 =	smul.u32 @!p0 $0xF7A, s2;
	p2 =	seq.s32 @!p0 s5, $0x0  }
0x1f: {  	s9 =	smul.u32 $0xF7A, s1;
	s8 =	simm.s32 @!p0 $0x1BF5;
	p2 =	por !p2, p0  }
0x20: {  	[sflag:s8] =	ssyncset.s32 @!p0 $0xFFFFF086;
	s6 =	sadd.s32 @!p0 s3, s7;
	s7 =	simm.s32 @!p0 $0x108  }
0x21: {  	s3 =	sadd.s32 s3, s9;
	s6 =	sadd.s32 @!p0 $0x88, s6;
	s7 =	simm.s32 @p2 $0x1082  }
0x22: {  	[simem:s7], [sflag:s8] =	dma.local @!p0 [hbm:s6], $0xF7A  }
0x23: {  	s9 =	sor.u32 $0xD0000000, s2;
	s6 =	simm.s32 $0x108;
	_ =	swait.ge @!p0 [sflag:s8], $0x0  }
0x24: {  	s3 =	sadd.s32 $0x88, s3;
	s6 =	simm.s32 @!p1 $0x1082;
	[sflag:s4] =	ssyncset.s32 $0xFFFFF086  }
0x25: {  	[simem:s6], [sflag:s4] =	dma.local [hbm:s3], $0xF7A  }
0x26: {  	[smem:$0x3F8C] =	sst s1;
	(tag) =	ssettag s2;
	_ =	strace s9  }
0x27: {  	s1 =	sld [smem:$0x3F9C]  }
0x28: {  	s2 =	sld [smem:$0x3F9D]  }
0x29: {  	s4 =	sld [smem:$0x3F9F]  }
0x2a: {  	p0 =	seq.s32 s5, $0x0;
	s5 =	sld [smem:$0x3FA0]  }
0x2b: {  	s6 =	sld [smem:$0x3FA1]  }
0x2c: {  	s7 =	sld [smem:$0x3FA2]  }
0x2d: {  	s3 =	simm.s32 $0x108;
	s8 =	sld [smem:$0x3FA3]  }
0x2e: {  	s3 =	simm.s32 @!p0 $0x1082;
	s9 =	sld [smem:$0x3FA4]  }
0x2f: {  	lr =	sadd.s32 s0, s3;
	s0 =	sld [smem:$0x3F9B]  }
0x30: {  	s3 =	sld [smem:$0x3F9E]  }
0x31: {  	[smem:$0x3FA7] =	sst s10  }
0x32: {  	s10 =	sld [smem:$0x3FA5];
	_ =	sdelay $0x3  }
0x33: {  	p0 =	seq.s32 s10, $0x1;
	s10 =	sld [smem:$0x3FA7];
	_ =	sdelay $0x3  }
0x34: {  	[smem:$0x3FA7] =	sst s10  }
0x35: {  	s10 =	sld [smem:$0x3FA6];
	_ =	sdelay $0x3  }
0x36: {  	p1 =	seq.s32 s10, $0x1;
	s10 =	sld [smem:$0x3FA7];
	_ =	sdelay $0x3  }
0x37: {  	[smem:$0x3FA7] =	sst s10  }
0x38: {  	s10 =	sld [smem:$0x3FA8]  }
0x39: {  	_ = 	snop;
	(pc) =	sbr.ind lr, $3  }
0x3a: {  	_ = 	snop  }
0x3b: {  	_ = 	snop  }
0x3c: {  	p2 =	seq.s32 s10, $0x1;
	s10 =	sld [smem:$0x3FA7]  }
0x3d: {  	_ =	shalt  }
0x3e: {  	_ =	shalt  }
0x3f: {  	_ =	shalt  }
0x40: {  	_ =	shalt  }
0x41: {  	_ =	shalt  }
0x42: {  	_ =	shalt  }
0x43: {  	_ =	shalt  }
0x44: {  	_ =	shalt  }
0x45: {  	_ =	shalt  }
0x46: {  	_ =	shalt  }
0x47: {  	_ =	shalt  }
0x48: {  	_ =	shalt  }
0x49: {  	_ =	shalt  }
0x4a: {  	_ =	shalt  }
0x4b: {  	_ =	shalt  }
0x4c: {  	_ =	shalt  }
0x4d: {  	_ =	shalt  }
0x4e: {  	_ =	shalt  }
0x4f: {  	_ =	shalt  }
0x50: {  	_ =	shalt  }
0x51: {  	_ =	shalt  }
0x52: {  	_ =	shalt  }
0x53: {  	_ =	shalt  }
0x54: {  	_ =	shalt  }
0x55: {  	_ =	shalt  }
0x56: {  	_ =	shalt  }
0x57: {  	_ =	shalt  }
0x58: {  	_ =	shalt  }
0x59: {  	_ =	shalt  }
0x5a: {  	_ =	shalt  }
0x5b: {  	_ =	shalt  }
0x5c: {  	_ =	shalt  }
0x5d: {  	_ =	shalt  }
0x5e: {  	_ =	shalt  }
0x5f: {  	_ =	shalt  }
0x60: {  	_ =	shalt  }
0x61: {  	_ =	shalt  }
0x62: {  	_ =	shalt  }
0x63: {  	_ =	shalt  }
0x64: {  	_ =	shalt  }
0x65: {  	_ =	shalt  }
0x66: {  	_ =	shalt  }
0x67: {  	_ =	shalt  }
0x68: {  	_ =	shalt  }
0x69: {  	_ =	shalt  }
0x6a: {  	_ =	shalt  }
0x6b: {  	_ =	shalt  }
0x6c: {  	_ =	shalt  }
0x6d: {  	_ =	shalt  }
0x6e: {  	_ =	shalt  }
0x6f: {  	_ =	shalt  }
0x70: {  	_ =	shalt  }
0x71: {  	_ =	shalt  }
0x72: {  	_ =	shalt  }
0x73: {  	_ =	shalt  }
0x74: {  	_ =	shalt  }
0x75: {  	_ =	shalt  }
0x76: {  	_ =	shalt  }
0x77: {  	_ =	shalt  }
0x78: {  	_ =	shalt  }
0x79: {  	_ =	shalt  }
0x7a: {  	_ =	shalt  }
0x7b: {  	_ =	shalt  }
0x7c: {  	_ =	shalt  }
0x7d: {  	_ =	shalt  }
0x7e: {  	_ =	shalt  }
0x7f: {  	_ =	shalt  }
0x80: {  	_ =	shalt  }
0x81: {  	_ =	shalt  }
0x82: {  	_ =	shalt  }
0x83: {  	_ =	shalt  }
0x84: {  	_ =	shalt  }
0x85: {  	_ =	shalt  }
0x86: {  	_ =	shalt  }
0x87: {  	_ =	shalt  }
.Lfunc_end0:
.L_simem_size_0:
called_computation_lowered:
.L_overlay_start_0:
0x88: {  	s2 =	sld [smem:$0x3FD9]  }
0x89: {  	s3 =	sld [smem:$0x3FFE];
	_ =	sdelay $0x1  }
0x8a: {  	s1 =	srdreg.scid  }
0x8b: {  	s0 =	sand.u32 $0x1, s1  }
0x8c: {  	s17 =	sshll.u32 s0, $0xA;
	s2 =	sadd.s32 s3, s2  }
0x8d: {  	s2 =	sadd.s32 s2, s17  }
0x8e: {  	[smem:$0x3FB3] =	sst s2  }
0x8f: {  	_ = 	snop  }
0x90: {  	(tm) =	ssettm $0x1  }
0x91: {  	s18 =	sld [smem:$0x3FFB];
	_ =	sdelay $0x3  }
0x92: {  	_ =	strace s18  }
0x93: {  	s2 =	sld [smem:$0x3FFC];
	_ =	sdelay $0x3  }
0x94: {  	_ =	strace s2  }
0x95: {  	s2 =	sld [smem:$0x3FFD];
	_ =	sdelay $0x3  }
0x96: {  	_ =	strace s2  }
0x97: {  	_ =	strace $0x8FFFFFFF  }
0x98: {  	s19 =	sld [smem:$0x3FDB];
	_ =	sdelay $0x1  }
0x99: {  	s20 =	simm.s32 $_scs_section_size  }
0x9a: {  	s4 =	simm.s32 $_size__tile_overlayer_lowered;
	s5 =	simm.s32 $_tile_overlayer_lowered  }
0x9b: {  	s6 =	simm.s32 $0x1BFF;
	s21 =	sshll.u32 s5, $0x1;
	s3 =	sadd.s32 s20, s19  }
0x9c: {  	s22 =	simm.s32 $0x0;
	s4 =	sshll.u32 s4, $0x1;
	s5 =	sadd.s32 s21, s3  }
0x9d: {  	[timem:s22], [sflag:s6] =	dma.local [hbm:s5], s4  }
0x9e: {  	_ =	swait.ge [sflag:s6], s4  }
0x9f: {  	s4 =	ssub.s32 $0x0, s4;
	[sflag:s6] =	ssyncset.done $0x0  }
0xa0: {  	[sflag:s6] =	ssyncadd.s32 s4;
	_ =	sdelay $0x1  }
0xa1: {  	s23 =	simm.s32 $0x1B8B  }
0xa2: {  	_ =	swait.ge [sflag:s23], $0x1  }
0xa3: {  	[sflag:s23] =	ssyncset.done $0x0  }
0xa4: {  	[sflag:s23] =	ssyncadd.s32 $0xFFFFFFFF  }
0xa5: {  	s4 =	sld [smem:$0x0]  }
0xa6: {  	s5 =	sand.u32 $0xFFFFFFFE, s1  }
0xa7: {  	p0 =	sne.s32 s1, s5  }
0xa8: {  	s5 =	sshll.u32 @p0 s5, $0xE  }
0xa9: {  	s5 =	sadd.s32 @p0 $0x11B8D, s5;
	s6 =	sshll.u32 @p0 s4, $0x11  }
0xaa: {  	s5 =	sor.u32 @p0 s6, s5  }
0xab: {  	[sflag:s5] =	ssyncadd.remote.s32 @p0 $0x1;
	_ =	sdelay $0x1  }
0xac: {  	s5 =	simm.s32 @p0 $0x1B8D  }
0xad: {  	_ =	swait.eq @p0 [sflag:s5], $0x1  }
0xae: {  	[sflag:s5] =	ssyncadd.s32 @p0 $0xFFFFFFFF  }
0xaf: {  	s6 =	sshll.u32 @!p0 s1, $0xE  }
0xb0: {  	s6 =	sor.u32 @!p0 $0x4000, s6;
	s5 =	simm.s32 @!p0 $0x1B8D  }
0xb1: {  	s4 =	sshll.u32 @!p0 s4, $0x11;
	s6 =	sadd.s32 @!p0 $0x11B8D, s6;
	_ =	swait.eq @!p0 [sflag:s5], $0x1  }
0xb2: {  	s4 =	sor.u32 @!p0 s4, s6;
	[sflag:s5] =	ssyncadd.s32 @!p0 $0xFFFFFFFF  }
0xb3: {  	s25 =	simm.s32 $0x1B8E;
	s24 =	sld [smem:$0x3FFE];
	[sflag:s4] =	ssyncadd.remote.s32 @!p0 $0x1  }
0xb4: {  	s26 =	simm.s32 $execute0_lowered;
	[smem:$0x3FD2] =	sst s25  }
0xb5: {  	s5 =	sshll.u32 s26, $0x1;
	_ =	strace $0x80000049;
	[dreg:$0x1] =	wrdreg $0xFFFFFFFF  }
0xb6: {  	s28 =	simm.s32 $_size_execute0_lowered;
	s3 =	sadd.s32 s3, s5;
	[dreg:$0x0] =	wrdreg $0x0  }
0xb7: {  	s5 =	sshll.u32 s28, $0x1;
	[dreg:$0x2] =	wrdreg s3  }
0xb8: {  	[dreg:$0x3] =	wrdreg s5  }
0xb9: {  	[dreg:$0x4] =	wrdreg $0xC0  }
0xba: {  	_ =	task [dreg:s22], $0x5FFFF  }
0xbb: {  	[dreg:$0x1] =	wrdreg $0xFFFFFFFF  }
0xbc: {  	[dreg:$0x0] =	wrdreg $0x60  }
0xbd: {  	[dreg:$0x2] =	wrdreg s24  }
0xbe: {  	[dreg:$0x3] =	wrdreg $0xA8800  }
0xbf: {  	[dreg:$0x4] =	wrdreg $0x9  }
0xc0: {  	_ =	task.clear_ibuf [dreg:s22], $0x5FFFF;
	_ =	strace $0x90000049  }
0xc1: {  	s29 =	simm.s32 $0x9;
	_ =	strace $0x8000004B  }
0xc2: {  	_ =	swait.ge [sflag:s29], $0x1  }
0xc3: {  	[sflag:s29] =	ssyncadd.s32 $0xFFFFFFFF  }
0xc4: {  	_ =	strace $0x9000004B  }
0xc5: {  	_ =	sfence  }
0xc6: {  	s30 =	sld [smem:$0x0];
	_ =	sdelay $0x2  }
0xc7: {  	s31 =	sshll.u32 s1, $0xD;
	s1 =	sshrl.u32 s1, $0x2  }
0xc8: {  	s4 =	sand.u32 $0x4000, s31;
	s1 =	sadd.s32 s1, s30  }
0xc9: {  	s0 =	sor.u32 s4, s0;
	s1 =	sshll.u32 s1, $0x11  }
0xca: {  	s0 =	sor.u32 s1, s0  }
0xcb: {  	s0 =	sadd.s32 $0x8F2B, s0  }
0xcc: {  	[sflag:s0] =	ssyncadd.remote.s32 $0x1  }
0xcd: {  	_ =	sfence.sel $0xFFFF  }
0xce: {  	[dreg:$0x0] =	wrdreg $0xFFFFFFFF;
	(pc) =	sbr.abs _section_cstart, $3  }
0xcf: {  	[dreg:$0x1] =	wrdreg $0xFFFFFFFF  }
0xd0: {  	_ =	task.clear_ibuf [dreg:s22], $0x2FFFF;
	_ =	strace $0x9FFFFFFF  }
0xd1: {  	(tm) =	ssettm $0x7FFFFFFF  }
tec
execute0_lowered:
.L_overlay_start_1:
0x0: {  	(tag) =	ssettag $0x1  }
0x1: {  	s4 =	rddreg [dreg:$0x0]  }
0x2: {  	s0 =	srdreg.scid;
	s2 =	rddreg [dreg:$0x1]  }
0x3: {  	s1 =	stileid.u32;
	s3 =	simm.s32 $0x0;
	s10 =	simm.s32 $0x2800  }
0x4: {  	s11 =	simm.s32 $0x80;
	s5 =	sand.u32 $0x1, s0;
	s0 =	rddreg [dreg:$0x2]  }
0x5: {  	s12 =	simm.s32 $0xA800;
	[smem:$0x7FF] =	sst s3;
	s6 =	sshll.u32 s5, $0x4  }
0x6: {  	s7 =	sshll.u32 s1, $0x7;
	s31 =	sshll.u32 s1, $0xA;
	s6 =	sor.u32 s1, s6  }
0x7: {  	s13 =	sshll.u32 s1, $0x6;
	_ =	strace $0x8000004A;
	s6 =	smul.u32 $0x500, s6  }
0x8: {  	s8 =	ssub.s32 $0x2, s5;
	s5 =	sshll.u32 s5, $0xB;
	s13 =	sor.u32 $0x1C01, s13  }
0x9: {  	v0 =	vlaneseq.u32;
	s30 =	sshrl.u32 s8, $0x1;
	s6 =	sadd.s32 s6, s4;
	s4 =	sadd.s32 s7, s4  }
0xa: {  	v1 =	vimm.f32 $0.0e+00;
	v9 =	vimm.f32 $1.000000000e+00;
	v2 =	vor.u32 $0x10, v0;
	s7 =	ssub.s32 s8, s30;
	s8 =	simm.s32 $0x6800;
	s9 =	sadd.s32 s5, s4  }
0xb: {  	v3 =	vor.u32 $0x20, v0;
	v4 =	vor.u32 $0x30, v0;
	v5 =	vor.u32 $0x40, v0;
	s4 =	sadd.s32 s31, s2;
	s5 =	sadd.s32 $0x66200, s6;
	s7 =	smax.u32 s7, $0x1  }
0xc: {  	v6 =	vor.u32 $0x50, v0;
	v7 =	vor.u32 $0x60, v0;
	v8 =	vor.u32 $0x70, v0;
	s6 =	sadd.s32 $0x70200, s9;
	s9 =	simm.s32 $0x1;
	s14 =	sshrl.u32 s4, $0x3  }
.LBB2_1:
0xd: {  	s15 =	simm.s32 $0x40;
	s16 =	simm.s32 $0x0  }
.LBB2_2:
0xe: {  	p0 =	sne.s32 s15, $0xFFC0;
	[tilespmem:s16+$0x2800] =	vst v1;
	s16 =	smov.u32 s15;
	s15 =	sadd.s32 $0x40, s15  }
.Ltmp0:
0xf: {  	(pc) =	sbr.rel @p0 .LBB2_2-.Ltmp0, $2  }
0x10: {  	_ =	sdelay $0x2  }
0x11: {  	s16 =	sshra.s32 s16, $0x2  }
0x12: {  	[tilespmem:s16+$0x2800] =	vst v1  }
0x13: {  	[tilespmem:$0x6800] =	vst v1  }
0x14: {  	[tilespmem:$0x6810] =	vst v1  }
0x15: {  	[tilespmem:$0x6820] =	vst v1  }
0x16: {  	[tilespmem:$0x6830] =	vst v1  }
0x17: {  	[tilespmem:$0x6840] =	vst v1  }
0x18: {  	[tilespmem:$0x6850] =	vst v1  }
0x19: {  	[tilespmem:$0x6860] =	vst v1  }
0x1a: {  	[tilespmem:$0x6870] =	vst v1  }
0x1b: {  	[tilespmem:$0x6880] =	vst v1  }
0x1c: {  	[tilespmem:$0x6890] =	vst v1  }
0x1d: {  	[tilespmem:$0x68A0] =	vst v1  }
0x1e: {  	[tilespmem:$0x68B0] =	vst v1  }
0x1f: {  	[tilespmem:$0x68C0] =	vst v1  }
0x20: {  	[tilespmem:$0x68D0] =	vst v1  }
0x21: {  	[tilespmem:$0x68E0] =	vst v1  }
0x22: {  	[tilespmem:$0x68F0] =	vst v1  }
0x23: {  	[tilespmem:$0x6900] =	vst v1  }
0x24: {  	[tilespmem:$0x6910] =	vst v1  }
0x25: {  	[tilespmem:$0x6920] =	vst v1  }
0x26: {  	[tilespmem:$0x6930] =	vst v1  }
0x27: {  	[tilespmem:$0x6940] =	vst v1  }
0x28: {  	[tilespmem:$0x6950] =	vst v1  }
0x29: {  	[tilespmem:$0x6960] =	vst v1  }
0x2a: {  	[tilespmem:$0x6970] =	vst v1  }
0x2b: {  	[tilespmem:$0x6980] =	vst v1  }
0x2c: {  	[tilespmem:$0x6990] =	vst v1  }
0x2d: {  	[tilespmem:$0x69A0] =	vst v1  }
0x2e: {  	[tilespmem:$0x69B0] =	vst v1  }
0x2f: {  	[tilespmem:$0x69C0] =	vst v1  }
0x30: {  	[tilespmem:$0x69D0] =	vst v1  }
0x31: {  	[tilespmem:$0x69E0] =	vst v1  }
0x32: {  	[tilespmem:$0x69F0] =	vst v1  }
0x33: {  	[tilespmem:$0x6A00] =	vst v1  }
0x34: {  	[tilespmem:$0x6A10] =	vst v1  }
0x35: {  	[tilespmem:$0x6A20] =	vst v1  }
0x36: {  	[tilespmem:$0x6A30] =	vst v1  }
0x37: {  	[tilespmem:$0x6A40] =	vst v1  }
0x38: {  	[tilespmem:$0x6A50] =	vst v1  }
0x39: {  	[tilespmem:$0x6A60] =	vst v1  }
0x3a: {  	[tilespmem:$0x6A70] =	vst v1  }
0x3b: {  	[tilespmem:$0x6A80] =	vst v1  }
0x3c: {  	[tilespmem:$0x6A90] =	vst v1  }
0x3d: {  	[tilespmem:$0x6AA0] =	vst v1  }
0x3e: {  	[tilespmem:$0x6AB0] =	vst v1  }
0x3f: {  	[tilespmem:$0x6AC0] =	vst v1  }
0x40: {  	[tilespmem:$0x6AD0] =	vst v1  }
0x41: {  	[tilespmem:$0x6AE0] =	vst v1  }
0x42: {  	[tilespmem:$0x6AF0] =	vst v1  }
0x43: {  	[tilespmem:$0x6B00] =	vst v1  }
0x44: {  	[tilespmem:$0x6B10] =	vst v1  }
0x45: {  	[tilespmem:$0x6B20] =	vst v1  }
0x46: {  	[tilespmem:$0x6B30] =	vst v1  }
0x47: {  	[tilespmem:$0x6B40] =	vst v1  }
0x48: {  	[tilespmem:$0x6B50] =	vst v1  }
0x49: {  	[tilespmem:$0x6B60] =	vst v1  }
0x4a: {  	[tilespmem:$0x6B70] =	vst v1  }
0x4b: {  	[tilespmem:$0x6B80] =	vst v1  }
0x4c: {  	[tilespmem:$0x6B90] =	vst v1  }
0x4d: {  	[tilespmem:$0x6BA0] =	vst v1  }
0x4e: {  	[tilespmem:$0x6BB0] =	vst v1  }
0x4f: {  	[tilespmem:$0x6BC0] =	vst v1  }
0x50: {  	[tilespmem:$0x6BD0] =	vst v1  }
0x51: {  	[tilespmem:$0x6BE0] =	vst v1  }
0x52: {  	[tilespmem:$0x6BF0] =	vst v1  }
0x53: {  	[spmem:s4] =	stream.linear.scatter [tilespmem:s8], [sflag:$0x1], $0x400, $0x38;
	[tilespmem:$0xAC80] =	vst v63  }
0x54: {  	_ =	swait.ge [sflag:s9], $0x400  }
0x55: {  	[sflag:s9] =	ssyncset.done $0x0  }
0x56: {  	[sflag:s9] =	ssyncadd.s32 $0xFFFFFC00  }
0x57: {  	[tilespmem:$0xA800] =	vst v0  }
0x58: {  	[tilespmem:$0xA810] =	vst v2  }
0x59: {  	[tilespmem:$0xA820] =	vst v3  }
0x5a: {  	[tilespmem:$0xA830] =	vst v4  }
0x5b: {  	[tilespmem:$0xA840] =	vst v5  }
0x5c: {  	[tilespmem:$0xA850] =	vst v6  }
0x5d: {  	[tilespmem:$0xA860] =	vst v7  }
0x5e: {  	s15 =	simm.s32 $0x0;
	[tilespmem:$0xA870] =	vst v8  }
0x5f: {  	[tilespmem:s15], [sflag:$0x1] =	stream.linear.gather [hbm4b:s5+s15], $0x2780, $0x38;
	[tilespmem:$0xAC80] =	vst v63  }
0x60: {  	_ =	swait.ge [sflag:s9], $0x2780  }
0x61: {  	[sflag:s9] =	ssyncset.done $0x0  }
0x62: {  	[sflag:s9] =	ssyncadd.s32 $0xFFFFD880  }
.LBB2_4:
0x63: {  	s16 =	sshra.s32 s15, $0x2  }
0x64: {  	v10 =	vld [tilespmem:s16+$0x0];
	_ =	sdelay $0x7  }
0x65: {  	[tilespmem:v10+s10+$0x0] =	vst.idx.add.f32.msk $0xffff, v9  }
0x66: {  	v10 =	vld [tilespmem:s16+$0x10];
	_ =	sdelay $0x7  }
0x67: {  	[tilespmem:v10+s10+$0x0] =	vst.idx.add.f32.msk $0xffff, v9  }
0x68: {  	v10 =	vld [tilespmem:s16+$0x20];
	_ =	sdelay $0x7  }
0x69: {  	[tilespmem:v10+s10+$0x0] =	vst.idx.add.f32.msk $0xffff, v9  }
0x6a: {  	v10 =	vld [tilespmem:s16+$0x30];
	_ =	sdelay $0x7  }
0x6b: {  	[tilespmem:v10+s10+$0x0] =	vst.idx.add.f32.msk $0xffff, v9  }
0x6c: {  	v10 =	vld [tilespmem:s16+$0x40];
	_ =	sdelay $0x7  }
0x6d: {  	[tilespmem:v10+s10+$0x0] =	vst.idx.add.f32.msk $0xffff, v9  }
0x6e: {  	v10 =	vld [tilespmem:s16+$0x50];
	_ =	sdelay $0x7  }
0x6f: {  	[tilespmem:v10+s10+$0x0] =	vst.idx.add.f32.msk $0xffff, v9  }
0x70: {  	v10 =	vld [tilespmem:s16+$0x60];
	_ =	sdelay $0x7  }
0x71: {  	[tilespmem:v10+s10+$0x0] =	vst.idx.add.f32.msk $0xffff, v9  }
0x72: {  	v10 =	vld [tilespmem:s16+$0x70];
	_ =	sdelay $0x2  }
0x73: {  	p0 =	sne.s32 s15, $0x9C00  }
.Ltmp1:
0x74: {  	_ = 	snop;
	(pc) =	sbr.rel @p0 .LBB2_4-.Ltmp1, $2  }
0x75: {  	_ =	sdelay $0x2  }
0x76: {  	s15 =	sadd.s32 $0x200, s15;
	[tilespmem:v10+s10+$0x0] =	vst.idx.add.f32.msk $0xffff, v9  }
0x77: {  	s15 =	simm.s32 $0x0  }
0x78: {  	v13 =	vld [tilespmem:s15+$0x2870]  }
0x79: {  	v14 =	vld [tilespmem:s15+$0x2800]  }
0x7a: {  	v15 =	vld [tilespmem:s15+$0x2810]  }
0x7b: {  	v12 =	vld [tilespmem:s15+$0x2820]  }
0x7c: {  	v10 =	vld [tilespmem:s15+$0x2830]  }
0x7d: {  	v11 =	vld [tilespmem:s15+$0x2840];
	[tilespmem:s15+$0x6870] =	vst v13  }
0x7e: {  	[tilespmem:s15+$0x6800] =	vst v14;
	v13 =	vld [tilespmem:s15+$0x2850]  }
0x7f: {  	s16 =	simm.s32 $0x80;
	s17 =	simm.s32 $0x400;
	[tilespmem:s15+$0x6810] =	vst v15;
	v14 =	vld [tilespmem:s15+$0x2860]  }
.LBB2_6:
0x80: {  	p0 =	sne.s32 s17, $0xFE00;
	v15 =	vld [tilespmem:s16+$0x2870];
	[tilespmem:s15+$0x6820] =	vst v12  }
0x81: {  	v16 =	vld [tilespmem:s16+$0x2800];
	[tilespmem:s15+$0x6830] =	vst v10  }
0x82: {  	v17 =	vld [tilespmem:s16+$0x2810];
	[tilespmem:s15+$0x6840] =	vst v11  }
.Ltmp2:
0x83: {  	v12 =	vld [tilespmem:s16+$0x2820];
	[tilespmem:s15+$0x6850] =	vst v13;
	(pc) =	sbr.rel @p0 .LBB2_6-.Ltmp2, $4  }
0x84: {  	v10 =	vld [tilespmem:s16+$0x2830];
	[tilespmem:s15+$0x6860] =	vst v14;
	s15 =	smov.u32 s16  }
0x85: {  	v11 =	vld [tilespmem:s15+$0x2840];
	[tilespmem:s15+$0x6870] =	vst v15  }
0x86: {  	[tilespmem:s15+$0x6800] =	vst v16;
	v13 =	vld [tilespmem:s15+$0x2850]  }
0x87: {  	s16 =	sshra.s32 s17, $0x2;
	s17 =	sadd.s32 $0x200, s17;
	[tilespmem:s15+$0x6810] =	vst v17;
	v14 =	vld [tilespmem:s15+$0x2860]  }
0x88: {  	v15 =	vld [tilespmem:s16+$0x2870];
	[tilespmem:s15+$0x6820] =	vst v12  }
0x89: {  	v12 =	vld [tilespmem:s16+$0x2800];
	[tilespmem:s15+$0x6830] =	vst v10  }
0x8a: {  	v10 =	vld [tilespmem:s16+$0x2810];
	[tilespmem:s15+$0x6840] =	vst v11  }
0x8b: {  	v11 =	vld [tilespmem:s16+$0x2820];
	[tilespmem:s15+$0x6850] =	vst v13  }
0x8c: {  	v13 =	vld [tilespmem:s16+$0x2830];
	[tilespmem:s15+$0x6860] =	vst v14  }
0x8d: {  	v14 =	vld [tilespmem:s16+$0x2840];
	[tilespmem:s16+$0x6870] =	vst v15  }
0x8e: {  	v63 =	vld [tilespmem:s16+$0x2850];
	[tilespmem:s16+$0x6800] =	vst v12  }
0x8f: {  	[tilespmem:s16+$0x6810] =	vst v10;
	v10 =	vld [tilespmem:s16+$0x2860]  }
0x90: {  	[tilespmem:s16+$0x6820] =	vst v11  }
0x91: {  	[tilespmem:s16+$0x6830] =	vst v13  }
0x92: {  	[tilespmem:s16+$0x6840] =	vst v14  }
0x93: {  	[tilespmem:s16+$0x6850] =	vst v63  }
0x94: {  	[tilespmem:s16+$0x6860] =	vst v10  }
0x95: {  	[bflag:$0x0] =	sbarrier.arrive $0xFFFF  }
0x96: {  	[spmem:s2] =	stream.indirect.scatter.add.f32 [tilespmem:s8], [sflag:$0x1], $0x80, s12, s11, $0xb8;
	[tilespmem:$0xAC80] =	vst v63  }
0x97: {  	_ =	swait.ge [sflag:s9], $0x4000  }
0x98: {  	s3 =	sadd.s32 $0x1, s3;
	[sflag:s9] =	ssyncset.done $0x0  }
0x99: {  	p0 =	sne.s32 s3, s7;
	[sflag:s9] =	ssyncadd.s32 $0xFFFFC000  }
.Ltmp3:
0x9a: {  	[bflag:$0x0] =	sbarrier.arrive $0xFFFF;
	(pc) =	sbr.rel @p0 .LBB2_1-.Ltmp3, $4  }
0x9b: {  	[hbm:s6], [sflag:s13] =	dma.local [spmem:s14], $0x80  }
0x9c: {  	_ =	swait.ge [sflag:s9], $0x80  }
0x9d: {  	[sflag:s9] =	ssyncset.done $0x0  }
0x9e: {  	[sflag:s9] =	ssyncadd.s32 $0xFFFFFF80  }
0x9f: {  	_ =	sfence.sel $0x180000  }
0xa0: {  	[bflag:$0x0] =	sbarrier.arrive $0xFFFF  }
0xa1: {  	p0 =	sne.s32 s1, $0x0;
	_ =	strace $0x9000004A  }
0xa2: {  	s0 =	sadd.s32 @!p0 $0x100000, s0;
	[bflag:$0x2] =	sbarrier.arrive $0xFFFF  }
0xa3: {  	[sflag:s0] =	ssyncadd.tile.s32 @!p0 $0x1;
	_ =	shalt  }
.Lfunc_end2:
_tile_overlayer_lowered:
.L_overlay_start_2:
0xa4: {  	(tag) =	ssettag $0x2  }
0xa5: {  	s0 =	rddreg [dreg:$0x0];
	s2 =	stileid.u32  }
0xa6: {  	s1 =	rddreg [dreg:$0x1];
	p0 =	sne.s32 s2, $0x0  }
0xa7: {  	s3 =	rddreg [dreg:$0x2];
	[bflag:$0x3] =	sbarrier.arrive $0xFFFF;
	s2 =	simm.s32 @!p0 $0x1C01  }
0xa8: {  	[timem:s3], [sflag:s2] =	dma.local @!p0 [hbm:s0], s1  }
0xa9: {  	s0 =	simm.s32 @!p0 $0x1  }
0xaa: {  	_ =	swait.ge @!p0 [sflag:s0], s1  }
0xab: {  	s1 =	ssub.s32 @!p0 $0x0, s1;
	[sflag:s0] =	ssyncset.done @!p0 $0x0  }
0xac: {  	[sflag:s0] =	ssyncadd.s32 @!p0 s1  }
0xad: {  	[bflag:$0x3] =	sbarrier.arrive $0xFFFF  }
0xae: {  	_ =	shalt  }

</sc_bundles>
